<compile_context>
chip_gen: v7x
topology: tpu7x:2x2x1
jax: 0.10.2.dev20260603
libtpu: 0.0.44.dev20260713+nightly
codegen_flags: <defaults>
</compile_context>

<pallas_src>
import functools

import jax
import jax.numpy as jnp
from jax import lax
from jax.experimental import pallas as pl
from jax.experimental.pallas import tpu as pltpu
from jax.experimental.pallas import tpu_sc as plsc

B, C_IN, C_OUT, N, K = 4, 32, 32, 4096, 16
NB = 512

NC, NS = 2, 16
NW = NC * NS
BSPLIT = 2
PPW = BSPLIT * N // NW
CH = 8
NCHUNK = PPW // CH


def _wx_body(w_ref, x_ref, o_ref):
    o_ref[0] = jax.lax.dot_general(
        x_ref[0], w_ref[...], (((0,), (1,)), ((), ())),
        preferred_element_type=jnp.float32)


def _knn_body(coords_ref, idx_ref):
    b = pl.program_id(0)
    i = pl.program_id(1)
    ca = coords_ref[0]
    c = coords_ref[0, :, pl.ds(i * NB, NB)]
    inner2 = jax.lax.dot_general(
        c * -2.0, ca, (((0,), (0,)), ((), ())),
        preferred_element_type=jnp.float32)
    sq_c = jnp.sum(c * c, axis=0)
    sq_p = jnp.sum(ca * ca, axis=0)
    d = (sq_c[:, None] + inner2) + sq_p[None, :]

    H = N // 2
    inf = jnp.float32(jnp.inf)
    i_l = jax.lax.broadcasted_iota(jnp.int32, (NB, H), 1)
    i_r = i_l + H
    d_l = d[:, :H]
    d_r = d[:, H:]
    cmp = d_l <= d_r
    lo = jnp.minimum(d_l, d_r)
    hi = jnp.maximum(d_l, d_r)
    loidx = jnp.where(cmp, i_l, i_r)
    hiidx = jnp.where(cmp, i_r, i_l)
    big = jnp.int32(1 << 30)
    firsts = []
    for cnt in (4, 4, 4, 2, 1, 1):
        masked = lo
        sel_acc = None
        for e in range(cnt):
            m = jnp.min(masked, axis=1, keepdims=True)
            ft = jnp.min(jnp.where(masked == m, loidx, big), axis=1,
                         keepdims=True)
            s = loidx == ft
            firsts.append(ft)
            sel_acc = s if sel_acc is None else (sel_acc | s)
            if e + 1 < cnt:
                masked = jnp.where(s, inf, masked)
        lo = jnp.where(sel_acc, hi, lo)
        loidx = jnp.where(sel_acc, hiidx, loidx)
        hi = jnp.where(sel_acc, inf, hi)
    idx_ref[0] = jnp.concatenate(firsts, axis=1) + b * N


def _sc_body(table_hbm, idx_hbm, out_hbm, idx_v, rows_v, out_v, sem):
    wid = lax.axis_index("s") * NC + lax.axis_index("c")
    base = wid * PPW
    pltpu.sync_copy(idx_hbm.at[pl.ds(base * K, PPW * K)], idx_v)

    def chunk(g, _):
        pltpu.async_copy(
            table_hbm.at[idx_v.at[pl.ds(g * CH * K, CH * K)]],
            rows_v, sem).wait()
        for p in range(CH):
            a0 = rows_v[p * K, pl.ds(0, 16)]
            a1 = rows_v[p * K, pl.ds(16, 16)]
            for j in range(1, K):
                a0 = jnp.maximum(a0, rows_v[p * K + j, pl.ds(0, 16)])
                a1 = jnp.maximum(a1, rows_v[p * K + j, pl.ds(16, 16)])
            out_v[p, pl.ds(0, 16)] = a0
            out_v[p, pl.ds(16, 16)] = a1
        pltpu.sync_copy(out_v, out_hbm.at[pl.ds(base + g * CH, CH)])
        return ()

    lax.fori_loop(0, NCHUNK, chunk, ())


_sc_gather_max = functools.partial(
    pl.kernel,
    out_type=jax.ShapeDtypeStruct((BSPLIT * N, C_OUT), jnp.float32),
    mesh=plsc.VectorSubcoreMesh(core_axis_name="c", subcore_axis_name="s"),
    scratch_types=[
        pltpu.VMEM((PPW * K,), jnp.int32),
        pltpu.VMEM((CH * K, C_OUT), jnp.float32),
        pltpu.VMEM((CH, C_OUT), jnp.float32),
        pltpu.SemaphoreType.DMA,
    ],
    compiler_params=pltpu.CompilerParams(use_tc_tiling_on_sc=False),
)(_sc_body)


@jax.jit
def kernel(x, coords, W):
    wxt = pl.pallas_call(
        _wx_body,
        grid=(B,),
        in_specs=[
            pl.BlockSpec((C_OUT, C_IN), lambda b: (0, 0)),
            pl.BlockSpec((1, C_IN, N), lambda b: (b, 0, 0)),
        ],
        out_specs=pl.BlockSpec((1, N, C_OUT), lambda b: (b, 0, 0)),
        out_shape=jax.ShapeDtypeStruct((B, N, C_OUT), jnp.float32),
    )(W, x)
    table = wxt.reshape(B * N, C_OUT)

    sel_call = pl.pallas_call(
        _knn_body,
        grid=(BSPLIT, N // NB),
        in_specs=[pl.BlockSpec((1, 3, N), lambda b, i: (b, 0, 0))],
        out_specs=pl.BlockSpec((1, NB, K), lambda b, i: (b, i, 0)),
        out_shape=jax.ShapeDtypeStruct((BSPLIT, N, K), jnp.int32),
    )

    yts = []
    for p in range(B // BSPLIT):
        cs = jax.lax.slice_in_dim(coords, p * BSPLIT, (p + 1) * BSPLIT, axis=0)
        idx = sel_call(cs) + (p * BSPLIT) * N
        yts.append(_sc_gather_max(table, idx.reshape(BSPLIT * N * K)))
    yt = jnp.concatenate(yts, axis=0)
    return (yt.reshape(B, N, C_OUT).transpose(0, 2, 1), coords)

# --- scband reference (transcript-rebuilt; emitter-appended) ---
"""Pipeline reference for scband-non-trasition-60825326846162 (READ-ONLY COPY).

The authoritative reference and input builder live on the scoring server;
editing this copy changes nothing except your own understanding.
"""

import jax, jax.numpy as jnp
import numpy as np

B, C_IN, C_OUT, N, K = 4, 32, 32, 4096, 16


def setup_inputs(seed: int = 0) -> dict:
    key = jax.random.key(seed)
    k1, k2, k3 = jax.random.split(key, 3)
    x = jax.random.normal(k1, (B, C_IN, N), dtype=jnp.float32)
    coords = jax.random.normal(k2, (B, 3, N), dtype=jnp.float32)
    # PointwiseConv2D weight: 1x1 conv, bias=False -> equivalent to [out, in] matrix
    W = jax.random.normal(k3, (C_OUT, C_IN), dtype=jnp.float32) * 0.05
    return {"x": x, "coords": coords, "W": W}


def k_nearest_neighbors(center_coords, coords, k):
    # center_coords, coords: [B, 3, N]; returns indices [B, N, k] of k nearest points
    inner = jnp.einsum("bdn,bdm->bnm", center_coords, coords)
    sq_c = jnp.sum(center_coords ** 2, axis=1)  # [B, N]
    sq_p = jnp.sum(coords ** 2, axis=1)  # [B, N]
    dists = sq_c[:, :, None] - 2.0 * inner + sq_p[:, None, :]  # [B, N, N]
    neg_d, idx = jax.lax.top_k(-dists, k)  # smallest distances
    return idx, -neg_d


def index2points(points, idx):
    # points: [B, C, N], idx: [B, N, k] -> [B, C, N, k]
    def gather_one(p_b, i_b):
        return jnp.take(p_b, i_b, axis=1)  # [C, N, k]
    return jax.vmap(gather_one)(points, idx)


def reference(x, coords, W):
    knn_indices, _ = k_nearest_neighbors(coords, coords, K)
    knn_x = index2points(x, knn_indices)  # [B, C_in, N, k]
    # PointwiseConv2D (1x1 conv, no bias)
    knn_mlp_x = jnp.einsum("oi,bink->bonk", W, knn_x)  # [B, C_out, N, k]
    y = jnp.max(knn_mlp_x, axis=-1)  # [B, C_out, N]
    return (y, coords)

if __name__ == "__main__":
    import jax
    _d = setup_inputs()
    print(jax.jit(kernel)(*tuple(_d.values())))

</pallas_src>

<mosaic_0001>
#map = affine_map<(d0, d1) -> (0, 0)>
#map1 = affine_map<(d0, d1) -> (0)>
module attributes {stable_mosaic.version = 14 : i64} {
  func.func @_sc_body(%arg0: i32, %arg1: i32, %arg2: memref<16384x32xf32, #tpu.memory_space<hbm>>, %arg3: memref<131072xi32, #tpu.memory_space<hbm>>, %arg4: memref<8192x32xf32, #tpu.memory_space<hbm>>, %arg5: memref<4096xi32, #tpu.memory_space<vmem>>, %arg6: memref<128x32xf32, #tpu.memory_space<vmem>>, %arg7: memref<8x32xf32, #tpu.memory_space<vmem>>, %arg8: memref<!tpu.dma_semaphore, #tpu.memory_space<semaphore_mem>>) attributes {dimension_semantics = [#tpu.dimension_semantics<core_parallel>, #tpu.dimension_semantics<subcore_parallel>], iteration_bounds = array<i64: 2, 16>, scalar_prefetch = 0 : i64, scratch_operands = 4 : i64, tpu.core_type = #tpu.core_type<sc_vector_subcore>, window_params = [{transform_indices = #map}, {transform_indices = #map1}, {transform_indices = #map}]} {
    %mul3A = arith.constant 2 : i32
    %mul3A_0 = arith.muli %arg1, %mul3A : i32
    %add3A = arith.addi %mul3A_0, %arg0 : i32
    %mul3A_1 = arith.constant 256 : i32
    %mul3A_2 = arith.muli %add3A, %mul3A_1 : i32
    %mul3A_3 = arith.constant 16 : i32
    %mul3A_4 = arith.muli %mul3A_2, %mul3A_3 : i32
    "tpu.region"() ({
      %run_scoped3A = tpu.sem_alloc : memref<!tpu.dma_semaphore, #tpu.memory_space<semaphore_mem>>
      %dma_start3A = tpu.memref_slice %arg3[%mul3A_4] : memref<131072xi32, #tpu.memory_space<hbm>> -> memref<4096xi32, #tpu.memory_space<hbm>>
      %dma_start3A_9 = tpu.memref_slice %arg3[%mul3A_4] : memref<131072xi32, #tpu.memory_space<hbm>> -> memref<4096xi32, #tpu.memory_space<hbm>>
      tpu.enqueue_dma source(%dma_start3A_9 : memref<4096xi32, #tpu.memory_space<hbm>>) target(%arg5 : memref<4096xi32, #tpu.memory_space<vmem>>) target_semaphore(%run_scoped3A : memref<!tpu.dma_semaphore, #tpu.memory_space<semaphore_mem>>)
      %dma_wait3A = tpu.memref_slice %arg3[%mul3A_4] : memref<131072xi32, #tpu.memory_space<hbm>> -> memref<4096xi32, #tpu.memory_space<hbm>>
      %dma_wait3A_10 = tpu.memref_slice %arg3[%mul3A_4] : memref<131072xi32, #tpu.memory_space<hbm>> -> memref<4096xi32, #tpu.memory_space<hbm>>
      tpu.wait_dma2 semaphore(%run_scoped3A : memref<!tpu.dma_semaphore, #tpu.memory_space<semaphore_mem>>) src(%dma_wait3A_10 : memref<4096xi32, #tpu.memory_space<hbm>>) dst(%arg5 : memref<4096xi32, #tpu.memory_space<vmem>>)
      tpu.yield
    }) : () -> ()
    %scan3A = arith.constant 0 : i32
    %scan3A_5 = arith.constant 32 : i32
    %scan3A_6 = arith.addi %scan3A, %scan3A_5 : i32
    %scan3A_7 = arith.constant 1 : i32
    scf.for %scan3A_9 = %scan3A to %scan3A_6 step %scan3A_7  : i32 {
      %mul3A_10 = arith.constant 8 : i32
      %mul3A_11 = arith.muli %scan3A_9, %mul3A_10 : i32
      %mul3A_12 = arith.constant 16 : i32
      %mul3A_13 = arith.muli %mul3A_11, %mul3A_12 : i32
      %dma_start3A = tpu.memref_slice %arg5[%mul3A_13] : memref<4096xi32, #tpu.memory_space<vmem>> -> memref<128xi32, #tpu.memory_space<vmem>>
      %dma_start3A_14 = arith.constant 0 : i32
      %dma_start3A_15 = arith.constant 0 : i32
      %dma_start3A_16 = tpu.memref_slice %arg2[%dma_start3A_14, %dma_start3A_15] : memref<16384x32xf32, #tpu.memory_space<hbm>> -> memref<16384x32xf32, #tpu.memory_space<hbm>>
      tpu.enqueue_indirect_dma source(%dma_start3A_16 : memref<16384x32xf32, #tpu.memory_space<hbm>>) target(%arg6 : memref<128x32xf32, #tpu.memory_space<vmem>>) offsets(%dma_start3A : memref<128xi32, #tpu.memory_space<vmem>>) semaphore(%arg8 : memref<!tpu.dma_semaphore, #tpu.memory_space<semaphore_mem>>)
      %dma_wait3A = tpu.memref_slice %arg5[%mul3A_13] : memref<4096xi32, #tpu.memory_space<vmem>> -> memref<128xi32, #tpu.memory_space<vmem>>
      %dma_wait3A_17 = arith.constant 0 : i32
      %dma_wait3A_18 = arith.constant 0 : i32
      %dma_wait3A_19 = tpu.memref_slice %arg2[%dma_wait3A_17, %dma_wait3A_18] : memref<16384x32xf32, #tpu.memory_space<hbm>> -> memref<16384x32xf32, #tpu.memory_space<hbm>>
      tpu.wait_indirect_dma semaphore(%arg8 : memref<!tpu.dma_semaphore, #tpu.memory_space<semaphore_mem>>) src(%dma_wait3A_19 : memref<16384x32xf32, #tpu.memory_space<hbm>>) dst(%arg6 : memref<128x32xf32, #tpu.memory_space<vmem>>)
      %get3A = arith.constant 0 : i32
      %get3A_20 = arith.index_cast %get3A : i32 to index
      %get3A_21 = arith.constant 0 : index
      %get3A_22 = tpu.vector_load %arg6[%get3A_20, %get3A_21] {strides = array<i32>} : memref<128x32xf32, #tpu.memory_space<vmem>>, vector<1x16xf32>,
      %get3A_23 = vector.shape_cast %get3A_22 : vector<1x16xf32> to vector<16xf32>
      %get3A_24 = arith.constant 0 : i32
      %get3A_25 = arith.index_cast %get3A_24 : i32 to index
      %get3A_26 = arith.constant 16 : index
      %get3A_27 = tpu.vector_load %arg6[%get3A_25, %get3A_26] {strides = array<i32>} : memref<128x32xf32, #tpu.memory_space<vmem>>, vector<1x16xf32>,
      %get3A_28 = vector.shape_cast %get3A_27 : vector<1x16xf32> to vector<16xf32>
      %get3A_29 = arith.constant 1 : i32
      %get3A_30 = arith.index_cast %get3A_29 : i32 to index
      %get3A_31 = arith.constant 0 : index
      %get3A_32 = tpu.vector_load %arg6[%get3A_30, %get3A_31] {strides = array<i32>} : memref<128x32xf32, #tpu.memory_space<vmem>>, vector<1x16xf32>,
      %get3A_33 = vector.shape_cast %get3A_32 : vector<1x16xf32> to vector<16xf32>
      %max3A = arith.maximumf %get3A_23, %get3A_33 : vector<16xf32>
      %get3A_34 = arith.constant 1 : i32
      %get3A_35 = arith.index_cast %get3A_34 : i32 to index
      %get3A_36 = arith.constant 16 : index
      %get3A_37 = tpu.vector_load %arg6[%get3A_35, %get3A_36] {strides = array<i32>} : memref<128x32xf32, #tpu.memory_space<vmem>>, vector<1x16xf32>,
      %get3A_38 = vector.shape_cast %get3A_37 : vector<1x16xf32> to vector<16xf32>
      %max3A_39 = arith.maximumf %get3A_28, %get3A_38 : vector<16xf32>
      %get3A_40 = arith.constant 2 : i32
      %get3A_41 = arith.index_cast %get3A_40 : i32 to index
      %get3A_42 = arith.constant 0 : index
      %get3A_43 = tpu.vector_load %arg6[%get3A_41, %get3A_42] {strides = array<i32>} : memref<128x32xf32, #tpu.memory_space<vmem>>, vector<1x16xf32>,
      %get3A_44 = vector.shape_cast %get3A_43 : vector<1x16xf32> to vector<16xf32>
      %max3A_45 = arith.maximumf %max3A, %get3A_44 : vector<16xf32>
      %get3A_46 = arith.constant 2 : i32
      %get3A_47 = arith.index_cast %get3A_46 : i32 to index
      %get3A_48 = arith.constant 16 : index
      %get3A_49 = tpu.vector_load %arg6[%get3A_47, %get3A_48] {strides = array<i32>} : memref<128x32xf32, #tpu.memory_space<vmem>>, vector<1x16xf32>,
      %get3A_50 = vector.shape_cast %get3A_49 : vector<1x16xf32> to vector<16xf32>
      %max3A_51 = arith.maximumf %max3A_39, %get3A_50 : vector<16xf32>
      %get3A_52 = arith.constant 3 : i32
      %get3A_53 = arith.index_cast %get3A_52 : i32 to index
      %get3A_54 = arith.constant 0 : index
      %get3A_55 = tpu.vector_load %arg6[%get3A_53, %get3A_54] {strides = array<i32>} : memref<128x32xf32, #tpu.memory_space<vmem>>, vector<1x16xf32>,
      %get3A_56 = vector.shape_cast %get3A_55 : vector<1x16xf32> to vector<16xf32>
      %max3A_57 = arith.maximumf %max3A_45, %get3A_56 : vector<16xf32>
      %get3A_58 = arith.constant 3 : i32
      %get3A_59 = arith.index_cast %get3A_58 : i32 to index
      %get3A_60 = arith.constant 16 : index
      %get3A_61 = tpu.vector_load %arg6[%get3A_59, %get3A_60] {strides = array<i32>} : memref<128x32xf32, #tpu.memory_space<vmem>>, vector<1x16xf32>,
      %get3A_62 = vector.shape_cast %get3A_61 : vector<1x16xf32> to vector<16xf32>
      %max3A_63 = arith.maximumf %max3A_51, %get3A_62 : vector<16xf32>
      %get3A_64 = arith.constant 4 : i32
      %get3A_65 = arith.index_cast %get3A_64 : i32 to index
      %get3A_66 = arith.constant 0 : index
      %get3A_67 = tpu.vector_load %arg6[%get3A_65, %get3A_66] {strides = array<i32>} : memref<128x32xf32, #tpu.memory_space<vmem>>, vector<1x16xf32>,
      %get3A_68 = vector.shape_cast %get3A_67 : vector<1x16xf32> to vector<16xf32>
      %max3A_69 = arith.maximumf %max3A_57, %get3A_68 : vector<16xf32>
      %get3A_70 = arith.constant 4 : i32
      %get3A_71 = arith.index_cast %get3A_70 : i32 to index
      %get3A_72 = arith.constant 16 : index
      %get3A_73 = tpu.vector_load %arg6[%get3A_71, %get3A_72] {strides = array<i32>} : memref<128x32xf32, #tpu.memory_space<vmem>>, vector<1x16xf32>,
      %get3A_74 = vector.shape_cast %get3A_73 : vector<1x16xf32> to vector<16xf32>
      %max3A_75 = arith.maximumf %max3A_63, %get3A_74 : vector<16xf32>
      %get3A_76 = arith.constant 5 : i32
      %get3A_77 = arith.index_cast %get3A_76 : i32 to index
      %get3A_78 = arith.constant 0 : index
      %get3A_79 = tpu.vector_load %arg6[%get3A_77, %get3A_78] {strides = array<i32>} : memref<128x32xf32, #tpu.memory_space<vmem>>, vector<1x16xf32>,
      %get3A_80 = vector.shape_cast %get3A_79 : vector<1x16xf32> to vector<16xf32>
      %max3A_81 = arith.maximumf %max3A_69, %get3A_80 : vector<16xf32>
      %get3A_82 = arith.constant 5 : i32
      %get3A_83 = arith.index_cast %get3A_82 : i32 to index
      %get3A_84 = arith.constant 16 : index
      %get3A_85 = tpu.vector_load %arg6[%get3A_83, %get3A_84] {strides = array<i32>} : memref<128x32xf32, #tpu.memory_space<vmem>>, vector<1x16xf32>,
      %get3A_86 = vector.shape_cast %get3A_85 : vector<1x16xf32> to vector<16xf32>
      %max3A_87 = arith.maximumf %max3A_75, %get3A_86 : vector<16xf32>
      %get3A_88 = arith.constant 6 : i32
      %get3A_89 = arith.index_cast %get3A_88 : i32 to index
      %get3A_90 = arith.constant 0 : index
      %get3A_91 = tpu.vector_load %arg6[%get3A_89, %get3A_90] {strides = array<i32>} : memref<128x32xf32, #tpu.memory_space<vmem>>, vector<1x16xf32>,
      %get3A_92 = vector.shape_cast %get3A_91 : vector<1x16xf32> to vector<16xf32>
      %max3A_93 = arith.maximumf %max3A_81, %get3A_92 : vector<16xf32>
      %get3A_94 = arith.constant 6 : i32
      %get3A_95 = arith.index_cast %get3A_94 : i32 to index
      %get3A_96 = arith.constant 16 : index
      %get3A_97 = tpu.vector_load %arg6[%get3A_95, %get3A_96] {strides = array<i32>} : memref<128x32xf32, #tpu.memory_space<vmem>>, vector<1x16xf32>,
      %get3A_98 = vector.shape_cast %get3A_97 : vector<1x16xf32> to vector<16xf32>
      %max3A_99 = arith.maximumf %max3A_87, %get3A_98 : vector<16xf32>
      %get3A_100 = arith.constant 7 : i32
      %get3A_101 = arith.index_cast %get3A_100 : i32 to index
      %get3A_102 = arith.constant 0 : index
      %get3A_103 = tpu.vector_load %arg6[%get3A_101, %get3A_102] {strides = array<i32>} : memref<128x32xf32, #tpu.memory_space<vmem>>, vector<1x16xf32>,
      %get3A_104 = vector.shape_cast %get3A_103 : vector<1x16xf32> to vector<16xf32>
      %max3A_105 = arith.maximumf %max3A_93, %get3A_104 : vector<16xf32>
      %get3A_106 = arith.constant 7 : i32
      %get3A_107 = arith.index_cast %get3A_106 : i32 to index
      %get3A_108 = arith.constant 16 : index
      %get3A_109 = tpu.vector_load %arg6[%get3A_107, %get3A_108] {strides = array<i32>} : memref<128x32xf32, #tpu.memory_space<vmem>>, vector<1x16xf32>,
      %get3A_110 = vector.shape_cast %get3A_109 : vector<1x16xf32> to vector<16xf32>
      %max3A_111 = arith.maximumf %max3A_99, %get3A_110 : vector<16xf32>
      %get3A_112 = arith.constant 8 : i32
      %get3A_113 = arith.index_cast %get3A_112 : i32 to index
      %get3A_114 = arith.constant 0 : index
      %get3A_115 = tpu.vector_load %arg6[%get3A_113, %get3A_114] {strides = array<i32>} : memref<128x32xf32, #tpu.memory_space<vmem>>, vector<1x16xf32>,
      %get3A_116 = vector.shape_cast %get3A_115 : vector<1x16xf32> to vector<16xf32>
      %max3A_117 = arith.maximumf %max3A_105, %get3A_116 : vector<16xf32>
      %get3A_118 = arith.constant 8 : i32
      %get3A_119 = arith.index_cast %get3A_118 : i32 to index
      %get3A_120 = arith.constant 16 : index
      %get3A_121 = tpu.vector_load %arg6[%get3A_119, %get3A_120] {strides = array<i32>} : memref<128x32xf32, #tpu.memory_space<vmem>>, vector<1x16xf32>,
      %get3A_122 = vector.shape_cast %get3A_121 : vector<1x16xf32> to vector<16xf32>
      %max3A_123 = arith.maximumf %max3A_111, %get3A_122 : vector<16xf32>
      %get3A_124 = arith.constant 9 : i32
      %get3A_125 = arith.index_cast %get3A_124 : i32 to index
      %get3A_126 = arith.constant 0 : index
      %get3A_127 = tpu.vector_load %arg6[%get3A_125, %get3A_126] {strides = array<i32>} : memref<128x32xf32, #tpu.memory_space<vmem>>, vector<1x16xf32>,
      %get3A_128 = vector.shape_cast %get3A_127 : vector<1x16xf32> to vector<16xf32>
      %max3A_129 = arith.maximumf %max3A_117, %get3A_128 : vector<16xf32>
      %get3A_130 = arith.constant 9 : i32
      %get3A_131 = arith.index_cast %get3A_130 : i32 to index
      %get3A_132 = arith.constant 16 : index
      %get3A_133 = tpu.vector_load %arg6[%get3A_131, %get3A_132] {strides = array<i32>} : memref<128x32xf32, #tpu.memory_space<vmem>>, vector<1x16xf32>,
      %get3A_134 = vector.shape_cast %get3A_133 : vector<1x16xf32> to vector<16xf32>
      %max3A_135 = arith.maximumf %max3A_123, %get3A_134 : vector<16xf32>
      %get3A_136 = arith.constant 10 : i32
      %get3A_137 = arith.index_cast %get3A_136 : i32 to index
      %get3A_138 = arith.constant 0 : index
      %get3A_139 = tpu.vector_load %arg6[%get3A_137, %get3A_138] {strides = array<i32>} : memref<128x32xf32, #tpu.memory_space<vmem>>, vector<1x16xf32>,
      %get3A_140 = vector.shape_cast %get3A_139 : vector<1x16xf32> to vector<16xf32>
      %max3A_141 = arith.maximumf %max3A_129, %get3A_140 : vector<16xf32>
      %get3A_142 = arith.constant 10 : i32
      %get3A_143 = arith.index_cast %get3A_142 : i32 to index
      %get3A_144 = arith.constant 16 : index
      %get3A_145 = tpu.vector_load %arg6[%get3A_143, %get3A_144] {strides = array<i32>} : memref<128x32xf32, #tpu.memory_space<vmem>>, vector<1x16xf32>,
      %get3A_146 = vector.shape_cast %get3A_145 : vector<1x16xf32> to vector<16xf32>
      %max3A_147 = arith.maximumf %max3A_135, %get3A_146 : vector<16xf32>
      %get3A_148 = arith.constant 11 : i32
      %get3A_149 = arith.index_cast %get3A_148 : i32 to index
      %get3A_150 = arith.constant 0 : index
      %get3A_151 = tpu.vector_load %arg6[%get3A_149, %get3A_150] {strides = array<i32>} : memref<128x32xf32, #tpu.memory_space<vmem>>, vector<1x16xf32>,
      %get3A_152 = vector.shape_cast %get3A_151 : vector<1x16xf32> to vector<16xf32>
      %max3A_153 = arith.maximumf %max3A_141, %get3A_152 : vector<16xf32>
      %get3A_154 = arith.constant 11 : i32
      %get3A_155 = arith.index_cast %get3A_154 : i32 to index
      %get3A_156 = arith.constant 16 : index
      %get3A_157 = tpu.vector_load %arg6[%get3A_155, %get3A_156] {strides = array<i32>} : memref<128x32xf32, #tpu.memory_space<vmem>>, vector<1x16xf32>,
      %get3A_158 = vector.shape_cast %get3A_157 : vector<1x16xf32> to vector<16xf32>
      %max3A_159 = arith.maximumf %max3A_147, %get3A_158 : vector<16xf32>
      %get3A_160 = arith.constant 12 : i32
      %get3A_161 = arith.index_cast %get3A_160 : i32 to index
      %get3A_162 = arith.constant 0 : index
      %get3A_163 = tpu.vector_load %arg6[%get3A_161, %get3A_162] {strides = array<i32>} : memref<128x32xf32, #tpu.memory_space<vmem>>, vector<1x16xf32>,
      %get3A_164 = vector.shape_cast %get3A_163 : vector<1x16xf32> to vector<16xf32>
      %max3A_165 = arith.maximumf %max3A_153, %get3A_164 : vector<16xf32>
      %get3A_166 = arith.constant 12 : i32
      %get3A_167 = arith.index_cast %get3A_166 : i32 to index
      %get3A_168 = arith.constant 16 : index
      %get3A_169 = tpu.vector_load %arg6[%get3A_167, %get3A_168] {strides = array<i32>} : memref<128x32xf32, #tpu.memory_space<vmem>>, vector<1x16xf32>,
      %get3A_170 = vector.shape_cast %get3A_169 : vector<1x16xf32> to vector<16xf32>
      %max3A_171 = arith.maximumf %max3A_159, %get3A_170 : vector<16xf32>
      %get3A_172 = arith.constant 13 : i32
      %get3A_173 = arith.index_cast %get3A_172 : i32 to index
      %get3A_174 = arith.constant 0 : index
      %get3A_175 = tpu.vector_load %arg6[%get3A_173, %get3A_174] {strides = array<i32>} : memref<128x32xf32, #tpu.memory_space<vmem>>, vector<1x16xf32>,
      %get3A_176 = vector.shape_cast %get3A_175 : vector<1x16xf32> to vector<16xf32>
      %max3A_177 = arith.maximumf %max3A_165, %get3A_176 : vector<16xf32>
      %get3A_178 = arith.constant 13 : i32
      %get3A_179 = arith.index_cast %get3A_178 : i32 to index
      %get3A_180 = arith.constant 16 : index
      %get3A_181 = tpu.vector_load %arg6[%get3A_179, %get3A_180] {strides = array<i32>} : memref<128x32xf32, #tpu.memory_space<vmem>>, vector<1x16xf32>,
      %get3A_182 = vector.shape_cast %get3A_181 : vector<1x16xf32> to vector<16xf32>
      %max3A_183 = arith.maximumf %max3A_171, %get3A_182 : vector<16xf32>
      %get3A_184 = arith.constant 14 : i32
      %get3A_185 = arith.index_cast %get3A_184 : i32 to index
      %get3A_186 = arith.constant 0 : index
      %get3A_187 = tpu.vector_load %arg6[%get3A_185, %get3A_186] {strides = array<i32>} : memref<128x32xf32, #tpu.memory_space<vmem>>, vector<1x16xf32>,
      %get3A_188 = vector.shape_cast %get3A_187 : vector<1x16xf32> to vector<16xf32>
      %max3A_189 = arith.maximumf %max3A_177, %get3A_188 : vector<16xf32>
      %get3A_190 = arith.constant 14 : i32
      %get3A_191 = arith.index_cast %get3A_190 : i32 to index
      %get3A_192 = arith.constant 16 : index
      %get3A_193 = tpu.vector_load %arg6[%get3A_191, %get3A_192] {strides = array<i32>} : memref<128x32xf32, #tpu.memory_space<vmem>>, vector<1x16xf32>,
      %get3A_194 = vector.shape_cast %get3A_193 : vector<1x16xf32> to vector<16xf32>
      %max3A_195 = arith.maximumf %max3A_183, %get3A_194 : vector<16xf32>
      %get3A_196 = arith.constant 15 : i32
      %get3A_197 = arith.index_cast %get3A_196 : i32 to index
      %get3A_198 = arith.constant 0 : index
      %get3A_199 = tpu.vector_load %arg6[%get3A_197, %get3A_198] {strides = array<i32>} : memref<128x32xf32, #tpu.memory_space<vmem>>, vector<1x16xf32>,
      %get3A_200 = vector.shape_cast %get3A_199 : vector<1x16xf32> to vector<16xf32>
      %max3A_201 = arith.maximumf %max3A_189, %get3A_200 : vector<16xf32>
      %get3A_202 = arith.constant 15 : i32
      %get3A_203 = arith.index_cast %get3A_202 : i32 to index
      %get3A_204 = arith.constant 16 : index
      %get3A_205 = tpu.vector_load %arg6[%get3A_203, %get3A_204] {strides = array<i32>} : memref<128x32xf32, #tpu.memory_space<vmem>>, vector<1x16xf32>,
      %get3A_206 = vector.shape_cast %get3A_205 : vector<1x16xf32> to vector<16xf32>
      %max3A_207 = arith.maximumf %max3A_195, %get3A_206 : vector<16xf32>
      %swap3A = arith.constant 0 : i32
      %swap3A_208 = arith.index_cast %swap3A : i32 to index
      %swap3A_209 = arith.constant 0 : index
      %swap3A_210 = tpu.vector_load %arg7[%swap3A_208, %swap3A_209] {strides = array<i32>} : memref<8x32xf32, #tpu.memory_space<vmem>>, vector<1x16xf32>,
      %swap3A_211 = vector.shape_cast %swap3A_210 : vector<1x16xf32> to vector<16xf32>
      %swap3A_212 = vector.shape_cast %max3A_201 : vector<16xf32> to vector<1x16xf32>
      tpu.vector_store %arg7[%swap3A_208, %swap3A_209], %swap3A_212 {strides = array<i32>} : memref<8x32xf32, #tpu.memory_space<vmem>>, vector<1x16xf32>,
      %swap3A_213 = arith.constant 0 : i32
      %swap3A_214 = arith.index_cast %swap3A_213 : i32 to index
      %swap3A_215 = arith.constant 16 : index
      %swap3A_216 = tpu.vector_load %arg7[%swap3A_214, %swap3A_215] {strides = array<i32>} : memref<8x32xf32, #tpu.memory_space<vmem>>, vector<1x16xf32>,
      %swap3A_217 = vector.shape_cast %swap3A_216 : vector<1x16xf32> to vector<16xf32>
      %swap3A_218 = vector.shape_cast %max3A_207 : vector<16xf32> to vector<1x16xf32>
      tpu.vector_store %arg7[%swap3A_214, %swap3A_215], %swap3A_218 {strides = array<i32>} : memref<8x32xf32, #tpu.memory_space<vmem>>, vector<1x16xf32>,
      %get3A_219 = arith.constant 16 : i32
      %get3A_220 = arith.index_cast %get3A_219 : i32 to index
      %get3A_221 = arith.constant 0 : index
      %get3A_222 = tpu.vector_load %arg6[%get3A_220, %get3A_221] {strides = array<i32>} : memref<128x32xf32, #tpu.memory_space<vmem>>, vector<1x16xf32>,
      %get3A_223 = vector.shape_cast %get3A_222 : vector<1x16xf32> to vector<16xf32>
      %get3A_224 = arith.constant 16 : i32
      %get3A_225 = arith.index_cast %get3A_224 : i32 to index
      %get3A_226 = arith.constant 16 : index
      %get3A_227 = tpu.vector_load %arg6[%get3A_225, %get3A_226] {strides = array<i32>} : memref<128x32xf32, #tpu.memory_space<vmem>>, vector<1x16xf32>,
      %get3A_228 = vector.shape_cast %get3A_227 : vector<1x16xf32> to vector<16xf32>
      %get3A_229 = arith.constant 17 : i32
      %get3A_230 = arith.index_cast %get3A_229 : i32 to index
      %get3A_231 = arith.constant 0 : index
      %get3A_232 = tpu.vector_load %arg6[%get3A_230, %get3A_231] {strides = array<i32>} : memref<128x32xf32, #tpu.memory_space<vmem>>, vector<1x16xf32>,
      %get3A_233 = vector.shape_cast %get3A_232 : vector<1x16xf32> to vector<16xf32>
      %max3A_234 = arith.maximumf %get3A_223, %get3A_233 : vector<16xf32>
      %get3A_235 = arith.constant 17 : i32
      %get3A_236 = arith.index_cast %get3A_235 : i32 to index
      %get3A_237 = arith.constant 16 : index
      %get3A_238 = tpu.vector_load %arg6[%get3A_236, %get3A_237] {strides = array<i32>} : memref<128x32xf32, #tpu.memory_space<vmem>>, vector<1x16xf32>,
      %get3A_239 = vector.shape_cast %get3A_238 : vector<1x16xf32> to vector<16xf32>
      %max3A_240 = arith.maximumf %get3A_228, %get3A_239 : vector<16xf32>
      %get3A_241 = arith.constant 18 : i32
      %get3A_242 = arith.index_cast %get3A_241 : i32 to index
      %get3A_243 = arith.constant 0 : index
      %get3A_244 = tpu.vector_load %arg6[%get3A_242, %get3A_243] {strides = array<i32>} : memref<128x32xf32, #tpu.memory_space<vmem>>, vector<1x16xf32>,
      %get3A_245 = vector.shape_cast %get3A_244 : vector<1x16xf32> to vector<16xf32>
      %max3A_246 = arith.maximumf %max3A_234, %get3A_245 : vector<16xf32>
      %get3A_247 = arith.constant 18 : i32
      %get3A_248 = arith.index_cast %get3A_247 : i32 to index
      %get3A_249 = arith.constant 16 : index
      %get3A_250 = tpu.vector_load %arg6[%get3A_248, %get3A_249] {strides = array<i32>} : memref<128x32xf32, #tpu.memory_space<vmem>>, vector<1x16xf32>,
      %get3A_251 = vector.shape_cast %get3A_250 : vector<1x16xf32> to vector<16xf32>
      %max3A_252 = arith.maximumf %max3A_240, %get3A_251 : vector<16xf32>
      %get3A_253 = arith.constant 19 : i32
      %get3A_254 = arith.index_cast %get3A_253 : i32 to index
      %get3A_255 = arith.constant 0 : index
      %get3A_256 = tpu.vector_load %arg6[%get3A_254, %get3A_255] {strides = array<i32>} : memref<128x32xf32, #tpu.memory_space<vmem>>, vector<1x16xf32>,
      %get3A_257 = vector.shape_cast %get3A_256 : vector<1x16xf32> to vector<16xf32>
      %max3A_258 = arith.maximumf %max3A_246, %get3A_257 : vector<16xf32>
      %get3A_259 = arith.constant 19 : i32
      %get3A_260 = arith.index_cast %get3A_259 : i32 to index
      %get3A_261 = arith.constant 16 : index
      %get3A_262 = tpu.vector_load %arg6[%get3A_260, %get3A_261] {strides = array<i32>} : memref<128x32xf32, #tpu.memory_space<vmem>>, vector<1x16xf32>,
      %get3A_263 = vector.shape_cast %get3A_262 : vector<1x16xf32> to vector<16xf32>
      %max3A_264 = arith.maximumf %max3A_252, %get3A_263 : vector<16xf32>
      %get3A_265 = arith.constant 20 : i32
      %get3A_266 = arith.index_cast %get3A_265 : i32 to index
      %get3A_267 = arith.constant 0 : index
      %get3A_268 = tpu.vector_load %arg6[%get3A_266, %get3A_267] {strides = array<i32>} : memref<128x32xf32, #tpu.memory_space<vmem>>, vector<1x16xf32>,
      %get3A_269 = vector.shape_cast %get3A_268 : vector<1x16xf32> to vector<16xf32>
      %max3A_270 = arith.maximumf %max3A_258, %get3A_269 : vector<16xf32>
      %get3A_271 = arith.constant 20 : i32
      %get3A_272 = arith.index_cast %get3A_271 : i32 to index
      %get3A_273 = arith.constant 16 : index
      %get3A_274 = tpu.vector_load %arg6[%get3A_272, %get3A_273] {strides = array<i32>} : memref<128x32xf32, #tpu.memory_space<vmem>>, vector<1x16xf32>,
      %get3A_275 = vector.shape_cast %get3A_274 : vector<1x16xf32> to vector<16xf32>
      %max3A_276 = arith.maximumf %max3A_264, %get3A_275 : vector<16xf32>
      %get3A_277 = arith.constant 21 : i32
      %get3A_278 = arith.index_cast %get3A_277 : i32 to index
      %get3A_279 = arith.constant 0 : index
      %get3A_280 = tpu.vector_load %arg6[%get3A_278, %get3A_279] {strides = array<i32>} : memref<128x32xf32, #tpu.memory_space<vmem>>, vector<1x16xf32>,
      %get3A_281 = vector.shape_cast %get3A_280 : vector<1x16xf32> to vector<16xf32>
      %max3A_282 = arith.maximumf %max3A_270, %get3A_281 : vector<16xf32>
      %get3A_283 = arith.constant 21 : i32
      %get3A_284 = arith.index_cast %get3A_283 : i32 to index
      %get3A_285 = arith.constant 16 : index
      %get3A_286 = tpu.vector_load %arg6[%get3A_284, %get3A_285] {strides = array<i32>} : memref<128x32xf32, #tpu.memory_space<vmem>>, vector<1x16xf32>,
      %get3A_287 = vector.shape_cast %get3A_286 : vector<1x16xf32> to vector<16xf32>
      %max3A_288 = arith.maximumf %max3A_276, %get3A_287 : vector<16xf32>
      %get3A_289 = arith.constant 22 : i32
      %get3A_290 = arith.index_cast %get3A_289 : i32 to index
      %get3A_291 = arith.constant 0 : index
      %get3A_292 = tpu.vector_load %arg6[%get3A_290, %get3A_291] {strides = array<i32>} : memref<128x32xf32, #tpu.memory_space<vmem>>, vector<1x16xf32>,
      %get3A_293 = vector.shape_cast %get3A_292 : vector<1x16xf32> to vector<16xf32>
      %max3A_294 = arith.maximumf %max3A_282, %get3A_293 : vector<16xf32>
      %get3A_295 = arith.constant 22 : i32
      %get3A_296 = arith.index_cast %get3A_295 : i32 to index
      %get3A_297 = arith.constant 16 : index
      %get3A_298 = tpu.vector_load %arg6[%get3A_296, %get3A_297] {strides = array<i32>} : memref<128x32xf32, #tpu.memory_space<vmem>>, vector<1x16xf32>,
      %get3A_299 = vector.shape_cast %get3A_298 : vector<1x16xf32> to vector<16xf32>
      %max3A_300 = arith.maximumf %max3A_288, %get3A_299 : vector<16xf32>
      %get3A_301 = arith.constant 23 : i32
      %get3A_302 = arith.index_cast %get3A_301 : i32 to index
      %get3A_303 = arith.constant 0 : index
      %get3A_304 = tpu.vector_load %arg6[%get3A_302, %get3A_303] {strides = array<i32>} : memref<128x32xf32, #tpu.memory_space<vmem>>, vector<1x16xf32>,
      %get3A_305 = vector.shape_cast %get3A_304 : vector<1x16xf32> to vector<16xf32>
      %max3A_306 = arith.maximumf %max3A_294, %get3A_305 : vector<16xf32>
      %get3A_307 = arith.constant 23 : i32
      %get3A_308 = arith.index_cast %get3A_307 : i32 to index
      %get3A_309 = arith.constant 16 : index
      %get3A_310 = tpu.vector_load %arg6[%get3A_308, %get3A_309] {strides = array<i32>} : memref<128x32xf32, #tpu.memory_space<vmem>>, vector<1x16xf32>,
      %get3A_311 = vector.shape_cast %get3A_310 : vector<1x16xf32> to vector<16xf32>
      %max3A_312 = arith.maximumf %max3A_300, %get3A_311 : vector<16xf32>
      %get3A_313 = arith.constant 24 : i32
      %get3A_314 = arith.index_cast %get3A_313 : i32 to index
      %get3A_315 = arith.constant 0 : index
      %get3A_316 = tpu.vector_load %arg6[%get3A_314, %get3A_315] {strides = array<i32>} : memref<128x32xf32, #tpu.memory_space<vmem>>, vector<1x16xf32>,
      %get3A_317 = vector.shape_cast %get3A_316 : vector<1x16xf32> to vector<16xf32>
      %max3A_318 = arith.maximumf %max3A_306, %get3A_317 : vector<16xf32>
      %get3A_319 = arith.constant 24 : i32
      %get3A_320 = arith.index_cast %get3A_319 : i32 to index
      %get3A_321 = arith.constant 16 : index
      %get3A_322 = tpu.vector_load %arg6[%get3A_320, %get3A_321] {strides = array<i32>} : memref<128x32xf32, #tpu.memory_space<vmem>>, vector<1x16xf32>,
      %get3A_323 = vector.shape_cast %get3A_322 : vector<1x16xf32> to vector<16xf32>
      %max3A_324 = arith.maximumf %max3A_312, %get3A_323 : vector<16xf32>
      %get3A_325 = arith.constant 25 : i32
      %get3A_326 = arith.index_cast %get3A_325 : i32 to index
      %get3A_327 = arith.constant 0 : index
      %get3A_328 = tpu.vector_load %arg6[%get3A_326, %get3A_327] {strides = array<i32>} : memref<128x32xf32, #tpu.memory_space<vmem>>, vector<1x16xf32>,
      %get3A_329 = vector.shape_cast %get3A_328 : vector<1x16xf32> to vector<16xf32>
      %max3A_330 = arith.maximumf %max3A_318, %get3A_329 : vector<16xf32>
      %get3A_331 = arith.constant 25 : i32
      %get3A_332 = arith.index_cast %get3A_331 : i32 to index
      %get3A_333 = arith.constant 16 : index
      %get3A_334 = tpu.vector_load %arg6[%get3A_332, %get3A_333] {strides = array<i32>} : memref<128x32xf32, #tpu.memory_space<vmem>>, vector<1x16xf32>,
      %get3A_335 = vector.shape_cast %get3A_334 : vector<1x16xf32> to vector<16xf32>
      %max3A_336 = arith.maximumf %max3A_324, %get3A_335 : vector<16xf32>
      %get3A_337 = arith.constant 26 : i32
      %get3A_338 = arith.index_cast %get3A_337 : i32 to index
      %get3A_339 = arith.constant 0 : index
      %get3A_340 = tpu.vector_load %arg6[%get3A_338, %get3A_339] {strides = array<i32>} : memref<128x32xf32, #tpu.memory_space<vmem>>, vector<1x16xf32>,
      %get3A_341 = vector.shape_cast %get3A_340 : vector<1x16xf32> to vector<16xf32>
      %max3A_342 = arith.maximumf %max3A_330, %get3A_341 : vector<16xf32>
      %get3A_343 = arith.constant 26 : i32
      %get3A_344 = arith.index_cast %get3A_343 : i32 to index
      %get3A_345 = arith.constant 16 : index
      %get3A_346 = tpu.vector_load %arg6[%get3A_344, %get3A_345] {strides = array<i32>} : memref<128x32xf32, #tpu.memory_space<vmem>>, vector<1x16xf32>,
      %get3A_347 = vector.shape_cast %get3A_346 : vector<1x16xf32> to vector<16xf32>
      %max3A_348 = arith.maximumf %max3A_336, %get3A_347 : vector<16xf32>
      %get3A_349 = arith.constant 27 : i32
      %get3A_350 = arith.index_cast %get3A_349 : i32 to index
      %get3A_351 = arith.constant 0 : index
      %get3A_352 = tpu.vector_load %arg6[%get3A_350, %get3A_351] {strides = array<i32>} : memref<128x32xf32, #tpu.memory_space<vmem>>, vector<1x16xf32>,
      %get3A_353 = vector.shape_cast %get3A_352 : vector<1x16xf32> to vector<16xf32>
      %max3A_354 = arith.maximumf %max3A_342, %get3A_353 : vector<16xf32>
      %get3A_355 = arith.constant 27 : i32
      %get3A_356 = arith.index_cast %get3A_355 : i32 to index
      %get3A_357 = arith.constant 16 : index
      %get3A_358 = tpu.vector_load %arg6[%get3A_356, %get3A_357] {strides = array<i32>} : memref<128x32xf32, #tpu.memory_space<vmem>>, vector<1x16xf32>,
      %get3A_359 = vector.shape_cast %get3A_358 : vector<1x16xf32> to vector<16xf32>
      %max3A_360 = arith.maximumf %max3A_348, %get3A_359 : vector<16xf32>
      %get3A_361 = arith.constant 28 : i32
      %get3A_362 = arith.index_cast %get3A_361 : i32 to index
      %get3A_363 = arith.constant 0 : index
      %get3A_364 = tpu.vector_load %arg6[%get3A_362, %get3A_363] {strides = array<i32>} : memref<128x32xf32, #tpu.memory_space<vmem>>, vector<1x16xf32>,
      %get3A_365 = vector.shape_cast %get3A_364 : vector<1x16xf32> to vector<16xf32>
      %max3A_366 = arith.maximumf %max3A_354, %get3A_365 : vector<16xf32>
      %get3A_367 = arith.constant 28 : i32
      %get3A_368 = arith.index_cast %get3A_367 : i32 to index
      %get3A_369 = arith.constant 16 : index
      %get3A_370 = tpu.vector_load %arg6[%get3A_368, %get3A_369] {strides = array<i32>} : memref<128x32xf32, #tpu.memory_space<vmem>>, vector<1x16xf32>,
      %get3A_371 = vector.shape_cast %get3A_370 : vector<1x16xf32> to vector<16xf32>
      %max3A_372 = arith.maximumf %max3A_360, %get3A_371 : vector<16xf32>
      %get3A_373 = arith.constant 29 : i32
      %get3A_374 = arith.index_cast %get3A_373 : i32 to index
      %get3A_375 = arith.constant 0 : index
      %get3A_376 = tpu.vector_load %arg6[%get3A_374, %get3A_375] {strides = array<i32>} : memref<128x32xf32, #tpu.memory_space<vmem>>, vector<1x16xf32>,
      %get3A_377 = vector.shape_cast %get3A_376 : vector<1x16xf32> to vector<16xf32>
      %max3A_378 = arith.maximumf %max3A_366, %get3A_377 : vector<16xf32>
      %get3A_379 = arith.constant 29 : i32
      %get3A_380 = arith.index_cast %get3A_379 : i32 to index
      %get3A_381 = arith.constant 16 : index
      %get3A_382 = tpu.vector_load %arg6[%get3A_380, %get3A_381] {strides = array<i32>} : memref<128x32xf32, #tpu.memory_space<vmem>>, vector<1x16xf32>,
      %get3A_383 = vector.shape_cast %get3A_382 : vector<1x16xf32> to vector<16xf32>
      %max3A_384 = arith.maximumf %max3A_372, %get3A_383 : vector<16xf32>
      %get3A_385 = arith.constant 30 : i32
      %get3A_386 = arith.index_cast %get3A_385 : i32 to index
      %get3A_387 = arith.constant 0 : index
      %get3A_388 = tpu.vector_load %arg6[%get3A_386, %get3A_387] {strides = array<i32>} : memref<128x32xf32, #tpu.memory_space<vmem>>, vector<1x16xf32>,
      %get3A_389 = vector.shape_cast %get3A_388 : vector<1x16xf32> to vector<16xf32>
      %max3A_390 = arith.maximumf %max3A_378, %get3A_389 : vector<16xf32>
      %get3A_391 = arith.constant 30 : i32
      %get3A_392 = arith.index_cast %get3A_391 : i32 to index
      %get3A_393 = arith.constant 16 : index
      %get3A_394 = tpu.vector_load %arg6[%get3A_392, %get3A_393] {strides = array<i32>} : memref<128x32xf32, #tpu.memory_space<vmem>>, vector<1x16xf32>,
      %get3A_395 = vector.shape_cast %get3A_394 : vector<1x16xf32> to vector<16xf32>
      %max3A_396 = arith.maximumf %max3A_384, %get3A_395 : vector<16xf32>
      %get3A_397 = arith.constant 31 : i32
      %get3A_398 = arith.index_cast %get3A_397 : i32 to index
      %get3A_399 = arith.constant 0 : index
      %get3A_400 = tpu.vector_load %arg6[%get3A_398, %get3A_399] {strides = array<i32>} : memref<128x32xf32, #tpu.memory_space<vmem>>, vector<1x16xf32>,
      %get3A_401 = vector.shape_cast %get3A_400 : vector<1x16xf32> to vector<16xf32>
      %max3A_402 = arith.maximumf %max3A_390, %get3A_401 : vector<16xf32>
      %get3A_403 = arith.constant 31 : i32
      %get3A_404 = arith.index_cast %get3A_403 : i32 to index
      %get3A_405 = arith.constant 16 : index
      %get3A_406 = tpu.vector_load %arg6[%get3A_404, %get3A_405] {strides = array<i32>} : memref<128x32xf32, #tpu.memory_space<vmem>>, vector<1x16xf32>,
      %get3A_407 = vector.shape_cast %get3A_406 : vector<1x16xf32> to vector<16xf32>
      %max3A_408 = arith.maximumf %max3A_396, %get3A_407 : vector<16xf32>
      %swap3A_409 = arith.constant 1 : i32
      %swap3A_410 = arith.index_cast %swap3A_409 : i32 to index
      %swap3A_411 = arith.constant 0 : index
      %swap3A_412 = tpu.vector_load %arg7[%swap3A_410, %swap3A_411] {strides = array<i32>} : memref<8x32xf32, #tpu.memory_space<vmem>>, vector<1x16xf32>,
      %swap3A_413 = vector.shape_cast %swap3A_412 : vector<1x16xf32> to vector<16xf32>
      %swap3A_414 = vector.shape_cast %max3A_402 : vector<16xf32> to vector<1x16xf32>
      tpu.vector_store %arg7[%swap3A_410, %swap3A_411], %swap3A_414 {strides = array<i32>} : memref<8x32xf32, #tpu.memory_space<vmem>>, vector<1x16xf32>,
      %swap3A_415 = arith.constant 1 : i32
      %swap3A_416 = arith.index_cast %swap3A_415 : i32 to index
      %swap3A_417 = arith.constant 16 : index
      %swap3A_418 = tpu.vector_load %arg7[%swap3A_416, %swap3A_417] {strides = array<i32>} : memref<8x32xf32, #tpu.memory_space<vmem>>, vector<1x16xf32>,
      %swap3A_419 = vector.shape_cast %swap3A_418 : vector<1x16xf32> to vector<16xf32>
      %swap3A_420 = vector.shape_cast %max3A_408 : vector<16xf32> to vector<1x16xf32>
      tpu.vector_store %arg7[%swap3A_416, %swap3A_417], %swap3A_420 {strides = array<i32>} : memref<8x32xf32, #tpu.memory_space<vmem>>, vector<1x16xf32>,
      %get3A_421 = arith.constant 32 : i32
      %get3A_422 = arith.index_cast %get3A_421 : i32 to index
      %get3A_423 = arith.constant 0 : index
      %get3A_424 = tpu.vector_load %arg6[%get3A_422, %get3A_423] {strides = array<i32>} : memref<128x32xf32, #tpu.memory_space<vmem>>, vector<1x16xf32>,
      %get3A_425 = vector.shape_cast %get3A_424 : vector<1x16xf32> to vector<16xf32>
      %get3A_426 = arith.constant 32 : i32
      %get3A_427 = arith.index_cast %get3A_426 : i32 to index
      %get3A_428 = arith.constant 16 : index
      %get3A_429 = tpu.vector_load %arg6[%get3A_427, %get3A_428] {strides = array<i32>} : memref<128x32xf32, #tpu.memory_space<vmem>>, vector<1x16xf32>,
      %get3A_430 = vector.shape_cast %get3A_429 : vector<1x16xf32> to vector<16xf32>
      %get3A_431 = arith.constant 33 : i32
      %get3A_432 = arith.index_cast %get3A_431 : i32 to index
      %get3A_433 = arith.constant 0 : index
      %get3A_434 = tpu.vector_load %arg6[%get3A_432, %get3A_433] {strides = array<i32>} : memref<128x32xf32, #tpu.memory_space<vmem>>, vector<1x16xf32>,
      %get3A_435 = vector.shape_cast %get3A_434 : vector<1x16xf32> to vector<16xf32>
      %max3A_436 = arith.maximumf %get3A_425, %get3A_435 : vector<16xf32>
      %get3A_437 = arith.constant 33 : i32
      %get3A_438 = arith.index_cast %get3A_437 : i32 to index
      %get3A_439 = arith.constant 16 : index
      %get3A_440 = tpu.vector_load %arg6[%get3A_438, %get3A_439] {strides = array<i32>} : memref<128x32xf32, #tpu.memory_space<vmem>>, vector<1x16xf32>,
      %get3A_441 = vector.shape_cast %get3A_440 : vector<1x16xf32> to vector<16xf32>
      %max3A_442 = arith.maximumf %get3A_430, %get3A_441 : vector<16xf32>
      %get3A_443 = arith.constant 34 : i32
      %get3A_444 = arith.index_cast %get3A_443 : i32 to index
      %get3A_445 = arith.constant 0 : index
      %get3A_446 = tpu.vector_load %arg6[%get3A_444, %get3A_445] {strides = array<i32>} : memref<128x32xf32, #tpu.memory_space<vmem>>, vector<1x16xf32>,
      %get3A_447 = vector.shape_cast %get3A_446 : vector<1x16xf32> to vector<16xf32>
      %max3A_448 = arith.maximumf %max3A_436, %get3A_447 : vector<16xf32>
      %get3A_449 = arith.constant 34 : i32
      %get3A_450 = arith.index_cast %get3A_449 : i32 to index
      %get3A_451 = arith.constant 16 : index
      %get3A_452 = tpu.vector_load %arg6[%get3A_450, %get3A_451] {strides = array<i32>} : memref<128x32xf32, #tpu.memory_space<vmem>>, vector<1x16xf32>,
      %get3A_453 = vector.shape_cast %get3A_452 : vector<1x16xf32> to vector<16xf32>
      %max3A_454 = arith.maximumf %max3A_442, %get3A_453 : vector<16xf32>
      %get3A_455 = arith.constant 35 : i32
      %get3A_456 = arith.index_cast %get3A_455 : i32 to index
      %get3A_457 = arith.constant 0 : index
      %get3A_458 = tpu.vector_load %arg6[%get3A_456, %get3A_457] {strides = array<i32>} : memref<128x32xf32, #tpu.memory_space<vmem>>, vector<1x16xf32>,
      %get3A_459 = vector.shape_cast %get3A_458 : vector<1x16xf32> to vector<16xf32>
      %max3A_460 = arith.maximumf %max3A_448, %get3A_459 : vector<16xf32>
      %get3A_461 = arith.constant 35 : i32
      %get3A_462 = arith.index_cast %get3A_461 : i32 to index
      %get3A_463 = arith.constant 16 : index
      %get3A_464 = tpu.vector_load %arg6[%get3A_462, %get3A_463] {strides = array<i32>} : memref<128x32xf32, #tpu.memory_space<vmem>>, vector<1x16xf32>,
      %get3A_465 = vector.shape_cast %get3A_464 : vector<1x16xf32> to vector<16xf32>
      %max3A_466 = arith.maximumf %max3A_454, %get3A_465 : vector<16xf32>
      %get3A_467 = arith.constant 36 : i32
      %get3A_468 = arith.index_cast %get3A_467 : i32 to index
      %get3A_469 = arith.constant 0 : index
      %get3A_470 = tpu.vector_load %arg6[%get3A_468, %get3A_469] {strides = array<i32>} : memref<128x32xf32, #tpu.memory_space<vmem>>, vector<1x16xf32>,
      %get3A_471 = vector.shape_cast %get3A_470 : vector<1x16xf32> to vector<16xf32>
      %max3A_472 = arith.maximumf %max3A_460, %get3A_471 : vector<16xf32>
      %get3A_473 = arith.constant 36 : i32
      %get3A_474 = arith.index_cast %get3A_473 : i32 to index
      %get3A_475 = arith.constant 16 : index
      %get3A_476 = tpu.vector_load %arg6[%get3A_474, %get3A_475] {strides = array<i32>} : memref<128x32xf32, #tpu.memory_space<vmem>>, vector<1x16xf32>,
      %get3A_477 = vector.shape_cast %get3A_476 : vector<1x16xf32> to vector<16xf32>
      %max3A_478 = arith.maximumf %max3A_466, %get3A_477 : vector<16xf32>
      %get3A_479 = arith.constant 37 : i32
      %get3A_480 = arith.index_cast %get3A_479 : i32 to index
      %get3A_481 = arith.constant 0 : index
      %get3A_482 = tpu.vector_load %arg6[%get3A_480, %get3A_481] {strides = array<i32>} : memref<128x32xf32, #tpu.memory_space<vmem>>, vector<1x16xf32>,
      %get3A_483 = vector.shape_cast %get3A_482 : vector<1x16xf32> to vector<16xf32>
      %max3A_484 = arith.maximumf %max3A_472, %get3A_483 : vector<16xf32>
      %get3A_485 = arith.constant 37 : i32
      %get3A_486 = arith.index_cast %get3A_485 : i32 to index
      %get3A_487 = arith.constant 16 : index
      %get3A_488 = tpu.vector_load %arg6[%get3A_486, %get3A_487] {strides = array<i32>} : memref<128x32xf32, #tpu.memory_space<vmem>>, vector<1x16xf32>,
      %get3A_489 = vector.shape_cast %get3A_488 : vector<1x16xf32> to vector<16xf32>
      %max3A_490 = arith.maximumf %max3A_478, %get3A_489 : vector<16xf32>
      %get3A_491 = arith.constant 38 : i32
      %get3A_492 = arith.index_cast %get3A_491 : i32 to index
      %get3A_493 = arith.constant 0 : index
      %get3A_494 = tpu.vector_load %arg6[%get3A_492, %get3A_493] {strides = array<i32>} : memref<128x32xf32, #tpu.memory_space<vmem>>, vector<1x16xf32>,
      %get3A_495 = vector.shape_cast %get3A_494 : vector<1x16xf32> to vector<16xf32>
      %max3A_496 = arith.maximumf %max3A_484, %get3A_495 : vector<16xf32>
      %get3A_497 = arith.constant 38 : i32
      %get3A_498 = arith.index_cast %get3A_497 : i32 to index
      %get3A_499 = arith.constant 16 : index
      %get3A_500 = tpu.vector_load %arg6[%get3A_498, %get3A_499] {strides = array<i32>} : memref<128x32xf32, #tpu.memory_space<vmem>>, vector<1x16xf32>,
      %get3A_501 = vector.shape_cast %get3A_500 : vector<1x16xf32> to vector<16xf32>
      %max3A_502 = arith.maximumf %max3A_490, %get3A_501 : vector<16xf32>
      %get3A_503 = arith.constant 39 : i32
      %get3A_504 = arith.index_cast %get3A_503 : i32 to index
      %get3A_505 = arith.constant 0 : index
      %get3A_506 = tpu.vector_load %arg6[%get3A_504, %get3A_505] {strides = array<i32>} : memref<128x32xf32, #tpu.memory_space<vmem>>, vector<1x16xf32>,
      %get3A_507 = vector.shape_cast %get3A_506 : vector<1x16xf32> to vector<16xf32>
      %max3A_508 = arith.maximumf %max3A_496, %get3A_507 : vector<16xf32>
      %get3A_509 = arith.constant 39 : i32
      %get3A_510 = arith.index_cast %get3A_509 : i32 to index
      %get3A_511 = arith.constant 16 : index
      %get3A_512 = tpu.vector_load %arg6[%get3A_510, %get3A_511] {strides = array<i32>} : memref<128x32xf32, #tpu.memory_space<vmem>>, vector<1x16xf32>,
      %get3A_513 = vector.shape_cast %get3A_512 : vector<1x16xf32> to vector<16xf32>
      %max3A_514 = arith.maximumf %max3A_502, %get3A_513 : vector<16xf32>
      %get3A_515 = arith.constant 40 : i32
      %get3A_516 = arith.index_cast %get3A_515 : i32 to index
      %get3A_517 = arith.constant 0 : index
      %get3A_518 = tpu.vector_load %arg6[%get3A_516, %get3A_517] {strides = array<i32>} : memref<128x32xf32, #tpu.memory_space<vmem>>, vector<1x16xf32>,
      %get3A_519 = vector.shape_cast %get3A_518 : vector<1x16xf32> to vector<16xf32>
      %max3A_520 = arith.maximumf %max3A_508, %get3A_519 : vector<16xf32>
      %get3A_521 = arith.constant 40 : i32
      %get3A_522 = arith.index_cast %get3A_521 : i32 to index
      %get3A_523 = arith.constant 16 : index
      %get3A_524 = tpu.vector_load %arg6[%get3A_522, %get3A_523] {strides = array<i32>} : memref<128x32xf32, #tpu.memory_space<vmem>>, vector<1x16xf32>,
      %get3A_525 = vector.shape_cast %get3A_524 : vector<1x16xf32> to vector<16xf32>
      %max3A_526 = arith.maximumf %max3A_514, %get3A_525 : vector<16xf32>
      %get3A_527 = arith.constant 41 : i32
      %get3A_528 = arith.index_cast %get3A_527 : i32 to index
      %get3A_529 = arith.constant 0 : index
      %get3A_530 = tpu.vector_load %arg6[%get3A_528, %get3A_529] {strides = array<i32>} : memref<128x32xf32, #tpu.memory_space<vmem>>, vector<1x16xf32>,
      %get3A_531 = vector.shape_cast %get3A_530 : vector<1x16xf32> to vector<16xf32>
      %max3A_532 = arith.maximumf %max3A_520, %get3A_531 : vector<16xf32>
      %get3A_533 = arith.constant 41 : i32
      %get3A_534 = arith.index_cast %get3A_533 : i32 to index
      %get3A_535 = arith.constant 16 : index
      %get3A_536 = tpu.vector_load %arg6[%get3A_534, %get3A_535] {strides = array<i32>} : memref<128x32xf32, #tpu.memory_space<vmem>>, vector<1x16xf32>,
      %get3A_537 = vector.shape_cast %get3A_536 : vector<1x16xf32> to vector<16xf32>
      %max3A_538 = arith.maximumf %max3A_526, %get3A_537 : vector<16xf32>
      %get3A_539 = arith.constant 42 : i32
      %get3A_540 = arith.index_cast %get3A_539 : i32 to index
      %get3A_541 = arith.constant 0 : index
      %get3A_542 = tpu.vector_load %arg6[%get3A_540, %get3A_541] {strides = array<i32>} : memref<128x32xf32, #tpu.memory_space<vmem>>, vector<1x16xf32>,
      %get3A_543 = vector.shape_cast %get3A_542 : vector<1x16xf32> to vector<16xf32>
      %max3A_544 = arith.maximumf %max3A_532, %get3A_543 : vector<16xf32>
      %get3A_545 = arith.constant 42 : i32
      %get3A_546 = arith.index_cast %get3A_545 : i32 to index
      %get3A_547 = arith.constant 16 : index
      %get3A_548 = tpu.vector_load %arg6[%get3A_546, %get3A_547] {strides = array<i32>} : memref<128x32xf32, #tpu.memory_space<vmem>>, vector<1x16xf32>,
      %get3A_549 = vector.shape_cast %get3A_548 : vector<1x16xf32> to vector<16xf32>
      %max3A_550 = arith.maximumf %max3A_538, %get3A_549 : vector<16xf32>
      %get3A_551 = arith.constant 43 : i32
      %get3A_552 = arith.index_cast %get3A_551 : i32 to index
      %get3A_553 = arith.constant 0 : index
      %get3A_554 = tpu.vector_load %arg6[%get3A_552, %get3A_553] {strides = array<i32>} : memref<128x32xf32, #tpu.memory_space<vmem>>, vector<1x16xf32>,
      %get3A_555 = vector.shape_cast %get3A_554 : vector<1x16xf32> to vector<16xf32>
      %max3A_556 = arith.maximumf %max3A_544, %get3A_555 : vector<16xf32>
      %get3A_557 = arith.constant 43 : i32
      %get3A_558 = arith.index_cast %get3A_557 : i32 to index
      %get3A_559 = arith.constant 16 : index
      %get3A_560 = tpu.vector_load %arg6[%get3A_558, %get3A_559] {strides = array<i32>} : memref<128x32xf32, #tpu.memory_space<vmem>>, vector<1x16xf32>,
      %get3A_561 = vector.shape_cast %get3A_560 : vector<1x16xf32> to vector<16xf32>
      %max3A_562 = arith.maximumf %max3A_550, %get3A_561 : vector<16xf32>
      %get3A_563 = arith.constant 44 : i32
      %get3A_564 = arith.index_cast %get3A_563 : i32 to index
      %get3A_565 = arith.constant 0 : index
      %get3A_566 = tpu.vector_load %arg6[%get3A_564, %get3A_565] {strides = array<i32>} : memref<128x32xf32, #tpu.memory_space<vmem>>, vector<1x16xf32>,
      %get3A_567 = vector.shape_cast %get3A_566 : vector<1x16xf32> to vector<16xf32>
      %max3A_568 = arith.maximumf %max3A_556, %get3A_567 : vector<16xf32>
      %get3A_569 = arith.constant 44 : i32
      %get3A_570 = arith.index_cast %get3A_569 : i32 to index
      %get3A_571 = arith.constant 16 : index
      %get3A_572 = tpu.vector_load %arg6[%get3A_570, %get3A_571] {strides = array<i32>} : memref<128x32xf32, #tpu.memory_space<vmem>>, vector<1x16xf32>,
      %get3A_573 = vector.shape_cast %get3A_572 : vector<1x16xf32> to vector<16xf32>
      %max3A_574 = arith.maximumf %max3A_562, %get3A_573 : vector<16xf32>
      %get3A_575 = arith.constant 45 : i32
      %get3A_576 = arith.index_cast %get3A_575 : i32 to index
      %get3A_577 = arith.constant 0 : index
      %get3A_578 = tpu.vector_load %arg6[%get3A_576, %get3A_577] {strides = array<i32>} : memref<128x32xf32, #tpu.memory_space<vmem>>, vector<1x16xf32>,
      %get3A_579 = vector.shape_cast %get3A_578 : vector<1x16xf32> to vector<16xf32>
      %max3A_580 = arith.maximumf %max3A_568, %get3A_579 : vector<16xf32>
      %get3A_581 = arith.constant 45 : i32
      %get3A_582 = arith.index_cast %get3A_581 : i32 to index
      %get3A_583 = arith.constant 16 : index
      %get3A_584 = tpu.vector_load %arg6[%get3A_582, %get3A_583] {strides = array<i32>} : memref<128x32xf32, #tpu.memory_space<vmem>>, vector<1x16xf32>,
      %get3A_585 = vector.shape_cast %get3A_584 : vector<1x16xf32> to vector<16xf32>
      %max3A_586 = arith.maximumf %max3A_574, %get3A_585 : vector<16xf32>
      %get3A_587 = arith.constant 46 : i32
      %get3A_588 = arith.index_cast %get3A_587 : i32 to index
      %get3A_589 = arith.constant 0 : index
      %get3A_590 = tpu.vector_load %arg6[%get3A_588, %get3A_589] {strides = array<i32>} : memref<128x32xf32, #tpu.memory_space<vmem>>, vector<1x16xf32>,
      %get3A_591 = vector.shape_cast %get3A_590 : vector<1x16xf32> to vector<16xf32>
      %max3A_592 = arith.maximumf %max3A_580, %get3A_591 : vector<16xf32>
      %get3A_593 = arith.constant 46 : i32
      %get3A_594 = arith.index_cast %get3A_593 : i32 to index
      %get3A_595 = arith.constant 16 : index
      %get3A_596 = tpu.vector_load %arg6[%get3A_594, %get3A_595] {strides = array<i32>} : memref<128x32xf32, #tpu.memory_space<vmem>>, vector<1x16xf32>,
      %get3A_597 = vector.shape_cast %get3A_596 : vector<1x16xf32> to vector<16xf32>
      %max3A_598 = arith.maximumf %max3A_586, %get3A_597 : vector<16xf32>
      %get3A_599 = arith.constant 47 : i32
      %get3A_600 = arith.index_cast %get3A_599 : i32 to index
      %get3A_601 = arith.constant 0 : index
      %get3A_602 = tpu.vector_load %arg6[%get3A_600, %get3A_601] {strides = array<i32>} : memref<128x32xf32, #tpu.memory_space<vmem>>, vector<1x16xf32>,
      %get3A_603 = vector.shape_cast %get3A_602 : vector<1x16xf32> to vector<16xf32>
      %max3A_604 = arith.maximumf %max3A_592, %get3A_603 : vector<16xf32>
      %get3A_605 = arith.constant 47 : i32
      %get3A_606 = arith.index_cast %get3A_605 : i32 to index
      %get3A_607 = arith.constant 16 : index
      %get3A_608 = tpu.vector_load %arg6[%get3A_606, %get3A_607] {strides = array<i32>} : memref<128x32xf32, #tpu.memory_space<vmem>>, vector<1x16xf32>,
      %get3A_609 = vector.shape_cast %get3A_608 : vector<1x16xf32> to vector<16xf32>
      %max3A_610 = arith.maximumf %max3A_598, %get3A_609 : vector<16xf32>
      %swap3A_611 = arith.constant 2 : i32
      %swap3A_612 = arith.index_cast %swap3A_611 : i32 to index
      %swap3A_613 = arith.constant 0 : index
      %swap3A_614 = tpu.vector_load %arg7[%swap3A_612, %swap3A_613] {strides = array<i32>} : memref<8x32xf32, #tpu.memory_space<vmem>>, vector<1x16xf32>,
      %swap3A_615 = vector.shape_cast %swap3A_614 : vector<1x16xf32> to vector<16xf32>
      %swap3A_616 = vector.shape_cast %max3A_604 : vector<16xf32> to vector<1x16xf32>
      tpu.vector_store %arg7[%swap3A_612, %swap3A_613], %swap3A_616 {strides = array<i32>} : memref<8x32xf32, #tpu.memory_space<vmem>>, vector<1x16xf32>,
      %swap3A_617 = arith.constant 2 : i32
      %swap3A_618 = arith.index_cast %swap3A_617 : i32 to index
      %swap3A_619 = arith.constant 16 : index
      %swap3A_620 = tpu.vector_load %arg7[%swap3A_618, %swap3A_619] {strides = array<i32>} : memref<8x32xf32, #tpu.memory_space<vmem>>, vector<1x16xf32>,
      %swap3A_621 = vector.shape_cast %swap3A_620 : vector<1x16xf32> to vector<16xf32>
      %swap3A_622 = vector.shape_cast %max3A_610 : vector<16xf32> to vector<1x16xf32>
      tpu.vector_store %arg7[%swap3A_618, %swap3A_619], %swap3A_622 {strides = array<i32>} : memref<8x32xf32, #tpu.memory_space<vmem>>, vector<1x16xf32>,
      %get3A_623 = arith.constant 48 : i32
      %get3A_624 = arith.index_cast %get3A_623 : i32 to index
      %get3A_625 = arith.constant 0 : index
      %get3A_626 = tpu.vector_load %arg6[%get3A_624, %get3A_625] {strides = array<i32>} : memref<128x32xf32, #tpu.memory_space<vmem>>, vector<1x16xf32>,
      %get3A_627 = vector.shape_cast %get3A_626 : vector<1x16xf32> to vector<16xf32>
      %get3A_628 = arith.constant 48 : i32
      %get3A_629 = arith.index_cast %get3A_628 : i32 to index
      %get3A_630 = arith.constant 16 : index
      %get3A_631 = tpu.vector_load %arg6[%get3A_629, %get3A_630] {strides = array<i32>} : memref<128x32xf32, #tpu.memory_space<vmem>>, vector<1x16xf32>,
      %get3A_632 = vector.shape_cast %get3A_631 : vector<1x16xf32> to vector<16xf32>
      %get3A_633 = arith.constant 49 : i32
      %get3A_634 = arith.index_cast %get3A_633 : i32 to index
      %get3A_635 = arith.constant 0 : index
      %get3A_636 = tpu.vector_load %arg6[%get3A_634, %get3A_635] {strides = array<i32>} : memref<128x32xf32, #tpu.memory_space<vmem>>, vector<1x16xf32>,
      %get3A_637 = vector.shape_cast %get3A_636 : vector<1x16xf32> to vector<16xf32>
      %max3A_638 = arith.maximumf %get3A_627, %get3A_637 : vector<16xf32>
      %get3A_639 = arith.constant 49 : i32
      %get3A_640 = arith.index_cast %get3A_639 : i32 to index
      %get3A_641 = arith.constant 16 : index
      %get3A_642 = tpu.vector_load %arg6[%get3A_640, %get3A_641] {strides = array<i32>} : memref<128x32xf32, #tpu.memory_space<vmem>>, vector<1x16xf32>,
      %get3A_643 = vector.shape_cast %get3A_642 : vector<1x16xf32> to vector<16xf32>
      %max3A_644 = arith.maximumf %get3A_632, %get3A_643 : vector<16xf32>
      %get3A_645 = arith.constant 50 : i32
      %get3A_646 = arith.index_cast %get3A_645 : i32 to index
      %get3A_647 = arith.constant 0 : index
      %get3A_648 = tpu.vector_load %arg6[%get3A_646, %get3A_647] {strides = array<i32>} : memref<128x32xf32, #tpu.memory_space<vmem>>, vector<1x16xf32>,
      %get3A_649 = vector.shape_cast %get3A_648 : vector<1x16xf32> to vector<16xf32>
      %max3A_650 = arith.maximumf %max3A_638, %get3A_649 : vector<16xf32>
      %get3A_651 = arith.constant 50 : i32
      %get3A_652 = arith.index_cast %get3A_651 : i32 to index
      %get3A_653 = arith.constant 16 : index
      %get3A_654 = tpu.vector_load %arg6[%get3A_652, %get3A_653] {strides = array<i32>} : memref<128x32xf32, #tpu.memory_space<vmem>>, vector<1x16xf32>,
      %get3A_655 = vector.shape_cast %get3A_654 : vector<1x16xf32> to vector<16xf32>
      %max3A_656 = arith.maximumf %max3A_644, %get3A_655 : vector<16xf32>
      %get3A_657 = arith.constant 51 : i32
      %get3A_658 = arith.index_cast %get3A_657 : i32 to index
      %get3A_659 = arith.constant 0 : index
      %get3A_660 = tpu.vector_load %arg6[%get3A_658, %get3A_659] {strides = array<i32>} : memref<128x32xf32, #tpu.memory_space<vmem>>, vector<1x16xf32>,
      %get3A_661 = vector.shape_cast %get3A_660 : vector<1x16xf32> to vector<16xf32>
      %max3A_662 = arith.maximumf %max3A_650, %get3A_661 : vector<16xf32>
      %get3A_663 = arith.constant 51 : i32
      %get3A_664 = arith.index_cast %get3A_663 : i32 to index
      %get3A_665 = arith.constant 16 : index
      %get3A_666 = tpu.vector_load %arg6[%get3A_664, %get3A_665] {strides = array<i32>} : memref<128x32xf32, #tpu.memory_space<vmem>>, vector<1x16xf32>,
      %get3A_667 = vector.shape_cast %get3A_666 : vector<1x16xf32> to vector<16xf32>
      %max3A_668 = arith.maximumf %max3A_656, %get3A_667 : vector<16xf32>
      %get3A_669 = arith.constant 52 : i32
      %get3A_670 = arith.index_cast %get3A_669 : i32 to index
      %get3A_671 = arith.constant 0 : index
      %get3A_672 = tpu.vector_load %arg6[%get3A_670, %get3A_671] {strides = array<i32>} : memref<128x32xf32, #tpu.memory_space<vmem>>, vector<1x16xf32>,
      %get3A_673 = vector.shape_cast %get3A_672 : vector<1x16xf32> to vector<16xf32>
      %max3A_674 = arith.maximumf %max3A_662, %get3A_673 : vector<16xf32>
      %get3A_675 = arith.constant 52 : i32
      %get3A_676 = arith.index_cast %get3A_675 : i32 to index
      %get3A_677 = arith.constant 16 : index
      %get3A_678 = tpu.vector_load %arg6[%get3A_676, %get3A_677] {strides = array<i32>} : memref<128x32xf32, #tpu.memory_space<vmem>>, vector<1x16xf32>,
      %get3A_679 = vector.shape_cast %get3A_678 : vector<1x16xf32> to vector<16xf32>
      %max3A_680 = arith.maximumf %max3A_668, %get3A_679 : vector<16xf32>
      %get3A_681 = arith.constant 53 : i32
      %get3A_682 = arith.index_cast %get3A_681 : i32 to index
      %get3A_683 = arith.constant 0 : index
      %get3A_684 = tpu.vector_load %arg6[%get3A_682, %get3A_683] {strides = array<i32>} : memref<128x32xf32, #tpu.memory_space<vmem>>, vector<1x16xf32>,
      %get3A_685 = vector.shape_cast %get3A_684 : vector<1x16xf32> to vector<16xf32>
      %max3A_686 = arith.maximumf %max3A_674, %get3A_685 : vector<16xf32>
      %get3A_687 = arith.constant 53 : i32
      %get3A_688 = arith.index_cast %get3A_687 : i32 to index
      %get3A_689 = arith.constant 16 : index
      %get3A_690 = tpu.vector_load %arg6[%get3A_688, %get3A_689] {strides = array<i32>} : memref<128x32xf32, #tpu.memory_space<vmem>>, vector<1x16xf32>,
      %get3A_691 = vector.shape_cast %get3A_690 : vector<1x16xf32> to vector<16xf32>
      %max3A_692 = arith.maximumf %max3A_680, %get3A_691 : vector<16xf32>
      %get3A_693 = arith.constant 54 : i32
      %get3A_694 = arith.index_cast %get3A_693 : i32 to index
      %get3A_695 = arith.constant 0 : index
      %get3A_696 = tpu.vector_load %arg6[%get3A_694, %get3A_695] {strides = array<i32>} : memref<128x32xf32, #tpu.memory_space<vmem>>, vector<1x16xf32>,
      %get3A_697 = vector.shape_cast %get3A_696 : vector<1x16xf32> to vector<16xf32>
      %max3A_698 = arith.maximumf %max3A_686, %get3A_697 : vector<16xf32>
      %get3A_699 = arith.constant 54 : i32
      %get3A_700 = arith.index_cast %get3A_699 : i32 to index
      %get3A_701 = arith.constant 16 : index
      %get3A_702 = tpu.vector_load %arg6[%get3A_700, %get3A_701] {strides = array<i32>} : memref<128x32xf32, #tpu.memory_space<vmem>>, vector<1x16xf32>,
      %get3A_703 = vector.shape_cast %get3A_702 : vector<1x16xf32> to vector<16xf32>
      %max3A_704 = arith.maximumf %max3A_692, %get3A_703 : vector<16xf32>
      %get3A_705 = arith.constant 55 : i32
      %get3A_706 = arith.index_cast %get3A_705 : i32 to index
      %get3A_707 = arith.constant 0 : index
      %get3A_708 = tpu.vector_load %arg6[%get3A_706, %get3A_707] {strides = array<i32>} : memref<128x32xf32, #tpu.memory_space<vmem>>, vector<1x16xf32>,
      %get3A_709 = vector.shape_cast %get3A_708 : vector<1x16xf32> to vector<16xf32>
      %max3A_710 = arith.maximumf %max3A_698, %get3A_709 : vector<16xf32>
      %get3A_711 = arith.constant 55 : i32
      %get3A_712 = arith.index_cast %get3A_711 : i32 to index
      %get3A_713 = arith.constant 16 : index
      %get3A_714 = tpu.vector_load %arg6[%get3A_712, %get3A_713] {strides = array<i32>} : memref<128x32xf32, #tpu.memory_space<vmem>>, vector<1x16xf32>,
      %get3A_715 = vector.shape_cast %get3A_714 : vector<1x16xf32> to vector<16xf32>
      %max3A_716 = arith.maximumf %max3A_704, %get3A_715 : vector<16xf32>
      %get3A_717 = arith.constant 56 : i32
      %get3A_718 = arith.index_cast %get3A_717 : i32 to index
      %get3A_719 = arith.constant 0 : index
      %get3A_720 = tpu.vector_load %arg6[%get3A_718, %get3A_719] {strides = array<i32>} : memref<128x32xf32, #tpu.memory_space<vmem>>, vector<1x16xf32>,
      %get3A_721 = vector.shape_cast %get3A_720 : vector<1x16xf32> to vector<16xf32>
      %max3A_722 = arith.maximumf %max3A_710, %get3A_721 : vector<16xf32>
      %get3A_723 = arith.constant 56 : i32
      %get3A_724 = arith.index_cast %get3A_723 : i32 to index
      %get3A_725 = arith.constant 16 : index
      %get3A_726 = tpu.vector_load %arg6[%get3A_724, %get3A_725] {strides = array<i32>} : memref<128x32xf32, #tpu.memory_space<vmem>>, vector<1x16xf32>,
      %get3A_727 = vector.shape_cast %get3A_726 : vector<1x16xf32> to vector<16xf32>
      %max3A_728 = arith.maximumf %max3A_716, %get3A_727 : vector<16xf32>
      %get3A_729 = arith.constant 57 : i32
      %get3A_730 = arith.index_cast %get3A_729 : i32 to index
      %get3A_731 = arith.constant 0 : index
      %get3A_732 = tpu.vector_load %arg6[%get3A_730, %get3A_731] {strides = array<i32>} : memref<128x32xf32, #tpu.memory_space<vmem>>, vector<1x16xf32>,
      %get3A_733 = vector.shape_cast %get3A_732 : vector<1x16xf32> to vector<16xf32>
      %max3A_734 = arith.maximumf %max3A_722, %get3A_733 : vector<16xf32>
      %get3A_735 = arith.constant 57 : i32
      %get3A_736 = arith.index_cast %get3A_735 : i32 to index
      %get3A_737 = arith.constant 16 : index
      %get3A_738 = tpu.vector_load %arg6[%get3A_736, %get3A_737] {strides = array<i32>} : memref<128x32xf32, #tpu.memory_space<vmem>>, vector<1x16xf32>,
      %get3A_739 = vector.shape_cast %get3A_738 : vector<1x16xf32> to vector<16xf32>
      %max3A_740 = arith.maximumf %max3A_728, %get3A_739 : vector<16xf32>
      %get3A_741 = arith.constant 58 : i32
      %get3A_742 = arith.index_cast %get3A_741 : i32 to index
      %get3A_743 = arith.constant 0 : index
      %get3A_744 = tpu.vector_load %arg6[%get3A_742, %get3A_743] {strides = array<i32>} : memref<128x32xf32, #tpu.memory_space<vmem>>, vector<1x16xf32>,
      %get3A_745 = vector.shape_cast %get3A_744 : vector<1x16xf32> to vector<16xf32>
      %max3A_746 = arith.maximumf %max3A_734, %get3A_745 : vector<16xf32>
      %get3A_747 = arith.constant 58 : i32
      %get3A_748 = arith.index_cast %get3A_747 : i32 to index
      %get3A_749 = arith.constant 16 : index
      %get3A_750 = tpu.vector_load %arg6[%get3A_748, %get3A_749] {strides = array<i32>} : memref<128x32xf32, #tpu.memory_space<vmem>>, vector<1x16xf32>,
      %get3A_751 = vector.shape_cast %get3A_750 : vector<1x16xf32> to vector<16xf32>
      %max3A_752 = arith.maximumf %max3A_740, %get3A_751 : vector<16xf32>
      %get3A_753 = arith.constant 59 : i32
      %get3A_754 = arith.index_cast %get3A_753 : i32 to index
      %get3A_755 = arith.constant 0 : index
      %get3A_756 = tpu.vector_load %arg6[%get3A_754, %get3A_755] {strides = array<i32>} : memref<128x32xf32, #tpu.memory_space<vmem>>, vector<1x16xf32>,
      %get3A_757 = vector.shape_cast %get3A_756 : vector<1x16xf32> to vector<16xf32>
      %max3A_758 = arith.maximumf %max3A_746, %get3A_757 : vector<16xf32>
      %get3A_759 = arith.constant 59 : i32
      %get3A_760 = arith.index_cast %get3A_759 : i32 to index
      %get3A_761 = arith.constant 16 : index
      %get3A_762 = tpu.vector_load %arg6[%get3A_760, %get3A_761] {strides = array<i32>} : memref<128x32xf32, #tpu.memory_space<vmem>>, vector<1x16xf32>,
      %get3A_763 = vector.shape_cast %get3A_762 : vector<1x16xf32> to vector<16xf32>
      %max3A_764 = arith.maximumf %max3A_752, %get3A_763 : vector<16xf32>
      %get3A_765 = arith.constant 60 : i32
      %get3A_766 = arith.index_cast %get3A_765 : i32 to index
      %get3A_767 = arith.constant 0 : index
      %get3A_768 = tpu.vector_load %arg6[%get3A_766, %get3A_767] {strides = array<i32>} : memref<128x32xf32, #tpu.memory_space<vmem>>, vector<1x16xf32>,
      %get3A_769 = vector.shape_cast %get3A_768 : vector<1x16xf32> to vector<16xf32>
      %max3A_770 = arith.maximumf %max3A_758, %get3A_769 : vector<16xf32>
      %get3A_771 = arith.constant 60 : i32
      %get3A_772 = arith.index_cast %get3A_771 : i32 to index
      %get3A_773 = arith.constant 16 : index
      %get3A_774 = tpu.vector_load %arg6[%get3A_772, %get3A_773] {strides = array<i32>} : memref<128x32xf32, #tpu.memory_space<vmem>>, vector<1x16xf32>,
      %get3A_775 = vector.shape_cast %get3A_774 : vector<1x16xf32> to vector<16xf32>
      %max3A_776 = arith.maximumf %max3A_764, %get3A_775 : vector<16xf32>
      %get3A_777 = arith.constant 61 : i32
      %get3A_778 = arith.index_cast %get3A_777 : i32 to index
      %get3A_779 = arith.constant 0 : index
      %get3A_780 = tpu.vector_load %arg6[%get3A_778, %get3A_779] {strides = array<i32>} : memref<128x32xf32, #tpu.memory_space<vmem>>, vector<1x16xf32>,
      %get3A_781 = vector.shape_cast %get3A_780 : vector<1x16xf32> to vector<16xf32>
      %max3A_782 = arith.maximumf %max3A_770, %get3A_781 : vector<16xf32>
      %get3A_783 = arith.constant 61 : i32
      %get3A_784 = arith.index_cast %get3A_783 : i32 to index
      %get3A_785 = arith.constant 16 : index
      %get3A_786 = tpu.vector_load %arg6[%get3A_784, %get3A_785] {strides = array<i32>} : memref<128x32xf32, #tpu.memory_space<vmem>>, vector<1x16xf32>,
      %get3A_787 = vector.shape_cast %get3A_786 : vector<1x16xf32> to vector<16xf32>
      %max3A_788 = arith.maximumf %max3A_776, %get3A_787 : vector<16xf32>
      %get3A_789 = arith.constant 62 : i32
      %get3A_790 = arith.index_cast %get3A_789 : i32 to index
      %get3A_791 = arith.constant 0 : index
      %get3A_792 = tpu.vector_load %arg6[%get3A_790, %get3A_791] {strides = array<i32>} : memref<128x32xf32, #tpu.memory_space<vmem>>, vector<1x16xf32>,
      %get3A_793 = vector.shape_cast %get3A_792 : vector<1x16xf32> to vector<16xf32>
      %max3A_794 = arith.maximumf %max3A_782, %get3A_793 : vector<16xf32>
      %get3A_795 = arith.constant 62 : i32
      %get3A_796 = arith.index_cast %get3A_795 : i32 to index
      %get3A_797 = arith.constant 16 : index
      %get3A_798 = tpu.vector_load %arg6[%get3A_796, %get3A_797] {strides = array<i32>} : memref<128x32xf32, #tpu.memory_space<vmem>>, vector<1x16xf32>,
      %get3A_799 = vector.shape_cast %get3A_798 : vector<1x16xf32> to vector<16xf32>
      %max3A_800 = arith.maximumf %max3A_788, %get3A_799 : vector<16xf32>
      %get3A_801 = arith.constant 63 : i32
      %get3A_802 = arith.index_cast %get3A_801 : i32 to index
      %get3A_803 = arith.constant 0 : index
      %get3A_804 = tpu.vector_load %arg6[%get3A_802, %get3A_803] {strides = array<i32>} : memref<128x32xf32, #tpu.memory_space<vmem>>, vector<1x16xf32>,
      %get3A_805 = vector.shape_cast %get3A_804 : vector<1x16xf32> to vector<16xf32>
      %max3A_806 = arith.maximumf %max3A_794, %get3A_805 : vector<16xf32>
      %get3A_807 = arith.constant 63 : i32
      %get3A_808 = arith.index_cast %get3A_807 : i32 to index
      %get3A_809 = arith.constant 16 : index
      %get3A_810 = tpu.vector_load %arg6[%get3A_808, %get3A_809] {strides = array<i32>} : memref<128x32xf32, #tpu.memory_space<vmem>>, vector<1x16xf32>,
      %get3A_811 = vector.shape_cast %get3A_810 : vector<1x16xf32> to vector<16xf32>
      %max3A_812 = arith.maximumf %max3A_800, %get3A_811 : vector<16xf32>
      %swap3A_813 = arith.constant 3 : i32
      %swap3A_814 = arith.index_cast %swap3A_813 : i32 to index
      %swap3A_815 = arith.constant 0 : index
      %swap3A_816 = tpu.vector_load %arg7[%swap3A_814, %swap3A_815] {strides = array<i32>} : memref<8x32xf32, #tpu.memory_space<vmem>>, vector<1x16xf32>,
      %swap3A_817 = vector.shape_cast %swap3A_816 : vector<1x16xf32> to vector<16xf32>
      %swap3A_818 = vector.shape_cast %max3A_806 : vector<16xf32> to vector<1x16xf32>
      tpu.vector_store %arg7[%swap3A_814, %swap3A_815], %swap3A_818 {strides = array<i32>} : memref<8x32xf32, #tpu.memory_space<vmem>>, vector<1x16xf32>,
      %swap3A_819 = arith.constant 3 : i32
      %swap3A_820 = arith.index_cast %swap3A_819 : i32 to index
      %swap3A_821 = arith.constant 16 : index
      %swap3A_822 = tpu.vector_load %arg7[%swap3A_820, %swap3A_821] {strides = array<i32>} : memref<8x32xf32, #tpu.memory_space<vmem>>, vector<1x16xf32>,
      %swap3A_823 = vector.shape_cast %swap3A_822 : vector<1x16xf32> to vector<16xf32>
      %swap3A_824 = vector.shape_cast %max3A_812 : vector<16xf32> to vector<1x16xf32>
      tpu.vector_store %arg7[%swap3A_820, %swap3A_821], %swap3A_824 {strides = array<i32>} : memref<8x32xf32, #tpu.memory_space<vmem>>, vector<1x16xf32>,
      %get3A_825 = arith.constant 64 : i32
      %get3A_826 = arith.index_cast %get3A_825 : i32 to index
      %get3A_827 = arith.constant 0 : index
      %get3A_828 = tpu.vector_load %arg6[%get3A_826, %get3A_827] {strides = array<i32>} : memref<128x32xf32, #tpu.memory_space<vmem>>, vector<1x16xf32>,
      %get3A_829 = vector.shape_cast %get3A_828 : vector<1x16xf32> to vector<16xf32>
      %get3A_830 = arith.constant 64 : i32
      %get3A_831 = arith.index_cast %get3A_830 : i32 to index
      %get3A_832 = arith.constant 16 : index
      %get3A_833 = tpu.vector_load %arg6[%get3A_831, %get3A_832] {strides = array<i32>} : memref<128x32xf32, #tpu.memory_space<vmem>>, vector<1x16xf32>,
      %get3A_834 = vector.shape_cast %get3A_833 : vector<1x16xf32> to vector<16xf32>
      %get3A_835 = arith.constant 65 : i32
      %get3A_836 = arith.index_cast %get3A_835 : i32 to index
      %get3A_837 = arith.constant 0 : index
      %get3A_838 = tpu.vector_load %arg6[%get3A_836, %get3A_837] {strides = array<i32>} : memref<128x32xf32, #tpu.memory_space<vmem>>, vector<1x16xf32>,
      %get3A_839 = vector.shape_cast %get3A_838 : vector<1x16xf32> to vector<16xf32>
      %max3A_840 = arith.maximumf %get3A_829, %get3A_839 : vector<16xf32>
      %get3A_841 = arith.constant 65 : i32
      %get3A_842 = arith.index_cast %get3A_841 : i32 to index
      %get3A_843 = arith.constant 16 : index
      %get3A_844 = tpu.vector_load %arg6[%get3A_842, %get3A_843] {strides = array<i32>} : memref<128x32xf32, #tpu.memory_space<vmem>>, vector<1x16xf32>,
      %get3A_845 = vector.shape_cast %get3A_844 : vector<1x16xf32> to vector<16xf32>
      %max3A_846 = arith.maximumf %get3A_834, %get3A_845 : vector<16xf32>
      %get3A_847 = arith.constant 66 : i32
      %get3A_848 = arith.index_cast %get3A_847 : i32 to index
      %get3A_849 = arith.constant 0 : index
      %get3A_850 = tpu.vector_load %arg6[%get3A_848, %get3A_849] {strides = array<i32>} : memref<128x32xf32, #tpu.memory_space<vmem>>, vector<1x16xf32>,
      %get3A_851 = vector.shape_cast %get3A_850 : vector<1x16xf32> to vector<16xf32>
      %max3A_852 = arith.maximumf %max3A_840, %get3A_851 : vector<16xf32>
      %get3A_853 = arith.constant 66 : i32
      %get3A_854 = arith.index_cast %get3A_853 : i32 to index
      %get3A_855 = arith.constant 16 : index
      %get3A_856 = tpu.vector_load %arg6[%get3A_854, %get3A_855] {strides = array<i32>} : memref<128x32xf32, #tpu.memory_space<vmem>>, vector<1x16xf32>,
      %get3A_857 = vector.shape_cast %get3A_856 : vector<1x16xf32> to vector<16xf32>
      %max3A_858 = arith.maximumf %max3A_846, %get3A_857 : vector<16xf32>
      %get3A_859 = arith.constant 67 : i32
      %get3A_860 = arith.index_cast %get3A_859 : i32 to index
      %get3A_861 = arith.constant 0 : index
      %get3A_862 = tpu.vector_load %arg6[%get3A_860, %get3A_861] {strides = array<i32>} : memref<128x32xf32, #tpu.memory_space<vmem>>, vector<1x16xf32>,
      %get3A_863 = vector.shape_cast %get3A_862 : vector<1x16xf32> to vector<16xf32>
      %max3A_864 = arith.maximumf %max3A_852, %get3A_863 : vector<16xf32>
      %get3A_865 = arith.constant 67 : i32
      %get3A_866 = arith.index_cast %get3A_865 : i32 to index
      %get3A_867 = arith.constant 16 : index
      %get3A_868 = tpu.vector_load %arg6[%get3A_866, %get3A_867] {strides = array<i32>} : memref<128x32xf32, #tpu.memory_space<vmem>>, vector<1x16xf32>,
      %get3A_869 = vector.shape_cast %get3A_868 : vector<1x16xf32> to vector<16xf32>
      %max3A_870 = arith.maximumf %max3A_858, %get3A_869 : vector<16xf32>
      %get3A_871 = arith.constant 68 : i32
      %get3A_872 = arith.index_cast %get3A_871 : i32 to index
      %get3A_873 = arith.constant 0 : index
      %get3A_874 = tpu.vector_load %arg6[%get3A_872, %get3A_873] {strides = array<i32>} : memref<128x32xf32, #tpu.memory_space<vmem>>, vector<1x16xf32>,
      %get3A_875 = vector.shape_cast %get3A_874 : vector<1x16xf32> to vector<16xf32>
      %max3A_876 = arith.maximumf %max3A_864, %get3A_875 : vector<16xf32>
      %get3A_877 = arith.constant 68 : i32
      %get3A_878 = arith.index_cast %get3A_877 : i32 to index
      %get3A_879 = arith.constant 16 : index
      %get3A_880 = tpu.vector_load %arg6[%get3A_878, %get3A_879] {strides = array<i32>} : memref<128x32xf32, #tpu.memory_space<vmem>>, vector<1x16xf32>,
      %get3A_881 = vector.shape_cast %get3A_880 : vector<1x16xf32> to vector<16xf32>
      %max3A_882 = arith.maximumf %max3A_870, %get3A_881 : vector<16xf32>
      %get3A_883 = arith.constant 69 : i32
      %get3A_884 = arith.index_cast %get3A_883 : i32 to index
      %get3A_885 = arith.constant 0 : index
      %get3A_886 = tpu.vector_load %arg6[%get3A_884, %get3A_885] {strides = array<i32>} : memref<128x32xf32, #tpu.memory_space<vmem>>, vector<1x16xf32>,
      %get3A_887 = vector.shape_cast %get3A_886 : vector<1x16xf32> to vector<16xf32>
      %max3A_888 = arith.maximumf %max3A_876, %get3A_887 : vector<16xf32>
      %get3A_889 = arith.constant 69 : i32
      %get3A_890 = arith.index_cast %get3A_889 : i32 to index
      %get3A_891 = arith.constant 16 : index
      %get3A_892 = tpu.vector_load %arg6[%get3A_890, %get3A_891] {strides = array<i32>} : memref<128x32xf32, #tpu.memory_space<vmem>>, vector<1x16xf32>,
      %get3A_893 = vector.shape_cast %get3A_892 : vector<1x16xf32> to vector<16xf32>
      %max3A_894 = arith.maximumf %max3A_882, %get3A_893 : vector<16xf32>
      %get3A_895 = arith.constant 70 : i32
      %get3A_896 = arith.index_cast %get3A_895 : i32 to index
      %get3A_897 = arith.constant 0 : index
      %get3A_898 = tpu.vector_load %arg6[%get3A_896, %get3A_897] {strides = array<i32>} : memref<128x32xf32, #tpu.memory_space<vmem>>, vector<1x16xf32>,
      %get3A_899 = vector.shape_cast %get3A_898 : vector<1x16xf32> to vector<16xf32>
      %max3A_900 = arith.maximumf %max3A_888, %get3A_899 : vector<16xf32>
      %get3A_901 = arith.constant 70 : i32
      %get3A_902 = arith.index_cast %get3A_901 : i32 to index
      %get3A_903 = arith.constant 16 : index
      %get3A_904 = tpu.vector_load %arg6[%get3A_902, %get3A_903] {strides = array<i32>} : memref<128x32xf32, #tpu.memory_space<vmem>>, vector<1x16xf32>,
      %get3A_905 = vector.shape_cast %get3A_904 : vector<1x16xf32> to vector<16xf32>
      %max3A_906 = arith.maximumf %max3A_894, %get3A_905 : vector<16xf32>
      %get3A_907 = arith.constant 71 : i32
      %get3A_908 = arith.index_cast %get3A_907 : i32 to index
      %get3A_909 = arith.constant 0 : index
      %get3A_910 = tpu.vector_load %arg6[%get3A_908, %get3A_909] {strides = array<i32>} : memref<128x32xf32, #tpu.memory_space<vmem>>, vector<1x16xf32>,
      %get3A_911 = vector.shape_cast %get3A_910 : vector<1x16xf32> to vector<16xf32>
      %max3A_912 = arith.maximumf %max3A_900, %get3A_911 : vector<16xf32>
      %get3A_913 = arith.constant 71 : i32
      %get3A_914 = arith.index_cast %get3A_913 : i32 to index
      %get3A_915 = arith.constant 16 : index
      %get3A_916 = tpu.vector_load %arg6[%get3A_914, %get3A_915] {strides = array<i32>} : memref<128x32xf32, #tpu.memory_space<vmem>>, vector<1x16xf32>,
      %get3A_917 = vector.shape_cast %get3A_916 : vector<1x16xf32> to vector<16xf32>
      %max3A_918 = arith.maximumf %max3A_906, %get3A_917 : vector<16xf32>
      %get3A_919 = arith.constant 72 : i32
      %get3A_920 = arith.index_cast %get3A_919 : i32 to index
      %get3A_921 = arith.constant 0 : index
      %get3A_922 = tpu.vector_load %arg6[%get3A_920, %get3A_921] {strides = array<i32>} : memref<128x32xf32, #tpu.memory_space<vmem>>, vector<1x16xf32>,
      %get3A_923 = vector.shape_cast %get3A_922 : vector<1x16xf32> to vector<16xf32>
      %max3A_924 = arith.maximumf %max3A_912, %get3A_923 : vector<16xf32>
      %get3A_925 = arith.constant 72 : i32
      %get3A_926 = arith.index_cast %get3A_925 : i32 to index
      %get3A_927 = arith.constant 16 : index
      %get3A_928 = tpu.vector_load %arg6[%get3A_926, %get3A_927] {strides = array<i32>} : memref<128x32xf32, #tpu.memory_space<vmem>>, vector<1x16xf32>,
      %get3A_929 = vector.shape_cast %get3A_928 : vector<1x16xf32> to vector<16xf32>
      %max3A_930 = arith.maximumf %max3A_918, %get3A_929 : vector<16xf32>
      %get3A_931 = arith.constant 73 : i32
      %get3A_932 = arith.index_cast %get3A_931 : i32 to index
      %get3A_933 = arith.constant 0 : index
      %get3A_934 = tpu.vector_load %arg6[%get3A_932, %get3A_933] {strides = array<i32>} : memref<128x32xf32, #tpu.memory_space<vmem>>, vector<1x16xf32>,
      %get3A_935 = vector.shape_cast %get3A_934 : vector<1x16xf32> to vector<16xf32>
      %max3A_936 = arith.maximumf %max3A_924, %get3A_935 : vector<16xf32>
      %get3A_937 = arith.constant 73 : i32
      %get3A_938 = arith.index_cast %get3A_937 : i32 to index
      %get3A_939 = arith.constant 16 : index
      %get3A_940 = tpu.vector_load %arg6[%get3A_938, %get3A_939] {strides = array<i32>} : memref<128x32xf32, #tpu.memory_space<vmem>>, vector<1x16xf32>,
      %get3A_941 = vector.shape_cast %get3A_940 : vector<1x16xf32> to vector<16xf32>
      %max3A_942 = arith.maximumf %max3A_930, %get3A_941 : vector<16xf32>
      %get3A_943 = arith.constant 74 : i32
      %get3A_944 = arith.index_cast %get3A_943 : i32 to index
      %get3A_945 = arith.constant 0 : index
      %get3A_946 = tpu.vector_load %arg6[%get3A_944, %get3A_945] {strides = array<i32>} : memref<128x32xf32, #tpu.memory_space<vmem>>, vector<1x16xf32>,
      %get3A_947 = vector.shape_cast %get3A_946 : vector<1x16xf32> to vector<16xf32>
      %max3A_948 = arith.maximumf %max3A_936, %get3A_947 : vector<16xf32>
      %get3A_949 = arith.constant 74 : i32
      %get3A_950 = arith.index_cast %get3A_949 : i32 to index
      %get3A_951 = arith.constant 16 : index
      %get3A_952 = tpu.vector_load %arg6[%get3A_950, %get3A_951] {strides = array<i32>} : memref<128x32xf32, #tpu.memory_space<vmem>>, vector<1x16xf32>,
      %get3A_953 = vector.shape_cast %get3A_952 : vector<1x16xf32> to vector<16xf32>
      %max3A_954 = arith.maximumf %max3A_942, %get3A_953 : vector<16xf32>
      %get3A_955 = arith.constant 75 : i32
      %get3A_956 = arith.index_cast %get3A_955 : i32 to index
      %get3A_957 = arith.constant 0 : index
      %get3A_958 = tpu.vector_load %arg6[%get3A_956, %get3A_957] {strides = array<i32>} : memref<128x32xf32, #tpu.memory_space<vmem>>, vector<1x16xf32>,
      %get3A_959 = vector.shape_cast %get3A_958 : vector<1x16xf32> to vector<16xf32>
      %max3A_960 = arith.maximumf %max3A_948, %get3A_959 : vector<16xf32>
      %get3A_961 = arith.constant 75 : i32
      %get3A_962 = arith.index_cast %get3A_961 : i32 to index
      %get3A_963 = arith.constant 16 : index
      %get3A_964 = tpu.vector_load %arg6[%get3A_962, %get3A_963] {strides = array<i32>} : memref<128x32xf32, #tpu.memory_space<vmem>>, vector<1x16xf32>,
      %get3A_965 = vector.shape_cast %get3A_964 : vector<1x16xf32> to vector<16xf32>
      %max3A_966 = arith.maximumf %max3A_954, %get3A_965 : vector<16xf32>
      %get3A_967 = arith.constant 76 : i32
      %get3A_968 = arith.index_cast %get3A_967 : i32 to index
      %get3A_969 = arith.constant 0 : index
      %get3A_970 = tpu.vector_load %arg6[%get3A_968, %get3A_969] {strides = array<i32>} : memref<128x32xf32, #tpu.memory_space<vmem>>, vector<1x16xf32>,
      %get3A_971 = vector.shape_cast %get3A_970 : vector<1x16xf32> to vector<16xf32>
      %max3A_972 = arith.maximumf %max3A_960, %get3A_971 : vector<16xf32>
      %get3A_973 = arith.constant 76 : i32
      %get3A_974 = arith.index_cast %get3A_973 : i32 to index
      %get3A_975 = arith.constant 16 : index
      %get3A_976 = tpu.vector_load %arg6[%get3A_974, %get3A_975] {strides = array<i32>} : memref<128x32xf32, #tpu.memory_space<vmem>>, vector<1x16xf32>,
      %get3A_977 = vector.shape_cast %get3A_976 : vector<1x16xf32> to vector<16xf32>
      %max3A_978 = arith.maximumf %max3A_966, %get3A_977 : vector<16xf32>
      %get3A_979 = arith.constant 77 : i32
      %get3A_980 = arith.index_cast %get3A_979 : i32 to index
      %get3A_981 = arith.constant 0 : index
      %get3A_982 = tpu.vector_load %arg6[%get3A_980, %get3A_981] {strides = array<i32>} : memref<128x32xf32, #tpu.memory_space<vmem>>, vector<1x16xf32>,
      %get3A_983 = vector.shape_cast %get3A_982 : vector<1x16xf32> to vector<16xf32>
      %max3A_984 = arith.maximumf %max3A_972, %get3A_983 : vector<16xf32>
      %get3A_985 = arith.constant 77 : i32
      %get3A_986 = arith.index_cast %get3A_985 : i32 to index
      %get3A_987 = arith.constant 16 : index
      %get3A_988 = tpu.vector_load %arg6[%get3A_986, %get3A_987] {strides = array<i32>} : memref<128x32xf32, #tpu.memory_space<vmem>>, vector<1x16xf32>,
      %get3A_989 = vector.shape_cast %get3A_988 : vector<1x16xf32> to vector<16xf32>
      %max3A_990 = arith.maximumf %max3A_978, %get3A_989 : vector<16xf32>
      %get3A_991 = arith.constant 78 : i32
      %get3A_992 = arith.index_cast %get3A_991 : i32 to index
      %get3A_993 = arith.constant 0 : index
      %get3A_994 = tpu.vector_load %arg6[%get3A_992, %get3A_993] {strides = array<i32>} : memref<128x32xf32, #tpu.memory_space<vmem>>, vector<1x16xf32>,
      %get3A_995 = vector.shape_cast %get3A_994 : vector<1x16xf32> to vector<16xf32>
      %max3A_996 = arith.maximumf %max3A_984, %get3A_995 : vector<16xf32>
      %get3A_997 = arith.constant 78 : i32
      %get3A_998 = arith.index_cast %get3A_997 : i32 to index
      %get3A_999 = arith.constant 16 : index
      %get3A_1000 = tpu.vector_load %arg6[%get3A_998, %get3A_999] {strides = array<i32>} : memref<128x32xf32, #tpu.memory_space<vmem>>, vector<1x16xf32>,
      %get3A_1001 = vector.shape_cast %get3A_1000 : vector<1x16xf32> to vector<16xf32>
      %max3A_1002 = arith.maximumf %max3A_990, %get3A_1001 : vector<16xf32>
      %get3A_1003 = arith.constant 79 : i32
      %get3A_1004 = arith.index_cast %get3A_1003 : i32 to index
      %get3A_1005 = arith.constant 0 : index
      %get3A_1006 = tpu.vector_load %arg6[%get3A_1004, %get3A_1005] {strides = array<i32>} : memref<128x32xf32, #tpu.memory_space<vmem>>, vector<1x16xf32>,
      %get3A_1007 = vector.shape_cast %get3A_1006 : vector<1x16xf32> to vector<16xf32>
      %max3A_1008 = arith.maximumf %max3A_996, %get3A_1007 : vector<16xf32>
      %get3A_1009 = arith.constant 79 : i32
      %get3A_1010 = arith.index_cast %get3A_1009 : i32 to index
      %get3A_1011 = arith.constant 16 : index
      %get3A_1012 = tpu.vector_load %arg6[%get3A_1010, %get3A_1011] {strides = array<i32>} : memref<128x32xf32, #tpu.memory_space<vmem>>, vector<1x16xf32>,
      %get3A_1013 = vector.shape_cast %get3A_1012 : vector<1x16xf32> to vector<16xf32>
      %max3A_1014 = arith.maximumf %max3A_1002, %get3A_1013 : vector<16xf32>
      %swap3A_1015 = arith.constant 4 : i32
      %swap3A_1016 = arith.index_cast %swap3A_1015 : i32 to index
      %swap3A_1017 = arith.constant 0 : index
      %swap3A_1018 = tpu.vector_load %arg7[%swap3A_1016, %swap3A_1017] {strides = array<i32>} : memref<8x32xf32, #tpu.memory_space<vmem>>, vector<1x16xf32>,
      %swap3A_1019 = vector.shape_cast %swap3A_1018 : vector<1x16xf32> to vector<16xf32>
      %swap3A_1020 = vector.shape_cast %max3A_1008 : vector<16xf32> to vector<1x16xf32>
      tpu.vector_store %arg7[%swap3A_1016, %swap3A_1017], %swap3A_1020 {strides = array<i32>} : memref<8x32xf32, #tpu.memory_space<vmem>>, vector<1x16xf32>,
      %swap3A_1021 = arith.constant 4 : i32
      %swap3A_1022 = arith.index_cast %swap3A_1021 : i32 to index
      %swap3A_1023 = arith.constant 16 : index
      %swap3A_1024 = tpu.vector_load %arg7[%swap3A_1022, %swap3A_1023] {strides = array<i32>} : memref<8x32xf32, #tpu.memory_space<vmem>>, vector<1x16xf32>,
      %swap3A_1025 = vector.shape_cast %swap3A_1024 : vector<1x16xf32> to vector<16xf32>
      %swap3A_1026 = vector.shape_cast %max3A_1014 : vector<16xf32> to vector<1x16xf32>
      tpu.vector_store %arg7[%swap3A_1022, %swap3A_1023], %swap3A_1026 {strides = array<i32>} : memref<8x32xf32, #tpu.memory_space<vmem>>, vector<1x16xf32>,
      %get3A_1027 = arith.constant 80 : i32
      %get3A_1028 = arith.index_cast %get3A_1027 : i32 to index
      %get3A_1029 = arith.constant 0 : index
      %get3A_1030 = tpu.vector_load %arg6[%get3A_1028, %get3A_1029] {strides = array<i32>} : memref<128x32xf32, #tpu.memory_space<vmem>>, vector<1x16xf32>,
      %get3A_1031 = vector.shape_cast %get3A_1030 : vector<1x16xf32> to vector<16xf32>
      %get3A_1032 = arith.constant 80 : i32
      %get3A_1033 = arith.index_cast %get3A_1032 : i32 to index
      %get3A_1034 = arith.constant 16 : index
      %get3A_1035 = tpu.vector_load %arg6[%get3A_1033, %get3A_1034] {strides = array<i32>} : memref<128x32xf32, #tpu.memory_space<vmem>>, vector<1x16xf32>,
      %get3A_1036 = vector.shape_cast %get3A_1035 : vector<1x16xf32> to vector<16xf32>
      %get3A_1037 = arith.constant 81 : i32
      %get3A_1038 = arith.index_cast %get3A_1037 : i32 to index
      %get3A_1039 = arith.constant 0 : index
      %get3A_1040 = tpu.vector_load %arg6[%get3A_1038, %get3A_1039] {strides = array<i32>} : memref<128x32xf32, #tpu.memory_space<vmem>>, vector<1x16xf32>,
      %get3A_1041 = vector.shape_cast %get3A_1040 : vector<1x16xf32> to vector<16xf32>
      %max3A_1042 = arith.maximumf %get3A_1031, %get3A_1041 : vector<16xf32>
      %get3A_1043 = arith.constant 81 : i32
      %get3A_1044 = arith.index_cast %get3A_1043 : i32 to index
      %get3A_1045 = arith.constant 16 : index
      %get3A_1046 = tpu.vector_load %arg6[%get3A_1044, %get3A_1045] {strides = array<i32>} : memref<128x32xf32, #tpu.memory_space<vmem>>, vector<1x16xf32>,
      %get3A_1047 = vector.shape_cast %get3A_1046 : vector<1x16xf32> to vector<16xf32>
      %max3A_1048 = arith.maximumf %get3A_1036, %get3A_1047 : vector<16xf32>
      %get3A_1049 = arith.constant 82 : i32
      %get3A_1050 = arith.index_cast %get3A_1049 : i32 to index
      %get3A_1051 = arith.constant 0 : index
      %get3A_1052 = tpu.vector_load %arg6[%get3A_1050, %get3A_1051] {strides = array<i32>} : memref<128x32xf32, #tpu.memory_space<vmem>>, vector<1x16xf32>,
      %get3A_1053 = vector.shape_cast %get3A_1052 : vector<1x16xf32> to vector<16xf32>
      %max3A_1054 = arith.maximumf %max3A_1042, %get3A_1053 : vector<16xf32>
      %get3A_1055 = arith.constant 82 : i32
      %get3A_1056 = arith.index_cast %get3A_1055 : i32 to index
      %get3A_1057 = arith.constant 16 : index
      %get3A_1058 = tpu.vector_load %arg6[%get3A_1056, %get3A_1057] {strides = array<i32>} : memref<128x32xf32, #tpu.memory_space<vmem>>, vector<1x16xf32>,
      %get3A_1059 = vector.shape_cast %get3A_1058 : vector<1x16xf32> to vector<16xf32>
      %max3A_1060 = arith.maximumf %max3A_1048, %get3A_1059 : vector<16xf32>
      %get3A_1061 = arith.constant 83 : i32
      %get3A_1062 = arith.index_cast %get3A_1061 : i32 to index
      %get3A_1063 = arith.constant 0 : index
      %get3A_1064 = tpu.vector_load %arg6[%get3A_1062, %get3A_1063] {strides = array<i32>} : memref<128x32xf32, #tpu.memory_space<vmem>>, vector<1x16xf32>,
      %get3A_1065 = vector.shape_cast %get3A_1064 : vector<1x16xf32> to vector<16xf32>
      %max3A_1066 = arith.maximumf %max3A_1054, %get3A_1065 : vector<16xf32>
      %get3A_1067 = arith.constant 83 : i32
      %get3A_1068 = arith.index_cast %get3A_1067 : i32 to index
      %get3A_1069 = arith.constant 16 : index
      %get3A_1070 = tpu.vector_load %arg6[%get3A_1068, %get3A_1069] {strides = array<i32>} : memref<128x32xf32, #tpu.memory_space<vmem>>, vector<1x16xf32>,
      %get3A_1071 = vector.shape_cast %get3A_1070 : vector<1x16xf32> to vector<16xf32>
      %max3A_1072 = arith.maximumf %max3A_1060, %get3A_1071 : vector<16xf32>
      %get3A_1073 = arith.constant 84 : i32
      %get3A_1074 = arith.index_cast %get3A_1073 : i32 to index
      %get3A_1075 = arith.constant 0 : index
      %get3A_1076 = tpu.vector_load %arg6[%get3A_1074, %get3A_1075] {strides = array<i32>} : memref<128x32xf32, #tpu.memory_space<vmem>>, vector<1x16xf32>,
      %get3A_1077 = vector.shape_cast %get3A_1076 : vector<1x16xf32> to vector<16xf32>
      %max3A_1078 = arith.maximumf %max3A_1066, %get3A_1077 : vector<16xf32>
      %get3A_1079 = arith.constant 84 : i32
      %get3A_1080 = arith.index_cast %get3A_1079 : i32 to index
      %get3A_1081 = arith.constant 16 : index
      %get3A_1082 = tpu.vector_load %arg6[%get3A_1080, %get3A_1081] {strides = array<i32>} : memref<128x32xf32, #tpu.memory_space<vmem>>, vector<1x16xf32>,
      %get3A_1083 = vector.shape_cast %get3A_1082 : vector<1x16xf32> to vector<16xf32>
      %max3A_1084 = arith.maximumf %max3A_1072, %get3A_1083 : vector<16xf32>
      %get3A_1085 = arith.constant 85 : i32
      %get3A_1086 = arith.index_cast %get3A_1085 : i32 to index
      %get3A_1087 = arith.constant 0 : index
      %get3A_1088 = tpu.vector_load %arg6[%get3A_1086, %get3A_1087] {strides = array<i32>} : memref<128x32xf32, #tpu.memory_space<vmem>>, vector<1x16xf32>,
      %get3A_1089 = vector.shape_cast %get3A_1088 : vector<1x16xf32> to vector<16xf32>
      %max3A_1090 = arith.maximumf %max3A_1078, %get3A_1089 : vector<16xf32>
      %get3A_1091 = arith.constant 85 : i32
      %get3A_1092 = arith.index_cast %get3A_1091 : i32 to index
      %get3A_1093 = arith.constant 16 : index
      %get3A_1094 = tpu.vector_load %arg6[%get3A_1092, %get3A_1093] {strides = array<i32>} : memref<128x32xf32, #tpu.memory_space<vmem>>, vector<1x16xf32>,
      %get3A_1095 = vector.shape_cast %get3A_1094 : vector<1x16xf32> to vector<16xf32>
      %max3A_1096 = arith.maximumf %max3A_1084, %get3A_1095 : vector<16xf32>
      %get3A_1097 = arith.constant 86 : i32
      %get3A_1098 = arith.index_cast %get3A_1097 : i32 to index
      %get3A_1099 = arith.constant 0 : index
      %get3A_1100 = tpu.vector_load %arg6[%get3A_1098, %get3A_1099] {strides = array<i32>} : memref<128x32xf32, #tpu.memory_space<vmem>>, vector<1x16xf32>,
      %get3A_1101 = vector.shape_cast %get3A_1100 : vector<1x16xf32> to vector<16xf32>
      %max3A_1102 = arith.maximumf %max3A_1090, %get3A_1101 : vector<16xf32>
      %get3A_1103 = arith.constant 86 : i32
      %get3A_1104 = arith.index_cast %get3A_1103 : i32 to index
      %get3A_1105 = arith.constant 16 : index
      %get3A_1106 = tpu.vector_load %arg6[%get3A_1104, %get3A_1105] {strides = array<i32>} : memref<128x32xf32, #tpu.memory_space<vmem>>, vector<1x16xf32>,
      %get3A_1107 = vector.shape_cast %get3A_1106 : vector<1x16xf32> to vector<16xf32>
      %max3A_1108 = arith.maximumf %max3A_1096, %get3A_1107 : vector<16xf32>
      %get3A_1109 = arith.constant 87 : i32
      %get3A_1110 = arith.index_cast %get3A_1109 : i32 to index
      %get3A_1111 = arith.constant 0 : index
      %get3A_1112 = tpu.vector_load %arg6[%get3A_1110, %get3A_1111] {strides = array<i32>} : memref<128x32xf32, #tpu.memory_space<vmem>>, vector<1x16xf32>,
      %get3A_1113 = vector.shape_cast %get3A_1112 : vector<1x16xf32> to vector<16xf32>
      %max3A_1114 = arith.maximumf %max3A_1102, %get3A_1113 : vector<16xf32>
      %get3A_1115 = arith.constant 87 : i32
      %get3A_1116 = arith.index_cast %get3A_1115 : i32 to index
      %get3A_1117 = arith.constant 16 : index
      %get3A_1118 = tpu.vector_load %arg6[%get3A_1116, %get3A_1117] {strides = array<i32>} : memref<128x32xf32, #tpu.memory_space<vmem>>, vector<1x16xf32>,
      %get3A_1119 = vector.shape_cast %get3A_1118 : vector<1x16xf32> to vector<16xf32>
      %max3A_1120 = arith.maximumf %max3A_1108, %get3A_1119 : vector<16xf32>
      %get3A_1121 = arith.constant 88 : i32
      %get3A_1122 = arith.index_cast %get3A_1121 : i32 to index
      %get3A_1123 = arith.constant 0 : index
      %get3A_1124 = tpu.vector_load %arg6[%get3A_1122, %get3A_1123] {strides = array<i32>} : memref<128x32xf32, #tpu.memory_space<vmem>>, vector<1x16xf32>,
      %get3A_1125 = vector.shape_cast %get3A_1124 : vector<1x16xf32> to vector<16xf32>
      %max3A_1126 = arith.maximumf %max3A_1114, %get3A_1125 : vector<16xf32>
      %get3A_1127 = arith.constant 88 : i32
      %get3A_1128 = arith.index_cast %get3A_1127 : i32 to index
      %get3A_1129 = arith.constant 16 : index
      %get3A_1130 = tpu.vector_load %arg6[%get3A_1128, %get3A_1129] {strides = array<i32>} : memref<128x32xf32, #tpu.memory_space<vmem>>, vector<1x16xf32>,
      %get3A_1131 = vector.shape_cast %get3A_1130 : vector<1x16xf32> to vector<16xf32>
      %max3A_1132 = arith.maximumf %max3A_1120, %get3A_1131 : vector<16xf32>
      %get3A_1133 = arith.constant 89 : i32
      %get3A_1134 = arith.index_cast %get3A_1133 : i32 to index
      %get3A_1135 = arith.constant 0 : index
      %get3A_1136 = tpu.vector_load %arg6[%get3A_1134, %get3A_1135] {strides = array<i32>} : memref<128x32xf32, #tpu.memory_space<vmem>>, vector<1x16xf32>,
      %get3A_1137 = vector.shape_cast %get3A_1136 : vector<1x16xf32> to vector<16xf32>
      %max3A_1138 = arith.maximumf %max3A_1126, %get3A_1137 : vector<16xf32>
      %get3A_1139 = arith.constant 89 : i32
      %get3A_1140 = arith.index_cast %get3A_1139 : i32 to index
      %get3A_1141 = arith.constant 16 : index
      %get3A_1142 = tpu.vector_load %arg6[%get3A_1140, %get3A_1141] {strides = array<i32>} : memref<128x32xf32, #tpu.memory_space<vmem>>, vector<1x16xf32>,
      %get3A_1143 = vector.shape_cast %get3A_1142 : vector<1x16xf32> to vector<16xf32>
      %max3A_1144 = arith.maximumf %max3A_1132, %get3A_1143 : vector<16xf32>
      %get3A_1145 = arith.constant 90 : i32
      %get3A_1146 = arith.index_cast %get3A_1145 : i32 to index
      %get3A_1147 = arith.constant 0 : index
      %get3A_1148 = tpu.vector_load %arg6[%get3A_1146, %get3A_1147] {strides = array<i32>} : memref<128x32xf32, #tpu.memory_space<vmem>>, vector<1x16xf32>,
      %get3A_1149 = vector.shape_cast %get3A_1148 : vector<1x16xf32> to vector<16xf32>
      %max3A_1150 = arith.maximumf %max3A_1138, %get3A_1149 : vector<16xf32>
      %get3A_1151 = arith.constant 90 : i32
      %get3A_1152 = arith.index_cast %get3A_1151 : i32 to index
      %get3A_1153 = arith.constant 16 : index
      %get3A_1154 = tpu.vector_load %arg6[%get3A_1152, %get3A_1153] {strides = array<i32>} : memref<128x32xf32, #tpu.memory_space<vmem>>, vector<1x16xf32>,
      %get3A_1155 = vector.shape_cast %get3A_1154 : vector<1x16xf32> to vector<16xf32>
      %max3A_1156 = arith.maximumf %max3A_1144, %get3A_1155 : vector<16xf32>
      %get3A_1157 = arith.constant 91 : i32
      %get3A_1158 = arith.index_cast %get3A_1157 : i32 to index
      %get3A_1159 = arith.constant 0 : index
      %get3A_1160 = tpu.vector_load %arg6[%get3A_1158, %get3A_1159] {strides = array<i32>} : memref<128x32xf32, #tpu.memory_space<vmem>>, vector<1x16xf32>,
      %get3A_1161 = vector.shape_cast %get3A_1160 : vector<1x16xf32> to vector<16xf32>
      %max3A_1162 = arith.maximumf %max3A_1150, %get3A_1161 : vector<16xf32>
      %get3A_1163 = arith.constant 91 : i32
      %get3A_1164 = arith.index_cast %get3A_1163 : i32 to index
      %get3A_1165 = arith.constant 16 : index
      %get3A_1166 = tpu.vector_load %arg6[%get3A_1164, %get3A_1165] {strides = array<i32>} : memref<128x32xf32, #tpu.memory_space<vmem>>, vector<1x16xf32>,
      %get3A_1167 = vector.shape_cast %get3A_1166 : vector<1x16xf32> to vector<16xf32>
      %max3A_1168 = arith.maximumf %max3A_1156, %get3A_1167 : vector<16xf32>
      %get3A_1169 = arith.constant 92 : i32
      %get3A_1170 = arith.index_cast %get3A_1169 : i32 to index
      %get3A_1171 = arith.constant 0 : index
      %get3A_1172 = tpu.vector_load %arg6[%get3A_1170, %get3A_1171] {strides = array<i32>} : memref<128x32xf32, #tpu.memory_space<vmem>>, vector<1x16xf32>,
      %get3A_1173 = vector.shape_cast %get3A_1172 : vector<1x16xf32> to vector<16xf32>
      %max3A_1174 = arith.maximumf %max3A_1162, %get3A_1173 : vector<16xf32>
      %get3A_1175 = arith.constant 92 : i32
      %get3A_1176 = arith.index_cast %get3A_1175 : i32 to index
      %get3A_1177 = arith.constant 16 : index
      %get3A_1178 = tpu.vector_load %arg6[%get3A_1176, %get3A_1177] {strides = array<i32>} : memref<128x32xf32, #tpu.memory_space<vmem>>, vector<1x16xf32>,
      %get3A_1179 = vector.shape_cast %get3A_1178 : vector<1x16xf32> to vector<16xf32>
      %max3A_1180 = arith.maximumf %max3A_1168, %get3A_1179 : vector<16xf32>
      %get3A_1181 = arith.constant 93 : i32
      %get3A_1182 = arith.index_cast %get3A_1181 : i32 to index
      %get3A_1183 = arith.constant 0 : index
      %get3A_1184 = tpu.vector_load %arg6[%get3A_1182, %get3A_1183] {strides = array<i32>} : memref<128x32xf32, #tpu.memory_space<vmem>>, vector<1x16xf32>,
      %get3A_1185 = vector.shape_cast %get3A_1184 : vector<1x16xf32> to vector<16xf32>
      %max3A_1186 = arith.maximumf %max3A_1174, %get3A_1185 : vector<16xf32>
      %get3A_1187 = arith.constant 93 : i32
      %get3A_1188 = arith.index_cast %get3A_1187 : i32 to index
      %get3A_1189 = arith.constant 16 : index
      %get3A_1190 = tpu.vector_load %arg6[%get3A_1188, %get3A_1189] {strides = array<i32>} : memref<128x32xf32, #tpu.memory_space<vmem>>, vector<1x16xf32>,
      %get3A_1191 = vector.shape_cast %get3A_1190 : vector<1x16xf32> to vector<16xf32>
      %max3A_1192 = arith.maximumf %max3A_1180, %get3A_1191 : vector<16xf32>
      %get3A_1193 = arith.constant 94 : i32
      %get3A_1194 = arith.index_cast %get3A_1193 : i32 to index
      %get3A_1195 = arith.constant 0 : index
      %get3A_1196 = tpu.vector_load %arg6[%get3A_1194, %get3A_1195] {strides = array<i32>} : memref<128x32xf32, #tpu.memory_space<vmem>>, vector<1x16xf32>,
      %get3A_1197 = vector.shape_cast %get3A_1196 : vector<1x16xf32> to vector<16xf32>
      %max3A_1198 = arith.maximumf %max3A_1186, %get3A_1197 : vector<16xf32>
      %get3A_1199 = arith.constant 94 : i32
      %get3A_1200 = arith.index_cast %get3A_1199 : i32 to index
      %get3A_1201 = arith.constant 16 : index
      %get3A_1202 = tpu.vector_load %arg6[%get3A_1200, %get3A_1201] {strides = array<i32>} : memref<128x32xf32, #tpu.memory_space<vmem>>, vector<1x16xf32>,
      %get3A_1203 = vector.shape_cast %get3A_1202 : vector<1x16xf32> to vector<16xf32>
      %max3A_1204 = arith.maximumf %max3A_1192, %get3A_1203 : vector<16xf32>
      %get3A_1205 = arith.constant 95 : i32
      %get3A_1206 = arith.index_cast %get3A_1205 : i32 to index
      %get3A_1207 = arith.constant 0 : index
      %get3A_1208 = tpu.vector_load %arg6[%get3A_1206, %get3A_1207] {strides = array<i32>} : memref<128x32xf32, #tpu.memory_space<vmem>>, vector<1x16xf32>,
      %get3A_1209 = vector.shape_cast %get3A_1208 : vector<1x16xf32> to vector<16xf32>
      %max3A_1210 = arith.maximumf %max3A_1198, %get3A_1209 : vector<16xf32>
      %get3A_1211 = arith.constant 95 : i32
      %get3A_1212 = arith.index_cast %get3A_1211 : i32 to index
      %get3A_1213 = arith.constant 16 : index
      %get3A_1214 = tpu.vector_load %arg6[%get3A_1212, %get3A_1213] {strides = array<i32>} : memref<128x32xf32, #tpu.memory_space<vmem>>, vector<1x16xf32>,
      %get3A_1215 = vector.shape_cast %get3A_1214 : vector<1x16xf32> to vector<16xf32>
      %max3A_1216 = arith.maximumf %max3A_1204, %get3A_1215 : vector<16xf32>
      %swap3A_1217 = arith.constant 5 : i32
      %swap3A_1218 = arith.index_cast %swap3A_1217 : i32 to index
      %swap3A_1219 = arith.constant 0 : index
      %swap3A_1220 = tpu.vector_load %arg7[%swap3A_1218, %swap3A_1219] {strides = array<i32>} : memref<8x32xf32, #tpu.memory_space<vmem>>, vector<1x16xf32>,
      %swap3A_1221 = vector.shape_cast %swap3A_1220 : vector<1x16xf32> to vector<16xf32>
      %swap3A_1222 = vector.shape_cast %max3A_1210 : vector<16xf32> to vector<1x16xf32>
      tpu.vector_store %arg7[%swap3A_1218, %swap3A_1219], %swap3A_1222 {strides = array<i32>} : memref<8x32xf32, #tpu.memory_space<vmem>>, vector<1x16xf32>,
      %swap3A_1223 = arith.constant 5 : i32
      %swap3A_1224 = arith.index_cast %swap3A_1223 : i32 to index
      %swap3A_1225 = arith.constant 16 : index
      %swap3A_1226 = tpu.vector_load %arg7[%swap3A_1224, %swap3A_1225] {strides = array<i32>} : memref<8x32xf32, #tpu.memory_space<vmem>>, vector<1x16xf32>,
      %swap3A_1227 = vector.shape_cast %swap3A_1226 : vector<1x16xf32> to vector<16xf32>
      %swap3A_1228 = vector.shape_cast %max3A_1216 : vector<16xf32> to vector<1x16xf32>
      tpu.vector_store %arg7[%swap3A_1224, %swap3A_1225], %swap3A_1228 {strides = array<i32>} : memref<8x32xf32, #tpu.memory_space<vmem>>, vector<1x16xf32>,
      %get3A_1229 = arith.constant 96 : i32
      %get3A_1230 = arith.index_cast %get3A_1229 : i32 to index
      %get3A_1231 = arith.constant 0 : index
      %get3A_1232 = tpu.vector_load %arg6[%get3A_1230, %get3A_1231] {strides = array<i32>} : memref<128x32xf32, #tpu.memory_space<vmem>>, vector<1x16xf32>,
      %get3A_1233 = vector.shape_cast %get3A_1232 : vector<1x16xf32> to vector<16xf32>
      %get3A_1234 = arith.constant 96 : i32
      %get3A_1235 = arith.index_cast %get3A_1234 : i32 to index
      %get3A_1236 = arith.constant 16 : index
      %get3A_1237 = tpu.vector_load %arg6[%get3A_1235, %get3A_1236] {strides = array<i32>} : memref<128x32xf32, #tpu.memory_space<vmem>>, vector<1x16xf32>,
      %get3A_1238 = vector.shape_cast %get3A_1237 : vector<1x16xf32> to vector<16xf32>
      %get3A_1239 = arith.constant 97 : i32
      %get3A_1240 = arith.index_cast %get3A_1239 : i32 to index
      %get3A_1241 = arith.constant 0 : index
      %get3A_1242 = tpu.vector_load %arg6[%get3A_1240, %get3A_1241] {strides = array<i32>} : memref<128x32xf32, #tpu.memory_space<vmem>>, vector<1x16xf32>,
      %get3A_1243 = vector.shape_cast %get3A_1242 : vector<1x16xf32> to vector<16xf32>
      %max3A_1244 = arith.maximumf %get3A_1233, %get3A_1243 : vector<16xf32>
      %get3A_1245 = arith.constant 97 : i32
      %get3A_1246 = arith.index_cast %get3A_1245 : i32 to index
      %get3A_1247 = arith.constant 16 : index
      %get3A_1248 = tpu.vector_load %arg6[%get3A_1246, %get3A_1247] {strides = array<i32>} : memref<128x32xf32, #tpu.memory_space<vmem>>, vector<1x16xf32>,
      %get3A_1249 = vector.shape_cast %get3A_1248 : vector<1x16xf32> to vector<16xf32>
      %max3A_1250 = arith.maximumf %get3A_1238, %get3A_1249 : vector<16xf32>
      %get3A_1251 = arith.constant 98 : i32
      %get3A_1252 = arith.index_cast %get3A_1251 : i32 to index
      %get3A_1253 = arith.constant 0 : index
      %get3A_1254 = tpu.vector_load %arg6[%get3A_1252, %get3A_1253] {strides = array<i32>} : memref<128x32xf32, #tpu.memory_space<vmem>>, vector<1x16xf32>,
      %get3A_1255 = vector.shape_cast %get3A_1254 : vector<1x16xf32> to vector<16xf32>
      %max3A_1256 = arith.maximumf %max3A_1244, %get3A_1255 : vector<16xf32>
      %get3A_1257 = arith.constant 98 : i32
      %get3A_1258 = arith.index_cast %get3A_1257 : i32 to index
      %get3A_1259 = arith.constant 16 : index
      %get3A_1260 = tpu.vector_load %arg6[%get3A_1258, %get3A_1259] {strides = array<i32>} : memref<128x32xf32, #tpu.memory_space<vmem>>, vector<1x16xf32>,
      %get3A_1261 = vector.shape_cast %get3A_1260 : vector<1x16xf32> to vector<16xf32>
      %max3A_1262 = arith.maximumf %max3A_1250, %get3A_1261 : vector<16xf32>
      %get3A_1263 = arith.constant 99 : i32
      %get3A_1264 = arith.index_cast %get3A_1263 : i32 to index
      %get3A_1265 = arith.constant 0 : index
      %get3A_1266 = tpu.vector_load %arg6[%get3A_1264, %get3A_1265] {strides = array<i32>} : memref<128x32xf32, #tpu.memory_space<vmem>>, vector<1x16xf32>,
      %get3A_1267 = vector.shape_cast %get3A_1266 : vector<1x16xf32> to vector<16xf32>
      %max3A_1268 = arith.maximumf %max3A_1256, %get3A_1267 : vector<16xf32>
      %get3A_1269 = arith.constant 99 : i32
      %get3A_1270 = arith.index_cast %get3A_1269 : i32 to index
      %get3A_1271 = arith.constant 16 : index
      %get3A_1272 = tpu.vector_load %arg6[%get3A_1270, %get3A_1271] {strides = array<i32>} : memref<128x32xf32, #tpu.memory_space<vmem>>, vector<1x16xf32>,
      %get3A_1273 = vector.shape_cast %get3A_1272 : vector<1x16xf32> to vector<16xf32>
      %max3A_1274 = arith.maximumf %max3A_1262, %get3A_1273 : vector<16xf32>
      %get3A_1275 = arith.constant 100 : i32
      %get3A_1276 = arith.index_cast %get3A_1275 : i32 to index
      %get3A_1277 = arith.constant 0 : index
      %get3A_1278 = tpu.vector_load %arg6[%get3A_1276, %get3A_1277] {strides = array<i32>} : memref<128x32xf32, #tpu.memory_space<vmem>>, vector<1x16xf32>,
      %get3A_1279 = vector.shape_cast %get3A_1278 : vector<1x16xf32> to vector<16xf32>
      %max3A_1280 = arith.maximumf %max3A_1268, %get3A_1279 : vector<16xf32>
      %get3A_1281 = arith.constant 100 : i32
      %get3A_1282 = arith.index_cast %get3A_1281 : i32 to index
      %get3A_1283 = arith.constant 16 : index
      %get3A_1284 = tpu.vector_load %arg6[%get3A_1282, %get3A_1283] {strides = array<i32>} : memref<128x32xf32, #tpu.memory_space<vmem>>, vector<1x16xf32>,
      %get3A_1285 = vector.shape_cast %get3A_1284 : vector<1x16xf32> to vector<16xf32>
      %max3A_1286 = arith.maximumf %max3A_1274, %get3A_1285 : vector<16xf32>
      %get3A_1287 = arith.constant 101 : i32
      %get3A_1288 = arith.index_cast %get3A_1287 : i32 to index
      %get3A_1289 = arith.constant 0 : index
      %get3A_1290 = tpu.vector_load %arg6[%get3A_1288, %get3A_1289] {strides = array<i32>} : memref<128x32xf32, #tpu.memory_space<vmem>>, vector<1x16xf32>,
      %get3A_1291 = vector.shape_cast %get3A_1290 : vector<1x16xf32> to vector<16xf32>
      %max3A_1292 = arith.maximumf %max3A_1280, %get3A_1291 : vector<16xf32>
      %get3A_1293 = arith.constant 101 : i32
      %get3A_1294 = arith.index_cast %get3A_1293 : i32 to index
      %get3A_1295 = arith.constant 16 : index
      %get3A_1296 = tpu.vector_load %arg6[%get3A_1294, %get3A_1295] {strides = array<i32>} : memref<128x32xf32, #tpu.memory_space<vmem>>, vector<1x16xf32>,
      %get3A_1297 = vector.shape_cast %get3A_1296 : vector<1x16xf32> to vector<16xf32>
      %max3A_1298 = arith.maximumf %max3A_1286, %get3A_1297 : vector<16xf32>
      %get3A_1299 = arith.constant 102 : i32
      %get3A_1300 = arith.index_cast %get3A_1299 : i32 to index
      %get3A_1301 = arith.constant 0 : index
      %get3A_1302 = tpu.vector_load %arg6[%get3A_1300, %get3A_1301] {strides = array<i32>} : memref<128x32xf32, #tpu.memory_space<vmem>>, vector<1x16xf32>,
      %get3A_1303 = vector.shape_cast %get3A_1302 : vector<1x16xf32> to vector<16xf32>
      %max3A_1304 = arith.maximumf %max3A_1292, %get3A_1303 : vector<16xf32>
      %get3A_1305 = arith.constant 102 : i32
      %get3A_1306 = arith.index_cast %get3A_1305 : i32 to index
      %get3A_1307 = arith.constant 16 : index
      %get3A_1308 = tpu.vector_load %arg6[%get3A_1306, %get3A_1307] {strides = array<i32>} : memref<128x32xf32, #tpu.memory_space<vmem>>, vector<1x16xf32>,
      %get3A_1309 = vector.shape_cast %get3A_1308 : vector<1x16xf32> to vector<16xf32>
      %max3A_1310 = arith.maximumf %max3A_1298, %get3A_1309 : vector<16xf32>
      %get3A_1311 = arith.constant 103 : i32
      %get3A_1312 = arith.index_cast %get3A_1311 : i32 to index
      %get3A_1313 = arith.constant 0 : index
      %get3A_1314 = tpu.vector_load %arg6[%get3A_1312, %get3A_1313] {strides = array<i32>} : memref<128x32xf32, #tpu.memory_space<vmem>>, vector<1x16xf32>,
      %get3A_1315 = vector.shape_cast %get3A_1314 : vector<1x16xf32> to vector<16xf32>
      %max3A_1316 = arith.maximumf %max3A_1304, %get3A_1315 : vector<16xf32>
      %get3A_1317 = arith.constant 103 : i32
      %get3A_1318 = arith.index_cast %get3A_1317 : i32 to index
      %get3A_1319 = arith.constant 16 : index
      %get3A_1320 = tpu.vector_load %arg6[%get3A_1318, %get3A_1319] {strides = array<i32>} : memref<128x32xf32, #tpu.memory_space<vmem>>, vector<1x16xf32>,
      %get3A_1321 = vector.shape_cast %get3A_1320 : vector<1x16xf32> to vector<16xf32>
      %max3A_1322 = arith.maximumf %max3A_1310, %get3A_1321 : vector<16xf32>
      %get3A_1323 = arith.constant 104 : i32
      %get3A_1324 = arith.index_cast %get3A_1323 : i32 to index
      %get3A_1325 = arith.constant 0 : index
      %get3A_1326 = tpu.vector_load %arg6[%get3A_1324, %get3A_1325] {strides = array<i32>} : memref<128x32xf32, #tpu.memory_space<vmem>>, vector<1x16xf32>,
      %get3A_1327 = vector.shape_cast %get3A_1326 : vector<1x16xf32> to vector<16xf32>
      %max3A_1328 = arith.maximumf %max3A_1316, %get3A_1327 : vector<16xf32>
      %get3A_1329 = arith.constant 104 : i32
      %get3A_1330 = arith.index_cast %get3A_1329 : i32 to index
      %get3A_1331 = arith.constant 16 : index
      %get3A_1332 = tpu.vector_load %arg6[%get3A_1330, %get3A_1331] {strides = array<i32>} : memref<128x32xf32, #tpu.memory_space<vmem>>, vector<1x16xf32>,
      %get3A_1333 = vector.shape_cast %get3A_1332 : vector<1x16xf32> to vector<16xf32>
      %max3A_1334 = arith.maximumf %max3A_1322, %get3A_1333 : vector<16xf32>
      %get3A_1335 = arith.constant 105 : i32
      %get3A_1336 = arith.index_cast %get3A_1335 : i32 to index
      %get3A_1337 = arith.constant 0 : index
      %get3A_1338 = tpu.vector_load %arg6[%get3A_1336, %get3A_1337] {strides = array<i32>} : memref<128x32xf32, #tpu.memory_space<vmem>>, vector<1x16xf32>,
      %get3A_1339 = vector.shape_cast %get3A_1338 : vector<1x16xf32> to vector<16xf32>
      %max3A_1340 = arith.maximumf %max3A_1328, %get3A_1339 : vector<16xf32>
      %get3A_1341 = arith.constant 105 : i32
      %get3A_1342 = arith.index_cast %get3A_1341 : i32 to index
      %get3A_1343 = arith.constant 16 : index
      %get3A_1344 = tpu.vector_load %arg6[%get3A_1342, %get3A_1343] {strides = array<i32>} : memref<128x32xf32, #tpu.memory_space<vmem>>, vector<1x16xf32>,
      %get3A_1345 = vector.shape_cast %get3A_1344 : vector<1x16xf32> to vector<16xf32>
      %max3A_1346 = arith.maximumf %max3A_1334, %get3A_1345 : vector<16xf32>
      %get3A_1347 = arith.constant 106 : i32
      %get3A_1348 = arith.index_cast %get3A_1347 : i32 to index
      %get3A_1349 = arith.constant 0 : index
      %get3A_1350 = tpu.vector_load %arg6[%get3A_1348, %get3A_1349] {strides = array<i32>} : memref<128x32xf32, #tpu.memory_space<vmem>>, vector<1x16xf32>,
      %get3A_1351 = vector.shape_cast %get3A_1350 : vector<1x16xf32> to vector<16xf32>
      %max3A_1352 = arith.maximumf %max3A_1340, %get3A_1351 : vector<16xf32>
      %get3A_1353 = arith.constant 106 : i32
      %get3A_1354 = arith.index_cast %get3A_1353 : i32 to index
      %get3A_1355 = arith.constant 16 : index
      %get3A_1356 = tpu.vector_load %arg6[%get3A_1354, %get3A_1355] {strides = array<i32>} : memref<128x32xf32, #tpu.memory_space<vmem>>, vector<1x16xf32>,
      %get3A_1357 = vector.shape_cast %get3A_1356 : vector<1x16xf32> to vector<16xf32>
      %max3A_1358 = arith.maximumf %max3A_1346, %get3A_1357 : vector<16xf32>
      %get3A_1359 = arith.constant 107 : i32
      %get3A_1360 = arith.index_cast %get3A_1359 : i32 to index
      %get3A_1361 = arith.constant 0 : index
      %get3A_1362 = tpu.vector_load %arg6[%get3A_1360, %get3A_1361] {strides = array<i32>} : memref<128x32xf32, #tpu.memory_space<vmem>>, vector<1x16xf32>,
      %get3A_1363 = vector.shape_cast %get3A_1362 : vector<1x16xf32> to vector<16xf32>
      %max3A_1364 = arith.maximumf %max3A_1352, %get3A_1363 : vector<16xf32>
      %get3A_1365 = arith.constant 107 : i32
      %get3A_1366 = arith.index_cast %get3A_1365 : i32 to index
      %get3A_1367 = arith.constant 16 : index
      %get3A_1368 = tpu.vector_load %arg6[%get3A_1366, %get3A_1367] {strides = array<i32>} : memref<128x32xf32, #tpu.memory_space<vmem>>, vector<1x16xf32>,
      %get3A_1369 = vector.shape_cast %get3A_1368 : vector<1x16xf32> to vector<16xf32>
      %max3A_1370 = arith.maximumf %max3A_1358, %get3A_1369 : vector<16xf32>
      %get3A_1371 = arith.constant 108 : i32
      %get3A_1372 = arith.index_cast %get3A_1371 : i32 to index
      %get3A_1373 = arith.constant 0 : index
      %get3A_1374 = tpu.vector_load %arg6[%get3A_1372, %get3A_1373] {strides = array<i32>} : memref<128x32xf32, #tpu.memory_space<vmem>>, vector<1x16xf32>,
      %get3A_1375 = vector.shape_cast %get3A_1374 : vector<1x16xf32> to vector<16xf32>
      %max3A_1376 = arith.maximumf %max3A_1364, %get3A_1375 : vector<16xf32>
      %get3A_1377 = arith.constant 108 : i32
      %get3A_1378 = arith.index_cast %get3A_1377 : i32 to index
      %get3A_1379 = arith.constant 16 : index
      %get3A_1380 = tpu.vector_load %arg6[%get3A_1378, %get3A_1379] {strides = array<i32>} : memref<128x32xf32, #tpu.memory_space<vmem>>, vector<1x16xf32>,
      %get3A_1381 = vector.shape_cast %get3A_1380 : vector<1x16xf32> to vector<16xf32>
      %max3A_1382 = arith.maximumf %max3A_1370, %get3A_1381 : vector<16xf32>
      %get3A_1383 = arith.constant 109 : i32
      %get3A_1384 = arith.index_cast %get3A_1383 : i32 to index
      %get3A_1385 = arith.constant 0 : index
      %get3A_1386 = tpu.vector_load %arg6[%get3A_1384, %get3A_1385] {strides = array<i32>} : memref<128x32xf32, #tpu.memory_space<vmem>>, vector<1x16xf32>,
      %get3A_1387 = vector.shape_cast %get3A_1386 : vector<1x16xf32> to vector<16xf32>
      %max3A_1388 = arith.maximumf %max3A_1376, %get3A_1387 : vector<16xf32>
      %get3A_1389 = arith.constant 109 : i32
      %get3A_1390 = arith.index_cast %get3A_1389 : i32 to index
      %get3A_1391 = arith.constant 16 : index
      %get3A_1392 = tpu.vector_load %arg6[%get3A_1390, %get3A_1391] {strides = array<i32>} : memref<128x32xf32, #tpu.memory_space<vmem>>, vector<1x16xf32>,
      %get3A_1393 = vector.shape_cast %get3A_1392 : vector<1x16xf32> to vector<16xf32>
      %max3A_1394 = arith.maximumf %max3A_1382, %get3A_1393 : vector<16xf32>
      %get3A_1395 = arith.constant 110 : i32
      %get3A_1396 = arith.index_cast %get3A_1395 : i32 to index
      %get3A_1397 = arith.constant 0 : index
      %get3A_1398 = tpu.vector_load %arg6[%get3A_1396, %get3A_1397] {strides = array<i32>} : memref<128x32xf32, #tpu.memory_space<vmem>>, vector<1x16xf32>,
      %get3A_1399 = vector.shape_cast %get3A_1398 : vector<1x16xf32> to vector<16xf32>
      %max3A_1400 = arith.maximumf %max3A_1388, %get3A_1399 : vector<16xf32>
      %get3A_1401 = arith.constant 110 : i32
      %get3A_1402 = arith.index_cast %get3A_1401 : i32 to index
      %get3A_1403 = arith.constant 16 : index
      %get3A_1404 = tpu.vector_load %arg6[%get3A_1402, %get3A_1403] {strides = array<i32>} : memref<128x32xf32, #tpu.memory_space<vmem>>, vector<1x16xf32>,
      %get3A_1405 = vector.shape_cast %get3A_1404 : vector<1x16xf32> to vector<16xf32>
      %max3A_1406 = arith.maximumf %max3A_1394, %get3A_1405 : vector<16xf32>
      %get3A_1407 = arith.constant 111 : i32
      %get3A_1408 = arith.index_cast %get3A_1407 : i32 to index
      %get3A_1409 = arith.constant 0 : index
      %get3A_1410 = tpu.vector_load %arg6[%get3A_1408, %get3A_1409] {strides = array<i32>} : memref<128x32xf32, #tpu.memory_space<vmem>>, vector<1x16xf32>,
      %get3A_1411 = vector.shape_cast %get3A_1410 : vector<1x16xf32> to vector<16xf32>
      %max3A_1412 = arith.maximumf %max3A_1400, %get3A_1411 : vector<16xf32>
      %get3A_1413 = arith.constant 111 : i32
      %get3A_1414 = arith.index_cast %get3A_1413 : i32 to index
      %get3A_1415 = arith.constant 16 : index
      %get3A_1416 = tpu.vector_load %arg6[%get3A_1414, %get3A_1415] {strides = array<i32>} : memref<128x32xf32, #tpu.memory_space<vmem>>, vector<1x16xf32>,
      %get3A_1417 = vector.shape_cast %get3A_1416 : vector<1x16xf32> to vector<16xf32>
      %max3A_1418 = arith.maximumf %max3A_1406, %get3A_1417 : vector<16xf32>
      %swap3A_1419 = arith.constant 6 : i32
      %swap3A_1420 = arith.index_cast %swap3A_1419 : i32 to index
      %swap3A_1421 = arith.constant 0 : index
      %swap3A_1422 = tpu.vector_load %arg7[%swap3A_1420, %swap3A_1421] {strides = array<i32>} : memref<8x32xf32, #tpu.memory_space<vmem>>, vector<1x16xf32>,
      %swap3A_1423 = vector.shape_cast %swap3A_1422 : vector<1x16xf32> to vector<16xf32>
      %swap3A_1424 = vector.shape_cast %max3A_1412 : vector<16xf32> to vector<1x16xf32>
      tpu.vector_store %arg7[%swap3A_1420, %swap3A_1421], %swap3A_1424 {strides = array<i32>} : memref<8x32xf32, #tpu.memory_space<vmem>>, vector<1x16xf32>,
      %swap3A_1425 = arith.constant 6 : i32
      %swap3A_1426 = arith.index_cast %swap3A_1425 : i32 to index
      %swap3A_1427 = arith.constant 16 : index
      %swap3A_1428 = tpu.vector_load %arg7[%swap3A_1426, %swap3A_1427] {strides = array<i32>} : memref<8x32xf32, #tpu.memory_space<vmem>>, vector<1x16xf32>,
      %swap3A_1429 = vector.shape_cast %swap3A_1428 : vector<1x16xf32> to vector<16xf32>
      %swap3A_1430 = vector.shape_cast %max3A_1418 : vector<16xf32> to vector<1x16xf32>
      tpu.vector_store %arg7[%swap3A_1426, %swap3A_1427], %swap3A_1430 {strides = array<i32>} : memref<8x32xf32, #tpu.memory_space<vmem>>, vector<1x16xf32>,
      %get3A_1431 = arith.constant 112 : i32
      %get3A_1432 = arith.index_cast %get3A_1431 : i32 to index
      %get3A_1433 = arith.constant 0 : index
      %get3A_1434 = tpu.vector_load %arg6[%get3A_1432, %get3A_1433] {strides = array<i32>} : memref<128x32xf32, #tpu.memory_space<vmem>>, vector<1x16xf32>,
      %get3A_1435 = vector.shape_cast %get3A_1434 : vector<1x16xf32> to vector<16xf32>
      %get3A_1436 = arith.constant 112 : i32
      %get3A_1437 = arith.index_cast %get3A_1436 : i32 to index
      %get3A_1438 = arith.constant 16 : index
      %get3A_1439 = tpu.vector_load %arg6[%get3A_1437, %get3A_1438] {strides = array<i32>} : memref<128x32xf32, #tpu.memory_space<vmem>>, vector<1x16xf32>,
      %get3A_1440 = vector.shape_cast %get3A_1439 : vector<1x16xf32> to vector<16xf32>
      %get3A_1441 = arith.constant 113 : i32
      %get3A_1442 = arith.index_cast %get3A_1441 : i32 to index
      %get3A_1443 = arith.constant 0 : index
      %get3A_1444 = tpu.vector_load %arg6[%get3A_1442, %get3A_1443] {strides = array<i32>} : memref<128x32xf32, #tpu.memory_space<vmem>>, vector<1x16xf32>,
      %get3A_1445 = vector.shape_cast %get3A_1444 : vector<1x16xf32> to vector<16xf32>
      %max3A_1446 = arith.maximumf %get3A_1435, %get3A_1445 : vector<16xf32>
      %get3A_1447 = arith.constant 113 : i32
      %get3A_1448 = arith.index_cast %get3A_1447 : i32 to index
      %get3A_1449 = arith.constant 16 : index
      %get3A_1450 = tpu.vector_load %arg6[%get3A_1448, %get3A_1449] {strides = array<i32>} : memref<128x32xf32, #tpu.memory_space<vmem>>, vector<1x16xf32>,
      %get3A_1451 = vector.shape_cast %get3A_1450 : vector<1x16xf32> to vector<16xf32>
      %max3A_1452 = arith.maximumf %get3A_1440, %get3A_1451 : vector<16xf32>
      %get3A_1453 = arith.constant 114 : i32
      %get3A_1454 = arith.index_cast %get3A_1453 : i32 to index
      %get3A_1455 = arith.constant 0 : index
      %get3A_1456 = tpu.vector_load %arg6[%get3A_1454, %get3A_1455] {strides = array<i32>} : memref<128x32xf32, #tpu.memory_space<vmem>>, vector<1x16xf32>,
      %get3A_1457 = vector.shape_cast %get3A_1456 : vector<1x16xf32> to vector<16xf32>
      %max3A_1458 = arith.maximumf %max3A_1446, %get3A_1457 : vector<16xf32>
      %get3A_1459 = arith.constant 114 : i32
      %get3A_1460 = arith.index_cast %get3A_1459 : i32 to index
      %get3A_1461 = arith.constant 16 : index
      %get3A_1462 = tpu.vector_load %arg6[%get3A_1460, %get3A_1461] {strides = array<i32>} : memref<128x32xf32, #tpu.memory_space<vmem>>, vector<1x16xf32>,
      %get3A_1463 = vector.shape_cast %get3A_1462 : vector<1x16xf32> to vector<16xf32>
      %max3A_1464 = arith.maximumf %max3A_1452, %get3A_1463 : vector<16xf32>
      %get3A_1465 = arith.constant 115 : i32
      %get3A_1466 = arith.index_cast %get3A_1465 : i32 to index
      %get3A_1467 = arith.constant 0 : index
      %get3A_1468 = tpu.vector_load %arg6[%get3A_1466, %get3A_1467] {strides = array<i32>} : memref<128x32xf32, #tpu.memory_space<vmem>>, vector<1x16xf32>,
      %get3A_1469 = vector.shape_cast %get3A_1468 : vector<1x16xf32> to vector<16xf32>
      %max3A_1470 = arith.maximumf %max3A_1458, %get3A_1469 : vector<16xf32>
      %get3A_1471 = arith.constant 115 : i32
      %get3A_1472 = arith.index_cast %get3A_1471 : i32 to index
      %get3A_1473 = arith.constant 16 : index
      %get3A_1474 = tpu.vector_load %arg6[%get3A_1472, %get3A_1473] {strides = array<i32>} : memref<128x32xf32, #tpu.memory_space<vmem>>, vector<1x16xf32>,
      %get3A_1475 = vector.shape_cast %get3A_1474 : vector<1x16xf32> to vector<16xf32>
      %max3A_1476 = arith.maximumf %max3A_1464, %get3A_1475 : vector<16xf32>
      %get3A_1477 = arith.constant 116 : i32
      %get3A_1478 = arith.index_cast %get3A_1477 : i32 to index
      %get3A_1479 = arith.constant 0 : index
      %get3A_1480 = tpu.vector_load %arg6[%get3A_1478, %get3A_1479] {strides = array<i32>} : memref<128x32xf32, #tpu.memory_space<vmem>>, vector<1x16xf32>,
      %get3A_1481 = vector.shape_cast %get3A_1480 : vector<1x16xf32> to vector<16xf32>
      %max3A_1482 = arith.maximumf %max3A_1470, %get3A_1481 : vector<16xf32>
      %get3A_1483 = arith.constant 116 : i32
      %get3A_1484 = arith.index_cast %get3A_1483 : i32 to index
      %get3A_1485 = arith.constant 16 : index
      %get3A_1486 = tpu.vector_load %arg6[%get3A_1484, %get3A_1485] {strides = array<i32>} : memref<128x32xf32, #tpu.memory_space<vmem>>, vector<1x16xf32>,
      %get3A_1487 = vector.shape_cast %get3A_1486 : vector<1x16xf32> to vector<16xf32>
      %max3A_1488 = arith.maximumf %max3A_1476, %get3A_1487 : vector<16xf32>
      %get3A_1489 = arith.constant 117 : i32
      %get3A_1490 = arith.index_cast %get3A_1489 : i32 to index
      %get3A_1491 = arith.constant 0 : index
      %get3A_1492 = tpu.vector_load %arg6[%get3A_1490, %get3A_1491] {strides = array<i32>} : memref<128x32xf32, #tpu.memory_space<vmem>>, vector<1x16xf32>,
      %get3A_1493 = vector.shape_cast %get3A_1492 : vector<1x16xf32> to vector<16xf32>
      %max3A_1494 = arith.maximumf %max3A_1482, %get3A_1493 : vector<16xf32>
      %get3A_1495 = arith.constant 117 : i32
      %get3A_1496 = arith.index_cast %get3A_1495 : i32 to index
      %get3A_1497 = arith.constant 16 : index
      %get3A_1498 = tpu.vector_load %arg6[%get3A_1496, %get3A_1497] {strides = array<i32>} : memref<128x32xf32, #tpu.memory_space<vmem>>, vector<1x16xf32>,
      %get3A_1499 = vector.shape_cast %get3A_1498 : vector<1x16xf32> to vector<16xf32>
      %max3A_1500 = arith.maximumf %max3A_1488, %get3A_1499 : vector<16xf32>
      %get3A_1501 = arith.constant 118 : i32
      %get3A_1502 = arith.index_cast %get3A_1501 : i32 to index
      %get3A_1503 = arith.constant 0 : index
      %get3A_1504 = tpu.vector_load %arg6[%get3A_1502, %get3A_1503] {strides = array<i32>} : memref<128x32xf32, #tpu.memory_space<vmem>>, vector<1x16xf32>,
      %get3A_1505 = vector.shape_cast %get3A_1504 : vector<1x16xf32> to vector<16xf32>
      %max3A_1506 = arith.maximumf %max3A_1494, %get3A_1505 : vector<16xf32>
      %get3A_1507 = arith.constant 118 : i32
      %get3A_1508 = arith.index_cast %get3A_1507 : i32 to index
      %get3A_1509 = arith.constant 16 : index
      %get3A_1510 = tpu.vector_load %arg6[%get3A_1508, %get3A_1509] {strides = array<i32>} : memref<128x32xf32, #tpu.memory_space<vmem>>, vector<1x16xf32>,
      %get3A_1511 = vector.shape_cast %get3A_1510 : vector<1x16xf32> to vector<16xf32>
      %max3A_1512 = arith.maximumf %max3A_1500, %get3A_1511 : vector<16xf32>
      %get3A_1513 = arith.constant 119 : i32
      %get3A_1514 = arith.index_cast %get3A_1513 : i32 to index
      %get3A_1515 = arith.constant 0 : index
      %get3A_1516 = tpu.vector_load %arg6[%get3A_1514, %get3A_1515] {strides = array<i32>} : memref<128x32xf32, #tpu.memory_space<vmem>>, vector<1x16xf32>,
      %get3A_1517 = vector.shape_cast %get3A_1516 : vector<1x16xf32> to vector<16xf32>
      %max3A_1518 = arith.maximumf %max3A_1506, %get3A_1517 : vector<16xf32>
      %get3A_1519 = arith.constant 119 : i32
      %get3A_1520 = arith.index_cast %get3A_1519 : i32 to index
      %get3A_1521 = arith.constant 16 : index
      %get3A_1522 = tpu.vector_load %arg6[%get3A_1520, %get3A_1521] {strides = array<i32>} : memref<128x32xf32, #tpu.memory_space<vmem>>, vector<1x16xf32>,
      %get3A_1523 = vector.shape_cast %get3A_1522 : vector<1x16xf32> to vector<16xf32>
      %max3A_1524 = arith.maximumf %max3A_1512, %get3A_1523 : vector<16xf32>
      %get3A_1525 = arith.constant 120 : i32
      %get3A_1526 = arith.index_cast %get3A_1525 : i32 to index
      %get3A_1527 = arith.constant 0 : index
      %get3A_1528 = tpu.vector_load %arg6[%get3A_1526, %get3A_1527] {strides = array<i32>} : memref<128x32xf32, #tpu.memory_space<vmem>>, vector<1x16xf32>,
      %get3A_1529 = vector.shape_cast %get3A_1528 : vector<1x16xf32> to vector<16xf32>
      %max3A_1530 = arith.maximumf %max3A_1518, %get3A_1529 : vector<16xf32>
      %get3A_1531 = arith.constant 120 : i32
      %get3A_1532 = arith.index_cast %get3A_1531 : i32 to index
      %get3A_1533 = arith.constant 16 : index
      %get3A_1534 = tpu.vector_load %arg6[%get3A_1532, %get3A_1533] {strides = array<i32>} : memref<128x32xf32, #tpu.memory_space<vmem>>, vector<1x16xf32>,
      %get3A_1535 = vector.shape_cast %get3A_1534 : vector<1x16xf32> to vector<16xf32>
      %max3A_1536 = arith.maximumf %max3A_1524, %get3A_1535 : vector<16xf32>
      %get3A_1537 = arith.constant 121 : i32
      %get3A_1538 = arith.index_cast %get3A_1537 : i32 to index
      %get3A_1539 = arith.constant 0 : index
      %get3A_1540 = tpu.vector_load %arg6[%get3A_1538, %get3A_1539] {strides = array<i32>} : memref<128x32xf32, #tpu.memory_space<vmem>>, vector<1x16xf32>,
      %get3A_1541 = vector.shape_cast %get3A_1540 : vector<1x16xf32> to vector<16xf32>
      %max3A_1542 = arith.maximumf %max3A_1530, %get3A_1541 : vector<16xf32>
      %get3A_1543 = arith.constant 121 : i32
      %get3A_1544 = arith.index_cast %get3A_1543 : i32 to index
      %get3A_1545 = arith.constant 16 : index
      %get3A_1546 = tpu.vector_load %arg6[%get3A_1544, %get3A_1545] {strides = array<i32>} : memref<128x32xf32, #tpu.memory_space<vmem>>, vector<1x16xf32>,
      %get3A_1547 = vector.shape_cast %get3A_1546 : vector<1x16xf32> to vector<16xf32>
      %max3A_1548 = arith.maximumf %max3A_1536, %get3A_1547 : vector<16xf32>
      %get3A_1549 = arith.constant 122 : i32
      %get3A_1550 = arith.index_cast %get3A_1549 : i32 to index
      %get3A_1551 = arith.constant 0 : index
      %get3A_1552 = tpu.vector_load %arg6[%get3A_1550, %get3A_1551] {strides = array<i32>} : memref<128x32xf32, #tpu.memory_space<vmem>>, vector<1x16xf32>,
      %get3A_1553 = vector.shape_cast %get3A_1552 : vector<1x16xf32> to vector<16xf32>
      %max3A_1554 = arith.maximumf %max3A_1542, %get3A_1553 : vector<16xf32>
      %get3A_1555 = arith.constant 122 : i32
      %get3A_1556 = arith.index_cast %get3A_1555 : i32 to index
      %get3A_1557 = arith.constant 16 : index
      %get3A_1558 = tpu.vector_load %arg6[%get3A_1556, %get3A_1557] {strides = array<i32>} : memref<128x32xf32, #tpu.memory_space<vmem>>, vector<1x16xf32>,
      %get3A_1559 = vector.shape_cast %get3A_1558 : vector<1x16xf32> to vector<16xf32>
      %max3A_1560 = arith.maximumf %max3A_1548, %get3A_1559 : vector<16xf32>
      %get3A_1561 = arith.constant 123 : i32
      %get3A_1562 = arith.index_cast %get3A_1561 : i32 to index
      %get3A_1563 = arith.constant 0 : index
      %get3A_1564 = tpu.vector_load %arg6[%get3A_1562, %get3A_1563] {strides = array<i32>} : memref<128x32xf32, #tpu.memory_space<vmem>>, vector<1x16xf32>,
      %get3A_1565 = vector.shape_cast %get3A_1564 : vector<1x16xf32> to vector<16xf32>
      %max3A_1566 = arith.maximumf %max3A_1554, %get3A_1565 : vector<16xf32>
      %get3A_1567 = arith.constant 123 : i32
      %get3A_1568 = arith.index_cast %get3A_1567 : i32 to index
      %get3A_1569 = arith.constant 16 : index
      %get3A_1570 = tpu.vector_load %arg6[%get3A_1568, %get3A_1569] {strides = array<i32>} : memref<128x32xf32, #tpu.memory_space<vmem>>, vector<1x16xf32>,
      %get3A_1571 = vector.shape_cast %get3A_1570 : vector<1x16xf32> to vector<16xf32>
      %max3A_1572 = arith.maximumf %max3A_1560, %get3A_1571 : vector<16xf32>
      %get3A_1573 = arith.constant 124 : i32
      %get3A_1574 = arith.index_cast %get3A_1573 : i32 to index
      %get3A_1575 = arith.constant 0 : index
      %get3A_1576 = tpu.vector_load %arg6[%get3A_1574, %get3A_1575] {strides = array<i32>} : memref<128x32xf32, #tpu.memory_space<vmem>>, vector<1x16xf32>,
      %get3A_1577 = vector.shape_cast %get3A_1576 : vector<1x16xf32> to vector<16xf32>
      %max3A_1578 = arith.maximumf %max3A_1566, %get3A_1577 : vector<16xf32>
      %get3A_1579 = arith.constant 124 : i32
      %get3A_1580 = arith.index_cast %get3A_1579 : i32 to index
      %get3A_1581 = arith.constant 16 : index
      %get3A_1582 = tpu.vector_load %arg6[%get3A_1580, %get3A_1581] {strides = array<i32>} : memref<128x32xf32, #tpu.memory_space<vmem>>, vector<1x16xf32>,
      %get3A_1583 = vector.shape_cast %get3A_1582 : vector<1x16xf32> to vector<16xf32>
      %max3A_1584 = arith.maximumf %max3A_1572, %get3A_1583 : vector<16xf32>
      %get3A_1585 = arith.constant 125 : i32
      %get3A_1586 = arith.index_cast %get3A_1585 : i32 to index
      %get3A_1587 = arith.constant 0 : index
      %get3A_1588 = tpu.vector_load %arg6[%get3A_1586, %get3A_1587] {strides = array<i32>} : memref<128x32xf32, #tpu.memory_space<vmem>>, vector<1x16xf32>,
      %get3A_1589 = vector.shape_cast %get3A_1588 : vector<1x16xf32> to vector<16xf32>
      %max3A_1590 = arith.maximumf %max3A_1578, %get3A_1589 : vector<16xf32>
      %get3A_1591 = arith.constant 125 : i32
      %get3A_1592 = arith.index_cast %get3A_1591 : i32 to index
      %get3A_1593 = arith.constant 16 : index
      %get3A_1594 = tpu.vector_load %arg6[%get3A_1592, %get3A_1593] {strides = array<i32>} : memref<128x32xf32, #tpu.memory_space<vmem>>, vector<1x16xf32>,
      %get3A_1595 = vector.shape_cast %get3A_1594 : vector<1x16xf32> to vector<16xf32>
      %max3A_1596 = arith.maximumf %max3A_1584, %get3A_1595 : vector<16xf32>
      %get3A_1597 = arith.constant 126 : i32
      %get3A_1598 = arith.index_cast %get3A_1597 : i32 to index
      %get3A_1599 = arith.constant 0 : index
      %get3A_1600 = tpu.vector_load %arg6[%get3A_1598, %get3A_1599] {strides = array<i32>} : memref<128x32xf32, #tpu.memory_space<vmem>>, vector<1x16xf32>,
      %get3A_1601 = vector.shape_cast %get3A_1600 : vector<1x16xf32> to vector<16xf32>
      %max3A_1602 = arith.maximumf %max3A_1590, %get3A_1601 : vector<16xf32>
      %get3A_1603 = arith.constant 126 : i32
      %get3A_1604 = arith.index_cast %get3A_1603 : i32 to index
      %get3A_1605 = arith.constant 16 : index
      %get3A_1606 = tpu.vector_load %arg6[%get3A_1604, %get3A_1605] {strides = array<i32>} : memref<128x32xf32, #tpu.memory_space<vmem>>, vector<1x16xf32>,
      %get3A_1607 = vector.shape_cast %get3A_1606 : vector<1x16xf32> to vector<16xf32>
      %max3A_1608 = arith.maximumf %max3A_1596, %get3A_1607 : vector<16xf32>
      %get3A_1609 = arith.constant 127 : i32
      %get3A_1610 = arith.index_cast %get3A_1609 : i32 to index
      %get3A_1611 = arith.constant 0 : index
      %get3A_1612 = tpu.vector_load %arg6[%get3A_1610, %get3A_1611] {strides = array<i32>} : memref<128x32xf32, #tpu.memory_space<vmem>>, vector<1x16xf32>,
      %get3A_1613 = vector.shape_cast %get3A_1612 : vector<1x16xf32> to vector<16xf32>
      %max3A_1614 = arith.maximumf %max3A_1602, %get3A_1613 : vector<16xf32>
      %get3A_1615 = arith.constant 127 : i32
      %get3A_1616 = arith.index_cast %get3A_1615 : i32 to index
      %get3A_1617 = arith.constant 16 : index
      %get3A_1618 = tpu.vector_load %arg6[%get3A_1616, %get3A_1617] {strides = array<i32>} : memref<128x32xf32, #tpu.memory_space<vmem>>, vector<1x16xf32>,
      %get3A_1619 = vector.shape_cast %get3A_1618 : vector<1x16xf32> to vector<16xf32>
      %max3A_1620 = arith.maximumf %max3A_1608, %get3A_1619 : vector<16xf32>
      %swap3A_1621 = arith.constant 7 : i32
      %swap3A_1622 = arith.index_cast %swap3A_1621 : i32 to index
      %swap3A_1623 = arith.constant 0 : index
      %swap3A_1624 = tpu.vector_load %arg7[%swap3A_1622, %swap3A_1623] {strides = array<i32>} : memref<8x32xf32, #tpu.memory_space<vmem>>, vector<1x16xf32>,
      %swap3A_1625 = vector.shape_cast %swap3A_1624 : vector<1x16xf32> to vector<16xf32>
      %swap3A_1626 = vector.shape_cast %max3A_1614 : vector<16xf32> to vector<1x16xf32>
      tpu.vector_store %arg7[%swap3A_1622, %swap3A_1623], %swap3A_1626 {strides = array<i32>} : memref<8x32xf32, #tpu.memory_space<vmem>>, vector<1x16xf32>,
      %swap3A_1627 = arith.constant 7 : i32
      %swap3A_1628 = arith.index_cast %swap3A_1627 : i32 to index
      %swap3A_1629 = arith.constant 16 : index
      %swap3A_1630 = tpu.vector_load %arg7[%swap3A_1628, %swap3A_1629] {strides = array<i32>} : memref<8x32xf32, #tpu.memory_space<vmem>>, vector<1x16xf32>,
      %swap3A_1631 = vector.shape_cast %swap3A_1630 : vector<1x16xf32> to vector<16xf32>
      %swap3A_1632 = vector.shape_cast %max3A_1620 : vector<16xf32> to vector<1x16xf32>
      tpu.vector_store %arg7[%swap3A_1628, %swap3A_1629], %swap3A_1632 {strides = array<i32>} : memref<8x32xf32, #tpu.memory_space<vmem>>, vector<1x16xf32>,
      %mul3A_1633 = arith.constant 8 : i32
      %mul3A_1634 = arith.muli %scan3A_9, %mul3A_1633 : i32
      %add3A_1635 = arith.addi %mul3A_2, %mul3A_1634 : i32
      "tpu.region"() ({
        %run_scoped3A = tpu.sem_alloc : memref<!tpu.dma_semaphore, #tpu.memory_space<semaphore_mem>>
        %dma_start3A_1636 = arith.constant 0 : i32
        %dma_start3A_1637 = tpu.memref_slice %arg4[%add3A_1635, %dma_start3A_1636] : memref<8192x32xf32, #tpu.memory_space<hbm>> -> memref<8x32xf32, #tpu.memory_space<hbm>>
        %dma_start3A_1638 = arith.constant 0 : i32
        %dma_start3A_1639 = tpu.memref_slice %arg4[%add3A_1635, %dma_start3A_1638] : memref<8192x32xf32, #tpu.memory_space<hbm>> -> memref<8x32xf32, #tpu.memory_space<hbm>>
        tpu.enqueue_dma source(%arg7 : memref<8x32xf32, #tpu.memory_space<vmem>>) target(%dma_start3A_1639 : memref<8x32xf32, #tpu.memory_space<hbm>>) target_semaphore(%run_scoped3A : memref<!tpu.dma_semaphore, #tpu.memory_space<semaphore_mem>>)
        %dma_wait3A_1640 = arith.constant 0 : i32
        %dma_wait3A_1641 = tpu.memref_slice %arg4[%add3A_1635, %dma_wait3A_1640] : memref<8192x32xf32, #tpu.memory_space<hbm>> -> memref<8x32xf32, #tpu.memory_space<hbm>>
        %dma_wait3A_1642 = arith.constant 0 : i32
        %dma_wait3A_1643 = tpu.memref_slice %arg4[%add3A_1635, %dma_wait3A_1642] : memref<8192x32xf32, #tpu.memory_space<hbm>> -> memref<8x32xf32, #tpu.memory_space<hbm>>
        tpu.wait_dma2 semaphore(%run_scoped3A : memref<!tpu.dma_semaphore, #tpu.memory_space<semaphore_mem>>) src(%arg7 : memref<8x32xf32, #tpu.memory_space<vmem>>) dst(%dma_wait3A_1643 : memref<8x32xf32, #tpu.memory_space<hbm>>)
        tpu.yield
      }) : () -> ()
    }
    %scan3A_8 = arith.constant 32 : i32
    return
  }
}

#map = affine_map<(d0, d1) -> (0, 0)>
#map1 = affine_map<(d0, d1) -> (0)>
module attributes {stable_mosaic.version = 14 : i64} {
  func.func @_sc_body(%arg0: i32, %arg1: i32, %arg2: memref<16384x32xf32, #tpu.memory_space<hbm>>, %arg3: memref<131072xi32, #tpu.memory_space<hbm>>, %arg4: memref<8192x32xf32, #tpu.memory_space<hbm>>, %arg5: memref<4096xi32, #tpu.memory_space<vmem>>, %arg6: memref<128x32xf32, #tpu.memory_space<vmem>>, %arg7: memref<8x32xf32, #tpu.memory_space<vmem>>, %arg8: memref<!tpu.dma_semaphore, #tpu.memory_space<semaphore_mem>>) attributes {dimension_semantics = [#tpu.dimension_semantics<core_parallel>, #tpu.dimension_semantics<subcore_parallel>], iteration_bounds = array<i64: 2, 16>, scalar_prefetch = 0 : i64, scratch_operands = 4 : i64, tpu.core_type = #tpu.core_type<sc_vector_subcore>, window_params = [{transform_indices = #map}, {transform_indices = #map1}, {transform_indices = #map}]} {
    %mul3A = arith.constant 2 : i32
    %mul3A_0 = arith.muli %arg1, %mul3A : i32
    %add3A = arith.addi %mul3A_0, %arg0 : i32
    %mul3A_1 = arith.constant 256 : i32
    %mul3A_2 = arith.muli %add3A, %mul3A_1 : i32
    %mul3A_3 = arith.constant 16 : i32
    %mul3A_4 = arith.muli %mul3A_2, %mul3A_3 : i32
    "tpu.region"() ({
      %run_scoped3A = tpu.sem_alloc : memref<!tpu.dma_semaphore, #tpu.memory_space<semaphore_mem>>
      %dma_start3A = tpu.memref_slice %arg3[%mul3A_4] : memref<131072xi32, #tpu.memory_space<hbm>> -> memref<4096xi32, #tpu.memory_space<hbm>>
      %dma_start3A_9 = tpu.memref_slice %arg3[%mul3A_4] : memref<131072xi32, #tpu.memory_space<hbm>> -> memref<4096xi32, #tpu.memory_space<hbm>>
      tpu.enqueue_dma source(%dma_start3A_9 : memref<4096xi32, #tpu.memory_space<hbm>>) target(%arg5 : memref<4096xi32, #tpu.memory_space<vmem>>) target_semaphore(%run_scoped3A : memref<!tpu.dma_semaphore, #tpu.memory_space<semaphore_mem>>)
      %dma_wait3A = tpu.memref_slice %arg3[%mul3A_4] : memref<131072xi32, #tpu.memory_space<hbm>> -> memref<4096xi32, #tpu.memory_space<hbm>>
      %dma_wait3A_10 = tpu.memref_slice %arg3[%mul3A_4] : memref<131072xi32, #tpu.memory_space<hbm>> -> memref<4096xi32, #tpu.memory_space<hbm>>
      tpu.wait_dma2 semaphore(%run_scoped3A : memref<!tpu.dma_semaphore, #tpu.memory_space<semaphore_mem>>) src(%dma_wait3A_10 : memref<4096xi32, #tpu.memory_space<hbm>>) dst(%arg5 : memref<4096xi32, #tpu.memory_space<vmem>>)
      tpu.yield
    }) : () -> ()
    %scan3A = arith.constant 0 : i32
    %scan3A_5 = arith.constant 32 : i32
    %scan3A_6 = arith.addi %scan3A, %scan3A_5 : i32
    %scan3A_7 = arith.constant 1 : i32
    scf.for %scan3A_9 = %scan3A to %scan3A_6 step %scan3A_7  : i32 {
      %mul3A_10 = arith.constant 8 : i32
      %mul3A_11 = arith.muli %scan3A_9, %mul3A_10 : i32
      %mul3A_12 = arith.constant 16 : i32
      %mul3A_13 = arith.muli %mul3A_11, %mul3A_12 : i32
      %dma_start3A = tpu.memref_slice %arg5[%mul3A_13] : memref<4096xi32, #tpu.memory_space<vmem>> -> memref<128xi32, #tpu.memory_space<vmem>>
      %dma_start3A_14 = arith.constant 0 : i32
      %dma_start3A_15 = arith.constant 0 : i32
      %dma_start3A_16 = tpu.memref_slice %arg2[%dma_start3A_14, %dma_start3A_15] : memref<16384x32xf32, #tpu.memory_space<hbm>> -> memref<16384x32xf32, #tpu.memory_space<hbm>>
      tpu.enqueue_indirect_dma source(%dma_start3A_16 : memref<16384x32xf32, #tpu.memory_space<hbm>>) target(%arg6 : memref<128x32xf32, #tpu.memory_space<vmem>>) offsets(%dma_start3A : memref<128xi32, #tpu.memory_space<vmem>>) semaphore(%arg8 : memref<!tpu.dma_semaphore, #tpu.memory_space<semaphore_mem>>)
      %dma_wait3A = tpu.memref_slice %arg5[%mul3A_13] : memref<4096xi32, #tpu.memory_space<vmem>> -> memref<128xi32, #tpu.memory_space<vmem>>
      %dma_wait3A_17 = arith.constant 0 : i32
      %dma_wait3A_18 = arith.constant 0 : i32
      %dma_wait3A_19 = tpu.memref_slice %arg2[%dma_wait3A_17, %dma_wait3A_18] : memref<16384x32xf32, #tpu.memory_space<hbm>> -> memref<16384x32xf32, #tpu.memory_space<hbm>>
      tpu.wait_indirect_dma semaphore(%arg8 : memref<!tpu.dma_semaphore, #tpu.memory_space<semaphore_mem>>) src(%dma_wait3A_19 : memref<16384x32xf32, #tpu.memory_space<hbm>>) dst(%arg6 : memref<128x32xf32, #tpu.memory_space<vmem>>)
      %get3A = arith.constant 0 : i32
      %get3A_20 = arith.index_cast %get3A : i32 to index
      %get3A_21 = arith.constant 0 : index
      %get3A_22 = tpu.vector_load %arg6[%get3A_20, %get3A_21] {strides = array<i32>} : memref<128x32xf32, #tpu.memory_space<vmem>>, vector<1x16xf32>,
      %get3A_23 = vector.shape_cast %get3A_22 : vector<1x16xf32> to vector<16xf32>
      %get3A_24 = arith.constant 0 : i32
      %get3A_25 = arith.index_cast %get3A_24 : i32 to index
      %get3A_26 = arith.constant 16 : index
      %get3A_27 = tpu.vector_load %arg6[%get3A_25, %get3A_26] {strides = array<i32>} : memref<128x32xf32, #tpu.memory_space<vmem>>, vector<1x16xf32>,
      %get3A_28 = vector.shape_cast %get3A_27 : vector<1x16xf32> to vector<16xf32>
      %get3A_29 = arith.constant 1 : i32
      %get3A_30 = arith.index_cast %get3A_29 : i32 to index
      %get3A_31 = arith.constant 0 : index
      %get3A_32 = tpu.vector_load %arg6[%get3A_30, %get3A_31] {strides = array<i32>} : memref<128x32xf32, #tpu.memory_space<vmem>>, vector<1x16xf32>,
      %get3A_33 = vector.shape_cast %get3A_32 : vector<1x16xf32> to vector<16xf32>
      %max3A = arith.maximumf %get3A_23, %get3A_33 : vector<16xf32>
      %get3A_34 = arith.constant 1 : i32
      %get3A_35 = arith.index_cast %get3A_34 : i32 to index
      %get3A_36 = arith.constant 16 : index
      %get3A_37 = tpu.vector_load %arg6[%get3A_35, %get3A_36] {strides = array<i32>} : memref<128x32xf32, #tpu.memory_space<vmem>>, vector<1x16xf32>,
      %get3A_38 = vector.shape_cast %get3A_37 : vector<1x16xf32> to vector<16xf32>
      %max3A_39 = arith.maximumf %get3A_28, %get3A_38 : vector<16xf32>
      %get3A_40 = arith.constant 2 : i32
      %get3A_41 = arith.index_cast %get3A_40 : i32 to index
      %get3A_42 = arith.constant 0 : index
      %get3A_43 = tpu.vector_load %arg6[%get3A_41, %get3A_42] {strides = array<i32>} : memref<128x32xf32, #tpu.memory_space<vmem>>, vector<1x16xf32>,
      %get3A_44 = vector.shape_cast %get3A_43 : vector<1x16xf32> to vector<16xf32>
      %max3A_45 = arith.maximumf %max3A, %get3A_44 : vector<16xf32>
      %get3A_46 = arith.constant 2 : i32
      %get3A_47 = arith.index_cast %get3A_46 : i32 to index
      %get3A_48 = arith.constant 16 : index
      %get3A_49 = tpu.vector_load %arg6[%get3A_47, %get3A_48] {strides = array<i32>} : memref<128x32xf32, #tpu.memory_space<vmem>>, vector<1x16xf32>,
      %get3A_50 = vector.shape_cast %get3A_49 : vector<1x16xf32> to vector<16xf32>
      %max3A_51 = arith.maximumf %max3A_39, %get3A_50 : vector<16xf32>
      %get3A_52 = arith.constant 3 : i32
      %get3A_53 = arith.index_cast %get3A_52 : i32 to index
      %get3A_54 = arith.constant 0 : index
      %get3A_55 = tpu.vector_load %arg6[%get3A_53, %get3A_54] {strides = array<i32>} : memref<128x32xf32, #tpu.memory_space<vmem>>, vector<1x16xf32>,
      %get3A_56 = vector.shape_cast %get3A_55 : vector<1x16xf32> to vector<16xf32>
      %max3A_57 = arith.maximumf %max3A_45, %get3A_56 : vector<16xf32>
      %get3A_58 = arith.constant 3 : i32
      %get3A_59 = arith.index_cast %get3A_58 : i32 to index
      %get3A_60 = arith.constant 16 : index
      %get3A_61 = tpu.vector_load %arg6[%get3A_59, %get3A_60] {strides = array<i32>} : memref<128x32xf32, #tpu.memory_space<vmem>>, vector<1x16xf32>,
      %get3A_62 = vector.shape_cast %get3A_61 : vector<1x16xf32> to vector<16xf32>
      %max3A_63 = arith.maximumf %max3A_51, %get3A_62 : vector<16xf32>
      %get3A_64 = arith.constant 4 : i32
      %get3A_65 = arith.index_cast %get3A_64 : i32 to index
      %get3A_66 = arith.constant 0 : index
      %get3A_67 = tpu.vector_load %arg6[%get3A_65, %get3A_66] {strides = array<i32>} : memref<128x32xf32, #tpu.memory_space<vmem>>, vector<1x16xf32>,
      %get3A_68 = vector.shape_cast %get3A_67 : vector<1x16xf32> to vector<16xf32>
      %max3A_69 = arith.maximumf %max3A_57, %get3A_68 : vector<16xf32>
      %get3A_70 = arith.constant 4 : i32
      %get3A_71 = arith.index_cast %get3A_70 : i32 to index
      %get3A_72 = arith.constant 16 : index
      %get3A_73 = tpu.vector_load %arg6[%get3A_71, %get3A_72] {strides = array<i32>} : memref<128x32xf32, #tpu.memory_space<vmem>>, vector<1x16xf32>,
      %get3A_74 = vector.shape_cast %get3A_73 : vector<1x16xf32> to vector<16xf32>
      %max3A_75 = arith.maximumf %max3A_63, %get3A_74 : vector<16xf32>
      %get3A_76 = arith.constant 5 : i32
      %get3A_77 = arith.index_cast %get3A_76 : i32 to index
      %get3A_78 = arith.constant 0 : index
      %get3A_79 = tpu.vector_load %arg6[%get3A_77, %get3A_78] {strides = array<i32>} : memref<128x32xf32, #tpu.memory_space<vmem>>, vector<1x16xf32>,
      %get3A_80 = vector.shape_cast %get3A_79 : vector<1x16xf32> to vector<16xf32>
      %max3A_81 = arith.maximumf %max3A_69, %get3A_80 : vector<16xf32>
      %get3A_82 = arith.constant 5 : i32
      %get3A_83 = arith.index_cast %get3A_82 : i32 to index
      %get3A_84 = arith.constant 16 : index
      %get3A_85 = tpu.vector_load %arg6[%get3A_83, %get3A_84] {strides = array<i32>} : memref<128x32xf32, #tpu.memory_space<vmem>>, vector<1x16xf32>,
      %get3A_86 = vector.shape_cast %get3A_85 : vector<1x16xf32> to vector<16xf32>
      %max3A_87 = arith.maximumf %max3A_75, %get3A_86 : vector<16xf32>
      %get3A_88 = arith.constant 6 : i32
      %get3A_89 = arith.index_cast %get3A_88 : i32 to index
      %get3A_90 = arith.constant 0 : index
      %get3A_91 = tpu.vector_load %arg6[%get3A_89, %get3A_90] {strides = array<i32>} : memref<128x32xf32, #tpu.memory_space<vmem>>, vector<1x16xf32>,
      %get3A_92 = vector.shape_cast %get3A_91 : vector<1x16xf32> to vector<16xf32>
      %max3A_93 = arith.maximumf %max3A_81, %get3A_92 : vector<16xf32>
      %get3A_94 = arith.constant 6 : i32
      %get3A_95 = arith.index_cast %get3A_94 : i32 to index
      %get3A_96 = arith.constant 16 : index
      %get3A_97 = tpu.vector_load %arg6[%get3A_95, %get3A_96] {strides = array<i32>} : memref<128x32xf32, #tpu.memory_space<vmem>>, vector<1x16xf32>,
      %get3A_98 = vector.shape_cast %get3A_97 : vector<1x16xf32> to vector<16xf32>
      %max3A_99 = arith.maximumf %max3A_87, %get3A_98 : vector<16xf32>
      %get3A_100 = arith.constant 7 : i32
      %get3A_101 = arith.index_cast %get3A_100 : i32 to index
      %get3A_102 = arith.constant 0 : index
      %get3A_103 = tpu.vector_load %arg6[%get3A_101, %get3A_102] {strides = array<i32>} : memref<128x32xf32, #tpu.memory_space<vmem>>, vector<1x16xf32>,
      %get3A_104 = vector.shape_cast %get3A_103 : vector<1x16xf32> to vector<16xf32>
      %max3A_105 = arith.maximumf %max3A_93, %get3A_104 : vector<16xf32>
      %get3A_106 = arith.constant 7 : i32
      %get3A_107 = arith.index_cast %get3A_106 : i32 to index
      %get3A_108 = arith.constant 16 : index
      %get3A_109 = tpu.vector_load %arg6[%get3A_107, %get3A_108] {strides = array<i32>} : memref<128x32xf32, #tpu.memory_space<vmem>>, vector<1x16xf32>,
      %get3A_110 = vector.shape_cast %get3A_109 : vector<1x16xf32> to vector<16xf32>
      %max3A_111 = arith.maximumf %max3A_99, %get3A_110 : vector<16xf32>
      %get3A_112 = arith.constant 8 : i32
      %get3A_113 = arith.index_cast %get3A_112 : i32 to index
      %get3A_114 = arith.constant 0 : index
      %get3A_115 = tpu.vector_load %arg6[%get3A_113, %get3A_114] {strides = array<i32>} : memref<128x32xf32, #tpu.memory_space<vmem>>, vector<1x16xf32>,
      %get3A_116 = vector.shape_cast %get3A_115 : vector<1x16xf32> to vector<16xf32>
      %max3A_117 = arith.maximumf %max3A_105, %get3A_116 : vector<16xf32>
      %get3A_118 = arith.constant 8 : i32
      %get3A_119 = arith.index_cast %get3A_118 : i32 to index
      %get3A_120 = arith.constant 16 : index
      %get3A_121 = tpu.vector_load %arg6[%get3A_119, %get3A_120] {strides = array<i32>} : memref<128x32xf32, #tpu.memory_space<vmem>>, vector<1x16xf32>,
      %get3A_122 = vector.shape_cast %get3A_121 : vector<1x16xf32> to vector<16xf32>
      %max3A_123 = arith.maximumf %max3A_111, %get3A_122 : vector<16xf32>
      %get3A_124 = arith.constant 9 : i32
      %get3A_125 = arith.index_cast %get3A_124 : i32 to index
      %get3A_126 = arith.constant 0 : index
      %get3A_127 = tpu.vector_load %arg6[%get3A_125, %get3A_126] {strides = array<i32>} : memref<128x32xf32, #tpu.memory_space<vmem>>, vector<1x16xf32>,
      %get3A_128 = vector.shape_cast %get3A_127 : vector<1x16xf32> to vector<16xf32>
      %max3A_129 = arith.maximumf %max3A_117, %get3A_128 : vector<16xf32>
      %get3A_130 = arith.constant 9 : i32
      %get3A_131 = arith.index_cast %get3A_130 : i32 to index
      %get3A_132 = arith.constant 16 : index
      %get3A_133 = tpu.vector_load %arg6[%get3A_131, %get3A_132] {strides = array<i32>} : memref<128x32xf32, #tpu.memory_space<vmem>>, vector<1x16xf32>,
      %get3A_134 = vector.shape_cast %get3A_133 : vector<1x16xf32> to vector<16xf32>
      %max3A_135 = arith.maximumf %max3A_123, %get3A_134 : vector<16xf32>
      %get3A_136 = arith.constant 10 : i32
      %get3A_137 = arith.index_cast %get3A_136 : i32 to index
      %get3A_138 = arith.constant 0 : index
      %get3A_139 = tpu.vector_load %arg6[%get3A_137, %get3A_138] {strides = array<i32>} : memref<128x32xf32, #tpu.memory_space<vmem>>, vector<1x16xf32>,
      %get3A_140 = vector.shape_cast %get3A_139 : vector<1x16xf32> to vector<16xf32>
      %max3A_141 = arith.maximumf %max3A_129, %get3A_140 : vector<16xf32>
      %get3A_142 = arith.constant 10 : i32
      %get3A_143 = arith.index_cast %get3A_142 : i32 to index
      %get3A_144 = arith.constant 16 : index
      %get3A_145 = tpu.vector_load %arg6[%get3A_143, %get3A_144] {strides = array<i32>} : memref<128x32xf32, #tpu.memory_space<vmem>>, vector<1x16xf32>,
      %get3A_146 = vector.shape_cast %get3A_145 : vector<1x16xf32> to vector<16xf32>
      %max3A_147 = arith.maximumf %max3A_135, %get3A_146 : vector<16xf32>
      %get3A_148 = arith.constant 11 : i32
      %get3A_149 = arith.index_cast %get3A_148 : i32 to index
      %get3A_150 = arith.constant 0 : index
      %get3A_151 = tpu.vector_load %arg6[%get3A_149, %get3A_150] {strides = array<i32>} : memref<128x32xf32, #tpu.memory_space<vmem>>, vector<1x16xf32>,
      %get3A_152 = vector.shape_cast %get3A_151 : vector<1x16xf32> to vector<16xf32>
      %max3A_153 = arith.maximumf %max3A_141, %get3A_152 : vector<16xf32>
      %get3A_154 = arith.constant 11 : i32
      %get3A_155 = arith.index_cast %get3A_154 : i32 to index
      %get3A_156 = arith.constant 16 : index
      %get3A_157 = tpu.vector_load %arg6[%get3A_155, %get3A_156] {strides = array<i32>} : memref<128x32xf32, #tpu.memory_space<vmem>>, vector<1x16xf32>,
      %get3A_158 = vector.shape_cast %get3A_157 : vector<1x16xf32> to vector<16xf32>
      %max3A_159 = arith.maximumf %max3A_147, %get3A_158 : vector<16xf32>
      %get3A_160 = arith.constant 12 : i32
      %get3A_161 = arith.index_cast %get3A_160 : i32 to index
      %get3A_162 = arith.constant 0 : index
      %get3A_163 = tpu.vector_load %arg6[%get3A_161, %get3A_162] {strides = array<i32>} : memref<128x32xf32, #tpu.memory_space<vmem>>, vector<1x16xf32>,
      %get3A_164 = vector.shape_cast %get3A_163 : vector<1x16xf32> to vector<16xf32>
      %max3A_165 = arith.maximumf %max3A_153, %get3A_164 : vector<16xf32>
      %get3A_166 = arith.constant 12 : i32
      %get3A_167 = arith.index_cast %get3A_166 : i32 to index
      %get3A_168 = arith.constant 16 : index
      %get3A_169 = tpu.vector_load %arg6[%get3A_167, %get3A_168] {strides = array<i32>} : memref<128x32xf32, #tpu.memory_space<vmem>>, vector<1x16xf32>,
      %get3A_170 = vector.shape_cast %get3A_169 : vector<1x16xf32> to vector<16xf32>
      %max3A_171 = arith.maximumf %max3A_159, %get3A_170 : vector<16xf32>
      %get3A_172 = arith.constant 13 : i32
      %get3A_173 = arith.index_cast %get3A_172 : i32 to index
      %get3A_174 = arith.constant 0 : index
      %get3A_175 = tpu.vector_load %arg6[%get3A_173, %get3A_174] {strides = array<i32>} : memref<128x32xf32, #tpu.memory_space<vmem>>, vector<1x16xf32>,
      %get3A_176 = vector.shape_cast %get3A_175 : vector<1x16xf32> to vector<16xf32>
      %max3A_177 = arith.maximumf %max3A_165, %get3A_176 : vector<16xf32>
      %get3A_178 = arith.constant 13 : i32
      %get3A_179 = arith.index_cast %get3A_178 : i32 to index
      %get3A_180 = arith.constant 16 : index
      %get3A_181 = tpu.vector_load %arg6[%get3A_179, %get3A_180] {strides = array<i32>} : memref<128x32xf32, #tpu.memory_space<vmem>>, vector<1x16xf32>,
      %get3A_182 = vector.shape_cast %get3A_181 : vector<1x16xf32> to vector<16xf32>
      %max3A_183 = arith.maximumf %max3A_171, %get3A_182 : vector<16xf32>
      %get3A_184 = arith.constant 14 : i32
      %get3A_185 = arith.index_cast %get3A_184 : i32 to index
      %get3A_186 = arith.constant 0 : index
      %get3A_187 = tpu.vector_load %arg6[%get3A_185, %get3A_186] {strides = array<i32>} : memref<128x32xf32, #tpu.memory_space<vmem>>, vector<1x16xf32>,
      %get3A_188 = vector.shape_cast %get3A_187 : vector<1x16xf32> to vector<16xf32>
      %max3A_189 = arith.maximumf %max3A_177, %get3A_188 : vector<16xf32>
      %get3A_190 = arith.constant 14 : i32
      %get3A_191 = arith.index_cast %get3A_190 : i32 to index
      %get3A_192 = arith.constant 16 : index
      %get3A_193 = tpu.vector_load %arg6[%get3A_191, %get3A_192] {strides = array<i32>} : memref<128x32xf32, #tpu.memory_space<vmem>>, vector<1x16xf32>,
      %get3A_194 = vector.shape_cast %get3A_193 : vector<1x16xf32> to vector<16xf32>
      %max3A_195 = arith.maximumf %max3A_183, %get3A_194 : vector<16xf32>
      %get3A_196 = arith.constant 15 : i32
      %get3A_197 = arith.index_cast %get3A_196 : i32 to index
      %get3A_198 = arith.constant 0 : index
      %get3A_199 = tpu.vector_load %arg6[%get3A_197, %get3A_198] {strides = array<i32>} : memref<128x32xf32, #tpu.memory_space<vmem>>, vector<1x16xf32>,
      %get3A_200 = vector.shape_cast %get3A_199 : vector<1x16xf32> to vector<16xf32>
      %max3A_201 = arith.maximumf %max3A_189, %get3A_200 : vector<16xf32>
      %get3A_202 = arith.constant 15 : i32
      %get3A_203 = arith.index_cast %get3A_202 : i32 to index
      %get3A_204 = arith.constant 16 : index
      %get3A_205 = tpu.vector_load %arg6[%get3A_203, %get3A_204] {strides = array<i32>} : memref<128x32xf32, #tpu.memory_space<vmem>>, vector<1x16xf32>,
      %get3A_206 = vector.shape_cast %get3A_205 : vector<1x16xf32> to vector<16xf32>
      %max3A_207 = arith.maximumf %max3A_195, %get3A_206 : vector<16xf32>
      %swap3A = arith.constant 0 : i32
      %swap3A_208 = arith.index_cast %swap3A : i32 to index
      %swap3A_209 = arith.constant 0 : index
      %swap3A_210 = tpu.vector_load %arg7[%swap3A_208, %swap3A_209] {strides = array<i32>} : memref<8x32xf32, #tpu.memory_space<vmem>>, vector<1x16xf32>,
      %swap3A_211 = vector.shape_cast %swap3A_210 : vector<1x16xf32> to vector<16xf32>
      %swap3A_212 = vector.shape_cast %max3A_201 : vector<16xf32> to vector<1x16xf32>
      tpu.vector_store %arg7[%swap3A_208, %swap3A_209], %swap3A_212 {strides = array<i32>} : memref<8x32xf32, #tpu.memory_space<vmem>>, vector<1x16xf32>,
      %swap3A_213 = arith.constant 0 : i32
      %swap3A_214 = arith.index_cast %swap3A_213 : i32 to index
      %swap3A_215 = arith.constant 16 : index
      %swap3A_216 = tpu.vector_load %arg7[%swap3A_214, %swap3A_215] {strides = array<i32>} : memref<8x32xf32, #tpu.memory_space<vmem>>, vector<1x16xf32>,
      %swap3A_217 = vector.shape_cast %swap3A_216 : vector<1x16xf32> to vector<16xf32>
      %swap3A_218 = vector.shape_cast %max3A_207 : vector<16xf32> to vector<1x16xf32>
      tpu.vector_store %arg7[%swap3A_214, %swap3A_215], %swap3A_218 {strides = array<i32>} : memref<8x32xf32, #tpu.memory_space<vmem>>, vector<1x16xf32>,
      %get3A_219 = arith.constant 16 : i32
      %get3A_220 = arith.index_cast %get3A_219 : i32 to index
      %get3A_221 = arith.constant 0 : index
      %get3A_222 = tpu.vector_load %arg6[%get3A_220, %get3A_221] {strides = array<i32>} : memref<128x32xf32, #tpu.memory_space<vmem>>, vector<1x16xf32>,
      %get3A_223 = vector.shape_cast %get3A_222 : vector<1x16xf32> to vector<16xf32>
      %get3A_224 = arith.constant 16 : i32
      %get3A_225 = arith.index_cast %get3A_224 : i32 to index
      %get3A_226 = arith.constant 16 : index
      %get3A_227 = tpu.vector_load %arg6[%get3A_225, %get3A_226] {strides = array<i32>} : memref<128x32xf32, #tpu.memory_space<vmem>>, vector<1x16xf32>,
      %get3A_228 = vector.shape_cast %get3A_227 : vector<1x16xf32> to vector<16xf32>
      %get3A_229 = arith.constant 17 : i32
      %get3A_230 = arith.index_cast %get3A_229 : i32 to index
      %get3A_231 = arith.constant 0 : index
      %get3A_232 = tpu.vector_load %arg6[%get3A_230, %get3A_231] {strides = array<i32>} : memref<128x32xf32, #tpu.memory_space<vmem>>, vector<1x16xf32>,
      %get3A_233 = vector.shape_cast %get3A_232 : vector<1x16xf32> to vector<16xf32>
      %max3A_234 = arith.maximumf %get3A_223, %get3A_233 : vector<16xf32>
      %get3A_235 = arith.constant 17 : i32
      %get3A_236 = arith.index_cast %get3A_235 : i32 to index
      %get3A_237 = arith.constant 16 : index
      %get3A_238 = tpu.vector_load %arg6[%get3A_236, %get3A_237] {strides = array<i32>} : memref<128x32xf32, #tpu.memory_space<vmem>>, vector<1x16xf32>,
      %get3A_239 = vector.shape_cast %get3A_238 : vector<1x16xf32> to vector<16xf32>
      %max3A_240 = arith.maximumf %get3A_228, %get3A_239 : vector<16xf32>
      %get3A_241 = arith.constant 18 : i32
      %get3A_242 = arith.index_cast %get3A_241 : i32 to index
      %get3A_243 = arith.constant 0 : index
      %get3A_244 = tpu.vector_load %arg6[%get3A_242, %get3A_243] {strides = array<i32>} : memref<128x32xf32, #tpu.memory_space<vmem>>, vector<1x16xf32>,
      %get3A_245 = vector.shape_cast %get3A_244 : vector<1x16xf32> to vector<16xf32>
      %max3A_246 = arith.maximumf %max3A_234, %get3A_245 : vector<16xf32>
      %get3A_247 = arith.constant 18 : i32
      %get3A_248 = arith.index_cast %get3A_247 : i32 to index
      %get3A_249 = arith.constant 16 : index
      %get3A_250 = tpu.vector_load %arg6[%get3A_248, %get3A_249] {strides = array<i32>} : memref<128x32xf32, #tpu.memory_space<vmem>>, vector<1x16xf32>,
      %get3A_251 = vector.shape_cast %get3A_250 : vector<1x16xf32> to vector<16xf32>
      %max3A_252 = arith.maximumf %max3A_240, %get3A_251 : vector<16xf32>
      %get3A_253 = arith.constant 19 : i32
      %get3A_254 = arith.index_cast %get3A_253 : i32 to index
      %get3A_255 = arith.constant 0 : index
      %get3A_256 = tpu.vector_load %arg6[%get3A_254, %get3A_255] {strides = array<i32>} : memref<128x32xf32, #tpu.memory_space<vmem>>, vector<1x16xf32>,
      %get3A_257 = vector.shape_cast %get3A_256 : vector<1x16xf32> to vector<16xf32>
      %max3A_258 = arith.maximumf %max3A_246, %get3A_257 : vector<16xf32>
      %get3A_259 = arith.constant 19 : i32
      %get3A_260 = arith.index_cast %get3A_259 : i32 to index
      %get3A_261 = arith.constant 16 : index
      %get3A_262 = tpu.vector_load %arg6[%get3A_260, %get3A_261] {strides = array<i32>} : memref<128x32xf32, #tpu.memory_space<vmem>>, vector<1x16xf32>,
      %get3A_263 = vector.shape_cast %get3A_262 : vector<1x16xf32> to vector<16xf32>
      %max3A_264 = arith.maximumf %max3A_252, %get3A_263 : vector<16xf32>
      %get3A_265 = arith.constant 20 : i32
      %get3A_266 = arith.index_cast %get3A_265 : i32 to index
      %get3A_267 = arith.constant 0 : index
      %get3A_268 = tpu.vector_load %arg6[%get3A_266, %get3A_267] {strides = array<i32>} : memref<128x32xf32, #tpu.memory_space<vmem>>, vector<1x16xf32>,
      %get3A_269 = vector.shape_cast %get3A_268 : vector<1x16xf32> to vector<16xf32>
      %max3A_270 = arith.maximumf %max3A_258, %get3A_269 : vector<16xf32>
      %get3A_271 = arith.constant 20 : i32
      %get3A_272 = arith.index_cast %get3A_271 : i32 to index
      %get3A_273 = arith.constant 16 : index
      %get3A_274 = tpu.vector_load %arg6[%get3A_272, %get3A_273] {strides = array<i32>} : memref<128x32xf32, #tpu.memory_space<vmem>>, vector<1x16xf32>,
      %get3A_275 = vector.shape_cast %get3A_274 : vector<1x16xf32> to vector<16xf32>
      %max3A_276 = arith.maximumf %max3A_264, %get3A_275 : vector<16xf32>
      %get3A_277 = arith.constant 21 : i32
      %get3A_278 = arith.index_cast %get3A_277 : i32 to index
      %get3A_279 = arith.constant 0 : index
      %get3A_280 = tpu.vector_load %arg6[%get3A_278, %get3A_279] {strides = array<i32>} : memref<128x32xf32, #tpu.memory_space<vmem>>, vector<1x16xf32>,
      %get3A_281 = vector.shape_cast %get3A_280 : vector<1x16xf32> to vector<16xf32>
      %max3A_282 = arith.maximumf %max3A_270, %get3A_281 : vector<16xf32>
      %get3A_283 = arith.constant 21 : i32
      %get3A_284 = arith.index_cast %get3A_283 : i32 to index
      %get3A_285 = arith.constant 16 : index
      %get3A_286 = tpu.vector_load %arg6[%get3A_284, %get3A_285] {strides = array<i32>} : memref<128x32xf32, #tpu.memory_space<vmem>>, vector<1x16xf32>,
      %get3A_287 = vector.shape_cast %get3A_286 : vector<1x16xf32> to vector<16xf32>
      %max3A_288 = arith.maximumf %max3A_276, %get3A_287 : vector<16xf32>
      %get3A_289 = arith.constant 22 : i32
      %get3A_290 = arith.index_cast %get3A_289 : i32 to index
      %get3A_291 = arith.constant 0 : index
      %get3A_292 = tpu.vector_load %arg6[%get3A_290, %get3A_291] {strides = array<i32>} : memref<128x32xf32, #tpu.memory_space<vmem>>, vector<1x16xf32>,
      %get3A_293 = vector.shape_cast %get3A_292 : vector<1x16xf32> to vector<16xf32>
      %max3A_294 = arith.maximumf %max3A_282, %get3A_293 : vector<16xf32>
      %get3A_295 = arith.constant 22 : i32
      %get3A_296 = arith.index_cast %get3A_295 : i32 to index
      %get3A_297 = arith.constant 16 : index
      %get3A_298 = tpu.vector_load %arg6[%get3A_296, %get3A_297] {strides = array<i32>} : memref<128x32xf32, #tpu.memory_space<vmem>>, vector<1x16xf32>,
      %get3A_299 = vector.shape_cast %get3A_298 : vector<1x16xf32> to vector<16xf32>
      %max3A_300 = arith.maximumf %max3A_288, %get3A_299 : vector<16xf32>
      %get3A_301 = arith.constant 23 : i32
      %get3A_302 = arith.index_cast %get3A_301 : i32 to index
      %get3A_303 = arith.constant 0 : index
      %get3A_304 = tpu.vector_load %arg6[%get3A_302, %get3A_303] {strides = array<i32>} : memref<128x32xf32, #tpu.memory_space<vmem>>, vector<1x16xf32>,
      %get3A_305 = vector.shape_cast %get3A_304 : vector<1x16xf32> to vector<16xf32>
      %max3A_306 = arith.maximumf %max3A_294, %get3A_305 : vector<16xf32>
      %get3A_307 = arith.constant 23 : i32
      %get3A_308 = arith.index_cast %get3A_307 : i32 to index
      %get3A_309 = arith.constant 16 : index
      %get3A_310 = tpu.vector_load %arg6[%get3A_308, %get3A_309] {strides = array<i32>} : memref<128x32xf32, #tpu.memory_space<vmem>>, vector<1x16xf32>,
      %get3A_311 = vector.shape_cast %get3A_310 : vector<1x16xf32> to vector<16xf32>
      %max3A_312 = arith.maximumf %max3A_300, %get3A_311 : vector<16xf32>
      %get3A_313 = arith.constant 24 : i32
      %get3A_314 = arith.index_cast %get3A_313 : i32 to index
      %get3A_315 = arith.constant 0 : index
      %get3A_316 = tpu.vector_load %arg6[%get3A_314, %get3A_315] {strides = array<i32>} : memref<128x32xf32, #tpu.memory_space<vmem>>, vector<1x16xf32>,
      %get3A_317 = vector.shape_cast %get3A_316 : vector<1x16xf32> to vector<16xf32>
      %max3A_318 = arith.maximumf %max3A_306, %get3A_317 : vector<16xf32>
      %get3A_319 = arith.constant 24 : i32
      %get3A_320 = arith.index_cast %get3A_319 : i32 to index
      %get3A_321 = arith.constant 16 : index
      %get3A_322 = tpu.vector_load %arg6[%get3A_320, %get3A_321] {strides = array<i32>} : memref<128x32xf32, #tpu.memory_space<vmem>>, vector<1x16xf32>,
      %get3A_323 = vector.shape_cast %get3A_322 : vector<1x16xf32> to vector<16xf32>
      %max3A_324 = arith.maximumf %max3A_312, %get3A_323 : vector<16xf32>
      %get3A_325 = arith.constant 25 : i32
      %get3A_326 = arith.index_cast %get3A_325 : i32 to index
      %get3A_327 = arith.constant 0 : index
      %get3A_328 = tpu.vector_load %arg6[%get3A_326, %get3A_327] {strides = array<i32>} : memref<128x32xf32, #tpu.memory_space<vmem>>, vector<1x16xf32>,
      %get3A_329 = vector.shape_cast %get3A_328 : vector<1x16xf32> to vector<16xf32>
      %max3A_330 = arith.maximumf %max3A_318, %get3A_329 : vector<16xf32>
      %get3A_331 = arith.constant 25 : i32
      %get3A_332 = arith.index_cast %get3A_331 : i32 to index
      %get3A_333 = arith.constant 16 : index
      %get3A_334 = tpu.vector_load %arg6[%get3A_332, %get3A_333] {strides = array<i32>} : memref<128x32xf32, #tpu.memory_space<vmem>>, vector<1x16xf32>,
      %get3A_335 = vector.shape_cast %get3A_334 : vector<1x16xf32> to vector<16xf32>
      %max3A_336 = arith.maximumf %max3A_324, %get3A_335 : vector<16xf32>
      %get3A_337 = arith.constant 26 : i32
      %get3A_338 = arith.index_cast %get3A_337 : i32 to index
      %get3A_339 = arith.constant 0 : index
      %get3A_340 = tpu.vector_load %arg6[%get3A_338, %get3A_339] {strides = array<i32>} : memref<128x32xf32, #tpu.memory_space<vmem>>, vector<1x16xf32>,
      %get3A_341 = vector.shape_cast %get3A_340 : vector<1x16xf32> to vector<16xf32>
      %max3A_342 = arith.maximumf %max3A_330, %get3A_341 : vector<16xf32>
      %get3A_343 = arith.constant 26 : i32
      %get3A_344 = arith.index_cast %get3A_343 : i32 to index
      %get3A_345 = arith.constant 16 : index
      %get3A_346 = tpu.vector_load %arg6[%get3A_344, %get3A_345] {strides = array<i32>} : memref<128x32xf32, #tpu.memory_space<vmem>>, vector<1x16xf32>,
      %get3A_347 = vector.shape_cast %get3A_346 : vector<1x16xf32> to vector<16xf32>
      %max3A_348 = arith.maximumf %max3A_336, %get3A_347 : vector<16xf32>
      %get3A_349 = arith.constant 27 : i32
      %get3A_350 = arith.index_cast %get3A_349 : i32 to index
      %get3A_351 = arith.constant 0 : index
      %get3A_352 = tpu.vector_load %arg6[%get3A_350, %get3A_351] {strides = array<i32>} : memref<128x32xf32, #tpu.memory_space<vmem>>, vector<1x16xf32>,
      %get3A_353 = vector.shape_cast %get3A_352 : vector<1x16xf32> to vector<16xf32>
      %max3A_354 = arith.maximumf %max3A_342, %get3A_353 : vector<16xf32>
      %get3A_355 = arith.constant 27 : i32
      %get3A_356 = arith.index_cast %get3A_355 : i32 to index
      %get3A_357 = arith.constant 16 : index
      %get3A_358 = tpu.vector_load %arg6[%get3A_356, %get3A_357] {strides = array<i32>} : memref<128x32xf32, #tpu.memory_space<vmem>>, vector<1x16xf32>,
      %get3A_359 = vector.shape_cast %get3A_358 : vector<1x16xf32> to vector<16xf32>
      %max3A_360 = arith.maximumf %max3A_348, %get3A_359 : vector<16xf32>
      %get3A_361 = arith.constant 28 : i32
      %get3A_362 = arith.index_cast %get3A_361 : i32 to index
      %get3A_363 = arith.constant 0 : index
      %get3A_364 = tpu.vector_load %arg6[%get3A_362, %get3A_363] {strides = array<i32>} : memref<128x32xf32, #tpu.memory_space<vmem>>, vector<1x16xf32>,
      %get3A_365 = vector.shape_cast %get3A_364 : vector<1x16xf32> to vector<16xf32>
      %max3A_366 = arith.maximumf %max3A_354, %get3A_365 : vector<16xf32>
      %get3A_367 = arith.constant 28 : i32
      %get3A_368 = arith.index_cast %get3A_367 : i32 to index
      %get3A_369 = arith.constant 16 : index
      %get3A_370 = tpu.vector_load %arg6[%get3A_368, %get3A_369] {strides = array<i32>} : memref<128x32xf32, #tpu.memory_space<vmem>>, vector<1x16xf32>,
      %get3A_371 = vector.shape_cast %get3A_370 : vector<1x16xf32> to vector<16xf32>
      %max3A_372 = arith.maximumf %max3A_360, %get3A_371 : vector<16xf32>
      %get3A_373 = arith.constant 29 : i32
      %get3A_374 = arith.index_cast %get3A_373 : i32 to index
      %get3A_375 = arith.constant 0 : index
      %get3A_376 = tpu.vector_load %arg6[%get3A_374, %get3A_375] {strides = array<i32>} : memref<128x32xf32, #tpu.memory_space<vmem>>, vector<1x16xf32>,
      %get3A_377 = vector.shape_cast %get3A_376 : vector<1x16xf32> to vector<16xf32>
      %max3A_378 = arith.maximumf %max3A_366, %get3A_377 : vector<16xf32>
      %get3A_379 = arith.constant 29 : i32
      %get3A_380 = arith.index_cast %get3A_379 : i32 to index
      %get3A_381 = arith.constant 16 : index
      %get3A_382 = tpu.vector_load %arg6[%get3A_380, %get3A_381] {strides = array<i32>} : memref<128x32xf32, #tpu.memory_space<vmem>>, vector<1x16xf32>,
      %get3A_383 = vector.shape_cast %get3A_382 : vector<1x16xf32> to vector<16xf32>
      %max3A_384 = arith.maximumf %max3A_372, %get3A_383 : vector<16xf32>
      %get3A_385 = arith.constant 30 : i32
      %get3A_386 = arith.index_cast %get3A_385 : i32 to index
      %get3A_387 = arith.constant 0 : index
      %get3A_388 = tpu.vector_load %arg6[%get3A_386, %get3A_387] {strides = array<i32>} : memref<128x32xf32, #tpu.memory_space<vmem>>, vector<1x16xf32>,
      %get3A_389 = vector.shape_cast %get3A_388 : vector<1x16xf32> to vector<16xf32>
      %max3A_390 = arith.maximumf %max3A_378, %get3A_389 : vector<16xf32>
      %get3A_391 = arith.constant 30 : i32
      %get3A_392 = arith.index_cast %get3A_391 : i32 to index
      %get3A_393 = arith.constant 16 : index
      %get3A_394 = tpu.vector_load %arg6[%get3A_392, %get3A_393] {strides = array<i32>} : memref<128x32xf32, #tpu.memory_space<vmem>>, vector<1x16xf32>,
      %get3A_395 = vector.shape_cast %get3A_394 : vector<1x16xf32> to vector<16xf32>
      %max3A_396 = arith.maximumf %max3A_384, %get3A_395 : vector<16xf32>
      %get3A_397 = arith.constant 31 : i32
      %get3A_398 = arith.index_cast %get3A_397 : i32 to index
      %get3A_399 = arith.constant 0 : index
      %get3A_400 = tpu.vector_load %arg6[%get3A_398, %get3A_399] {strides = array<i32>} : memref<128x32xf32, #tpu.memory_space<vmem>>, vector<1x16xf32>,
      %get3A_401 = vector.shape_cast %get3A_400 : vector<1x16xf32> to vector<16xf32>
      %max3A_402 = arith.maximumf %max3A_390, %get3A_401 : vector<16xf32>
      %get3A_403 = arith.constant 31 : i32
      %get3A_404 = arith.index_cast %get3A_403 : i32 to index
      %get3A_405 = arith.constant 16 : index
      %get3A_406 = tpu.vector_load %arg6[%get3A_404, %get3A_405] {strides = array<i32>} : memref<128x32xf32, #tpu.memory_space<vmem>>, vector<1x16xf32>,
      %get3A_407 = vector.shape_cast %get3A_406 : vector<1x16xf32> to vector<16xf32>
      %max3A_408 = arith.maximumf %max3A_396, %get3A_407 : vector<16xf32>
      %swap3A_409 = arith.constant 1 : i32
      %swap3A_410 = arith.index_cast %swap3A_409 : i32 to index
      %swap3A_411 = arith.constant 0 : index
      %swap3A_412 = tpu.vector_load %arg7[%swap3A_410, %swap3A_411] {strides = array<i32>} : memref<8x32xf32, #tpu.memory_space<vmem>>, vector<1x16xf32>,
      %swap3A_413 = vector.shape_cast %swap3A_412 : vector<1x16xf32> to vector<16xf32>
      %swap3A_414 = vector.shape_cast %max3A_402 : vector<16xf32> to vector<1x16xf32>
      tpu.vector_store %arg7[%swap3A_410, %swap3A_411], %swap3A_414 {strides = array<i32>} : memref<8x32xf32, #tpu.memory_space<vmem>>, vector<1x16xf32>,
      %swap3A_415 = arith.constant 1 : i32
      %swap3A_416 = arith.index_cast %swap3A_415 : i32 to index
      %swap3A_417 = arith.constant 16 : index
      %swap3A_418 = tpu.vector_load %arg7[%swap3A_416, %swap3A_417] {strides = array<i32>} : memref<8x32xf32, #tpu.memory_space<vmem>>, vector<1x16xf32>,
      %swap3A_419 = vector.shape_cast %swap3A_418 : vector<1x16xf32> to vector<16xf32>
      %swap3A_420 = vector.shape_cast %max3A_408 : vector<16xf32> to vector<1x16xf32>
      tpu.vector_store %arg7[%swap3A_416, %swap3A_417], %swap3A_420 {strides = array<i32>} : memref<8x32xf32, #tpu.memory_space<vmem>>, vector<1x16xf32>,
      %get3A_421 = arith.constant 32 : i32
      %get3A_422 = arith.index_cast %get3A_421 : i32 to index
      %get3A_423 = arith.constant 0 : index
      %get3A_424 = tpu.vector_load %arg6[%get3A_422, %get3A_423] {strides = array<i32>} : memref<128x32xf32, #tpu.memory_space<vmem>>, vector<1x16xf32>,
      %get3A_425 = vector.shape_cast %get3A_424 : vector<1x16xf32> to vector<16xf32>
      %get3A_426 = arith.constant 32 : i32
      %get3A_427 = arith.index_cast %get3A_426 : i32 to index
      %get3A_428 = arith.constant 16 : index
      %get3A_429 = tpu.vector_load %arg6[%get3A_427, %get3A_428] {strides = array<i32>} : memref<128x32xf32, #tpu.memory_space<vmem>>, vector<1x16xf32>,
      %get3A_430 = vector.shape_cast %get3A_429 : vector<1x16xf32> to vector<16xf32>
      %get3A_431 = arith.constant 33 : i32
      %get3A_432 = arith.index_cast %get3A_431 : i32 to index
      %get3A_433 = arith.constant 0 : index
      %get3A_434 = tpu.vector_load %arg6[%get3A_432, %get3A_433] {strides = array<i32>} : memref<128x32xf32, #tpu.memory_space<vmem>>, vector<1x16xf32>,
      %get3A_435 = vector.shape_cast %get3A_434 : vector<1x16xf32> to vector<16xf32>
      %max3A_436 = arith.maximumf %get3A_425, %get3A_435 : vector<16xf32>
      %get3A_437 = arith.constant 33 : i32
      %get3A_438 = arith.index_cast %get3A_437 : i32 to index
      %get3A_439 = arith.constant 16 : index
      %get3A_440 = tpu.vector_load %arg6[%get3A_438, %get3A_439] {strides = array<i32>} : memref<128x32xf32, #tpu.memory_space<vmem>>, vector<1x16xf32>,
      %get3A_441 = vector.shape_cast %get3A_440 : vector<1x16xf32> to vector<16xf32>
      %max3A_442 = arith.maximumf %get3A_430, %get3A_441 : vector<16xf32>
      %get3A_443 = arith.constant 34 : i32
      %get3A_444 = arith.index_cast %get3A_443 : i32 to index
      %get3A_445 = arith.constant 0 : index
      %get3A_446 = tpu.vector_load %arg6[%get3A_444, %get3A_445] {strides = array<i32>} : memref<128x32xf32, #tpu.memory_space<vmem>>, vector<1x16xf32>,
      %get3A_447 = vector.shape_cast %get3A_446 : vector<1x16xf32> to vector<16xf32>
      %max3A_448 = arith.maximumf %max3A_436, %get3A_447 : vector<16xf32>
      %get3A_449 = arith.constant 34 : i32
      %get3A_450 = arith.index_cast %get3A_449 : i32 to index
      %get3A_451 = arith.constant 16 : index
      %get3A_452 = tpu.vector_load %arg6[%get3A_450, %get3A_451] {strides = array<i32>} : memref<128x32xf32, #tpu.memory_space<vmem>>, vector<1x16xf32>,
      %get3A_453 = vector.shape_cast %get3A_452 : vector<1x16xf32> to vector<16xf32>
      %max3A_454 = arith.maximumf %max3A_442, %get3A_453 : vector<16xf32>
      %get3A_455 = arith.constant 35 : i32
      %get3A_456 = arith.index_cast %get3A_455 : i32 to index
      %get3A_457 = arith.constant 0 : index
      %get3A_458 = tpu.vector_load %arg6[%get3A_456, %get3A_457] {strides = array<i32>} : memref<128x32xf32, #tpu.memory_space<vmem>>, vector<1x16xf32>,
      %get3A_459 = vector.shape_cast %get3A_458 : vector<1x16xf32> to vector<16xf32>
      %max3A_460 = arith.maximumf %max3A_448, %get3A_459 : vector<16xf32>
      %get3A_461 = arith.constant 35 : i32
      %get3A_462 = arith.index_cast %get3A_461 : i32 to index
      %get3A_463 = arith.constant 16 : index
      %get3A_464 = tpu.vector_load %arg6[%get3A_462, %get3A_463] {strides = array<i32>} : memref<128x32xf32, #tpu.memory_space<vmem>>, vector<1x16xf32>,
      %get3A_465 = vector.shape_cast %get3A_464 : vector<1x16xf32> to vector<16xf32>
      %max3A_466 = arith.maximumf %max3A_454, %get3A_465 : vector<16xf32>
      %get3A_467 = arith.constant 36 : i32
      %get3A_468 = arith.index_cast %get3A_467 : i32 to index
      %get3A_469 = arith.constant 0 : index
      %get3A_470 = tpu.vector_load %arg6[%get3A_468, %get3A_469] {strides = array<i32>} : memref<128x32xf32, #tpu.memory_space<vmem>>, vector<1x16xf32>,
      %get3A_471 = vector.shape_cast %get3A_470 : vector<1x16xf32> to vector<16xf32>
      %max3A_472 = arith.maximumf %max3A_460, %get3A_471 : vector<16xf32>
      %get3A_473 = arith.constant 36 : i32
      %get3A_474 = arith.index_cast %get3A_473 : i32 to index
      %get3A_475 = arith.constant 16 : index
      %get3A_476 = tpu.vector_load %arg6[%get3A_474, %get3A_475] {strides = array<i32>} : memref<128x32xf32, #tpu.memory_space<vmem>>, vector<1x16xf32>,
      %get3A_477 = vector.shape_cast %get3A_476 : vector<1x16xf32> to vector<16xf32>
      %max3A_478 = arith.maximumf %max3A_466, %get3A_477 : vector<16xf32>
      %get3A_479 = arith.constant 37 : i32
      %get3A_480 = arith.index_cast %get3A_479 : i32 to index
      %get3A_481 = arith.constant 0 : index
      %get3A_482 = tpu.vector_load %arg6[%get3A_480, %get3A_481] {strides = array<i32>} : memref<128x32xf32, #tpu.memory_space<vmem>>, vector<1x16xf32>,
      %get3A_483 = vector.shape_cast %get3A_482 : vector<1x16xf32> to vector<16xf32>
      %max3A_484 = arith.maximumf %max3A_472, %get3A_483 : vector<16xf32>
      %get3A_485 = arith.constant 37 : i32
      %get3A_486 = arith.index_cast %get3A_485 : i32 to index
      %get3A_487 = arith.constant 16 : index
      %get3A_488 = tpu.vector_load %arg6[%get3A_486, %get3A_487] {strides = array<i32>} : memref<128x32xf32, #tpu.memory_space<vmem>>, vector<1x16xf32>,
      %get3A_489 = vector.shape_cast %get3A_488 : vector<1x16xf32> to vector<16xf32>
      %max3A_490 = arith.maximumf %max3A_478, %get3A_489 : vector<16xf32>
      %get3A_491 = arith.constant 38 : i32
      %get3A_492 = arith.index_cast %get3A_491 : i32 to index
      %get3A_493 = arith.constant 0 : index
      %get3A_494 = tpu.vector_load %arg6[%get3A_492, %get3A_493] {strides = array<i32>} : memref<128x32xf32, #tpu.memory_space<vmem>>, vector<1x16xf32>,
      %get3A_495 = vector.shape_cast %get3A_494 : vector<1x16xf32> to vector<16xf32>
      %max3A_496 = arith.maximumf %max3A_484, %get3A_495 : vector<16xf32>
      %get3A_497 = arith.constant 38 : i32
      %get3A_498 = arith.index_cast %get3A_497 : i32 to index
      %get3A_499 = arith.constant 16 : index
      %get3A_500 = tpu.vector_load %arg6[%get3A_498, %get3A_499] {strides = array<i32>} : memref<128x32xf32, #tpu.memory_space<vmem>>, vector<1x16xf32>,
      %get3A_501 = vector.shape_cast %get3A_500 : vector<1x16xf32> to vector<16xf32>
      %max3A_502 = arith.maximumf %max3A_490, %get3A_501 : vector<16xf32>
      %get3A_503 = arith.constant 39 : i32
      %get3A_504 = arith.index_cast %get3A_503 : i32 to index
      %get3A_505 = arith.constant 0 : index
      %get3A_506 = tpu.vector_load %arg6[%get3A_504, %get3A_505] {strides = array<i32>} : memref<128x32xf32, #tpu.memory_space<vmem>>, vector<1x16xf32>,
      %get3A_507 = vector.shape_cast %get3A_506 : vector<1x16xf32> to vector<16xf32>
      %max3A_508 = arith.maximumf %max3A_496, %get3A_507 : vector<16xf32>
      %get3A_509 = arith.constant 39 : i32
      %get3A_510 = arith.index_cast %get3A_509 : i32 to index
      %get3A_511 = arith.constant 16 : index
      %get3A_512 = tpu.vector_load %arg6[%get3A_510, %get3A_511] {strides = array<i32>} : memref<128x32xf32, #tpu.memory_space<vmem>>, vector<1x16xf32>,
      %get3A_513 = vector.shape_cast %get3A_512 : vector<1x16xf32> to vector<16xf32>
      %max3A_514 = arith.maximumf %max3A_502, %get3A_513 : vector<16xf32>
      %get3A_515 = arith.constant 40 : i32
      %get3A_516 = arith.index_cast %get3A_515 : i32 to index
      %get3A_517 = arith.constant 0 : index
      %get3A_518 = tpu.vector_load %arg6[%get3A_516, %get3A_517] {strides = array<i32>} : memref<128x32xf32, #tpu.memory_space<vmem>>, vector<1x16xf32>,
      %get3A_519 = vector.shape_cast %get3A_518 : vector<1x16xf32> to vector<16xf32>
      %max3A_520 = arith.maximumf %max3A_508, %get3A_519 : vector<16xf32>
      %get3A_521 = arith.constant 40 : i32
      %get3A_522 = arith.index_cast %get3A_521 : i32 to index
      %get3A_523 = arith.constant 16 : index
      %get3A_524 = tpu.vector_load %arg6[%get3A_522, %get3A_523] {strides = array<i32>} : memref<128x32xf32, #tpu.memory_space<vmem>>, vector<1x16xf32>,
      %get3A_525 = vector.shape_cast %get3A_524 : vector<1x16xf32> to vector<16xf32>
      %max3A_526 = arith.maximumf %max3A_514, %get3A_525 : vector<16xf32>
      %get3A_527 = arith.constant 41 : i32
      %get3A_528 = arith.index_cast %get3A_527 : i32 to index
      %get3A_529 = arith.constant 0 : index
      %get3A_530 = tpu.vector_load %arg6[%get3A_528, %get3A_529] {strides = array<i32>} : memref<128x32xf32, #tpu.memory_space<vmem>>, vector<1x16xf32>,
      %get3A_531 = vector.shape_cast %get3A_530 : vector<1x16xf32> to vector<16xf32>
      %max3A_532 = arith.maximumf %max3A_520, %get3A_531 : vector<16xf32>
      %get3A_533 = arith.constant 41 : i32
      %get3A_534 = arith.index_cast %get3A_533 : i32 to index
      %get3A_535 = arith.constant 16 : index
      %get3A_536 = tpu.vector_load %arg6[%get3A_534, %get3A_535] {strides = array<i32>} : memref<128x32xf32, #tpu.memory_space<vmem>>, vector<1x16xf32>,
      %get3A_537 = vector.shape_cast %get3A_536 : vector<1x16xf32> to vector<16xf32>
      %max3A_538 = arith.maximumf %max3A_526, %get3A_537 : vector<16xf32>
      %get3A_539 = arith.constant 42 : i32
      %get3A_540 = arith.index_cast %get3A_539 : i32 to index
      %get3A_541 = arith.constant 0 : index
      %get3A_542 = tpu.vector_load %arg6[%get3A_540, %get3A_541] {strides = array<i32>} : memref<128x32xf32, #tpu.memory_space<vmem>>, vector<1x16xf32>,
      %get3A_543 = vector.shape_cast %get3A_542 : vector<1x16xf32> to vector<16xf32>
      %max3A_544 = arith.maximumf %max3A_532, %get3A_543 : vector<16xf32>
      %get3A_545 = arith.constant 42 : i32
      %get3A_546 = arith.index_cast %get3A_545 : i32 to index
      %get3A_547 = arith.constant 16 : index
      %get3A_548 = tpu.vector_load %arg6[%get3A_546, %get3A_547] {strides = array<i32>} : memref<128x32xf32, #tpu.memory_space<vmem>>, vector<1x16xf32>,
      %get3A_549 = vector.shape_cast %get3A_548 : vector<1x16xf32> to vector<16xf32>
      %max3A_550 = arith.maximumf %max3A_538, %get3A_549 : vector<16xf32>
      %get3A_551 = arith.constant 43 : i32
      %get3A_552 = arith.index_cast %get3A_551 : i32 to index
      %get3A_553 = arith.constant 0 : index
      %get3A_554 = tpu.vector_load %arg6[%get3A_552, %get3A_553] {strides = array<i32>} : memref<128x32xf32, #tpu.memory_space<vmem>>, vector<1x16xf32>,
      %get3A_555 = vector.shape_cast %get3A_554 : vector<1x16xf32> to vector<16xf32>
      %max3A_556 = arith.maximumf %max3A_544, %get3A_555 : vector<16xf32>
      %get3A_557 = arith.constant 43 : i32
      %get3A_558 = arith.index_cast %get3A_557 : i32 to index
      %get3A_559 = arith.constant 16 : index
      %get3A_560 = tpu.vector_load %arg6[%get3A_558, %get3A_559] {strides = array<i32>} : memref<128x32xf32, #tpu.memory_space<vmem>>, vector<1x16xf32>,
      %get3A_561 = vector.shape_cast %get3A_560 : vector<1x16xf32> to vector<16xf32>
      %max3A_562 = arith.maximumf %max3A_550, %get3A_561 : vector<16xf32>
      %get3A_563 = arith.constant 44 : i32
      %get3A_564 = arith.index_cast %get3A_563 : i32 to index
      %get3A_565 = arith.constant 0 : index
      %get3A_566 = tpu.vector_load %arg6[%get3A_564, %get3A_565] {strides = array<i32>} : memref<128x32xf32, #tpu.memory_space<vmem>>, vector<1x16xf32>,
      %get3A_567 = vector.shape_cast %get3A_566 : vector<1x16xf32> to vector<16xf32>
      %max3A_568 = arith.maximumf %max3A_556, %get3A_567 : vector<16xf32>
      %get3A_569 = arith.constant 44 : i32
      %get3A_570 = arith.index_cast %get3A_569 : i32 to index
      %get3A_571 = arith.constant 16 : index
      %get3A_572 = tpu.vector_load %arg6[%get3A_570, %get3A_571] {strides = array<i32>} : memref<128x32xf32, #tpu.memory_space<vmem>>, vector<1x16xf32>,
      %get3A_573 = vector.shape_cast %get3A_572 : vector<1x16xf32> to vector<16xf32>
      %max3A_574 = arith.maximumf %max3A_562, %get3A_573 : vector<16xf32>
      %get3A_575 = arith.constant 45 : i32
      %get3A_576 = arith.index_cast %get3A_575 : i32 to index
      %get3A_577 = arith.constant 0 : index
      %get3A_578 = tpu.vector_load %arg6[%get3A_576, %get3A_577] {strides = array<i32>} : memref<128x32xf32, #tpu.memory_space<vmem>>, vector<1x16xf32>,
      %get3A_579 = vector.shape_cast %get3A_578 : vector<1x16xf32> to vector<16xf32>
      %max3A_580 = arith.maximumf %max3A_568, %get3A_579 : vector<16xf32>
      %get3A_581 = arith.constant 45 : i32
      %get3A_582 = arith.index_cast %get3A_581 : i32 to index
      %get3A_583 = arith.constant 16 : index
      %get3A_584 = tpu.vector_load %arg6[%get3A_582, %get3A_583] {strides = array<i32>} : memref<128x32xf32, #tpu.memory_space<vmem>>, vector<1x16xf32>,
      %get3A_585 = vector.shape_cast %get3A_584 : vector<1x16xf32> to vector<16xf32>
      %max3A_586 = arith.maximumf %max3A_574, %get3A_585 : vector<16xf32>
      %get3A_587 = arith.constant 46 : i32
      %get3A_588 = arith.index_cast %get3A_587 : i32 to index
      %get3A_589 = arith.constant 0 : index
      %get3A_590 = tpu.vector_load %arg6[%get3A_588, %get3A_589] {strides = array<i32>} : memref<128x32xf32, #tpu.memory_space<vmem>>, vector<1x16xf32>,
      %get3A_591 = vector.shape_cast %get3A_590 : vector<1x16xf32> to vector<16xf32>
      %max3A_592 = arith.maximumf %max3A_580, %get3A_591 : vector<16xf32>
      %get3A_593 = arith.constant 46 : i32
      %get3A_594 = arith.index_cast %get3A_593 : i32 to index
      %get3A_595 = arith.constant 16 : index
      %get3A_596 = tpu.vector_load %arg6[%get3A_594, %get3A_595] {strides = array<i32>} : memref<128x32xf32, #tpu.memory_space<vmem>>, vector<1x16xf32>,
      %get3A_597 = vector.shape_cast %get3A_596 : vector<1x16xf32> to vector<16xf32>
      %max3A_598 = arith.maximumf %max3A_586, %get3A_597 : vector<16xf32>
      %get3A_599 = arith.constant 47 : i32
      %get3A_600 = arith.index_cast %get3A_599 : i32 to index
      %get3A_601 = arith.constant 0 : index
      %get3A_602 = tpu.vector_load %arg6[%get3A_600, %get3A_601] {strides = array<i32>} : memref<128x32xf32, #tpu.memory_space<vmem>>, vector<1x16xf32>,
      %get3A_603 = vector.shape_cast %get3A_602 : vector<1x16xf32> to vector<16xf32>
      %max3A_604 = arith.maximumf %max3A_592, %get3A_603 : vector<16xf32>
      %get3A_605 = arith.constant 47 : i32
      %get3A_606 = arith.index_cast %get3A_605 : i32 to index
      %get3A_607 = arith.constant 16 : index
      %get3A_608 = tpu.vector_load %arg6[%get3A_606, %get3A_607] {strides = array<i32>} : memref<128x32xf32, #tpu.memory_space<vmem>>, vector<1x16xf32>,
      %get3A_609 = vector.shape_cast %get3A_608 : vector<1x16xf32> to vector<16xf32>
      %max3A_610 = arith.maximumf %max3A_598, %get3A_609 : vector<16xf32>
      %swap3A_611 = arith.constant 2 : i32
      %swap3A_612 = arith.index_cast %swap3A_611 : i32 to index
      %swap3A_613 = arith.constant 0 : index
      %swap3A_614 = tpu.vector_load %arg7[%swap3A_612, %swap3A_613] {strides = array<i32>} : memref<8x32xf32, #tpu.memory_space<vmem>>, vector<1x16xf32>,
      %swap3A_615 = vector.shape_cast %swap3A_614 : vector<1x16xf32> to vector<16xf32>
      %swap3A_616 = vector.shape_cast %max3A_604 : vector<16xf32> to vector<1x16xf32>
      tpu.vector_store %arg7[%swap3A_612, %swap3A_613], %swap3A_616 {strides = array<i32>} : memref<8x32xf32, #tpu.memory_space<vmem>>, vector<1x16xf32>,
      %swap3A_617 = arith.constant 2 : i32
      %swap3A_618 = arith.index_cast %swap3A_617 : i32 to index
      %swap3A_619 = arith.constant 16 : index
      %swap3A_620 = tpu.vector_load %arg7[%swap3A_618, %swap3A_619] {strides = array<i32>} : memref<8x32xf32, #tpu.memory_space<vmem>>, vector<1x16xf32>,
      %swap3A_621 = vector.shape_cast %swap3A_620 : vector<1x16xf32> to vector<16xf32>
      %swap3A_622 = vector.shape_cast %max3A_610 : vector<16xf32> to vector<1x16xf32>
      tpu.vector_store %arg7[%swap3A_618, %swap3A_619], %swap3A_622 {strides = array<i32>} : memref<8x32xf32, #tpu.memory_space<vmem>>, vector<1x16xf32>,
      %get3A_623 = arith.constant 48 : i32
      %get3A_624 = arith.index_cast %get3A_623 : i32 to index
      %get3A_625 = arith.constant 0 : index
      %get3A_626 = tpu.vector_load %arg6[%get3A_624, %get3A_625] {strides = array<i32>} : memref<128x32xf32, #tpu.memory_space<vmem>>, vector<1x16xf32>,
      %get3A_627 = vector.shape_cast %get3A_626 : vector<1x16xf32> to vector<16xf32>
      %get3A_628 = arith.constant 48 : i32
      %get3A_629 = arith.index_cast %get3A_628 : i32 to index
      %get3A_630 = arith.constant 16 : index
      %get3A_631 = tpu.vector_load %arg6[%get3A_629, %get3A_630] {strides = array<i32>} : memref<128x32xf32, #tpu.memory_space<vmem>>, vector<1x16xf32>,
      %get3A_632 = vector.shape_cast %get3A_631 : vector<1x16xf32> to vector<16xf32>
      %get3A_633 = arith.constant 49 : i32
      %get3A_634 = arith.index_cast %get3A_633 : i32 to index
      %get3A_635 = arith.constant 0 : index
      %get3A_636 = tpu.vector_load %arg6[%get3A_634, %get3A_635] {strides = array<i32>} : memref<128x32xf32, #tpu.memory_space<vmem>>, vector<1x16xf32>,
      %get3A_637 = vector.shape_cast %get3A_636 : vector<1x16xf32> to vector<16xf32>
      %max3A_638 = arith.maximumf %get3A_627, %get3A_637 : vector<16xf32>
      %get3A_639 = arith.constant 49 : i32
      %get3A_640 = arith.index_cast %get3A_639 : i32 to index
      %get3A_641 = arith.constant 16 : index
      %get3A_642 = tpu.vector_load %arg6[%get3A_640, %get3A_641] {strides = array<i32>} : memref<128x32xf32, #tpu.memory_space<vmem>>, vector<1x16xf32>,
      %get3A_643 = vector.shape_cast %get3A_642 : vector<1x16xf32> to vector<16xf32>
      %max3A_644 = arith.maximumf %get3A_632, %get3A_643 : vector<16xf32>
      %get3A_645 = arith.constant 50 : i32
      %get3A_646 = arith.index_cast %get3A_645 : i32 to index
      %get3A_647 = arith.constant 0 : index
      %get3A_648 = tpu.vector_load %arg6[%get3A_646, %get3A_647] {strides = array<i32>} : memref<128x32xf32, #tpu.memory_space<vmem>>, vector<1x16xf32>,
      %get3A_649 = vector.shape_cast %get3A_648 : vector<1x16xf32> to vector<16xf32>
      %max3A_650 = arith.maximumf %max3A_638, %get3A_649 : vector<16xf32>
      %get3A_651 = arith.constant 50 : i32
      %get3A_652 = arith.index_cast %get3A_651 : i32 to index
      %get3A_653 = arith.constant 16 : index
      %get3A_654 = tpu.vector_load %arg6[%get3A_652, %get3A_653] {strides = array<i32>} : memref<128x32xf32, #tpu.memory_space<vmem>>, vector<1x16xf32>,
      %get3A_655 = vector.shape_cast %get3A_654 : vector<1x16xf32> to vector<16xf32>
      %max3A_656 = arith.maximumf %max3A_644, %get3A_655 : vector<16xf32>
      %get3A_657 = arith.constant 51 : i32
      %get3A_658 = arith.index_cast %get3A_657 : i32 to index
      %get3A_659 = arith.constant 0 : index
      %get3A_660 = tpu.vector_load %arg6[%get3A_658, %get3A_659] {strides = array<i32>} : memref<128x32xf32, #tpu.memory_space<vmem>>, vector<1x16xf32>,
      %get3A_661 = vector.shape_cast %get3A_660 : vector<1x16xf32> to vector<16xf32>
      %max3A_662 = arith.maximumf %max3A_650, %get3A_661 : vector<16xf32>
      %get3A_663 = arith.constant 51 : i32
      %get3A_664 = arith.index_cast %get3A_663 : i32 to index
      %get3A_665 = arith.constant 16 : index
      %get3A_666 = tpu.vector_load %arg6[%get3A_664, %get3A_665] {strides = array<i32>} : memref<128x32xf32, #tpu.memory_space<vmem>>, vector<1x16xf32>,
      %get3A_667 = vector.shape_cast %get3A_666 : vector<1x16xf32> to vector<16xf32>
      %max3A_668 = arith.maximumf %max3A_656, %get3A_667 : vector<16xf32>
      %get3A_669 = arith.constant 52 : i32
      %get3A_670 = arith.index_cast %get3A_669 : i32 to index
      %get3A_671 = arith.constant 0 : index
      %get3A_672 = tpu.vector_load %arg6[%get3A_670, %get3A_671] {strides = array<i32>} : memref<128x32xf32, #tpu.memory_space<vmem>>, vector<1x16xf32>,
      %get3A_673 = vector.shape_cast %get3A_672 : vector<1x16xf32> to vector<16xf32>
      %max3A_674 = arith.maximumf %max3A_662, %get3A_673 : vector<16xf32>
      %get3A_675 = arith.constant 52 : i32
      %get3A_676 = arith.index_cast %get3A_675 : i32 to index
      %get3A_677 = arith.constant 16 : index
      %get3A_678 = tpu.vector_load %arg6[%get3A_676, %get3A_677] {strides = array<i32>} : memref<128x32xf32, #tpu.memory_space<vmem>>, vector<1x16xf32>,
      %get3A_679 = vector.shape_cast %get3A_678 : vector<1x16xf32> to vector<16xf32>
      %max3A_680 = arith.maximumf %max3A_668, %get3A_679 : vector<16xf32>
      %get3A_681 = arith.constant 53 : i32
      %get3A_682 = arith.index_cast %get3A_681 : i32 to index
      %get3A_683 = arith.constant 0 : index
      %get3A_684 = tpu.vector_load %arg6[%get3A_682, %get3A_683] {strides = array<i32>} : memref<128x32xf32, #tpu.memory_space<vmem>>, vector<1x16xf32>,
      %get3A_685 = vector.shape_cast %get3A_684 : vector<1x16xf32> to vector<16xf32>
      %max3A_686 = arith.maximumf %max3A_674, %get3A_685 : vector<16xf32>
      %get3A_687 = arith.constant 53 : i32
      %get3A_688 = arith.index_cast %get3A_687 : i32 to index
      %get3A_689 = arith.constant 16 : index
      %get3A_690 = tpu.vector_load %arg6[%get3A_688, %get3A_689] {strides = array<i32>} : memref<128x32xf32, #tpu.memory_space<vmem>>, vector<1x16xf32>,
      %get3A_691 = vector.shape_cast %get3A_690 : vector<1x16xf32> to vector<16xf32>
      %max3A_692 = arith.maximumf %max3A_680, %get3A_691 : vector<16xf32>
      %get3A_693 = arith.constant 54 : i32
      %get3A_694 = arith.index_cast %get3A_693 : i32 to index
      %get3A_695 = arith.constant 0 : index
      %get3A_696 = tpu.vector_load %arg6[%get3A_694, %get3A_695] {strides = array<i32>} : memref<128x32xf32, #tpu.memory_space<vmem>>, vector<1x16xf32>,
      %get3A_697 = vector.shape_cast %get3A_696 : vector<1x16xf32> to vector<16xf32>
      %max3A_698 = arith.maximumf %max3A_686, %get3A_697 : vector<16xf32>
      %get3A_699 = arith.constant 54 : i32
      %get3A_700 = arith.index_cast %get3A_699 : i32 to index
      %get3A_701 = arith.constant 16 : index
      %get3A_702 = tpu.vector_load %arg6[%get3A_700, %get3A_701] {strides = array<i32>} : memref<128x32xf32, #tpu.memory_space<vmem>>, vector<1x16xf32>,
      %get3A_703 = vector.shape_cast %get3A_702 : vector<1x16xf32> to vector<16xf32>
      %max3A_704 = arith.maximumf %max3A_692, %get3A_703 : vector<16xf32>
      %get3A_705 = arith.constant 55 : i32
      %get3A_706 = arith.index_cast %get3A_705 : i32 to index
      %get3A_707 = arith.constant 0 : index
      %get3A_708 = tpu.vector_load %arg6[%get3A_706, %get3A_707] {strides = array<i32>} : memref<128x32xf32, #tpu.memory_space<vmem>>, vector<1x16xf32>,
      %get3A_709 = vector.shape_cast %get3A_708 : vector<1x16xf32> to vector<16xf32>
      %max3A_710 = arith.maximumf %max3A_698, %get3A_709 : vector<16xf32>
      %get3A_711 = arith.constant 55 : i32
      %get3A_712 = arith.index_cast %get3A_711 : i32 to index
      %get3A_713 = arith.constant 16 : index
      %get3A_714 = tpu.vector_load %arg6[%get3A_712, %get3A_713] {strides = array<i32>} : memref<128x32xf32, #tpu.memory_space<vmem>>, vector<1x16xf32>,
      %get3A_715 = vector.shape_cast %get3A_714 : vector<1x16xf32> to vector<16xf32>
      %max3A_716 = arith.maximumf %max3A_704, %get3A_715 : vector<16xf32>
      %get3A_717 = arith.constant 56 : i32
      %get3A_718 = arith.index_cast %get3A_717 : i32 to index
      %get3A_719 = arith.constant 0 : index
      %get3A_720 = tpu.vector_load %arg6[%get3A_718, %get3A_719] {strides = array<i32>} : memref<128x32xf32, #tpu.memory_space<vmem>>, vector<1x16xf32>,
      %get3A_721 = vector.shape_cast %get3A_720 : vector<1x16xf32> to vector<16xf32>
      %max3A_722 = arith.maximumf %max3A_710, %get3A_721 : vector<16xf32>
      %get3A_723 = arith.constant 56 : i32
      %get3A_724 = arith.index_cast %get3A_723 : i32 to index
      %get3A_725 = arith.constant 16 : index
      %get3A_726 = tpu.vector_load %arg6[%get3A_724, %get3A_725] {strides = array<i32>} : memref<128x32xf32, #tpu.memory_space<vmem>>, vector<1x16xf32>,
      %get3A_727 = vector.shape_cast %get3A_726 : vector<1x16xf32> to vector<16xf32>
      %max3A_728 = arith.maximumf %max3A_716, %get3A_727 : vector<16xf32>
      %get3A_729 = arith.constant 57 : i32
      %get3A_730 = arith.index_cast %get3A_729 : i32 to index
      %get3A_731 = arith.constant 0 : index
      %get3A_732 = tpu.vector_load %arg6[%get3A_730, %get3A_731] {strides = array<i32>} : memref<128x32xf32, #tpu.memory_space<vmem>>, vector<1x16xf32>,
      %get3A_733 = vector.shape_cast %get3A_732 : vector<1x16xf32> to vector<16xf32>
      %max3A_734 = arith.maximumf %max3A_722, %get3A_733 : vector<16xf32>
      %get3A_735 = arith.constant 57 : i32
      %get3A_736 = arith.index_cast %get3A_735 : i32 to index
      %get3A_737 = arith.constant 16 : index
      %get3A_738 = tpu.vector_load %arg6[%get3A_736, %get3A_737] {strides = array<i32>} : memref<128x32xf32, #tpu.memory_space<vmem>>, vector<1x16xf32>,
      %get3A_739 = vector.shape_cast %get3A_738 : vector<1x16xf32> to vector<16xf32>
      %max3A_740 = arith.maximumf %max3A_728, %get3A_739 : vector<16xf32>
      %get3A_741 = arith.constant 58 : i32
      %get3A_742 = arith.index_cast %get3A_741 : i32 to index
      %get3A_743 = arith.constant 0 : index
      %get3A_744 = tpu.vector_load %arg6[%get3A_742, %get3A_743] {strides = array<i32>} : memref<128x32xf32, #tpu.memory_space<vmem>>, vector<1x16xf32>,
      %get3A_745 = vector.shape_cast %get3A_744 : vector<1x16xf32> to vector<16xf32>
      %max3A_746 = arith.maximumf %max3A_734, %get3A_745 : vector<16xf32>
      %get3A_747 = arith.constant 58 : i32
      %get3A_748 = arith.index_cast %get3A_747 : i32 to index
      %get3A_749 = arith.constant 16 : index
      %get3A_750 = tpu.vector_load %arg6[%get3A_748, %get3A_749] {strides = array<i32>} : memref<128x32xf32, #tpu.memory_space<vmem>>, vector<1x16xf32>,
      %get3A_751 = vector.shape_cast %get3A_750 : vector<1x16xf32> to vector<16xf32>
      %max3A_752 = arith.maximumf %max3A_740, %get3A_751 : vector<16xf32>
      %get3A_753 = arith.constant 59 : i32
      %get3A_754 = arith.index_cast %get3A_753 : i32 to index
      %get3A_755 = arith.constant 0 : index
      %get3A_756 = tpu.vector_load %arg6[%get3A_754, %get3A_755] {strides = array<i32>} : memref<128x32xf32, #tpu.memory_space<vmem>>, vector<1x16xf32>,
      %get3A_757 = vector.shape_cast %get3A_756 : vector<1x16xf32> to vector<16xf32>
      %max3A_758 = arith.maximumf %max3A_746, %get3A_757 : vector<16xf32>
      %get3A_759 = arith.constant 59 : i32
      %get3A_760 = arith.index_cast %get3A_759 : i32 to index
      %get3A_761 = arith.constant 16 : index
      %get3A_762 = tpu.vector_load %arg6[%get3A_760, %get3A_761] {strides = array<i32>} : memref<128x32xf32, #tpu.memory_space<vmem>>, vector<1x16xf32>,
      %get3A_763 = vector.shape_cast %get3A_762 : vector<1x16xf32> to vector<16xf32>
      %max3A_764 = arith.maximumf %max3A_752, %get3A_763 : vector<16xf32>
      %get3A_765 = arith.constant 60 : i32
      %get3A_766 = arith.index_cast %get3A_765 : i32 to index
      %get3A_767 = arith.constant 0 : index
      %get3A_768 = tpu.vector_load %arg6[%get3A_766, %get3A_767] {strides = array<i32>} : memref<128x32xf32, #tpu.memory_space<vmem>>, vector<1x16xf32>,
      %get3A_769 = vector.shape_cast %get3A_768 : vector<1x16xf32> to vector<16xf32>
      %max3A_770 = arith.maximumf %max3A_758, %get3A_769 : vector<16xf32>
      %get3A_771 = arith.constant 60 : i32
      %get3A_772 = arith.index_cast %get3A_771 : i32 to index
      %get3A_773 = arith.constant 16 : index
      %get3A_774 = tpu.vector_load %arg6[%get3A_772, %get3A_773] {strides = array<i32>} : memref<128x32xf32, #tpu.memory_space<vmem>>, vector<1x16xf32>,
      %get3A_775 = vector.shape_cast %get3A_774 : vector<1x16xf32> to vector<16xf32>
      %max3A_776 = arith.maximumf %max3A_764, %get3A_775 : vector<16xf32>
      %get3A_777 = arith.constant 61 : i32
      %get3A_778 = arith.index_cast %get3A_777 : i32 to index
      %get3A_779 = arith.constant 0 : index
      %get3A_780 = tpu.vector_load %arg6[%get3A_778, %get3A_779] {strides = array<i32>} : memref<128x32xf32, #tpu.memory_space<vmem>>, vector<1x16xf32>,
      %get3A_781 = vector.shape_cast %get3A_780 : vector<1x16xf32> to vector<16xf32>
      %max3A_782 = arith.maximumf %max3A_770, %get3A_781 : vector<16xf32>
      %get3A_783 = arith.constant 61 : i32
      %get3A_784 = arith.index_cast %get3A_783 : i32 to index
      %get3A_785 = arith.constant 16 : index
      %get3A_786 = tpu.vector_load %arg6[%get3A_784, %get3A_785] {strides = array<i32>} : memref<128x32xf32, #tpu.memory_space<vmem>>, vector<1x16xf32>,
      %get3A_787 = vector.shape_cast %get3A_786 : vector<1x16xf32> to vector<16xf32>
      %max3A_788 = arith.maximumf %max3A_776, %get3A_787 : vector<16xf32>
      %get3A_789 = arith.constant 62 : i32
      %get3A_790 = arith.index_cast %get3A_789 : i32 to index
      %get3A_791 = arith.constant 0 : index
      %get3A_792 = tpu.vector_load %arg6[%get3A_790, %get3A_791] {strides = array<i32>} : memref<128x32xf32, #tpu.memory_space<vmem>>, vector<1x16xf32>,
      %get3A_793 = vector.shape_cast %get3A_792 : vector<1x16xf32> to vector<16xf32>
      %max3A_794 = arith.maximumf %max3A_782, %get3A_793 : vector<16xf32>
      %get3A_795 = arith.constant 62 : i32
      %get3A_796 = arith.index_cast %get3A_795 : i32 to index
      %get3A_797 = arith.constant 16 : index
      %get3A_798 = tpu.vector_load %arg6[%get3A_796, %get3A_797] {strides = array<i32>} : memref<128x32xf32, #tpu.memory_space<vmem>>, vector<1x16xf32>,
      %get3A_799 = vector.shape_cast %get3A_798 : vector<1x16xf32> to vector<16xf32>
      %max3A_800 = arith.maximumf %max3A_788, %get3A_799 : vector<16xf32>
      %get3A_801 = arith.constant 63 : i32
      %get3A_802 = arith.index_cast %get3A_801 : i32 to index
      %get3A_803 = arith.constant 0 : index
      %get3A_804 = tpu.vector_load %arg6[%get3A_802, %get3A_803] {strides = array<i32>} : memref<128x32xf32, #tpu.memory_space<vmem>>, vector<1x16xf32>,
      %get3A_805 = vector.shape_cast %get3A_804 : vector<1x16xf32> to vector<16xf32>
      %max3A_806 = arith.maximumf %max3A_794, %get3A_805 : vector<16xf32>
      %get3A_807 = arith.constant 63 : i32
      %get3A_808 = arith.index_cast %get3A_807 : i32 to index
      %get3A_809 = arith.constant 16 : index
      %get3A_810 = tpu.vector_load %arg6[%get3A_808, %get3A_809] {strides = array<i32>} : memref<128x32xf32, #tpu.memory_space<vmem>>, vector<1x16xf32>,
      %get3A_811 = vector.shape_cast %get3A_810 : vector<1x16xf32> to vector<16xf32>
      %max3A_812 = arith.maximumf %max3A_800, %get3A_811 : vector<16xf32>
      %swap3A_813 = arith.constant 3 : i32
      %swap3A_814 = arith.index_cast %swap3A_813 : i32 to index
      %swap3A_815 = arith.constant 0 : index
      %swap3A_816 = tpu.vector_load %arg7[%swap3A_814, %swap3A_815] {strides = array<i32>} : memref<8x32xf32, #tpu.memory_space<vmem>>, vector<1x16xf32>,
      %swap3A_817 = vector.shape_cast %swap3A_816 : vector<1x16xf32> to vector<16xf32>
      %swap3A_818 = vector.shape_cast %max3A_806 : vector<16xf32> to vector<1x16xf32>
      tpu.vector_store %arg7[%swap3A_814, %swap3A_815], %swap3A_818 {strides = array<i32>} : memref<8x32xf32, #tpu.memory_space<vmem>>, vector<1x16xf32>,
      %swap3A_819 = arith.constant 3 : i32
      %swap3A_820 = arith.index_cast %swap3A_819 : i32 to index
      %swap3A_821 = arith.constant 16 : index
      %swap3A_822 = tpu.vector_load %arg7[%swap3A_820, %swap3A_821] {strides = array<i32>} : memref<8x32xf32, #tpu.memory_space<vmem>>, vector<1x16xf32>,
      %swap3A_823 = vector.shape_cast %swap3A_822 : vector<1x16xf32> to vector<16xf32>
      %swap3A_824 = vector.shape_cast %max3A_812 : vector<16xf32> to vector<1x16xf32>
      tpu.vector_store %arg7[%swap3A_820, %swap3A_821], %swap3A_824 {strides = array<i32>} : memref<8x32xf32, #tpu.memory_space<vmem>>, vector<1x16xf32>,
      %get3A_825 = arith.constant 64 : i32
      %get3A_826 = arith.index_cast %get3A_825 : i32 to index
      %get3A_827 = arith.constant 0 : index
      %get3A_828 = tpu.vector_load %arg6[%get3A_826, %get3A_827] {strides = array<i32>} : memref<128x32xf32, #tpu.memory_space<vmem>>, vector<1x16xf32>,
      %get3A_829 = vector.shape_cast %get3A_828 : vector<1x16xf32> to vector<16xf32>
      %get3A_830 = arith.constant 64 : i32
      %get3A_831 = arith.index_cast %get3A_830 : i32 to index
      %get3A_832 = arith.constant 16 : index
      %get3A_833 = tpu.vector_load %arg6[%get3A_831, %get3A_832] {strides = array<i32>} : memref<128x32xf32, #tpu.memory_space<vmem>>, vector<1x16xf32>,
      %get3A_834 = vector.shape_cast %get3A_833 : vector<1x16xf32> to vector<16xf32>
      %get3A_835 = arith.constant 65 : i32
      %get3A_836 = arith.index_cast %get3A_835 : i32 to index
      %get3A_837 = arith.constant 0 : index
      %get3A_838 = tpu.vector_load %arg6[%get3A_836, %get3A_837] {strides = array<i32>} : memref<128x32xf32, #tpu.memory_space<vmem>>, vector<1x16xf32>,
      %get3A_839 = vector.shape_cast %get3A_838 : vector<1x16xf32> to vector<16xf32>
      %max3A_840 = arith.maximumf %get3A_829, %get3A_839 : vector<16xf32>
      %get3A_841 = arith.constant 65 : i32
      %get3A_842 = arith.index_cast %get3A_841 : i32 to index
      %get3A_843 = arith.constant 16 : index
      %get3A_844 = tpu.vector_load %arg6[%get3A_842, %get3A_843] {strides = array<i32>} : memref<128x32xf32, #tpu.memory_space<vmem>>, vector<1x16xf32>,
      %get3A_845 = vector.shape_cast %get3A_844 : vector<1x16xf32> to vector<16xf32>
      %max3A_846 = arith.maximumf %get3A_834, %get3A_845 : vector<16xf32>
      %get3A_847 = arith.constant 66 : i32
      %get3A_848 = arith.index_cast %get3A_847 : i32 to index
      %get3A_849 = arith.constant 0 : index
      %get3A_850 = tpu.vector_load %arg6[%get3A_848, %get3A_849] {strides = array<i32>} : memref<128x32xf32, #tpu.memory_space<vmem>>, vector<1x16xf32>,
      %get3A_851 = vector.shape_cast %get3A_850 : vector<1x16xf32> to vector<16xf32>
      %max3A_852 = arith.maximumf %max3A_840, %get3A_851 : vector<16xf32>
      %get3A_853 = arith.constant 66 : i32
      %get3A_854 = arith.index_cast %get3A_853 : i32 to index
      %get3A_855 = arith.constant 16 : index
      %get3A_856 = tpu.vector_load %arg6[%get3A_854, %get3A_855] {strides = array<i32>} : memref<128x32xf32, #tpu.memory_space<vmem>>, vector<1x16xf32>,
      %get3A_857 = vector.shape_cast %get3A_856 : vector<1x16xf32> to vector<16xf32>
      %max3A_858 = arith.maximumf %max3A_846, %get3A_857 : vector<16xf32>
      %get3A_859 = arith.constant 67 : i32
      %get3A_860 = arith.index_cast %get3A_859 : i32 to index
      %get3A_861 = arith.constant 0 : index
      %get3A_862 = tpu.vector_load %arg6[%get3A_860, %get3A_861] {strides = array<i32>} : memref<128x32xf32, #tpu.memory_space<vmem>>, vector<1x16xf32>,
      %get3A_863 = vector.shape_cast %get3A_862 : vector<1x16xf32> to vector<16xf32>
      %max3A_864 = arith.maximumf %max3A_852, %get3A_863 : vector<16xf32>
      %get3A_865 = arith.constant 67 : i32
      %get3A_866 = arith.index_cast %get3A_865 : i32 to index
      %get3A_867 = arith.constant 16 : index
      %get3A_868 = tpu.vector_load %arg6[%get3A_866, %get3A_867] {strides = array<i32>} : memref<128x32xf32, #tpu.memory_space<vmem>>, vector<1x16xf32>,
      %get3A_869 = vector.shape_cast %get3A_868 : vector<1x16xf32> to vector<16xf32>
      %max3A_870 = arith.maximumf %max3A_858, %get3A_869 : vector<16xf32>
      %get3A_871 = arith.constant 68 : i32
      %get3A_872 = arith.index_cast %get3A_871 : i32 to index
      %get3A_873 = arith.constant 0 : index
      %get3A_874 = tpu.vector_load %arg6[%get3A_872, %get3A_873] {strides = array<i32>} : memref<128x32xf32, #tpu.memory_space<vmem>>, vector<1x16xf32>,
      %get3A_875 = vector.shape_cast %get3A_874 : vector<1x16xf32> to vector<16xf32>
      %max3A_876 = arith.maximumf %max3A_864, %get3A_875 : vector<16xf32>
      %get3A_877 = arith.constant 68 : i32
      %get3A_878 = arith.index_cast %get3A_877 : i32 to index
      %get3A_879 = arith.constant 16 : index
      %get3A_880 = tpu.vector_load %arg6[%get3A_878, %get3A_879] {strides = array<i32>} : memref<128x32xf32, #tpu.memory_space<vmem>>, vector<1x16xf32>,
      %get3A_881 = vector.shape_cast %get3A_880 : vector<1x16xf32> to vector<16xf32>
      %max3A_882 = arith.maximumf %max3A_870, %get3A_881 : vector<16xf32>
      %get3A_883 = arith.constant 69 : i32
      %get3A_884 = arith.index_cast %get3A_883 : i32 to index
      %get3A_885 = arith.constant 0 : index
      %get3A_886 = tpu.vector_load %arg6[%get3A_884, %get3A_885] {strides = array<i32>} : memref<128x32xf32, #tpu.memory_space<vmem>>, vector<1x16xf32>,
      %get3A_887 = vector.shape_cast %get3A_886 : vector<1x16xf32> to vector<16xf32>
      %max3A_888 = arith.maximumf %max3A_876, %get3A_887 : vector<16xf32>
      %get3A_889 = arith.constant 69 : i32
      %get3A_890 = arith.index_cast %get3A_889 : i32 to index
      %get3A_891 = arith.constant 16 : index
      %get3A_892 = tpu.vector_load %arg6[%get3A_890, %get3A_891] {strides = array<i32>} : memref<128x32xf32, #tpu.memory_space<vmem>>, vector<1x16xf32>,
      %get3A_893 = vector.shape_cast %get3A_892 : vector<1x16xf32> to vector<16xf32>
      %max3A_894 = arith.maximumf %max3A_882, %get3A_893 : vector<16xf32>
      %get3A_895 = arith.constant 70 : i32
      %get3A_896 = arith.index_cast %get3A_895 : i32 to index
      %get3A_897 = arith.constant 0 : index
      %get3A_898 = tpu.vector_load %arg6[%get3A_896, %get3A_897] {strides = array<i32>} : memref<128x32xf32, #tpu.memory_space<vmem>>, vector<1x16xf32>,
      %get3A_899 = vector.shape_cast %get3A_898 : vector<1x16xf32> to vector<16xf32>
      %max3A_900 = arith.maximumf %max3A_888, %get3A_899 : vector<16xf32>
      %get3A_901 = arith.constant 70 : i32
      %get3A_902 = arith.index_cast %get3A_901 : i32 to index
      %get3A_903 = arith.constant 16 : index
      %get3A_904 = tpu.vector_load %arg6[%get3A_902, %get3A_903] {strides = array<i32>} : memref<128x32xf32, #tpu.memory_space<vmem>>, vector<1x16xf32>,
      %get3A_905 = vector.shape_cast %get3A_904 : vector<1x16xf32> to vector<16xf32>
      %max3A_906 = arith.maximumf %max3A_894, %get3A_905 : vector<16xf32>
      %get3A_907 = arith.constant 71 : i32
      %get3A_908 = arith.index_cast %get3A_907 : i32 to index
      %get3A_909 = arith.constant 0 : index
      %get3A_910 = tpu.vector_load %arg6[%get3A_908, %get3A_909] {strides = array<i32>} : memref<128x32xf32, #tpu.memory_space<vmem>>, vector<1x16xf32>,
      %get3A_911 = vector.shape_cast %get3A_910 : vector<1x16xf32> to vector<16xf32>
      %max3A_912 = arith.maximumf %max3A_900, %get3A_911 : vector<16xf32>
      %get3A_913 = arith.constant 71 : i32
      %get3A_914 = arith.index_cast %get3A_913 : i32 to index
      %get3A_915 = arith.constant 16 : index
      %get3A_916 = tpu.vector_load %arg6[%get3A_914, %get3A_915] {strides = array<i32>} : memref<128x32xf32, #tpu.memory_space<vmem>>, vector<1x16xf32>,
      %get3A_917 = vector.shape_cast %get3A_916 : vector<1x16xf32> to vector<16xf32>
      %max3A_918 = arith.maximumf %max3A_906, %get3A_917 : vector<16xf32>
      %get3A_919 = arith.constant 72 : i32
      %get3A_920 = arith.index_cast %get3A_919 : i32 to index
      %get3A_921 = arith.constant 0 : index
      %get3A_922 = tpu.vector_load %arg6[%get3A_920, %get3A_921] {strides = array<i32>} : memref<128x32xf32, #tpu.memory_space<vmem>>, vector<1x16xf32>,
      %get3A_923 = vector.shape_cast %get3A_922 : vector<1x16xf32> to vector<16xf32>
      %max3A_924 = arith.maximumf %max3A_912, %get3A_923 : vector<16xf32>
      %get3A_925 = arith.constant 72 : i32
      %get3A_926 = arith.index_cast %get3A_925 : i32 to index
      %get3A_927 = arith.constant 16 : index
      %get3A_928 = tpu.vector_load %arg6[%get3A_926, %get3A_927] {strides = array<i32>} : memref<128x32xf32, #tpu.memory_space<vmem>>, vector<1x16xf32>,
      %get3A_929 = vector.shape_cast %get3A_928 : vector<1x16xf32> to vector<16xf32>
      %max3A_930 = arith.maximumf %max3A_918, %get3A_929 : vector<16xf32>
      %get3A_931 = arith.constant 73 : i32
      %get3A_932 = arith.index_cast %get3A_931 : i32 to index
      %get3A_933 = arith.constant 0 : index
      %get3A_934 = tpu.vector_load %arg6[%get3A_932, %get3A_933] {strides = array<i32>} : memref<128x32xf32, #tpu.memory_space<vmem>>, vector<1x16xf32>,
      %get3A_935 = vector.shape_cast %get3A_934 : vector<1x16xf32> to vector<16xf32>
      %max3A_936 = arith.maximumf %max3A_924, %get3A_935 : vector<16xf32>
      %get3A_937 = arith.constant 73 : i32
      %get3A_938 = arith.index_cast %get3A_937 : i32 to index
      %get3A_939 = arith.constant 16 : index
      %get3A_940 = tpu.vector_load %arg6[%get3A_938, %get3A_939] {strides = array<i32>} : memref<128x32xf32, #tpu.memory_space<vmem>>, vector<1x16xf32>,
      %get3A_941 = vector.shape_cast %get3A_940 : vector<1x16xf32> to vector<16xf32>
      %max3A_942 = arith.maximumf %max3A_930, %get3A_941 : vector<16xf32>
      %get3A_943 = arith.constant 74 : i32
      %get3A_944 = arith.index_cast %get3A_943 : i32 to index
      %get3A_945 = arith.constant 0 : index
      %get3A_946 = tpu.vector_load %arg6[%get3A_944, %get3A_945] {strides = array<i32>} : memref<128x32xf32, #tpu.memory_space<vmem>>, vector<1x16xf32>,
      %get3A_947 = vector.shape_cast %get3A_946 : vector<1x16xf32> to vector<16xf32>
      %max3A_948 = arith.maximumf %max3A_936, %get3A_947 : vector<16xf32>
      %get3A_949 = arith.constant 74 : i32
      %get3A_950 = arith.index_cast %get3A_949 : i32 to index
      %get3A_951 = arith.constant 16 : index
      %get3A_952 = tpu.vector_load %arg6[%get3A_950, %get3A_951] {strides = array<i32>} : memref<128x32xf32, #tpu.memory_space<vmem>>, vector<1x16xf32>,
      %get3A_953 = vector.shape_cast %get3A_952 : vector<1x16xf32> to vector<16xf32>
      %max3A_954 = arith.maximumf %max3A_942, %get3A_953 : vector<16xf32>
      %get3A_955 = arith.constant 75 : i32
      %get3A_956 = arith.index_cast %get3A_955 : i32 to index
      %get3A_957 = arith.constant 0 : index
      %get3A_958 = tpu.vector_load %arg6[%get3A_956, %get3A_957] {strides = array<i32>} : memref<128x32xf32, #tpu.memory_space<vmem>>, vector<1x16xf32>,
      %get3A_959 = vector.shape_cast %get3A_958 : vector<1x16xf32> to vector<16xf32>
      %max3A_960 = arith.maximumf %max3A_948, %get3A_959 : vector<16xf32>
      %get3A_961 = arith.constant 75 : i32
      %get3A_962 = arith.index_cast %get3A_961 : i32 to index
      %get3A_963 = arith.constant 16 : index
      %get3A_964 = tpu.vector_load %arg6[%get3A_962, %get3A_963] {strides = array<i32>} : memref<128x32xf32, #tpu.memory_space<vmem>>, vector<1x16xf32>,
      %get3A_965 = vector.shape_cast %get3A_964 : vector<1x16xf32> to vector<16xf32>
      %max3A_966 = arith.maximumf %max3A_954, %get3A_965 : vector<16xf32>
      %get3A_967 = arith.constant 76 : i32
      %get3A_968 = arith.index_cast %get3A_967 : i32 to index
      %get3A_969 = arith.constant 0 : index
      %get3A_970 = tpu.vector_load %arg6[%get3A_968, %get3A_969] {strides = array<i32>} : memref<128x32xf32, #tpu.memory_space<vmem>>, vector<1x16xf32>,
      %get3A_971 = vector.shape_cast %get3A_970 : vector<1x16xf32> to vector<16xf32>
      %max3A_972 = arith.maximumf %max3A_960, %get3A_971 : vector<16xf32>
      %get3A_973 = arith.constant 76 : i32
      %get3A_974 = arith.index_cast %get3A_973 : i32 to index
      %get3A_975 = arith.constant 16 : index
      %get3A_976 = tpu.vector_load %arg6[%get3A_974, %get3A_975] {strides = array<i32>} : memref<128x32xf32, #tpu.memory_space<vmem>>, vector<1x16xf32>,
      %get3A_977 = vector.shape_cast %get3A_976 : vector<1x16xf32> to vector<16xf32>
      %max3A_978 = arith.maximumf %max3A_966, %get3A_977 : vector<16xf32>
      %get3A_979 = arith.constant 77 : i32
      %get3A_980 = arith.index_cast %get3A_979 : i32 to index
      %get3A_981 = arith.constant 0 : index
      %get3A_982 = tpu.vector_load %arg6[%get3A_980, %get3A_981] {strides = array<i32>} : memref<128x32xf32, #tpu.memory_space<vmem>>, vector<1x16xf32>,
      %get3A_983 = vector.shape_cast %get3A_982 : vector<1x16xf32> to vector<16xf32>
      %max3A_984 = arith.maximumf %max3A_972, %get3A_983 : vector<16xf32>
      %get3A_985 = arith.constant 77 : i32
      %get3A_986 = arith.index_cast %get3A_985 : i32 to index
      %get3A_987 = arith.constant 16 : index
      %get3A_988 = tpu.vector_load %arg6[%get3A_986, %get3A_987] {strides = array<i32>} : memref<128x32xf32, #tpu.memory_space<vmem>>, vector<1x16xf32>,
      %get3A_989 = vector.shape_cast %get3A_988 : vector<1x16xf32> to vector<16xf32>
      %max3A_990 = arith.maximumf %max3A_978, %get3A_989 : vector<16xf32>
      %get3A_991 = arith.constant 78 : i32
      %get3A_992 = arith.index_cast %get3A_991 : i32 to index
      %get3A_993 = arith.constant 0 : index
      %get3A_994 = tpu.vector_load %arg6[%get3A_992, %get3A_993] {strides = array<i32>} : memref<128x32xf32, #tpu.memory_space<vmem>>, vector<1x16xf32>,
      %get3A_995 = vector.shape_cast %get3A_994 : vector<1x16xf32> to vector<16xf32>
      %max3A_996 = arith.maximumf %max3A_984, %get3A_995 : vector<16xf32>
      %get3A_997 = arith.constant 78 : i32
      %get3A_998 = arith.index_cast %get3A_997 : i32 to index
      %get3A_999 = arith.constant 16 : index
      %get3A_1000 = tpu.vector_load %arg6[%get3A_998, %get3A_999] {strides = array<i32>} : memref<128x32xf32, #tpu.memory_space<vmem>>, vector<1x16xf32>,
      %get3A_1001 = vector.shape_cast %get3A_1000 : vector<1x16xf32> to vector<16xf32>
      %max3A_1002 = arith.maximumf %max3A_990, %get3A_1001 : vector<16xf32>
      %get3A_1003 = arith.constant 79 : i32
      %get3A_1004 = arith.index_cast %get3A_1003 : i32 to index
      %get3A_1005 = arith.constant 0 : index
      %get3A_1006 = tpu.vector_load %arg6[%get3A_1004, %get3A_1005] {strides = array<i32>} : memref<128x32xf32, #tpu.memory_space<vmem>>, vector<1x16xf32>,
      %get3A_1007 = vector.shape_cast %get3A_1006 : vector<1x16xf32> to vector<16xf32>
      %max3A_1008 = arith.maximumf %max3A_996, %get3A_1007 : vector<16xf32>
      %get3A_1009 = arith.constant 79 : i32
      %get3A_1010 = arith.index_cast %get3A_1009 : i32 to index
      %get3A_1011 = arith.constant 16 : index
      %get3A_1012 = tpu.vector_load %arg6[%get3A_1010, %get3A_1011] {strides = array<i32>} : memref<128x32xf32, #tpu.memory_space<vmem>>, vector<1x16xf32>,
      %get3A_1013 = vector.shape_cast %get3A_1012 : vector<1x16xf32> to vector<16xf32>
      %max3A_1014 = arith.maximumf %max3A_1002, %get3A_1013 : vector<16xf32>
      %swap3A_1015 = arith.constant 4 : i32
      %swap3A_1016 = arith.index_cast %swap3A_1015 : i32 to index
      %swap3A_1017 = arith.constant 0 : index
      %swap3A_1018 = tpu.vector_load %arg7[%swap3A_1016, %swap3A_1017] {strides = array<i32>} : memref<8x32xf32, #tpu.memory_space<vmem>>, vector<1x16xf32>,
      %swap3A_1019 = vector.shape_cast %swap3A_1018 : vector<1x16xf32> to vector<16xf32>
      %swap3A_1020 = vector.shape_cast %max3A_1008 : vector<16xf32> to vector<1x16xf32>
      tpu.vector_store %arg7[%swap3A_1016, %swap3A_1017], %swap3A_1020 {strides = array<i32>} : memref<8x32xf32, #tpu.memory_space<vmem>>, vector<1x16xf32>,
      %swap3A_1021 = arith.constant 4 : i32
      %swap3A_1022 = arith.index_cast %swap3A_1021 : i32 to index
      %swap3A_1023 = arith.constant 16 : index
      %swap3A_1024 = tpu.vector_load %arg7[%swap3A_1022, %swap3A_1023] {strides = array<i32>} : memref<8x32xf32, #tpu.memory_space<vmem>>, vector<1x16xf32>,
      %swap3A_1025 = vector.shape_cast %swap3A_1024 : vector<1x16xf32> to vector<16xf32>
      %swap3A_1026 = vector.shape_cast %max3A_1014 : vector<16xf32> to vector<1x16xf32>
      tpu.vector_store %arg7[%swap3A_1022, %swap3A_1023], %swap3A_1026 {strides = array<i32>} : memref<8x32xf32, #tpu.memory_space<vmem>>, vector<1x16xf32>,
      %get3A_1027 = arith.constant 80 : i32
      %get3A_1028 = arith.index_cast %get3A_1027 : i32 to index
      %get3A_1029 = arith.constant 0 : index
      %get3A_1030 = tpu.vector_load %arg6[%get3A_1028, %get3A_1029] {strides = array<i32>} : memref<128x32xf32, #tpu.memory_space<vmem>>, vector<1x16xf32>,
      %get3A_1031 = vector.shape_cast %get3A_1030 : vector<1x16xf32> to vector<16xf32>
      %get3A_1032 = arith.constant 80 : i32
      %get3A_1033 = arith.index_cast %get3A_1032 : i32 to index
      %get3A_1034 = arith.constant 16 : index
      %get3A_1035 = tpu.vector_load %arg6[%get3A_1033, %get3A_1034] {strides = array<i32>} : memref<128x32xf32, #tpu.memory_space<vmem>>, vector<1x16xf32>,
      %get3A_1036 = vector.shape_cast %get3A_1035 : vector<1x16xf32> to vector<16xf32>
      %get3A_1037 = arith.constant 81 : i32
      %get3A_1038 = arith.index_cast %get3A_1037 : i32 to index
      %get3A_1039 = arith.constant 0 : index
      %get3A_1040 = tpu.vector_load %arg6[%get3A_1038, %get3A_1039] {strides = array<i32>} : memref<128x32xf32, #tpu.memory_space<vmem>>, vector<1x16xf32>,
      %get3A_1041 = vector.shape_cast %get3A_1040 : vector<1x16xf32> to vector<16xf32>
      %max3A_1042 = arith.maximumf %get3A_1031, %get3A_1041 : vector<16xf32>
      %get3A_1043 = arith.constant 81 : i32
      %get3A_1044 = arith.index_cast %get3A_1043 : i32 to index
      %get3A_1045 = arith.constant 16 : index
      %get3A_1046 = tpu.vector_load %arg6[%get3A_1044, %get3A_1045] {strides = array<i32>} : memref<128x32xf32, #tpu.memory_space<vmem>>, vector<1x16xf32>,
      %get3A_1047 = vector.shape_cast %get3A_1046 : vector<1x16xf32> to vector<16xf32>
      %max3A_1048 = arith.maximumf %get3A_1036, %get3A_1047 : vector<16xf32>
      %get3A_1049 = arith.constant 82 : i32
      %get3A_1050 = arith.index_cast %get3A_1049 : i32 to index
      %get3A_1051 = arith.constant 0 : index
      %get3A_1052 = tpu.vector_load %arg6[%get3A_1050, %get3A_1051] {strides = array<i32>} : memref<128x32xf32, #tpu.memory_space<vmem>>, vector<1x16xf32>,
      %get3A_1053 = vector.shape_cast %get3A_1052 : vector<1x16xf32> to vector<16xf32>
      %max3A_1054 = arith.maximumf %max3A_1042, %get3A_1053 : vector<16xf32>
      %get3A_1055 = arith.constant 82 : i32
      %get3A_1056 = arith.index_cast %get3A_1055 : i32 to index
      %get3A_1057 = arith.constant 16 : index
      %get3A_1058 = tpu.vector_load %arg6[%get3A_1056, %get3A_1057] {strides = array<i32>} : memref<128x32xf32, #tpu.memory_space<vmem>>, vector<1x16xf32>,
      %get3A_1059 = vector.shape_cast %get3A_1058 : vector<1x16xf32> to vector<16xf32>
      %max3A_1060 = arith.maximumf %max3A_1048, %get3A_1059 : vector<16xf32>
      %get3A_1061 = arith.constant 83 : i32
      %get3A_1062 = arith.index_cast %get3A_1061 : i32 to index
      %get3A_1063 = arith.constant 0 : index
      %get3A_1064 = tpu.vector_load %arg6[%get3A_1062, %get3A_1063] {strides = array<i32>} : memref<128x32xf32, #tpu.memory_space<vmem>>, vector<1x16xf32>,
      %get3A_1065 = vector.shape_cast %get3A_1064 : vector<1x16xf32> to vector<16xf32>
      %max3A_1066 = arith.maximumf %max3A_1054, %get3A_1065 : vector<16xf32>
      %get3A_1067 = arith.constant 83 : i32
      %get3A_1068 = arith.index_cast %get3A_1067 : i32 to index
      %get3A_1069 = arith.constant 16 : index
      %get3A_1070 = tpu.vector_load %arg6[%get3A_1068, %get3A_1069] {strides = array<i32>} : memref<128x32xf32, #tpu.memory_space<vmem>>, vector<1x16xf32>,
      %get3A_1071 = vector.shape_cast %get3A_1070 : vector<1x16xf32> to vector<16xf32>
      %max3A_1072 = arith.maximumf %max3A_1060, %get3A_1071 : vector<16xf32>
      %get3A_1073 = arith.constant 84 : i32
      %get3A_1074 = arith.index_cast %get3A_1073 : i32 to index
      %get3A_1075 = arith.constant 0 : index
      %get3A_1076 = tpu.vector_load %arg6[%get3A_1074, %get3A_1075] {strides = array<i32>} : memref<128x32xf32, #tpu.memory_space<vmem>>, vector<1x16xf32>,
      %get3A_1077 = vector.shape_cast %get3A_1076 : vector<1x16xf32> to vector<16xf32>
      %max3A_1078 = arith.maximumf %max3A_1066, %get3A_1077 : vector<16xf32>
      %get3A_1079 = arith.constant 84 : i32
      %get3A_1080 = arith.index_cast %get3A_1079 : i32 to index
      %get3A_1081 = arith.constant 16 : index
      %get3A_1082 = tpu.vector_load %arg6[%get3A_1080, %get3A_1081] {strides = array<i32>} : memref<128x32xf32, #tpu.memory_space<vmem>>, vector<1x16xf32>,
      %get3A_1083 = vector.shape_cast %get3A_1082 : vector<1x16xf32> to vector<16xf32>
      %max3A_1084 = arith.maximumf %max3A_1072, %get3A_1083 : vector<16xf32>
      %get3A_1085 = arith.constant 85 : i32
      %get3A_1086 = arith.index_cast %get3A_1085 : i32 to index
      %get3A_1087 = arith.constant 0 : index
      %get3A_1088 = tpu.vector_load %arg6[%get3A_1086, %get3A_1087] {strides = array<i32>} : memref<128x32xf32, #tpu.memory_space<vmem>>, vector<1x16xf32>,
      %get3A_1089 = vector.shape_cast %get3A_1088 : vector<1x16xf32> to vector<16xf32>
      %max3A_1090 = arith.maximumf %max3A_1078, %get3A_1089 : vector<16xf32>
      %get3A_1091 = arith.constant 85 : i32
      %get3A_1092 = arith.index_cast %get3A_1091 : i32 to index
      %get3A_1093 = arith.constant 16 : index
      %get3A_1094 = tpu.vector_load %arg6[%get3A_1092, %get3A_1093] {strides = array<i32>} : memref<128x32xf32, #tpu.memory_space<vmem>>, vector<1x16xf32>,
      %get3A_1095 = vector.shape_cast %get3A_1094 : vector<1x16xf32> to vector<16xf32>
      %max3A_1096 = arith.maximumf %max3A_1084, %get3A_1095 : vector<16xf32>
      %get3A_1097 = arith.constant 86 : i32
      %get3A_1098 = arith.index_cast %get3A_1097 : i32 to index
      %get3A_1099 = arith.constant 0 : index
      %get3A_1100 = tpu.vector_load %arg6[%get3A_1098, %get3A_1099] {strides = array<i32>} : memref<128x32xf32, #tpu.memory_space<vmem>>, vector<1x16xf32>,
      %get3A_1101 = vector.shape_cast %get3A_1100 : vector<1x16xf32> to vector<16xf32>
      %max3A_1102 = arith.maximumf %max3A_1090, %get3A_1101 : vector<16xf32>
      %get3A_1103 = arith.constant 86 : i32
      %get3A_1104 = arith.index_cast %get3A_1103 : i32 to index
      %get3A_1105 = arith.constant 16 : index
      %get3A_1106 = tpu.vector_load %arg6[%get3A_1104, %get3A_1105] {strides = array<i32>} : memref<128x32xf32, #tpu.memory_space<vmem>>, vector<1x16xf32>,
      %get3A_1107 = vector.shape_cast %get3A_1106 : vector<1x16xf32> to vector<16xf32>
      %max3A_1108 = arith.maximumf %max3A_1096, %get3A_1107 : vector<16xf32>
      %get3A_1109 = arith.constant 87 : i32
      %get3A_1110 = arith.index_cast %get3A_1109 : i32 to index
      %get3A_1111 = arith.constant 0 : index
      %get3A_1112 = tpu.vector_load %arg6[%get3A_1110, %get3A_1111] {strides = array<i32>} : memref<128x32xf32, #tpu.memory_space<vmem>>, vector<1x16xf32>,
      %get3A_1113 = vector.shape_cast %get3A_1112 : vector<1x16xf32> to vector<16xf32>
      %max3A_1114 = arith.maximumf %max3A_1102, %get3A_1113 : vector<16xf32>
      %get3A_1115 = arith.constant 87 : i32
      %get3A_1116 = arith.index_cast %get3A_1115 : i32 to index
      %get3A_1117 = arith.constant 16 : index
      %get3A_1118 = tpu.vector_load %arg6[%get3A_1116, %get3A_1117] {strides = array<i32>} : memref<128x32xf32, #tpu.memory_space<vmem>>, vector<1x16xf32>,
      %get3A_1119 = vector.shape_cast %get3A_1118 : vector<1x16xf32> to vector<16xf32>
      %max3A_1120 = arith.maximumf %max3A_1108, %get3A_1119 : vector<16xf32>
      %get3A_1121 = arith.constant 88 : i32
      %get3A_1122 = arith.index_cast %get3A_1121 : i32 to index
      %get3A_1123 = arith.constant 0 : index
      %get3A_1124 = tpu.vector_load %arg6[%get3A_1122, %get3A_1123] {strides = array<i32>} : memref<128x32xf32, #tpu.memory_space<vmem>>, vector<1x16xf32>,
      %get3A_1125 = vector.shape_cast %get3A_1124 : vector<1x16xf32> to vector<16xf32>
      %max3A_1126 = arith.maximumf %max3A_1114, %get3A_1125 : vector<16xf32>
      %get3A_1127 = arith.constant 88 : i32
      %get3A_1128 = arith.index_cast %get3A_1127 : i32 to index
      %get3A_1129 = arith.constant 16 : index
      %get3A_1130 = tpu.vector_load %arg6[%get3A_1128, %get3A_1129] {strides = array<i32>} : memref<128x32xf32, #tpu.memory_space<vmem>>, vector<1x16xf32>,
      %get3A_1131 = vector.shape_cast %get3A_1130 : vector<1x16xf32> to vector<16xf32>
      %max3A_1132 = arith.maximumf %max3A_1120, %get3A_1131 : vector<16xf32>
      %get3A_1133 = arith.constant 89 : i32
      %get3A_1134 = arith.index_cast %get3A_1133 : i32 to index
      %get3A_1135 = arith.constant 0 : index
      %get3A_1136 = tpu.vector_load %arg6[%get3A_1134, %get3A_1135] {strides = array<i32>} : memref<128x32xf32, #tpu.memory_space<vmem>>, vector<1x16xf32>,
      %get3A_1137 = vector.shape_cast %get3A_1136 : vector<1x16xf32> to vector<16xf32>
      %max3A_1138 = arith.maximumf %max3A_1126, %get3A_1137 : vector<16xf32>
      %get3A_1139 = arith.constant 89 : i32
      %get3A_1140 = arith.index_cast %get3A_1139 : i32 to index
      %get3A_1141 = arith.constant 16 : index
      %get3A_1142 = tpu.vector_load %arg6[%get3A_1140, %get3A_1141] {strides = array<i32>} : memref<128x32xf32, #tpu.memory_space<vmem>>, vector<1x16xf32>,
      %get3A_1143 = vector.shape_cast %get3A_1142 : vector<1x16xf32> to vector<16xf32>
      %max3A_1144 = arith.maximumf %max3A_1132, %get3A_1143 : vector<16xf32>
      %get3A_1145 = arith.constant 90 : i32
      %get3A_1146 = arith.index_cast %get3A_1145 : i32 to index
      %get3A_1147 = arith.constant 0 : index
      %get3A_1148 = tpu.vector_load %arg6[%get3A_1146, %get3A_1147] {strides = array<i32>} : memref<128x32xf32, #tpu.memory_space<vmem>>, vector<1x16xf32>,
      %get3A_1149 = vector.shape_cast %get3A_1148 : vector<1x16xf32> to vector<16xf32>
      %max3A_1150 = arith.maximumf %max3A_1138, %get3A_1149 : vector<16xf32>
      %get3A_1151 = arith.constant 90 : i32
      %get3A_1152 = arith.index_cast %get3A_1151 : i32 to index
      %get3A_1153 = arith.constant 16 : index
      %get3A_1154 = tpu.vector_load %arg6[%get3A_1152, %get3A_1153] {strides = array<i32>} : memref<128x32xf32, #tpu.memory_space<vmem>>, vector<1x16xf32>,
      %get3A_1155 = vector.shape_cast %get3A_1154 : vector<1x16xf32> to vector<16xf32>
      %max3A_1156 = arith.maximumf %max3A_1144, %get3A_1155 : vector<16xf32>
      %get3A_1157 = arith.constant 91 : i32
      %get3A_1158 = arith.index_cast %get3A_1157 : i32 to index
      %get3A_1159 = arith.constant 0 : index
      %get3A_1160 = tpu.vector_load %arg6[%get3A_1158, %get3A_1159] {strides = array<i32>} : memref<128x32xf32, #tpu.memory_space<vmem>>, vector<1x16xf32>,
      %get3A_1161 = vector.shape_cast %get3A_1160 : vector<1x16xf32> to vector<16xf32>
      %max3A_1162 = arith.maximumf %max3A_1150, %get3A_1161 : vector<16xf32>
      %get3A_1163 = arith.constant 91 : i32
      %get3A_1164 = arith.index_cast %get3A_1163 : i32 to index
      %get3A_1165 = arith.constant 16 : index
      %get3A_1166 = tpu.vector_load %arg6[%get3A_1164, %get3A_1165] {strides = array<i32>} : memref<128x32xf32, #tpu.memory_space<vmem>>, vector<1x16xf32>,
      %get3A_1167 = vector.shape_cast %get3A_1166 : vector<1x16xf32> to vector<16xf32>
      %max3A_1168 = arith.maximumf %max3A_1156, %get3A_1167 : vector<16xf32>
      %get3A_1169 = arith.constant 92 : i32
      %get3A_1170 = arith.index_cast %get3A_1169 : i32 to index
      %get3A_1171 = arith.constant 0 : index
      %get3A_1172 = tpu.vector_load %arg6[%get3A_1170, %get3A_1171] {strides = array<i32>} : memref<128x32xf32, #tpu.memory_space<vmem>>, vector<1x16xf32>,
      %get3A_1173 = vector.shape_cast %get3A_1172 : vector<1x16xf32> to vector<16xf32>
      %max3A_1174 = arith.maximumf %max3A_1162, %get3A_1173 : vector<16xf32>
      %get3A_1175 = arith.constant 92 : i32
      %get3A_1176 = arith.index_cast %get3A_1175 : i32 to index
      %get3A_1177 = arith.constant 16 : index
      %get3A_1178 = tpu.vector_load %arg6[%get3A_1176, %get3A_1177] {strides = array<i32>} : memref<128x32xf32, #tpu.memory_space<vmem>>, vector<1x16xf32>,
      %get3A_1179 = vector.shape_cast %get3A_1178 : vector<1x16xf32> to vector<16xf32>
      %max3A_1180 = arith.maximumf %max3A_1168, %get3A_1179 : vector<16xf32>
      %get3A_1181 = arith.constant 93 : i32
      %get3A_1182 = arith.index_cast %get3A_1181 : i32 to index
      %get3A_1183 = arith.constant 0 : index
      %get3A_1184 = tpu.vector_load %arg6[%get3A_1182, %get3A_1183] {strides = array<i32>} : memref<128x32xf32, #tpu.memory_space<vmem>>, vector<1x16xf32>,
      %get3A_1185 = vector.shape_cast %get3A_1184 : vector<1x16xf32> to vector<16xf32>
      %max3A_1186 = arith.maximumf %max3A_1174, %get3A_1185 : vector<16xf32>
      %get3A_1187 = arith.constant 93 : i32
      %get3A_1188 = arith.index_cast %get3A_1187 : i32 to index
      %get3A_1189 = arith.constant 16 : index
      %get3A_1190 = tpu.vector_load %arg6[%get3A_1188, %get3A_1189] {strides = array<i32>} : memref<128x32xf32, #tpu.memory_space<vmem>>, vector<1x16xf32>,
      %get3A_1191 = vector.shape_cast %get3A_1190 : vector<1x16xf32> to vector<16xf32>
      %max3A_1192 = arith.maximumf %max3A_1180, %get3A_1191 : vector<16xf32>
      %get3A_1193 = arith.constant 94 : i32
      %get3A_1194 = arith.index_cast %get3A_1193 : i32 to index
      %get3A_1195 = arith.constant 0 : index
      %get3A_1196 = tpu.vector_load %arg6[%get3A_1194, %get3A_1195] {strides = array<i32>} : memref<128x32xf32, #tpu.memory_space<vmem>>, vector<1x16xf32>,
      %get3A_1197 = vector.shape_cast %get3A_1196 : vector<1x16xf32> to vector<16xf32>
      %max3A_1198 = arith.maximumf %max3A_1186, %get3A_1197 : vector<16xf32>
      %get3A_1199 = arith.constant 94 : i32
      %get3A_1200 = arith.index_cast %get3A_1199 : i32 to index
      %get3A_1201 = arith.constant 16 : index
      %get3A_1202 = tpu.vector_load %arg6[%get3A_1200, %get3A_1201] {strides = array<i32>} : memref<128x32xf32, #tpu.memory_space<vmem>>, vector<1x16xf32>,
      %get3A_1203 = vector.shape_cast %get3A_1202 : vector<1x16xf32> to vector<16xf32>
      %max3A_1204 = arith.maximumf %max3A_1192, %get3A_1203 : vector<16xf32>
      %get3A_1205 = arith.constant 95 : i32
      %get3A_1206 = arith.index_cast %get3A_1205 : i32 to index
      %get3A_1207 = arith.constant 0 : index
      %get3A_1208 = tpu.vector_load %arg6[%get3A_1206, %get3A_1207] {strides = array<i32>} : memref<128x32xf32, #tpu.memory_space<vmem>>, vector<1x16xf32>,
      %get3A_1209 = vector.shape_cast %get3A_1208 : vector<1x16xf32> to vector<16xf32>
      %max3A_1210 = arith.maximumf %max3A_1198, %get3A_1209 : vector<16xf32>
      %get3A_1211 = arith.constant 95 : i32
      %get3A_1212 = arith.index_cast %get3A_1211 : i32 to index
      %get3A_1213 = arith.constant 16 : index
      %get3A_1214 = tpu.vector_load %arg6[%get3A_1212, %get3A_1213] {strides = array<i32>} : memref<128x32xf32, #tpu.memory_space<vmem>>, vector<1x16xf32>,
      %get3A_1215 = vector.shape_cast %get3A_1214 : vector<1x16xf32> to vector<16xf32>
      %max3A_1216 = arith.maximumf %max3A_1204, %get3A_1215 : vector<16xf32>
      %swap3A_1217 = arith.constant 5 : i32
      %swap3A_1218 = arith.index_cast %swap3A_1217 : i32 to index
      %swap3A_1219 = arith.constant 0 : index
      %swap3A_1220 = tpu.vector_load %arg7[%swap3A_1218, %swap3A_1219] {strides = array<i32>} : memref<8x32xf32, #tpu.memory_space<vmem>>, vector<1x16xf32>,
      %swap3A_1221 = vector.shape_cast %swap3A_1220 : vector<1x16xf32> to vector<16xf32>
      %swap3A_1222 = vector.shape_cast %max3A_1210 : vector<16xf32> to vector<1x16xf32>
      tpu.vector_store %arg7[%swap3A_1218, %swap3A_1219], %swap3A_1222 {strides = array<i32>} : memref<8x32xf32, #tpu.memory_space<vmem>>, vector<1x16xf32>,
      %swap3A_1223 = arith.constant 5 : i32
      %swap3A_1224 = arith.index_cast %swap3A_1223 : i32 to index
      %swap3A_1225 = arith.constant 16 : index
      %swap3A_1226 = tpu.vector_load %arg7[%swap3A_1224, %swap3A_1225] {strides = array<i32>} : memref<8x32xf32, #tpu.memory_space<vmem>>, vector<1x16xf32>,
      %swap3A_1227 = vector.shape_cast %swap3A_1226 : vector<1x16xf32> to vector<16xf32>
      %swap3A_1228 = vector.shape_cast %max3A_1216 : vector<16xf32> to vector<1x16xf32>
      tpu.vector_store %arg7[%swap3A_1224, %swap3A_1225], %swap3A_1228 {strides = array<i32>} : memref<8x32xf32, #tpu.memory_space<vmem>>, vector<1x16xf32>,
      %get3A_1229 = arith.constant 96 : i32
      %get3A_1230 = arith.index_cast %get3A_1229 : i32 to index
      %get3A_1231 = arith.constant 0 : index
      %get3A_1232 = tpu.vector_load %arg6[%get3A_1230, %get3A_1231] {strides = array<i32>} : memref<128x32xf32, #tpu.memory_space<vmem>>, vector<1x16xf32>,
      %get3A_1233 = vector.shape_cast %get3A_1232 : vector<1x16xf32> to vector<16xf32>
      %get3A_1234 = arith.constant 96 : i32
      %get3A_1235 = arith.index_cast %get3A_1234 : i32 to index
      %get3A_1236 = arith.constant 16 : index
      %get3A_1237 = tpu.vector_load %arg6[%get3A_1235, %get3A_1236] {strides = array<i32>} : memref<128x32xf32, #tpu.memory_space<vmem>>, vector<1x16xf32>,
      %get3A_1238 = vector.shape_cast %get3A_1237 : vector<1x16xf32> to vector<16xf32>
      %get3A_1239 = arith.constant 97 : i32
      %get3A_1240 = arith.index_cast %get3A_1239 : i32 to index
      %get3A_1241 = arith.constant 0 : index
      %get3A_1242 = tpu.vector_load %arg6[%get3A_1240, %get3A_1241] {strides = array<i32>} : memref<128x32xf32, #tpu.memory_space<vmem>>, vector<1x16xf32>,
      %get3A_1243 = vector.shape_cast %get3A_1242 : vector<1x16xf32> to vector<16xf32>
      %max3A_1244 = arith.maximumf %get3A_1233, %get3A_1243 : vector<16xf32>
      %get3A_1245 = arith.constant 97 : i32
      %get3A_1246 = arith.index_cast %get3A_1245 : i32 to index
      %get3A_1247 = arith.constant 16 : index
      %get3A_1248 = tpu.vector_load %arg6[%get3A_1246, %get3A_1247] {strides = array<i32>} : memref<128x32xf32, #tpu.memory_space<vmem>>, vector<1x16xf32>,
      %get3A_1249 = vector.shape_cast %get3A_1248 : vector<1x16xf32> to vector<16xf32>
      %max3A_1250 = arith.maximumf %get3A_1238, %get3A_1249 : vector<16xf32>
      %get3A_1251 = arith.constant 98 : i32
      %get3A_1252 = arith.index_cast %get3A_1251 : i32 to index
      %get3A_1253 = arith.constant 0 : index
      %get3A_1254 = tpu.vector_load %arg6[%get3A_1252, %get3A_1253] {strides = array<i32>} : memref<128x32xf32, #tpu.memory_space<vmem>>, vector<1x16xf32>,
      %get3A_1255 = vector.shape_cast %get3A_1254 : vector<1x16xf32> to vector<16xf32>
      %max3A_1256 = arith.maximumf %max3A_1244, %get3A_1255 : vector<16xf32>
      %get3A_1257 = arith.constant 98 : i32
      %get3A_1258 = arith.index_cast %get3A_1257 : i32 to index
      %get3A_1259 = arith.constant 16 : index
      %get3A_1260 = tpu.vector_load %arg6[%get3A_1258, %get3A_1259] {strides = array<i32>} : memref<128x32xf32, #tpu.memory_space<vmem>>, vector<1x16xf32>,
      %get3A_1261 = vector.shape_cast %get3A_1260 : vector<1x16xf32> to vector<16xf32>
      %max3A_1262 = arith.maximumf %max3A_1250, %get3A_1261 : vector<16xf32>
      %get3A_1263 = arith.constant 99 : i32
      %get3A_1264 = arith.index_cast %get3A_1263 : i32 to index
      %get3A_1265 = arith.constant 0 : index
      %get3A_1266 = tpu.vector_load %arg6[%get3A_1264, %get3A_1265] {strides = array<i32>} : memref<128x32xf32, #tpu.memory_space<vmem>>, vector<1x16xf32>,
      %get3A_1267 = vector.shape_cast %get3A_1266 : vector<1x16xf32> to vector<16xf32>
      %max3A_1268 = arith.maximumf %max3A_1256, %get3A_1267 : vector<16xf32>
      %get3A_1269 = arith.constant 99 : i32
      %get3A_1270 = arith.index_cast %get3A_1269 : i32 to index
      %get3A_1271 = arith.constant 16 : index
      %get3A_1272 = tpu.vector_load %arg6[%get3A_1270, %get3A_1271] {strides = array<i32>} : memref<128x32xf32, #tpu.memory_space<vmem>>, vector<1x16xf32>,
      %get3A_1273 = vector.shape_cast %get3A_1272 : vector<1x16xf32> to vector<16xf32>
      %max3A_1274 = arith.maximumf %max3A_1262, %get3A_1273 : vector<16xf32>
      %get3A_1275 = arith.constant 100 : i32
      %get3A_1276 = arith.index_cast %get3A_1275 : i32 to index
      %get3A_1277 = arith.constant 0 : index
      %get3A_1278 = tpu.vector_load %arg6[%get3A_1276, %get3A_1277] {strides = array<i32>} : memref<128x32xf32, #tpu.memory_space<vmem>>, vector<1x16xf32>,
      %get3A_1279 = vector.shape_cast %get3A_1278 : vector<1x16xf32> to vector<16xf32>
      %max3A_1280 = arith.maximumf %max3A_1268, %get3A_1279 : vector<16xf32>
      %get3A_1281 = arith.constant 100 : i32
      %get3A_1282 = arith.index_cast %get3A_1281 : i32 to index
      %get3A_1283 = arith.constant 16 : index
      %get3A_1284 = tpu.vector_load %arg6[%get3A_1282, %get3A_1283] {strides = array<i32>} : memref<128x32xf32, #tpu.memory_space<vmem>>, vector<1x16xf32>,
      %get3A_1285 = vector.shape_cast %get3A_1284 : vector<1x16xf32> to vector<16xf32>
      %max3A_1286 = arith.maximumf %max3A_1274, %get3A_1285 : vector<16xf32>
      %get3A_1287 = arith.constant 101 : i32
      %get3A_1288 = arith.index_cast %get3A_1287 : i32 to index
      %get3A_1289 = arith.constant 0 : index
      %get3A_1290 = tpu.vector_load %arg6[%get3A_1288, %get3A_1289] {strides = array<i32>} : memref<128x32xf32, #tpu.memory_space<vmem>>, vector<1x16xf32>,
      %get3A_1291 = vector.shape_cast %get3A_1290 : vector<1x16xf32> to vector<16xf32>
      %max3A_1292 = arith.maximumf %max3A_1280, %get3A_1291 : vector<16xf32>
      %get3A_1293 = arith.constant 101 : i32
      %get3A_1294 = arith.index_cast %get3A_1293 : i32 to index
      %get3A_1295 = arith.constant 16 : index
      %get3A_1296 = tpu.vector_load %arg6[%get3A_1294, %get3A_1295] {strides = array<i32>} : memref<128x32xf32, #tpu.memory_space<vmem>>, vector<1x16xf32>,
      %get3A_1297 = vector.shape_cast %get3A_1296 : vector<1x16xf32> to vector<16xf32>
      %max3A_1298 = arith.maximumf %max3A_1286, %get3A_1297 : vector<16xf32>
      %get3A_1299 = arith.constant 102 : i32
      %get3A_1300 = arith.index_cast %get3A_1299 : i32 to index
      %get3A_1301 = arith.constant 0 : index
      %get3A_1302 = tpu.vector_load %arg6[%get3A_1300, %get3A_1301] {strides = array<i32>} : memref<128x32xf32, #tpu.memory_space<vmem>>, vector<1x16xf32>,
      %get3A_1303 = vector.shape_cast %get3A_1302 : vector<1x16xf32> to vector<16xf32>
      %max3A_1304 = arith.maximumf %max3A_1292, %get3A_1303 : vector<16xf32>
      %get3A_1305 = arith.constant 102 : i32
      %get3A_1306 = arith.index_cast %get3A_1305 : i32 to index
      %get3A_1307 = arith.constant 16 : index
      %get3A_1308 = tpu.vector_load %arg6[%get3A_1306, %get3A_1307] {strides = array<i32>} : memref<128x32xf32, #tpu.memory_space<vmem>>, vector<1x16xf32>,
      %get3A_1309 = vector.shape_cast %get3A_1308 : vector<1x16xf32> to vector<16xf32>
      %max3A_1310 = arith.maximumf %max3A_1298, %get3A_1309 : vector<16xf32>
      %get3A_1311 = arith.constant 103 : i32
      %get3A_1312 = arith.index_cast %get3A_1311 : i32 to index
      %get3A_1313 = arith.constant 0 : index
      %get3A_1314 = tpu.vector_load %arg6[%get3A_1312, %get3A_1313] {strides = array<i32>} : memref<128x32xf32, #tpu.memory_space<vmem>>, vector<1x16xf32>,
      %get3A_1315 = vector.shape_cast %get3A_1314 : vector<1x16xf32> to vector<16xf32>
      %max3A_1316 = arith.maximumf %max3A_1304, %get3A_1315 : vector<16xf32>
      %get3A_1317 = arith.constant 103 : i32
      %get3A_1318 = arith.index_cast %get3A_1317 : i32 to index
      %get3A_1319 = arith.constant 16 : index
      %get3A_1320 = tpu.vector_load %arg6[%get3A_1318, %get3A_1319] {strides = array<i32>} : memref<128x32xf32, #tpu.memory_space<vmem>>, vector<1x16xf32>,
      %get3A_1321 = vector.shape_cast %get3A_1320 : vector<1x16xf32> to vector<16xf32>
      %max3A_1322 = arith.maximumf %max3A_1310, %get3A_1321 : vector<16xf32>
      %get3A_1323 = arith.constant 104 : i32
      %get3A_1324 = arith.index_cast %get3A_1323 : i32 to index
      %get3A_1325 = arith.constant 0 : index
      %get3A_1326 = tpu.vector_load %arg6[%get3A_1324, %get3A_1325] {strides = array<i32>} : memref<128x32xf32, #tpu.memory_space<vmem>>, vector<1x16xf32>,
      %get3A_1327 = vector.shape_cast %get3A_1326 : vector<1x16xf32> to vector<16xf32>
      %max3A_1328 = arith.maximumf %max3A_1316, %get3A_1327 : vector<16xf32>
      %get3A_1329 = arith.constant 104 : i32
      %get3A_1330 = arith.index_cast %get3A_1329 : i32 to index
      %get3A_1331 = arith.constant 16 : index
      %get3A_1332 = tpu.vector_load %arg6[%get3A_1330, %get3A_1331] {strides = array<i32>} : memref<128x32xf32, #tpu.memory_space<vmem>>, vector<1x16xf32>,
      %get3A_1333 = vector.shape_cast %get3A_1332 : vector<1x16xf32> to vector<16xf32>
      %max3A_1334 = arith.maximumf %max3A_1322, %get3A_1333 : vector<16xf32>
      %get3A_1335 = arith.constant 105 : i32
      %get3A_1336 = arith.index_cast %get3A_1335 : i32 to index
      %get3A_1337 = arith.constant 0 : index
      %get3A_1338 = tpu.vector_load %arg6[%get3A_1336, %get3A_1337] {strides = array<i32>} : memref<128x32xf32, #tpu.memory_space<vmem>>, vector<1x16xf32>,
      %get3A_1339 = vector.shape_cast %get3A_1338 : vector<1x16xf32> to vector<16xf32>
      %max3A_1340 = arith.maximumf %max3A_1328, %get3A_1339 : vector<16xf32>
      %get3A_1341 = arith.constant 105 : i32
      %get3A_1342 = arith.index_cast %get3A_1341 : i32 to index
      %get3A_1343 = arith.constant 16 : index
      %get3A_1344 = tpu.vector_load %arg6[%get3A_1342, %get3A_1343] {strides = array<i32>} : memref<128x32xf32, #tpu.memory_space<vmem>>, vector<1x16xf32>,
      %get3A_1345 = vector.shape_cast %get3A_1344 : vector<1x16xf32> to vector<16xf32>
      %max3A_1346 = arith.maximumf %max3A_1334, %get3A_1345 : vector<16xf32>
      %get3A_1347 = arith.constant 106 : i32
      %get3A_1348 = arith.index_cast %get3A_1347 : i32 to index
      %get3A_1349 = arith.constant 0 : index
      %get3A_1350 = tpu.vector_load %arg6[%get3A_1348, %get3A_1349] {strides = array<i32>} : memref<128x32xf32, #tpu.memory_space<vmem>>, vector<1x16xf32>,
      %get3A_1351 = vector.shape_cast %get3A_1350 : vector<1x16xf32> to vector<16xf32>
      %max3A_1352 = arith.maximumf %max3A_1340, %get3A_1351 : vector<16xf32>
      %get3A_1353 = arith.constant 106 : i32
      %get3A_1354 = arith.index_cast %get3A_1353 : i32 to index
      %get3A_1355 = arith.constant 16 : index
      %get3A_1356 = tpu.vector_load %arg6[%get3A_1354, %get3A_1355] {strides = array<i32>} : memref<128x32xf32, #tpu.memory_space<vmem>>, vector<1x16xf32>,
      %get3A_1357 = vector.shape_cast %get3A_1356 : vector<1x16xf32> to vector<16xf32>
      %max3A_1358 = arith.maximumf %max3A_1346, %get3A_1357 : vector<16xf32>
      %get3A_1359 = arith.constant 107 : i32
      %get3A_1360 = arith.index_cast %get3A_1359 : i32 to index
      %get3A_1361 = arith.constant 0 : index
      %get3A_1362 = tpu.vector_load %arg6[%get3A_1360, %get3A_1361] {strides = array<i32>} : memref<128x32xf32, #tpu.memory_space<vmem>>, vector<1x16xf32>,
      %get3A_1363 = vector.shape_cast %get3A_1362 : vector<1x16xf32> to vector<16xf32>
      %max3A_1364 = arith.maximumf %max3A_1352, %get3A_1363 : vector<16xf32>
      %get3A_1365 = arith.constant 107 : i32
      %get3A_1366 = arith.index_cast %get3A_1365 : i32 to index
      %get3A_1367 = arith.constant 16 : index
      %get3A_1368 = tpu.vector_load %arg6[%get3A_1366, %get3A_1367] {strides = array<i32>} : memref<128x32xf32, #tpu.memory_space<vmem>>, vector<1x16xf32>,
      %get3A_1369 = vector.shape_cast %get3A_1368 : vector<1x16xf32> to vector<16xf32>
      %max3A_1370 = arith.maximumf %max3A_1358, %get3A_1369 : vector<16xf32>
      %get3A_1371 = arith.constant 108 : i32
      %get3A_1372 = arith.index_cast %get3A_1371 : i32 to index
      %get3A_1373 = arith.constant 0 : index
      %get3A_1374 = tpu.vector_load %arg6[%get3A_1372, %get3A_1373] {strides = array<i32>} : memref<128x32xf32, #tpu.memory_space<vmem>>, vector<1x16xf32>,
      %get3A_1375 = vector.shape_cast %get3A_1374 : vector<1x16xf32> to vector<16xf32>
      %max3A_1376 = arith.maximumf %max3A_1364, %get3A_1375 : vector<16xf32>
      %get3A_1377 = arith.constant 108 : i32
      %get3A_1378 = arith.index_cast %get3A_1377 : i32 to index
      %get3A_1379 = arith.constant 16 : index
      %get3A_1380 = tpu.vector_load %arg6[%get3A_1378, %get3A_1379] {strides = array<i32>} : memref<128x32xf32, #tpu.memory_space<vmem>>, vector<1x16xf32>,
      %get3A_1381 = vector.shape_cast %get3A_1380 : vector<1x16xf32> to vector<16xf32>
      %max3A_1382 = arith.maximumf %max3A_1370, %get3A_1381 : vector<16xf32>
      %get3A_1383 = arith.constant 109 : i32
      %get3A_1384 = arith.index_cast %get3A_1383 : i32 to index
      %get3A_1385 = arith.constant 0 : index
      %get3A_1386 = tpu.vector_load %arg6[%get3A_1384, %get3A_1385] {strides = array<i32>} : memref<128x32xf32, #tpu.memory_space<vmem>>, vector<1x16xf32>,
      %get3A_1387 = vector.shape_cast %get3A_1386 : vector<1x16xf32> to vector<16xf32>
      %max3A_1388 = arith.maximumf %max3A_1376, %get3A_1387 : vector<16xf32>
      %get3A_1389 = arith.constant 109 : i32
      %get3A_1390 = arith.index_cast %get3A_1389 : i32 to index
      %get3A_1391 = arith.constant 16 : index
      %get3A_1392 = tpu.vector_load %arg6[%get3A_1390, %get3A_1391] {strides = array<i32>} : memref<128x32xf32, #tpu.memory_space<vmem>>, vector<1x16xf32>,
      %get3A_1393 = vector.shape_cast %get3A_1392 : vector<1x16xf32> to vector<16xf32>
      %max3A_1394 = arith.maximumf %max3A_1382, %get3A_1393 : vector<16xf32>
      %get3A_1395 = arith.constant 110 : i32
      %get3A_1396 = arith.index_cast %get3A_1395 : i32 to index
      %get3A_1397 = arith.constant 0 : index
      %get3A_1398 = tpu.vector_load %arg6[%get3A_1396, %get3A_1397] {strides = array<i32>} : memref<128x32xf32, #tpu.memory_space<vmem>>, vector<1x16xf32>,
      %get3A_1399 = vector.shape_cast %get3A_1398 : vector<1x16xf32> to vector<16xf32>
      %max3A_1400 = arith.maximumf %max3A_1388, %get3A_1399 : vector<16xf32>
      %get3A_1401 = arith.constant 110 : i32
      %get3A_1402 = arith.index_cast %get3A_1401 : i32 to index
      %get3A_1403 = arith.constant 16 : index
      %get3A_1404 = tpu.vector_load %arg6[%get3A_1402, %get3A_1403] {strides = array<i32>} : memref<128x32xf32, #tpu.memory_space<vmem>>, vector<1x16xf32>,
      %get3A_1405 = vector.shape_cast %get3A_1404 : vector<1x16xf32> to vector<16xf32>
      %max3A_1406 = arith.maximumf %max3A_1394, %get3A_1405 : vector<16xf32>
      %get3A_1407 = arith.constant 111 : i32
      %get3A_1408 = arith.index_cast %get3A_1407 : i32 to index
      %get3A_1409 = arith.constant 0 : index
      %get3A_1410 = tpu.vector_load %arg6[%get3A_1408, %get3A_1409] {strides = array<i32>} : memref<128x32xf32, #tpu.memory_space<vmem>>, vector<1x16xf32>,
      %get3A_1411 = vector.shape_cast %get3A_1410 : vector<1x16xf32> to vector<16xf32>
      %max3A_1412 = arith.maximumf %max3A_1400, %get3A_1411 : vector<16xf32>
      %get3A_1413 = arith.constant 111 : i32
      %get3A_1414 = arith.index_cast %get3A_1413 : i32 to index
      %get3A_1415 = arith.constant 16 : index
      %get3A_1416 = tpu.vector_load %arg6[%get3A_1414, %get3A_1415] {strides = array<i32>} : memref<128x32xf32, #tpu.memory_space<vmem>>, vector<1x16xf32>,
      %get3A_1417 = vector.shape_cast %get3A_1416 : vector<1x16xf32> to vector<16xf32>
      %max3A_1418 = arith.maximumf %max3A_1406, %get3A_1417 : vector<16xf32>
      %swap3A_1419 = arith.constant 6 : i32
      %swap3A_1420 = arith.index_cast %swap3A_1419 : i32 to index
      %swap3A_1421 = arith.constant 0 : index
      %swap3A_1422 = tpu.vector_load %arg7[%swap3A_1420, %swap3A_1421] {strides = array<i32>} : memref<8x32xf32, #tpu.memory_space<vmem>>, vector<1x16xf32>,
      %swap3A_1423 = vector.shape_cast %swap3A_1422 : vector<1x16xf32> to vector<16xf32>
      %swap3A_1424 = vector.shape_cast %max3A_1412 : vector<16xf32> to vector<1x16xf32>
      tpu.vector_store %arg7[%swap3A_1420, %swap3A_1421], %swap3A_1424 {strides = array<i32>} : memref<8x32xf32, #tpu.memory_space<vmem>>, vector<1x16xf32>,
      %swap3A_1425 = arith.constant 6 : i32
      %swap3A_1426 = arith.index_cast %swap3A_1425 : i32 to index
      %swap3A_1427 = arith.constant 16 : index
      %swap3A_1428 = tpu.vector_load %arg7[%swap3A_1426, %swap3A_1427] {strides = array<i32>} : memref<8x32xf32, #tpu.memory_space<vmem>>, vector<1x16xf32>,
      %swap3A_1429 = vector.shape_cast %swap3A_1428 : vector<1x16xf32> to vector<16xf32>
      %swap3A_1430 = vector.shape_cast %max3A_1418 : vector<16xf32> to vector<1x16xf32>
      tpu.vector_store %arg7[%swap3A_1426, %swap3A_1427], %swap3A_1430 {strides = array<i32>} : memref<8x32xf32, #tpu.memory_space<vmem>>, vector<1x16xf32>,
      %get3A_1431 = arith.constant 112 : i32
      %get3A_1432 = arith.index_cast %get3A_1431 : i32 to index
      %get3A_1433 = arith.constant 0 : index
      %get3A_1434 = tpu.vector_load %arg6[%get3A_1432, %get3A_1433] {strides = array<i32>} : memref<128x32xf32, #tpu.memory_space<vmem>>, vector<1x16xf32>,
      %get3A_1435 = vector.shape_cast %get3A_1434 : vector<1x16xf32> to vector<16xf32>
      %get3A_1436 = arith.constant 112 : i32
      %get3A_1437 = arith.index_cast %get3A_1436 : i32 to index
      %get3A_1438 = arith.constant 16 : index
      %get3A_1439 = tpu.vector_load %arg6[%get3A_1437, %get3A_1438] {strides = array<i32>} : memref<128x32xf32, #tpu.memory_space<vmem>>, vector<1x16xf32>,
      %get3A_1440 = vector.shape_cast %get3A_1439 : vector<1x16xf32> to vector<16xf32>
      %get3A_1441 = arith.constant 113 : i32
      %get3A_1442 = arith.index_cast %get3A_1441 : i32 to index
      %get3A_1443 = arith.constant 0 : index
      %get3A_1444 = tpu.vector_load %arg6[%get3A_1442, %get3A_1443] {strides = array<i32>} : memref<128x32xf32, #tpu.memory_space<vmem>>, vector<1x16xf32>,
      %get3A_1445 = vector.shape_cast %get3A_1444 : vector<1x16xf32> to vector<16xf32>
      %max3A_1446 = arith.maximumf %get3A_1435, %get3A_1445 : vector<16xf32>
      %get3A_1447 = arith.constant 113 : i32
      %get3A_1448 = arith.index_cast %get3A_1447 : i32 to index
      %get3A_1449 = arith.constant 16 : index
      %get3A_1450 = tpu.vector_load %arg6[%get3A_1448, %get3A_1449] {strides = array<i32>} : memref<128x32xf32, #tpu.memory_space<vmem>>, vector<1x16xf32>,
      %get3A_1451 = vector.shape_cast %get3A_1450 : vector<1x16xf32> to vector<16xf32>
      %max3A_1452 = arith.maximumf %get3A_1440, %get3A_1451 : vector<16xf32>
      %get3A_1453 = arith.constant 114 : i32
      %get3A_1454 = arith.index_cast %get3A_1453 : i32 to index
      %get3A_1455 = arith.constant 0 : index
      %get3A_1456 = tpu.vector_load %arg6[%get3A_1454, %get3A_1455] {strides = array<i32>} : memref<128x32xf32, #tpu.memory_space<vmem>>, vector<1x16xf32>,
      %get3A_1457 = vector.shape_cast %get3A_1456 : vector<1x16xf32> to vector<16xf32>
      %max3A_1458 = arith.maximumf %max3A_1446, %get3A_1457 : vector<16xf32>
      %get3A_1459 = arith.constant 114 : i32
      %get3A_1460 = arith.index_cast %get3A_1459 : i32 to index
      %get3A_1461 = arith.constant 16 : index
      %get3A_1462 = tpu.vector_load %arg6[%get3A_1460, %get3A_1461] {strides = array<i32>} : memref<128x32xf32, #tpu.memory_space<vmem>>, vector<1x16xf32>,
      %get3A_1463 = vector.shape_cast %get3A_1462 : vector<1x16xf32> to vector<16xf32>
      %max3A_1464 = arith.maximumf %max3A_1452, %get3A_1463 : vector<16xf32>
      %get3A_1465 = arith.constant 115 : i32
      %get3A_1466 = arith.index_cast %get3A_1465 : i32 to index
      %get3A_1467 = arith.constant 0 : index
      %get3A_1468 = tpu.vector_load %arg6[%get3A_1466, %get3A_1467] {strides = array<i32>} : memref<128x32xf32, #tpu.memory_space<vmem>>, vector<1x16xf32>,
      %get3A_1469 = vector.shape_cast %get3A_1468 : vector<1x16xf32> to vector<16xf32>
      %max3A_1470 = arith.maximumf %max3A_1458, %get3A_1469 : vector<16xf32>
      %get3A_1471 = arith.constant 115 : i32
      %get3A_1472 = arith.index_cast %get3A_1471 : i32 to index
      %get3A_1473 = arith.constant 16 : index
      %get3A_1474 = tpu.vector_load %arg6[%get3A_1472, %get3A_1473] {strides = array<i32>} : memref<128x32xf32, #tpu.memory_space<vmem>>, vector<1x16xf32>,
      %get3A_1475 = vector.shape_cast %get3A_1474 : vector<1x16xf32> to vector<16xf32>
      %max3A_1476 = arith.maximumf %max3A_1464, %get3A_1475 : vector<16xf32>
      %get3A_1477 = arith.constant 116 : i32
      %get3A_1478 = arith.index_cast %get3A_1477 : i32 to index
      %get3A_1479 = arith.constant 0 : index
      %get3A_1480 = tpu.vector_load %arg6[%get3A_1478, %get3A_1479] {strides = array<i32>} : memref<128x32xf32, #tpu.memory_space<vmem>>, vector<1x16xf32>,
      %get3A_1481 = vector.shape_cast %get3A_1480 : vector<1x16xf32> to vector<16xf32>
      %max3A_1482 = arith.maximumf %max3A_1470, %get3A_1481 : vector<16xf32>
      %get3A_1483 = arith.constant 116 : i32
      %get3A_1484 = arith.index_cast %get3A_1483 : i32 to index
      %get3A_1485 = arith.constant 16 : index
      %get3A_1486 = tpu.vector_load %arg6[%get3A_1484, %get3A_1485] {strides = array<i32>} : memref<128x32xf32, #tpu.memory_space<vmem>>, vector<1x16xf32>,
      %get3A_1487 = vector.shape_cast %get3A_1486 : vector<1x16xf32> to vector<16xf32>
      %max3A_1488 = arith.maximumf %max3A_1476, %get3A_1487 : vector<16xf32>
      %get3A_1489 = arith.constant 117 : i32
      %get3A_1490 = arith.index_cast %get3A_1489 : i32 to index
      %get3A_1491 = arith.constant 0 : index
      %get3A_1492 = tpu.vector_load %arg6[%get3A_1490, %get3A_1491] {strides = array<i32>} : memref<128x32xf32, #tpu.memory_space<vmem>>, vector<1x16xf32>,
      %get3A_1493 = vector.shape_cast %get3A_1492 : vector<1x16xf32> to vector<16xf32>
      %max3A_1494 = arith.maximumf %max3A_1482, %get3A_1493 : vector<16xf32>
      %get3A_1495 = arith.constant 117 : i32
      %get3A_1496 = arith.index_cast %get3A_1495 : i32 to index
      %get3A_1497 = arith.constant 16 : index
      %get3A_1498 = tpu.vector_load %arg6[%get3A_1496, %get3A_1497] {strides = array<i32>} : memref<128x32xf32, #tpu.memory_space<vmem>>, vector<1x16xf32>,
      %get3A_1499 = vector.shape_cast %get3A_1498 : vector<1x16xf32> to vector<16xf32>
      %max3A_1500 = arith.maximumf %max3A_1488, %get3A_1499 : vector<16xf32>
      %get3A_1501 = arith.constant 118 : i32
      %get3A_1502 = arith.index_cast %get3A_1501 : i32 to index
      %get3A_1503 = arith.constant 0 : index
      %get3A_1504 = tpu.vector_load %arg6[%get3A_1502, %get3A_1503] {strides = array<i32>} : memref<128x32xf32, #tpu.memory_space<vmem>>, vector<1x16xf32>,
      %get3A_1505 = vector.shape_cast %get3A_1504 : vector<1x16xf32> to vector<16xf32>
      %max3A_1506 = arith.maximumf %max3A_1494, %get3A_1505 : vector<16xf32>
      %get3A_1507 = arith.constant 118 : i32
      %get3A_1508 = arith.index_cast %get3A_1507 : i32 to index
      %get3A_1509 = arith.constant 16 : index
      %get3A_1510 = tpu.vector_load %arg6[%get3A_1508, %get3A_1509] {strides = array<i32>} : memref<128x32xf32, #tpu.memory_space<vmem>>, vector<1x16xf32>,
      %get3A_1511 = vector.shape_cast %get3A_1510 : vector<1x16xf32> to vector<16xf32>
      %max3A_1512 = arith.maximumf %max3A_1500, %get3A_1511 : vector<16xf32>
      %get3A_1513 = arith.constant 119 : i32
      %get3A_1514 = arith.index_cast %get3A_1513 : i32 to index
      %get3A_1515 = arith.constant 0 : index
      %get3A_1516 = tpu.vector_load %arg6[%get3A_1514, %get3A_1515] {strides = array<i32>} : memref<128x32xf32, #tpu.memory_space<vmem>>, vector<1x16xf32>,
      %get3A_1517 = vector.shape_cast %get3A_1516 : vector<1x16xf32> to vector<16xf32>
      %max3A_1518 = arith.maximumf %max3A_1506, %get3A_1517 : vector<16xf32>
      %get3A_1519 = arith.constant 119 : i32
      %get3A_1520 = arith.index_cast %get3A_1519 : i32 to index
      %get3A_1521 = arith.constant 16 : index
      %get3A_1522 = tpu.vector_load %arg6[%get3A_1520, %get3A_1521] {strides = array<i32>} : memref<128x32xf32, #tpu.memory_space<vmem>>, vector<1x16xf32>,
      %get3A_1523 = vector.shape_cast %get3A_1522 : vector<1x16xf32> to vector<16xf32>
      %max3A_1524 = arith.maximumf %max3A_1512, %get3A_1523 : vector<16xf32>
      %get3A_1525 = arith.constant 120 : i32
      %get3A_1526 = arith.index_cast %get3A_1525 : i32 to index
      %get3A_1527 = arith.constant 0 : index
      %get3A_1528 = tpu.vector_load %arg6[%get3A_1526, %get3A_1527] {strides = array<i32>} : memref<128x32xf32, #tpu.memory_space<vmem>>, vector<1x16xf32>,
      %get3A_1529 = vector.shape_cast %get3A_1528 : vector<1x16xf32> to vector<16xf32>
      %max3A_1530 = arith.maximumf %max3A_1518, %get3A_1529 : vector<16xf32>
      %get3A_1531 = arith.constant 120 : i32
      %get3A_1532 = arith.index_cast %get3A_1531 : i32 to index
      %get3A_1533 = arith.constant 16 : index
      %get3A_1534 = tpu.vector_load %arg6[%get3A_1532, %get3A_1533] {strides = array<i32>} : memref<128x32xf32, #tpu.memory_space<vmem>>, vector<1x16xf32>,
      %get3A_1535 = vector.shape_cast %get3A_1534 : vector<1x16xf32> to vector<16xf32>
      %max3A_1536 = arith.maximumf %max3A_1524, %get3A_1535 : vector<16xf32>
      %get3A_1537 = arith.constant 121 : i32
      %get3A_1538 = arith.index_cast %get3A_1537 : i32 to index
      %get3A_1539 = arith.constant 0 : index
      %get3A_1540 = tpu.vector_load %arg6[%get3A_1538, %get3A_1539] {strides = array<i32>} : memref<128x32xf32, #tpu.memory_space<vmem>>, vector<1x16xf32>,
      %get3A_1541 = vector.shape_cast %get3A_1540 : vector<1x16xf32> to vector<16xf32>
      %max3A_1542 = arith.maximumf %max3A_1530, %get3A_1541 : vector<16xf32>
      %get3A_1543 = arith.constant 121 : i32
      %get3A_1544 = arith.index_cast %get3A_1543 : i32 to index
      %get3A_1545 = arith.constant 16 : index
      %get3A_1546 = tpu.vector_load %arg6[%get3A_1544, %get3A_1545] {strides = array<i32>} : memref<128x32xf32, #tpu.memory_space<vmem>>, vector<1x16xf32>,
      %get3A_1547 = vector.shape_cast %get3A_1546 : vector<1x16xf32> to vector<16xf32>
      %max3A_1548 = arith.maximumf %max3A_1536, %get3A_1547 : vector<16xf32>
      %get3A_1549 = arith.constant 122 : i32
      %get3A_1550 = arith.index_cast %get3A_1549 : i32 to index
      %get3A_1551 = arith.constant 0 : index
      %get3A_1552 = tpu.vector_load %arg6[%get3A_1550, %get3A_1551] {strides = array<i32>} : memref<128x32xf32, #tpu.memory_space<vmem>>, vector<1x16xf32>,
      %get3A_1553 = vector.shape_cast %get3A_1552 : vector<1x16xf32> to vector<16xf32>
      %max3A_1554 = arith.maximumf %max3A_1542, %get3A_1553 : vector<16xf32>
      %get3A_1555 = arith.constant 122 : i32
      %get3A_1556 = arith.index_cast %get3A_1555 : i32 to index
      %get3A_1557 = arith.constant 16 : index
      %get3A_1558 = tpu.vector_load %arg6[%get3A_1556, %get3A_1557] {strides = array<i32>} : memref<128x32xf32, #tpu.memory_space<vmem>>, vector<1x16xf32>,
      %get3A_1559 = vector.shape_cast %get3A_1558 : vector<1x16xf32> to vector<16xf32>
      %max3A_1560 = arith.maximumf %max3A_1548, %get3A_1559 : vector<16xf32>
      %get3A_1561 = arith.constant 123 : i32
      %get3A_1562 = arith.index_cast %get3A_1561 : i32 to index
      %get3A_1563 = arith.constant 0 : index
      %get3A_1564 = tpu.vector_load %arg6[%get3A_1562, %get3A_1563] {strides = array<i32>} : memref<128x32xf32, #tpu.memory_space<vmem>>, vector<1x16xf32>,
      %get3A_1565 = vector.shape_cast %get3A_1564 : vector<1x16xf32> to vector<16xf32>
      %max3A_1566 = arith.maximumf %max3A_1554, %get3A_1565 : vector<16xf32>
      %get3A_1567 = arith.constant 123 : i32
      %get3A_1568 = arith.index_cast %get3A_1567 : i32 to index
      %get3A_1569 = arith.constant 16 : index
      %get3A_1570 = tpu.vector_load %arg6[%get3A_1568, %get3A_1569] {strides = array<i32>} : memref<128x32xf32, #tpu.memory_space<vmem>>, vector<1x16xf32>,
      %get3A_1571 = vector.shape_cast %get3A_1570 : vector<1x16xf32> to vector<16xf32>
      %max3A_1572 = arith.maximumf %max3A_1560, %get3A_1571 : vector<16xf32>
      %get3A_1573 = arith.constant 124 : i32
      %get3A_1574 = arith.index_cast %get3A_1573 : i32 to index
      %get3A_1575 = arith.constant 0 : index
      %get3A_1576 = tpu.vector_load %arg6[%get3A_1574, %get3A_1575] {strides = array<i32>} : memref<128x32xf32, #tpu.memory_space<vmem>>, vector<1x16xf32>,
      %get3A_1577 = vector.shape_cast %get3A_1576 : vector<1x16xf32> to vector<16xf32>
      %max3A_1578 = arith.maximumf %max3A_1566, %get3A_1577 : vector<16xf32>
      %get3A_1579 = arith.constant 124 : i32
      %get3A_1580 = arith.index_cast %get3A_1579 : i32 to index
      %get3A_1581 = arith.constant 16 : index
      %get3A_1582 = tpu.vector_load %arg6[%get3A_1580, %get3A_1581] {strides = array<i32>} : memref<128x32xf32, #tpu.memory_space<vmem>>, vector<1x16xf32>,
      %get3A_1583 = vector.shape_cast %get3A_1582 : vector<1x16xf32> to vector<16xf32>
      %max3A_1584 = arith.maximumf %max3A_1572, %get3A_1583 : vector<16xf32>
      %get3A_1585 = arith.constant 125 : i32
      %get3A_1586 = arith.index_cast %get3A_1585 : i32 to index
      %get3A_1587 = arith.constant 0 : index
      %get3A_1588 = tpu.vector_load %arg6[%get3A_1586, %get3A_1587] {strides = array<i32>} : memref<128x32xf32, #tpu.memory_space<vmem>>, vector<1x16xf32>,
      %get3A_1589 = vector.shape_cast %get3A_1588 : vector<1x16xf32> to vector<16xf32>
      %max3A_1590 = arith.maximumf %max3A_1578, %get3A_1589 : vector<16xf32>
      %get3A_1591 = arith.constant 125 : i32
      %get3A_1592 = arith.index_cast %get3A_1591 : i32 to index
      %get3A_1593 = arith.constant 16 : index
      %get3A_1594 = tpu.vector_load %arg6[%get3A_1592, %get3A_1593] {strides = array<i32>} : memref<128x32xf32, #tpu.memory_space<vmem>>, vector<1x16xf32>,
      %get3A_1595 = vector.shape_cast %get3A_1594 : vector<1x16xf32> to vector<16xf32>
      %max3A_1596 = arith.maximumf %max3A_1584, %get3A_1595 : vector<16xf32>
      %get3A_1597 = arith.constant 126 : i32
      %get3A_1598 = arith.index_cast %get3A_1597 : i32 to index
      %get3A_1599 = arith.constant 0 : index
      %get3A_1600 = tpu.vector_load %arg6[%get3A_1598, %get3A_1599] {strides = array<i32>} : memref<128x32xf32, #tpu.memory_space<vmem>>, vector<1x16xf32>,
      %get3A_1601 = vector.shape_cast %get3A_1600 : vector<1x16xf32> to vector<16xf32>
      %max3A_1602 = arith.maximumf %max3A_1590, %get3A_1601 : vector<16xf32>
      %get3A_1603 = arith.constant 126 : i32
      %get3A_1604 = arith.index_cast %get3A_1603 : i32 to index
      %get3A_1605 = arith.constant 16 : index
      %get3A_1606 = tpu.vector_load %arg6[%get3A_1604, %get3A_1605] {strides = array<i32>} : memref<128x32xf32, #tpu.memory_space<vmem>>, vector<1x16xf32>,
      %get3A_1607 = vector.shape_cast %get3A_1606 : vector<1x16xf32> to vector<16xf32>
      %max3A_1608 = arith.maximumf %max3A_1596, %get3A_1607 : vector<16xf32>
      %get3A_1609 = arith.constant 127 : i32
      %get3A_1610 = arith.index_cast %get3A_1609 : i32 to index
      %get3A_1611 = arith.constant 0 : index
      %get3A_1612 = tpu.vector_load %arg6[%get3A_1610, %get3A_1611] {strides = array<i32>} : memref<128x32xf32, #tpu.memory_space<vmem>>, vector<1x16xf32>,
      %get3A_1613 = vector.shape_cast %get3A_1612 : vector<1x16xf32> to vector<16xf32>
      %max3A_1614 = arith.maximumf %max3A_1602, %get3A_1613 : vector<16xf32>
      %get3A_1615 = arith.constant 127 : i32
      %get3A_1616 = arith.index_cast %get3A_1615 : i32 to index
      %get3A_1617 = arith.constant 16 : index
      %get3A_1618 = tpu.vector_load %arg6[%get3A_1616, %get3A_1617] {strides = array<i32>} : memref<128x32xf32, #tpu.memory_space<vmem>>, vector<1x16xf32>,
      %get3A_1619 = vector.shape_cast %get3A_1618 : vector<1x16xf32> to vector<16xf32>
      %max3A_1620 = arith.maximumf %max3A_1608, %get3A_1619 : vector<16xf32>
      %swap3A_1621 = arith.constant 7 : i32
      %swap3A_1622 = arith.index_cast %swap3A_1621 : i32 to index
      %swap3A_1623 = arith.constant 0 : index
      %swap3A_1624 = tpu.vector_load %arg7[%swap3A_1622, %swap3A_1623] {strides = array<i32>} : memref<8x32xf32, #tpu.memory_space<vmem>>, vector<1x16xf32>,
      %swap3A_1625 = vector.shape_cast %swap3A_1624 : vector<1x16xf32> to vector<16xf32>
      %swap3A_1626 = vector.shape_cast %max3A_1614 : vector<16xf32> to vector<1x16xf32>
      tpu.vector_store %arg7[%swap3A_1622, %swap3A_1623], %swap3A_1626 {strides = array<i32>} : memref<8x32xf32, #tpu.memory_space<vmem>>, vector<1x16xf32>,
      %swap3A_1627 = arith.constant 7 : i32
      %swap3A_1628 = arith.index_cast %swap3A_1627 : i32 to index
      %swap3A_1629 = arith.constant 16 : index
      %swap3A_1630 = tpu.vector_load %arg7[%swap3A_1628, %swap3A_1629] {strides = array<i32>} : memref<8x32xf32, #tpu.memory_space<vmem>>, vector<1x16xf32>,
      %swap3A_1631 = vector.shape_cast %swap3A_1630 : vector<1x16xf32> to vector<16xf32>
      %swap3A_1632 = vector.shape_cast %max3A_1620 : vector<16xf32> to vector<1x16xf32>
      tpu.vector_store %arg7[%swap3A_1628, %swap3A_1629], %swap3A_1632 {strides = array<i32>} : memref<8x32xf32, #tpu.memory_space<vmem>>, vector<1x16xf32>,
      %mul3A_1633 = arith.constant 8 : i32
      %mul3A_1634 = arith.muli %scan3A_9, %mul3A_1633 : i32
      %add3A_1635 = arith.addi %mul3A_2, %mul3A_1634 : i32
      "tpu.region"() ({
        %run_scoped3A = tpu.sem_alloc : memref<!tpu.dma_semaphore, #tpu.memory_space<semaphore_mem>>
        %dma_start3A_1636 = arith.constant 0 : i32
        %dma_start3A_1637 = tpu.memref_slice %arg4[%add3A_1635, %dma_start3A_1636] : memref<8192x32xf32, #tpu.memory_space<hbm>> -> memref<8x32xf32, #tpu.memory_space<hbm>>
        %dma_start3A_1638 = arith.constant 0 : i32
        %dma_start3A_1639 = tpu.memref_slice %arg4[%add3A_1635, %dma_start3A_1638] : memref<8192x32xf32, #tpu.memory_space<hbm>> -> memref<8x32xf32, #tpu.memory_space<hbm>>
        tpu.enqueue_dma source(%arg7 : memref<8x32xf32, #tpu.memory_space<vmem>>) target(%dma_start3A_1639 : memref<8x32xf32, #tpu.memory_space<hbm>>) target_semaphore(%run_scoped3A : memref<!tpu.dma_semaphore, #tpu.memory_space<semaphore_mem>>)
        %dma_wait3A_1640 = arith.constant 0 : i32
        %dma_wait3A_1641 = tpu.memref_slice %arg4[%add3A_1635, %dma_wait3A_1640] : memref<8192x32xf32, #tpu.memory_space<hbm>> -> memref<8x32xf32, #tpu.memory_space<hbm>>
        %dma_wait3A_1642 = arith.constant 0 : i32
        %dma_wait3A_1643 = tpu.memref_slice %arg4[%add3A_1635, %dma_wait3A_1642] : memref<8192x32xf32, #tpu.memory_space<hbm>> -> memref<8x32xf32, #tpu.memory_space<hbm>>
        tpu.wait_dma2 semaphore(%run_scoped3A : memref<!tpu.dma_semaphore, #tpu.memory_space<semaphore_mem>>) src(%arg7 : memref<8x32xf32, #tpu.memory_space<vmem>>) dst(%dma_wait3A_1643 : memref<8x32xf32, #tpu.memory_space<hbm>>)
        tpu.yield
      }) : () -> ()
    }
    %scan3A_8 = arith.constant 32 : i32
    return
  }
}

module attributes {stable_mosaic.version = 14 : i64} {
  func.func @_wx_body(%arg0: i32, %arg1: memref<32x32xf32, #tpu.memory_space<vmem>>, %arg2: memref<1x32x4096xf32, #tpu.memory_space<vmem>>, %arg3: memref<1x4096x32xf32, #tpu.memory_space<vmem>>) attributes {dimension_semantics = [#tpu.dimension_semantics<arbitrary>], iteration_bounds = array<i64: 4>, scalar_prefetch = 0 : i64, scratch_operands = 0 : i64, tpu.core_type = #tpu.core_type<tc>, window_params = [{pipeline_mode = #tpu.pipeline_mode<synchronous>, transform_indices = @transform_0, window_bounds = array<i64: 32, 32>}, {transform_indices = @transform_1, window_bounds = array<i64: 1, 32, 4096>}, {transform_indices = @transform_2, window_bounds = array<i64: 1, 4096, 32>}]} {
    %get3A = arith.constant 0 : index
    %get3A_0 = arith.constant 0 : index
    %get3A_1 = arith.constant 0 : index
    %get3A_2 = vector.load %arg2[%get3A, %get3A_0, %get3A_1] : memref<1x32x4096xf32, #tpu.memory_space<vmem>>, vector<1x32x4096xf32>
    %get3A_3 = vector.shape_cast %get3A_2 : vector<1x32x4096xf32> to vector<32x4096xf32>
    %get3A_4 = arith.constant 0 : index
    %get3A_5 = arith.constant 0 : index
    %get3A_6 = vector.load %arg1[%get3A_4, %get3A_5] : memref<32x32xf32, #tpu.memory_space<vmem>>, vector<32x32xf32>
    %dot_general3A = arith.constant dense<0.000000e+00> : vector<4096x32xf32>
    %dot_general3A_7 = tpu.matmul %get3A_3, %get3A_6, %dot_general3A {dimension_numbers = #tpu.dot_dimension_numbers<[0], [1], [1], [0], [0, 1, 1, 0], [], []>, transpose_lhs_hint = false} : vector<32x4096xf32>, vector<32x32xf32>, vector<4096x32xf32> -> vector<4096x32xf32>
    %swap3A = arith.constant 0 : index
    %swap3A_8 = arith.constant 0 : index
    %swap3A_9 = arith.constant 0 : index
    %swap3A_10 = vector.load %arg3[%swap3A, %swap3A_8, %swap3A_9] : memref<1x4096x32xf32, #tpu.memory_space<vmem>>, vector<1x4096x32xf32>
    %swap3A_11 = vector.shape_cast %swap3A_10 : vector<1x4096x32xf32> to vector<4096x32xf32>
    %swap3A_12 = vector.shape_cast %dot_general3A_7 : vector<4096x32xf32> to vector<1x4096x32xf32>
    tpu.vector_store %arg3[%swap3A, %swap3A_8, %swap3A_9], %swap3A_12 {strides = array<i32>} : memref<1x4096x32xf32, #tpu.memory_space<vmem>>, vector<1x4096x32xf32>,
    return
  }
  func.func @transform_0(%arg0: i32) -> (i32, i32) {
    %c0_i32 = arith.constant 0 : i32
    %c0_i32_0 = arith.constant 0 : i32
    %c0_i32_1 = arith.constant 0 : i32
    return %c0_i32, %c0_i32_0 : i32, i32
  }
  func.func @transform_1(%arg0: i32) -> (i32, i32, i32) {
    %c0_i32 = arith.constant 0 : i32
    %c0_i32_0 = arith.constant 0 : i32
    %c0_i32_1 = arith.constant 0 : i32
    return %arg0, %c0_i32, %c0_i32_0 : i32, i32, i32
  }
  func.func @transform_2(%arg0: i32) -> (i32, i32, i32) {
    %c0_i32 = arith.constant 0 : i32
    %c0_i32_0 = arith.constant 0 : i32
    %c0_i32_1 = arith.constant 0 : i32
    return %arg0, %c0_i32, %c0_i32_0 : i32, i32, i32
  }
}

module attributes {stable_mosaic.version = 14 : i64} {
  func.func @_knn_body(%arg0: i32, %arg1: i32, %arg2: memref<1x3x4096xf32, #tpu.memory_space<vmem>>, %arg3: memref<1x512x16xi32, #tpu.memory_space<vmem>>) attributes {dimension_semantics = [#tpu.dimension_semantics<arbitrary>, #tpu.dimension_semantics<arbitrary>], iteration_bounds = array<i64: 2, 8>, scalar_prefetch = 0 : i64, scratch_operands = 0 : i64, tpu.core_type = #tpu.core_type<tc>, window_params = [{transform_indices = @transform_0, window_bounds = array<i64: 1, 3, 4096>}, {transform_indices = @transform_1, window_bounds = array<i64: 1, 512, 16>}]} {
    %get3A = arith.constant 0 : index
    %get3A_0 = arith.constant 0 : index
    %get3A_1 = arith.constant 0 : index
    %get3A_2 = vector.load %arg2[%get3A, %get3A_0, %get3A_1] : memref<1x3x4096xf32, #tpu.memory_space<vmem>>, vector<1x3x4096xf32>
    %get3A_3 = vector.shape_cast %get3A_2 : vector<1x3x4096xf32> to vector<3x4096xf32>
    %mul3A = arith.constant 512 : i32
    %mul3A_4 = arith.muli %arg1, %mul3A : i32
    %get3A_5 = arith.constant 0 : index
    %get3A_6 = arith.constant 0 : index
    %get3A_7 = arith.index_cast %mul3A_4 : i32 to index
    %get3A_8 = vector.load %arg2[%get3A_5, %get3A_6, %get3A_7] : memref<1x3x4096xf32, #tpu.memory_space<vmem>>, vector<1x3x512xf32>
    %get3A_9 = vector.shape_cast %get3A_8 : vector<1x3x512xf32> to vector<3x512xf32>
    %mul3A_10 = arith.constant -2.000000e+00 : f32
    %mul3A_11 = vector.broadcast %mul3A_10 : f32 to vector<3x512xf32>
    %mul3A_12 = arith.mulf %get3A_9, %mul3A_11 : vector<3x512xf32>
    %dot_general3A = arith.constant dense<0.000000e+00> : vector<512x4096xf32>
    %dot_general3A_13 = tpu.matmul %mul3A_12, %get3A_3, %dot_general3A {dimension_numbers = #tpu.dot_dimension_numbers<[0], [0], [1], [1], [0, 1, 1, 1], [], []>, transpose_lhs_hint = false} : vector<3x512xf32>, vector<3x4096xf32>, vector<512x4096xf32> -> vector<512x4096xf32>
    %mul3A_14 = arith.mulf %get3A_9, %get3A_9 : vector<3x512xf32>
    %reduce_sum3A = arith.constant dense<0.000000e+00> : vector<512xf32>
    %reduce_sum3A_15 = vector.multi_reduction <add>, %mul3A_14, %reduce_sum3A [0] : vector<3x512xf32> to vector<512xf32>
    %mul3A_16 = arith.mulf %get3A_3, %get3A_3 : vector<3x4096xf32>
    %reduce_sum3A_17 = arith.constant dense<0.000000e+00> : vector<4096xf32>
    %reduce_sum3A_18 = vector.multi_reduction <add>, %mul3A_16, %reduce_sum3A_17 [0] : vector<3x4096xf32> to vector<4096xf32>
    %broadcast_in_dim3A = vector.shape_cast %reduce_sum3A_15 : vector<512xf32> to vector<512x1xf32>
    %add3A = vector.broadcast %broadcast_in_dim3A : vector<512x1xf32> to vector<512x4096xf32>
    %add3A_19 = arith.addf %add3A, %dot_general3A_13 : vector<512x4096xf32>
    %broadcast_in_dim3A_20 = vector.shape_cast %reduce_sum3A_18 : vector<4096xf32> to vector<1x4096xf32>
    %add3A_21 = vector.broadcast %broadcast_in_dim3A_20 : vector<1x4096xf32> to vector<512x4096xf32>
    %add3A_22 = arith.addf %add3A_19, %add3A_21 : vector<512x4096xf32>
    %iota3A = tpu.iota {dimensions = array<i32: 1>} : vector<512x2048xi32>
    %add3A_23 = arith.constant 2048 : i32
    %add3A_24 = vector.broadcast %add3A_23 : i32 to vector<512x2048xi32>
    %add3A_25 = arith.addi %iota3A, %add3A_24 : vector<512x2048xi32>
    %slice3A = vector.extract_strided_slice %add3A_22 {offsets = [0, 0], sizes = [512, 2048], strides = [1, 1]} : vector<512x4096xf32> to vector<512x2048xf32>
    %slice3A_26 = vector.extract_strided_slice %add3A_22 {offsets = [0, 2048], sizes = [512, 2048], strides = [1, 1]} : vector<512x4096xf32> to vector<512x2048xf32>
    %le3A = arith.cmpf ole, %slice3A, %slice3A_26 : vector<512x2048xf32>
    %min3A = arith.minimumf %slice3A, %slice3A_26 : vector<512x2048xf32>
    %max3A = arith.maximumf %slice3A, %slice3A_26 : vector<512x2048xf32>
    %select_n3A = arith.select %le3A, %iota3A, %add3A_25 : vector<512x2048xi1>, vector<512x2048xi32>
    %select_n3A_27 = arith.select %le3A, %add3A_25, %iota3A : vector<512x2048xi1>, vector<512x2048xi32>
    %reduce_min3A = arith.constant dense<0x7F800000> : vector<512xf32>
    %reduce_min3A_28 = vector.multi_reduction <minimumf>, %min3A, %reduce_min3A [1] : vector<512x2048xf32> to vector<512xf32>
    %broadcast_in_dim3A_29 = vector.shape_cast %reduce_min3A_28 : vector<512xf32> to vector<512x1xf32>
    %eq3A = vector.broadcast %broadcast_in_dim3A_29 : vector<512x1xf32> to vector<512x2048xf32>
    %eq3A_30 = arith.cmpf oeq, %min3A, %eq3A : vector<512x2048xf32>
    %jit3A = arith.constant 1073741824 : i32
    %broadcast_in_dim3A_31 = vector.broadcast %jit3A : i32 to vector<512x2048xi32>
    %select_n3A_32 = arith.select %eq3A_30, %select_n3A, %broadcast_in_dim3A_31 : vector<512x2048xi1>, vector<512x2048xi32>
    %reduce_min3A_33 = arith.constant dense<2147483647> : vector<512xi32>
    %reduce_min3A_34 = vector.multi_reduction <minsi>, %select_n3A_32, %reduce_min3A_33 [1] : vector<512x2048xi32> to vector<512xi32>
    %broadcast_in_dim3A_35 = vector.shape_cast %reduce_min3A_34 : vector<512xi32> to vector<512x1xi32>
    %eq3A_36 = vector.broadcast %broadcast_in_dim3A_35 : vector<512x1xi32> to vector<512x2048xi32>
    %eq3A_37 = arith.cmpi eq, %select_n3A, %eq3A_36 : vector<512x2048xi32>
    %jit3A_38 = arith.constant 0x7F800000 : f32
    %broadcast_in_dim3A_39 = vector.broadcast %jit3A_38 : f32 to vector<512x2048xf32>
    %select_n3A_40 = arith.select %eq3A_37, %broadcast_in_dim3A_39, %min3A : vector<512x2048xi1>, vector<512x2048xf32>
    %reduce_min3A_41 = arith.constant dense<0x7F800000> : vector<512xf32>
    %reduce_min3A_42 = vector.multi_reduction <minimumf>, %select_n3A_40, %reduce_min3A_41 [1] : vector<512x2048xf32> to vector<512xf32>
    %broadcast_in_dim3A_43 = vector.shape_cast %reduce_min3A_42 : vector<512xf32> to vector<512x1xf32>
    %eq3A_44 = vector.broadcast %broadcast_in_dim3A_43 : vector<512x1xf32> to vector<512x2048xf32>
    %eq3A_45 = arith.cmpf oeq, %select_n3A_40, %eq3A_44 : vector<512x2048xf32>
    %jit3A_46 = arith.constant 1073741824 : i32
    %broadcast_in_dim3A_47 = vector.broadcast %jit3A_46 : i32 to vector<512x2048xi32>
    %select_n3A_48 = arith.select %eq3A_45, %select_n3A, %broadcast_in_dim3A_47 : vector<512x2048xi1>, vector<512x2048xi32>
    %reduce_min3A_49 = arith.constant dense<2147483647> : vector<512xi32>
    %reduce_min3A_50 = vector.multi_reduction <minsi>, %select_n3A_48, %reduce_min3A_49 [1] : vector<512x2048xi32> to vector<512xi32>
    %broadcast_in_dim3A_51 = vector.shape_cast %reduce_min3A_50 : vector<512xi32> to vector<512x1xi32>
    %eq3A_52 = vector.broadcast %broadcast_in_dim3A_51 : vector<512x1xi32> to vector<512x2048xi32>
    %eq3A_53 = arith.cmpi eq, %select_n3A, %eq3A_52 : vector<512x2048xi32>
    %or3A = arith.ori %eq3A_37, %eq3A_53 : vector<512x2048xi1>
    %jit3A_54 = arith.constant 0x7F800000 : f32
    %broadcast_in_dim3A_55 = vector.broadcast %jit3A_54 : f32 to vector<512x2048xf32>
    %select_n3A_56 = arith.select %eq3A_53, %broadcast_in_dim3A_55, %select_n3A_40 : vector<512x2048xi1>, vector<512x2048xf32>
    %reduce_min3A_57 = arith.constant dense<0x7F800000> : vector<512xf32>
    %reduce_min3A_58 = vector.multi_reduction <minimumf>, %select_n3A_56, %reduce_min3A_57 [1] : vector<512x2048xf32> to vector<512xf32>
    %broadcast_in_dim3A_59 = vector.shape_cast %reduce_min3A_58 : vector<512xf32> to vector<512x1xf32>
    %eq3A_60 = vector.broadcast %broadcast_in_dim3A_59 : vector<512x1xf32> to vector<512x2048xf32>
    %eq3A_61 = arith.cmpf oeq, %select_n3A_56, %eq3A_60 : vector<512x2048xf32>
    %jit3A_62 = arith.constant 1073741824 : i32
    %broadcast_in_dim3A_63 = vector.broadcast %jit3A_62 : i32 to vector<512x2048xi32>
    %select_n3A_64 = arith.select %eq3A_61, %select_n3A, %broadcast_in_dim3A_63 : vector<512x2048xi1>, vector<512x2048xi32>
    %reduce_min3A_65 = arith.constant dense<2147483647> : vector<512xi32>
    %reduce_min3A_66 = vector.multi_reduction <minsi>, %select_n3A_64, %reduce_min3A_65 [1] : vector<512x2048xi32> to vector<512xi32>
    %broadcast_in_dim3A_67 = vector.shape_cast %reduce_min3A_66 : vector<512xi32> to vector<512x1xi32>
    %eq3A_68 = vector.broadcast %broadcast_in_dim3A_67 : vector<512x1xi32> to vector<512x2048xi32>
    %eq3A_69 = arith.cmpi eq, %select_n3A, %eq3A_68 : vector<512x2048xi32>
    %or3A_70 = arith.ori %or3A, %eq3A_69 : vector<512x2048xi1>
    %jit3A_71 = arith.constant 0x7F800000 : f32
    %broadcast_in_dim3A_72 = vector.broadcast %jit3A_71 : f32 to vector<512x2048xf32>
    %select_n3A_73 = arith.select %eq3A_69, %broadcast_in_dim3A_72, %select_n3A_56 : vector<512x2048xi1>, vector<512x2048xf32>
    %reduce_min3A_74 = arith.constant dense<0x7F800000> : vector<512xf32>
    %reduce_min3A_75 = vector.multi_reduction <minimumf>, %select_n3A_73, %reduce_min3A_74 [1] : vector<512x2048xf32> to vector<512xf32>
    %broadcast_in_dim3A_76 = vector.shape_cast %reduce_min3A_75 : vector<512xf32> to vector<512x1xf32>
    %eq3A_77 = vector.broadcast %broadcast_in_dim3A_76 : vector<512x1xf32> to vector<512x2048xf32>
    %eq3A_78 = arith.cmpf oeq, %select_n3A_73, %eq3A_77 : vector<512x2048xf32>
    %jit3A_79 = arith.constant 1073741824 : i32
    %broadcast_in_dim3A_80 = vector.broadcast %jit3A_79 : i32 to vector<512x2048xi32>
    %select_n3A_81 = arith.select %eq3A_78, %select_n3A, %broadcast_in_dim3A_80 : vector<512x2048xi1>, vector<512x2048xi32>
    %reduce_min3A_82 = arith.constant dense<2147483647> : vector<512xi32>
    %reduce_min3A_83 = vector.multi_reduction <minsi>, %select_n3A_81, %reduce_min3A_82 [1] : vector<512x2048xi32> to vector<512xi32>
    %broadcast_in_dim3A_84 = vector.shape_cast %reduce_min3A_83 : vector<512xi32> to vector<512x1xi32>
    %eq3A_85 = vector.broadcast %broadcast_in_dim3A_84 : vector<512x1xi32> to vector<512x2048xi32>
    %eq3A_86 = arith.cmpi eq, %select_n3A, %eq3A_85 : vector<512x2048xi32>
    %or3A_87 = arith.ori %or3A_70, %eq3A_86 : vector<512x2048xi1>
    %select_n3A_88 = arith.select %or3A_87, %max3A, %min3A : vector<512x2048xi1>, vector<512x2048xf32>
    %select_n3A_89 = arith.select %or3A_87, %select_n3A_27, %select_n3A : vector<512x2048xi1>, vector<512x2048xi32>
    %jit3A_90 = arith.constant 0x7F800000 : f32
    %broadcast_in_dim3A_91 = vector.broadcast %jit3A_90 : f32 to vector<512x2048xf32>
    %select_n3A_92 = arith.select %or3A_87, %broadcast_in_dim3A_91, %max3A : vector<512x2048xi1>, vector<512x2048xf32>
    %reduce_min3A_93 = arith.constant dense<0x7F800000> : vector<512xf32>
    %reduce_min3A_94 = vector.multi_reduction <minimumf>, %select_n3A_88, %reduce_min3A_93 [1] : vector<512x2048xf32> to vector<512xf32>
    %broadcast_in_dim3A_95 = vector.shape_cast %reduce_min3A_94 : vector<512xf32> to vector<512x1xf32>
    %eq3A_96 = vector.broadcast %broadcast_in_dim3A_95 : vector<512x1xf32> to vector<512x2048xf32>
    %eq3A_97 = arith.cmpf oeq, %select_n3A_88, %eq3A_96 : vector<512x2048xf32>
    %jit3A_98 = arith.constant 1073741824 : i32
    %broadcast_in_dim3A_99 = vector.broadcast %jit3A_98 : i32 to vector<512x2048xi32>
    %select_n3A_100 = arith.select %eq3A_97, %select_n3A_89, %broadcast_in_dim3A_99 : vector<512x2048xi1>, vector<512x2048xi32>
    %reduce_min3A_101 = arith.constant dense<2147483647> : vector<512xi32>
    %reduce_min3A_102 = vector.multi_reduction <minsi>, %select_n3A_100, %reduce_min3A_101 [1] : vector<512x2048xi32> to vector<512xi32>
    %broadcast_in_dim3A_103 = vector.shape_cast %reduce_min3A_102 : vector<512xi32> to vector<512x1xi32>
    %eq3A_104 = vector.broadcast %broadcast_in_dim3A_103 : vector<512x1xi32> to vector<512x2048xi32>
    %eq3A_105 = arith.cmpi eq, %select_n3A_89, %eq3A_104 : vector<512x2048xi32>
    %jit3A_106 = arith.constant 0x7F800000 : f32
    %broadcast_in_dim3A_107 = vector.broadcast %jit3A_106 : f32 to vector<512x2048xf32>
    %select_n3A_108 = arith.select %eq3A_105, %broadcast_in_dim3A_107, %select_n3A_88 : vector<512x2048xi1>, vector<512x2048xf32>
    %reduce_min3A_109 = arith.constant dense<0x7F800000> : vector<512xf32>
    %reduce_min3A_110 = vector.multi_reduction <minimumf>, %select_n3A_108, %reduce_min3A_109 [1] : vector<512x2048xf32> to vector<512xf32>
    %broadcast_in_dim3A_111 = vector.shape_cast %reduce_min3A_110 : vector<512xf32> to vector<512x1xf32>
    %eq3A_112 = vector.broadcast %broadcast_in_dim3A_111 : vector<512x1xf32> to vector<512x2048xf32>
    %eq3A_113 = arith.cmpf oeq, %select_n3A_108, %eq3A_112 : vector<512x2048xf32>
    %jit3A_114 = arith.constant 1073741824 : i32
    %broadcast_in_dim3A_115 = vector.broadcast %jit3A_114 : i32 to vector<512x2048xi32>
    %select_n3A_116 = arith.select %eq3A_113, %select_n3A_89, %broadcast_in_dim3A_115 : vector<512x2048xi1>, vector<512x2048xi32>
    %reduce_min3A_117 = arith.constant dense<2147483647> : vector<512xi32>
    %reduce_min3A_118 = vector.multi_reduction <minsi>, %select_n3A_116, %reduce_min3A_117 [1] : vector<512x2048xi32> to vector<512xi32>
    %broadcast_in_dim3A_119 = vector.shape_cast %reduce_min3A_118 : vector<512xi32> to vector<512x1xi32>
    %eq3A_120 = vector.broadcast %broadcast_in_dim3A_119 : vector<512x1xi32> to vector<512x2048xi32>
    %eq3A_121 = arith.cmpi eq, %select_n3A_89, %eq3A_120 : vector<512x2048xi32>
    %or3A_122 = arith.ori %eq3A_105, %eq3A_121 : vector<512x2048xi1>
    %jit3A_123 = arith.constant 0x7F800000 : f32
    %broadcast_in_dim3A_124 = vector.broadcast %jit3A_123 : f32 to vector<512x2048xf32>
    %select_n3A_125 = arith.select %eq3A_121, %broadcast_in_dim3A_124, %select_n3A_108 : vector<512x2048xi1>, vector<512x2048xf32>
    %reduce_min3A_126 = arith.constant dense<0x7F800000> : vector<512xf32>
    %reduce_min3A_127 = vector.multi_reduction <minimumf>, %select_n3A_125, %reduce_min3A_126 [1] : vector<512x2048xf32> to vector<512xf32>
    %broadcast_in_dim3A_128 = vector.shape_cast %reduce_min3A_127 : vector<512xf32> to vector<512x1xf32>
    %eq3A_129 = vector.broadcast %broadcast_in_dim3A_128 : vector<512x1xf32> to vector<512x2048xf32>
    %eq3A_130 = arith.cmpf oeq, %select_n3A_125, %eq3A_129 : vector<512x2048xf32>
    %jit3A_131 = arith.constant 1073741824 : i32
    %broadcast_in_dim3A_132 = vector.broadcast %jit3A_131 : i32 to vector<512x2048xi32>
    %select_n3A_133 = arith.select %eq3A_130, %select_n3A_89, %broadcast_in_dim3A_132 : vector<512x2048xi1>, vector<512x2048xi32>
    %reduce_min3A_134 = arith.constant dense<2147483647> : vector<512xi32>
    %reduce_min3A_135 = vector.multi_reduction <minsi>, %select_n3A_133, %reduce_min3A_134 [1] : vector<512x2048xi32> to vector<512xi32>
    %broadcast_in_dim3A_136 = vector.shape_cast %reduce_min3A_135 : vector<512xi32> to vector<512x1xi32>
    %eq3A_137 = vector.broadcast %broadcast_in_dim3A_136 : vector<512x1xi32> to vector<512x2048xi32>
    %eq3A_138 = arith.cmpi eq, %select_n3A_89, %eq3A_137 : vector<512x2048xi32>
    %or3A_139 = arith.ori %or3A_122, %eq3A_138 : vector<512x2048xi1>
    %jit3A_140 = arith.constant 0x7F800000 : f32
    %broadcast_in_dim3A_141 = vector.broadcast %jit3A_140 : f32 to vector<512x2048xf32>
    %select_n3A_142 = arith.select %eq3A_138, %broadcast_in_dim3A_141, %select_n3A_125 : vector<512x2048xi1>, vector<512x2048xf32>
    %reduce_min3A_143 = arith.constant dense<0x7F800000> : vector<512xf32>
    %reduce_min3A_144 = vector.multi_reduction <minimumf>, %select_n3A_142, %reduce_min3A_143 [1] : vector<512x2048xf32> to vector<512xf32>
    %broadcast_in_dim3A_145 = vector.shape_cast %reduce_min3A_144 : vector<512xf32> to vector<512x1xf32>
    %eq3A_146 = vector.broadcast %broadcast_in_dim3A_145 : vector<512x1xf32> to vector<512x2048xf32>
    %eq3A_147 = arith.cmpf oeq, %select_n3A_142, %eq3A_146 : vector<512x2048xf32>
    %jit3A_148 = arith.constant 1073741824 : i32
    %broadcast_in_dim3A_149 = vector.broadcast %jit3A_148 : i32 to vector<512x2048xi32>
    %select_n3A_150 = arith.select %eq3A_147, %select_n3A_89, %broadcast_in_dim3A_149 : vector<512x2048xi1>, vector<512x2048xi32>
    %reduce_min3A_151 = arith.constant dense<2147483647> : vector<512xi32>
    %reduce_min3A_152 = vector.multi_reduction <minsi>, %select_n3A_150, %reduce_min3A_151 [1] : vector<512x2048xi32> to vector<512xi32>
    %broadcast_in_dim3A_153 = vector.shape_cast %reduce_min3A_152 : vector<512xi32> to vector<512x1xi32>
    %eq3A_154 = vector.broadcast %broadcast_in_dim3A_153 : vector<512x1xi32> to vector<512x2048xi32>
    %eq3A_155 = arith.cmpi eq, %select_n3A_89, %eq3A_154 : vector<512x2048xi32>
    %or3A_156 = arith.ori %or3A_139, %eq3A_155 : vector<512x2048xi1>
    %select_n3A_157 = arith.select %or3A_156, %select_n3A_92, %select_n3A_88 : vector<512x2048xi1>, vector<512x2048xf32>
    %select_n3A_158 = arith.select %or3A_156, %select_n3A_27, %select_n3A_89 : vector<512x2048xi1>, vector<512x2048xi32>
    %jit3A_159 = arith.constant 0x7F800000 : f32
    %broadcast_in_dim3A_160 = vector.broadcast %jit3A_159 : f32 to vector<512x2048xf32>
    %select_n3A_161 = arith.select %or3A_156, %broadcast_in_dim3A_160, %select_n3A_92 : vector<512x2048xi1>, vector<512x2048xf32>
    %reduce_min3A_162 = arith.constant dense<0x7F800000> : vector<512xf32>
    %reduce_min3A_163 = vector.multi_reduction <minimumf>, %select_n3A_157, %reduce_min3A_162 [1] : vector<512x2048xf32> to vector<512xf32>
    %broadcast_in_dim3A_164 = vector.shape_cast %reduce_min3A_163 : vector<512xf32> to vector<512x1xf32>
    %eq3A_165 = vector.broadcast %broadcast_in_dim3A_164 : vector<512x1xf32> to vector<512x2048xf32>
    %eq3A_166 = arith.cmpf oeq, %select_n3A_157, %eq3A_165 : vector<512x2048xf32>
    %jit3A_167 = arith.constant 1073741824 : i32
    %broadcast_in_dim3A_168 = vector.broadcast %jit3A_167 : i32 to vector<512x2048xi32>
    %select_n3A_169 = arith.select %eq3A_166, %select_n3A_158, %broadcast_in_dim3A_168 : vector<512x2048xi1>, vector<512x2048xi32>
    %reduce_min3A_170 = arith.constant dense<2147483647> : vector<512xi32>
    %reduce_min3A_171 = vector.multi_reduction <minsi>, %select_n3A_169, %reduce_min3A_170 [1] : vector<512x2048xi32> to vector<512xi32>
    %broadcast_in_dim3A_172 = vector.shape_cast %reduce_min3A_171 : vector<512xi32> to vector<512x1xi32>
    %eq3A_173 = vector.broadcast %broadcast_in_dim3A_172 : vector<512x1xi32> to vector<512x2048xi32>
    %eq3A_174 = arith.cmpi eq, %select_n3A_158, %eq3A_173 : vector<512x2048xi32>
    %jit3A_175 = arith.constant 0x7F800000 : f32
    %broadcast_in_dim3A_176 = vector.broadcast %jit3A_175 : f32 to vector<512x2048xf32>
    %select_n3A_177 = arith.select %eq3A_174, %broadcast_in_dim3A_176, %select_n3A_157 : vector<512x2048xi1>, vector<512x2048xf32>
    %reduce_min3A_178 = arith.constant dense<0x7F800000> : vector<512xf32>
    %reduce_min3A_179 = vector.multi_reduction <minimumf>, %select_n3A_177, %reduce_min3A_178 [1] : vector<512x2048xf32> to vector<512xf32>
    %broadcast_in_dim3A_180 = vector.shape_cast %reduce_min3A_179 : vector<512xf32> to vector<512x1xf32>
    %eq3A_181 = vector.broadcast %broadcast_in_dim3A_180 : vector<512x1xf32> to vector<512x2048xf32>
    %eq3A_182 = arith.cmpf oeq, %select_n3A_177, %eq3A_181 : vector<512x2048xf32>
    %jit3A_183 = arith.constant 1073741824 : i32
    %broadcast_in_dim3A_184 = vector.broadcast %jit3A_183 : i32 to vector<512x2048xi32>
    %select_n3A_185 = arith.select %eq3A_182, %select_n3A_158, %broadcast_in_dim3A_184 : vector<512x2048xi1>, vector<512x2048xi32>
    %reduce_min3A_186 = arith.constant dense<2147483647> : vector<512xi32>
    %reduce_min3A_187 = vector.multi_reduction <minsi>, %select_n3A_185, %reduce_min3A_186 [1] : vector<512x2048xi32> to vector<512xi32>
    %broadcast_in_dim3A_188 = vector.shape_cast %reduce_min3A_187 : vector<512xi32> to vector<512x1xi32>
    %eq3A_189 = vector.broadcast %broadcast_in_dim3A_188 : vector<512x1xi32> to vector<512x2048xi32>
    %eq3A_190 = arith.cmpi eq, %select_n3A_158, %eq3A_189 : vector<512x2048xi32>
    %or3A_191 = arith.ori %eq3A_174, %eq3A_190 : vector<512x2048xi1>
    %jit3A_192 = arith.constant 0x7F800000 : f32
    %broadcast_in_dim3A_193 = vector.broadcast %jit3A_192 : f32 to vector<512x2048xf32>
    %select_n3A_194 = arith.select %eq3A_190, %broadcast_in_dim3A_193, %select_n3A_177 : vector<512x2048xi1>, vector<512x2048xf32>
    %reduce_min3A_195 = arith.constant dense<0x7F800000> : vector<512xf32>
    %reduce_min3A_196 = vector.multi_reduction <minimumf>, %select_n3A_194, %reduce_min3A_195 [1] : vector<512x2048xf32> to vector<512xf32>
    %broadcast_in_dim3A_197 = vector.shape_cast %reduce_min3A_196 : vector<512xf32> to vector<512x1xf32>
    %eq3A_198 = vector.broadcast %broadcast_in_dim3A_197 : vector<512x1xf32> to vector<512x2048xf32>
    %eq3A_199 = arith.cmpf oeq, %select_n3A_194, %eq3A_198 : vector<512x2048xf32>
    %jit3A_200 = arith.constant 1073741824 : i32
    %broadcast_in_dim3A_201 = vector.broadcast %jit3A_200 : i32 to vector<512x2048xi32>
    %select_n3A_202 = arith.select %eq3A_199, %select_n3A_158, %broadcast_in_dim3A_201 : vector<512x2048xi1>, vector<512x2048xi32>
    %reduce_min3A_203 = arith.constant dense<2147483647> : vector<512xi32>
    %reduce_min3A_204 = vector.multi_reduction <minsi>, %select_n3A_202, %reduce_min3A_203 [1] : vector<512x2048xi32> to vector<512xi32>
    %broadcast_in_dim3A_205 = vector.shape_cast %reduce_min3A_204 : vector<512xi32> to vector<512x1xi32>
    %eq3A_206 = vector.broadcast %broadcast_in_dim3A_205 : vector<512x1xi32> to vector<512x2048xi32>
    %eq3A_207 = arith.cmpi eq, %select_n3A_158, %eq3A_206 : vector<512x2048xi32>
    %or3A_208 = arith.ori %or3A_191, %eq3A_207 : vector<512x2048xi1>
    %jit3A_209 = arith.constant 0x7F800000 : f32
    %broadcast_in_dim3A_210 = vector.broadcast %jit3A_209 : f32 to vector<512x2048xf32>
    %select_n3A_211 = arith.select %eq3A_207, %broadcast_in_dim3A_210, %select_n3A_194 : vector<512x2048xi1>, vector<512x2048xf32>
    %reduce_min3A_212 = arith.constant dense<0x7F800000> : vector<512xf32>
    %reduce_min3A_213 = vector.multi_reduction <minimumf>, %select_n3A_211, %reduce_min3A_212 [1] : vector<512x2048xf32> to vector<512xf32>
    %broadcast_in_dim3A_214 = vector.shape_cast %reduce_min3A_213 : vector<512xf32> to vector<512x1xf32>
    %eq3A_215 = vector.broadcast %broadcast_in_dim3A_214 : vector<512x1xf32> to vector<512x2048xf32>
    %eq3A_216 = arith.cmpf oeq, %select_n3A_211, %eq3A_215 : vector<512x2048xf32>
    %jit3A_217 = arith.constant 1073741824 : i32
    %broadcast_in_dim3A_218 = vector.broadcast %jit3A_217 : i32 to vector<512x2048xi32>
    %select_n3A_219 = arith.select %eq3A_216, %select_n3A_158, %broadcast_in_dim3A_218 : vector<512x2048xi1>, vector<512x2048xi32>
    %reduce_min3A_220 = arith.constant dense<2147483647> : vector<512xi32>
    %reduce_min3A_221 = vector.multi_reduction <minsi>, %select_n3A_219, %reduce_min3A_220 [1] : vector<512x2048xi32> to vector<512xi32>
    %broadcast_in_dim3A_222 = vector.shape_cast %reduce_min3A_221 : vector<512xi32> to vector<512x1xi32>
    %eq3A_223 = vector.broadcast %broadcast_in_dim3A_222 : vector<512x1xi32> to vector<512x2048xi32>
    %eq3A_224 = arith.cmpi eq, %select_n3A_158, %eq3A_223 : vector<512x2048xi32>
    %or3A_225 = arith.ori %or3A_208, %eq3A_224 : vector<512x2048xi1>
    %select_n3A_226 = arith.select %or3A_225, %select_n3A_161, %select_n3A_157 : vector<512x2048xi1>, vector<512x2048xf32>
    %select_n3A_227 = arith.select %or3A_225, %select_n3A_27, %select_n3A_158 : vector<512x2048xi1>, vector<512x2048xi32>
    %jit3A_228 = arith.constant 0x7F800000 : f32
    %broadcast_in_dim3A_229 = vector.broadcast %jit3A_228 : f32 to vector<512x2048xf32>
    %select_n3A_230 = arith.select %or3A_225, %broadcast_in_dim3A_229, %select_n3A_161 : vector<512x2048xi1>, vector<512x2048xf32>
    %reduce_min3A_231 = arith.constant dense<0x7F800000> : vector<512xf32>
    %reduce_min3A_232 = vector.multi_reduction <minimumf>, %select_n3A_226, %reduce_min3A_231 [1] : vector<512x2048xf32> to vector<512xf32>
    %broadcast_in_dim3A_233 = vector.shape_cast %reduce_min3A_232 : vector<512xf32> to vector<512x1xf32>
    %eq3A_234 = vector.broadcast %broadcast_in_dim3A_233 : vector<512x1xf32> to vector<512x2048xf32>
    %eq3A_235 = arith.cmpf oeq, %select_n3A_226, %eq3A_234 : vector<512x2048xf32>
    %jit3A_236 = arith.constant 1073741824 : i32
    %broadcast_in_dim3A_237 = vector.broadcast %jit3A_236 : i32 to vector<512x2048xi32>
    %select_n3A_238 = arith.select %eq3A_235, %select_n3A_227, %broadcast_in_dim3A_237 : vector<512x2048xi1>, vector<512x2048xi32>
    %reduce_min3A_239 = arith.constant dense<2147483647> : vector<512xi32>
    %reduce_min3A_240 = vector.multi_reduction <minsi>, %select_n3A_238, %reduce_min3A_239 [1] : vector<512x2048xi32> to vector<512xi32>
    %broadcast_in_dim3A_241 = vector.shape_cast %reduce_min3A_240 : vector<512xi32> to vector<512x1xi32>
    %eq3A_242 = vector.broadcast %broadcast_in_dim3A_241 : vector<512x1xi32> to vector<512x2048xi32>
    %eq3A_243 = arith.cmpi eq, %select_n3A_227, %eq3A_242 : vector<512x2048xi32>
    %jit3A_244 = arith.constant 0x7F800000 : f32
    %broadcast_in_dim3A_245 = vector.broadcast %jit3A_244 : f32 to vector<512x2048xf32>
    %select_n3A_246 = arith.select %eq3A_243, %broadcast_in_dim3A_245, %select_n3A_226 : vector<512x2048xi1>, vector<512x2048xf32>
    %reduce_min3A_247 = arith.constant dense<0x7F800000> : vector<512xf32>
    %reduce_min3A_248 = vector.multi_reduction <minimumf>, %select_n3A_246, %reduce_min3A_247 [1] : vector<512x2048xf32> to vector<512xf32>
    %broadcast_in_dim3A_249 = vector.shape_cast %reduce_min3A_248 : vector<512xf32> to vector<512x1xf32>
    %eq3A_250 = vector.broadcast %broadcast_in_dim3A_249 : vector<512x1xf32> to vector<512x2048xf32>
    %eq3A_251 = arith.cmpf oeq, %select_n3A_246, %eq3A_250 : vector<512x2048xf32>
    %jit3A_252 = arith.constant 1073741824 : i32
    %broadcast_in_dim3A_253 = vector.broadcast %jit3A_252 : i32 to vector<512x2048xi32>
    %select_n3A_254 = arith.select %eq3A_251, %select_n3A_227, %broadcast_in_dim3A_253 : vector<512x2048xi1>, vector<512x2048xi32>
    %reduce_min3A_255 = arith.constant dense<2147483647> : vector<512xi32>
    %reduce_min3A_256 = vector.multi_reduction <minsi>, %select_n3A_254, %reduce_min3A_255 [1] : vector<512x2048xi32> to vector<512xi32>
    %broadcast_in_dim3A_257 = vector.shape_cast %reduce_min3A_256 : vector<512xi32> to vector<512x1xi32>
    %eq3A_258 = vector.broadcast %broadcast_in_dim3A_257 : vector<512x1xi32> to vector<512x2048xi32>
    %eq3A_259 = arith.cmpi eq, %select_n3A_227, %eq3A_258 : vector<512x2048xi32>
    %or3A_260 = arith.ori %eq3A_243, %eq3A_259 : vector<512x2048xi1>
    %select_n3A_261 = arith.select %or3A_260, %select_n3A_230, %select_n3A_226 : vector<512x2048xi1>, vector<512x2048xf32>
    %select_n3A_262 = arith.select %or3A_260, %select_n3A_27, %select_n3A_227 : vector<512x2048xi1>, vector<512x2048xi32>
    %jit3A_263 = arith.constant 0x7F800000 : f32
    %broadcast_in_dim3A_264 = vector.broadcast %jit3A_263 : f32 to vector<512x2048xf32>
    %select_n3A_265 = arith.select %or3A_260, %broadcast_in_dim3A_264, %select_n3A_230 : vector<512x2048xi1>, vector<512x2048xf32>
    %reduce_min3A_266 = arith.constant dense<0x7F800000> : vector<512xf32>
    %reduce_min3A_267 = vector.multi_reduction <minimumf>, %select_n3A_261, %reduce_min3A_266 [1] : vector<512x2048xf32> to vector<512xf32>
    %broadcast_in_dim3A_268 = vector.shape_cast %reduce_min3A_267 : vector<512xf32> to vector<512x1xf32>
    %eq3A_269 = vector.broadcast %broadcast_in_dim3A_268 : vector<512x1xf32> to vector<512x2048xf32>
    %eq3A_270 = arith.cmpf oeq, %select_n3A_261, %eq3A_269 : vector<512x2048xf32>
    %jit3A_271 = arith.constant 1073741824 : i32
    %broadcast_in_dim3A_272 = vector.broadcast %jit3A_271 : i32 to vector<512x2048xi32>
    %select_n3A_273 = arith.select %eq3A_270, %select_n3A_262, %broadcast_in_dim3A_272 : vector<512x2048xi1>, vector<512x2048xi32>
    %reduce_min3A_274 = arith.constant dense<2147483647> : vector<512xi32>
    %reduce_min3A_275 = vector.multi_reduction <minsi>, %select_n3A_273, %reduce_min3A_274 [1] : vector<512x2048xi32> to vector<512xi32>
    %broadcast_in_dim3A_276 = vector.shape_cast %reduce_min3A_275 : vector<512xi32> to vector<512x1xi32>
    %eq3A_277 = vector.broadcast %broadcast_in_dim3A_276 : vector<512x1xi32> to vector<512x2048xi32>
    %eq3A_278 = arith.cmpi eq, %select_n3A_262, %eq3A_277 : vector<512x2048xi32>
    %select_n3A_279 = arith.select %eq3A_278, %select_n3A_265, %select_n3A_261 : vector<512x2048xi1>, vector<512x2048xf32>
    %select_n3A_280 = arith.select %eq3A_278, %select_n3A_27, %select_n3A_262 : vector<512x2048xi1>, vector<512x2048xi32>
    %reduce_min3A_281 = arith.constant dense<0x7F800000> : vector<512xf32>
    %reduce_min3A_282 = vector.multi_reduction <minimumf>, %select_n3A_279, %reduce_min3A_281 [1] : vector<512x2048xf32> to vector<512xf32>
    %broadcast_in_dim3A_283 = vector.shape_cast %reduce_min3A_282 : vector<512xf32> to vector<512x1xf32>
    %eq3A_284 = vector.broadcast %broadcast_in_dim3A_283 : vector<512x1xf32> to vector<512x2048xf32>
    %eq3A_285 = arith.cmpf oeq, %select_n3A_279, %eq3A_284 : vector<512x2048xf32>
    %jit3A_286 = arith.constant 1073741824 : i32
    %broadcast_in_dim3A_287 = vector.broadcast %jit3A_286 : i32 to vector<512x2048xi32>
    %select_n3A_288 = arith.select %eq3A_285, %select_n3A_280, %broadcast_in_dim3A_287 : vector<512x2048xi1>, vector<512x2048xi32>
    %reduce_min3A_289 = arith.constant dense<2147483647> : vector<512xi32>
    %reduce_min3A_290 = vector.multi_reduction <minsi>, %select_n3A_288, %reduce_min3A_289 [1] : vector<512x2048xi32> to vector<512xi32>
    %broadcast_in_dim3A_291 = vector.shape_cast %reduce_min3A_290 : vector<512xi32> to vector<512x1xi32>
    %concatenate3A = tpu.concatenate %broadcast_in_dim3A_35, %broadcast_in_dim3A_51, %broadcast_in_dim3A_67, %broadcast_in_dim3A_84, %broadcast_in_dim3A_103, %broadcast_in_dim3A_119, %broadcast_in_dim3A_136, %broadcast_in_dim3A_153, %broadcast_in_dim3A_172, %broadcast_in_dim3A_188, %broadcast_in_dim3A_205, %broadcast_in_dim3A_222, %broadcast_in_dim3A_241, %broadcast_in_dim3A_257, %broadcast_in_dim3A_276, %broadcast_in_dim3A_291 in 1 : vector<512x1xi32>, vector<512x1xi32>, vector<512x1xi32>, vector<512x1xi32>, vector<512x1xi32>, vector<512x1xi32>, vector<512x1xi32>, vector<512x1xi32>, vector<512x1xi32>, vector<512x1xi32>, vector<512x1xi32>, vector<512x1xi32>, vector<512x1xi32>, vector<512x1xi32>, vector<512x1xi32>, vector<512x1xi32> -> vector<512x16xi32>
    %mul3A_292 = arith.constant 4096 : i32
    %mul3A_293 = arith.muli %arg0, %mul3A_292 : i32
    %add3A_294 = vector.broadcast %mul3A_293 : i32 to vector<512x16xi32>
    %add3A_295 = arith.addi %concatenate3A, %add3A_294 : vector<512x16xi32>
    %swap3A = arith.constant 0 : index
    %swap3A_296 = arith.constant 0 : index
    %swap3A_297 = arith.constant 0 : index
    %swap3A_298 = vector.load %arg3[%swap3A, %swap3A_296, %swap3A_297] : memref<1x512x16xi32, #tpu.memory_space<vmem>>, vector<1x512x16xi32>
    %swap3A_299 = vector.shape_cast %swap3A_298 : vector<1x512x16xi32> to vector<512x16xi32>
    %swap3A_300 = vector.shape_cast %add3A_295 : vector<512x16xi32> to vector<1x512x16xi32>
    tpu.vector_store %arg3[%swap3A, %swap3A_296, %swap3A_297], %swap3A_300 {strides = array<i32>} : memref<1x512x16xi32, #tpu.memory_space<vmem>>, vector<1x512x16xi32>,
    return
  }
  func.func @transform_0(%arg0: i32, %arg1: i32) -> (i32, i32, i32) {
    %c0_i32 = arith.constant 0 : i32
    %c0_i32_0 = arith.constant 0 : i32
    %c0_i32_1 = arith.constant 0 : i32
    return %arg0, %c0_i32, %c0_i32_0 : i32, i32, i32
  }
  func.func @transform_1(%arg0: i32, %arg1: i32) -> (i32, i32, i32) {
    %c0_i32 = arith.constant 0 : i32
    %c0_i32_0 = arith.constant 0 : i32
    return %arg0, %arg1, %c0_i32 : i32, i32, i32
  }
}

</mosaic_0001>

<sc_bundles>
// kernel: kernel.10.cloned.1.call-start
scs
__scs_entry_jumppad:
0x0: {  	(pc) =	sbr.rel $0x88, $3  }
0x1: {  	(tag) =	ssettag $0x0;
	lr =	simm.s32 $0x1  }
0x2: {  	[smem:$0x3F9E] =	sst lr;
	_ =	strace $0xD0000000  }
0x3: {  	_ = 	snop  }
0x4: {  	_ = 	snop  }
0x5: {  	_ = 	snop  }
0x6: {  	_ = 	snop  }
0x7: {  	_ = 	snop  }
__scs_overlays_trampoline_lowered:
0x8: {  	[smem:$0x3FAD] =	sst s0  }
0x9: {  	[smem:$0x3FAE] =	sst s1  }
0xa: {  	[smem:$0x3FAF] =	sst s2  }
0xb: {  	[smem:$0x3FB0] =	sst s3  }
0xc: {  	[smem:$0x3FB1] =	sst s4  }
0xd: {  	[smem:$0x3FB2] =	sst s5  }
0xe: {  	[smem:$0x3FB3] =	sst s6  }
0xf: {  	[smem:$0x3FB4] =	sst s7  }
0x10: {  	[smem:$0x3FB5] =	sst s8  }
0x11: {  	[smem:$0x3FB6] =	sst s9;
	s0 =	simm.s32 @!p0 $0x0  }
0x12: {  	s1 =	sld [smem:$0x3F9C];
	s0 =	simm.s32 @p0 $0x1  }
0x13: {  	[smem:$0x3FB7] =	sst s0;
	s0 =	simm.s32 @!p1 $0x0  }
0x14: {  	s2 =	sld [smem:$0x3F9B];
	s0 =	simm.s32 @p1 $0x1  }
0x15: {  	[smem:$0x3FB8] =	sst s0;
	s0 =	simm.s32 @!p2 $0x0  }
0x16: {  	s3 =	sld [smem:$0x3FDB];
	s0 =	simm.s32 @p2 $0x1  }
0x17: {  	s4 =	simm.s32 $0x1BF5;
	[smem:$0x3FBA] =	sst s0  }
0x18: {  	s0 =	sld [smem:$0x3F9D];
	_ =	swait.ge [sflag:s4], $0x0  }
0x19: {  	s7 =	sld [smem:$0x3F9E]  }
0x1a: {  	s8 =	sadd.s32 $0xFFFFE003, lr  }
0x1b: {  	s9 =	sadd.s32 $0xFFFFFEF7, lr;
	s5 =	simm.s32 $0xFFFFFFFF;
	p2 =	slt.u32 s8, $0xFFFFF086  }
0x1c: {  	p1 =	slt.u32 s9, $0xF7A;
	s5 =	simm.s32 @!p2 $0x0  }
0x1d: {  	s5 =	simm.s32 @p1 $0x1;
	p0 =	seq.s32 s7, s2  }
0x1e: {  	s7 =	smul.u32 @!p0 $0xF7A, s2;
	p2 =	seq.s32 @!p0 s5, $0x0  }
0x1f: {  	s9 =	smul.u32 $0xF7A, s1;
	s8 =	simm.s32 @!p0 $0x1BF5;
	p2 =	por !p2, p0  }
0x20: {  	[sflag:s8] =	ssyncset.s32 @!p0 $0xFFFFF086;
	s6 =	sadd.s32 @!p0 s3, s7;
	s7 =	simm.s32 @!p0 $0x108  }
0x21: {  	s3 =	sadd.s32 s3, s9;
	s6 =	sadd.s32 @!p0 $0x88, s6;
	s7 =	simm.s32 @p2 $0x1082  }
0x22: {  	[simem:s7], [sflag:s8] =	dma.local @!p0 [hbm:s6], $0xF7A  }
0x23: {  	s9 =	sor.u32 $0xD0000000, s2;
	s6 =	simm.s32 $0x108;
	_ =	swait.ge @!p0 [sflag:s8], $0x0  }
0x24: {  	s3 =	sadd.s32 $0x88, s3;
	s6 =	simm.s32 @!p1 $0x1082;
	[sflag:s4] =	ssyncset.s32 $0xFFFFF086  }
0x25: {  	[simem:s6], [sflag:s4] =	dma.local [hbm:s3], $0xF7A  }
0x26: {  	[smem:$0x3F9E] =	sst s1;
	(tag) =	ssettag s2;
	_ =	strace s9  }
0x27: {  	s1 =	sld [smem:$0x3FAE]  }
0x28: {  	s2 =	sld [smem:$0x3FAF]  }
0x29: {  	s4 =	sld [smem:$0x3FB1]  }
0x2a: {  	p0 =	seq.s32 s5, $0x0;
	s5 =	sld [smem:$0x3FB2]  }
0x2b: {  	s6 =	sld [smem:$0x3FB3]  }
0x2c: {  	s7 =	sld [smem:$0x3FB4]  }
0x2d: {  	s3 =	simm.s32 $0x108;
	s8 =	sld [smem:$0x3FB5]  }
0x2e: {  	s3 =	simm.s32 @!p0 $0x1082;
	s9 =	sld [smem:$0x3FB6]  }
0x2f: {  	lr =	sadd.s32 s0, s3;
	s0 =	sld [smem:$0x3FAD]  }
0x30: {  	s3 =	sld [smem:$0x3FB0]  }
0x31: {  	[smem:$0x3FB9] =	sst s10  }
0x32: {  	s10 =	sld [smem:$0x3FB7];
	_ =	sdelay $0x3  }
0x33: {  	p0 =	seq.s32 s10, $0x1;
	s10 =	sld [smem:$0x3FB9];
	_ =	sdelay $0x3  }
0x34: {  	[smem:$0x3FB9] =	sst s10  }
0x35: {  	s10 =	sld [smem:$0x3FB8];
	_ =	sdelay $0x3  }
0x36: {  	p1 =	seq.s32 s10, $0x1;
	s10 =	sld [smem:$0x3FB9];
	_ =	sdelay $0x3  }
0x37: {  	[smem:$0x3FB9] =	sst s10  }
0x38: {  	s10 =	sld [smem:$0x3FBA]  }
0x39: {  	_ = 	snop;
	(pc) =	sbr.ind lr, $3  }
0x3a: {  	_ = 	snop  }
0x3b: {  	_ = 	snop  }
0x3c: {  	p2 =	seq.s32 s10, $0x1;
	s10 =	sld [smem:$0x3FB9]  }
0x3d: {  	_ =	shalt  }
0x3e: {  	_ =	shalt  }
0x3f: {  	_ =	shalt  }
0x40: {  	_ =	shalt  }
0x41: {  	_ =	shalt  }
0x42: {  	_ =	shalt  }
0x43: {  	_ =	shalt  }
0x44: {  	_ =	shalt  }
0x45: {  	_ =	shalt  }
0x46: {  	_ =	shalt  }
0x47: {  	_ =	shalt  }
0x48: {  	_ =	shalt  }
0x49: {  	_ =	shalt  }
0x4a: {  	_ =	shalt  }
0x4b: {  	_ =	shalt  }
0x4c: {  	_ =	shalt  }
0x4d: {  	_ =	shalt  }
0x4e: {  	_ =	shalt  }
0x4f: {  	_ =	shalt  }
0x50: {  	_ =	shalt  }
0x51: {  	_ =	shalt  }
0x52: {  	_ =	shalt  }
0x53: {  	_ =	shalt  }
0x54: {  	_ =	shalt  }
0x55: {  	_ =	shalt  }
0x56: {  	_ =	shalt  }
0x57: {  	_ =	shalt  }
0x58: {  	_ =	shalt  }
0x59: {  	_ =	shalt  }
0x5a: {  	_ =	shalt  }
0x5b: {  	_ =	shalt  }
0x5c: {  	_ =	shalt  }
0x5d: {  	_ =	shalt  }
0x5e: {  	_ =	shalt  }
0x5f: {  	_ =	shalt  }
0x60: {  	_ =	shalt  }
0x61: {  	_ =	shalt  }
0x62: {  	_ =	shalt  }
0x63: {  	_ =	shalt  }
0x64: {  	_ =	shalt  }
0x65: {  	_ =	shalt  }
0x66: {  	_ =	shalt  }
0x67: {  	_ =	shalt  }
0x68: {  	_ =	shalt  }
0x69: {  	_ =	shalt  }
0x6a: {  	_ =	shalt  }
0x6b: {  	_ =	shalt  }
0x6c: {  	_ =	shalt  }
0x6d: {  	_ =	shalt  }
0x6e: {  	_ =	shalt  }
0x6f: {  	_ =	shalt  }
0x70: {  	_ =	shalt  }
0x71: {  	_ =	shalt  }
0x72: {  	_ =	shalt  }
0x73: {  	_ =	shalt  }
0x74: {  	_ =	shalt  }
0x75: {  	_ =	shalt  }
0x76: {  	_ =	shalt  }
0x77: {  	_ =	shalt  }
0x78: {  	_ =	shalt  }
0x79: {  	_ =	shalt  }
0x7a: {  	_ =	shalt  }
0x7b: {  	_ =	shalt  }
0x7c: {  	_ =	shalt  }
0x7d: {  	_ =	shalt  }
0x7e: {  	_ =	shalt  }
0x7f: {  	_ =	shalt  }
0x80: {  	_ =	shalt  }
0x81: {  	_ =	shalt  }
0x82: {  	_ =	shalt  }
0x83: {  	_ =	shalt  }
0x84: {  	_ =	shalt  }
0x85: {  	_ =	shalt  }
0x86: {  	_ =	shalt  }
0x87: {  	_ =	shalt  }
.Lfunc_end0:
.L_simem_size_0:
called_computation.1_lowered:
.L_overlay_start_0:
0x88: {  	s2 =	sld [smem:$0x3FD9]  }
0x89: {  	s3 =	sld [smem:$0x3FFE];
	_ =	sdelay $0x1  }
0x8a: {  	s1 =	srdreg.scid  }
0x8b: {  	s0 =	sand.u32 $0x1, s1  }
0x8c: {  	s14 =	sshll.u32 s0, $0xA;
	s2 =	sadd.s32 s3, s2  }
0x8d: {  	s2 =	sadd.s32 s2, s14  }
0x8e: {  	[smem:$0x3FC5] =	sst s2  }
0x8f: {  	_ = 	snop  }
0x90: {  	s2 =	sld [smem:$0x3FD0];
	_ =	sdelay $0x2  }
0x91: {  	s15 =	simm.s32 $0xB;
	s4 =	simm.s32 $0x10  }
0x92: {  	[smem:s4], [sflag:s15] =	dma.local [hbm:s2], $0x1  }
0x93: {  	_ =	swait.eq [sflag:s15], $0x1  }
0x94: {  	[sflag:s15] =	ssyncset.done $0x0  }
0x95: {  	[sflag:s15] =	ssyncadd.s32 $0xFFFFFFFF  }
0x96: {  	s16 =	sld [smem:$0x10];
	(tm) =	ssettm $0x1  }
0x97: {  	s17 =	sld [smem:$0x3FFB];
	_ =	sdelay $0x3  }
0x98: {  	_ =	strace s17  }
0x99: {  	s3 =	sld [smem:$0x3FFC];
	_ =	sdelay $0x3  }
0x9a: {  	_ =	strace s3  }
0x9b: {  	s3 =	sld [smem:$0x3FFD];
	_ =	sdelay $0x3  }
0x9c: {  	_ =	strace s3  }
0x9d: {  	_ =	strace $0x8FFFFFFF  }
0x9e: {  	s18 =	sld [smem:$0x3FDB];
	_ =	sdelay $0x1  }
0x9f: {  	s19 =	simm.s32 $_scs_section_size  }
0xa0: {  	s5 =	simm.s32 $_size__tile_overlayer_lowered;
	s6 =	simm.s32 $_tile_overlayer_lowered  }
0xa1: {  	s22 =	simm.s32 $0x1BFF;
	s21 =	sshll.u32 s6, $0x1;
	s3 =	sadd.s32 s19, s18  }
0xa2: {  	s7 =	simm.s32 $0x0;
	s20 =	sshll.u32 s5, $0x1;
	s5 =	sadd.s32 s21, s3  }
0xa3: {  	[timem:s7], [sflag:s22] =	dma.local [hbm:s5], s20  }
0xa4: {  	_ =	swait.ge [sflag:s22], s20  }
0xa5: {  	s4 =	ssub.s32 $0x0, s20;
	[sflag:s22] =	ssyncset.done $0x0  }
0xa6: {  	[sflag:s22] =	ssyncadd.s32 s4;
	_ =	sdelay $0x1  }
0xa7: {  	s23 =	simm.s32 $0x1B8B  }
0xa8: {  	_ =	swait.ge [sflag:s23], $0x1  }
0xa9: {  	[sflag:s23] =	ssyncset.done $0x0  }
0xaa: {  	s25 =	simm.s32 $0x1B8E;
	s24 =	sld [smem:$0x3FFE];
	[sflag:s23] =	ssyncadd.s32 $0xFFFFFFFF  }
0xab: {  	s26 =	simm.s32 $execute0_lowered;
	[smem:$0x3FD2] =	sst s25  }
0xac: {  	s5 =	sshll.u32 s26, $0x1;
	_ =	strace $0x80000046;
	[dreg:$0x1] =	wrdreg $0xFFFFFFFF  }
0xad: {  	s28 =	simm.s32 $_size_execute0_lowered;
	s3 =	sadd.s32 s3, s5;
	[dreg:$0x0] =	wrdreg $0x0  }
0xae: {  	s5 =	sshll.u32 s28, $0x1;
	[dreg:$0x2] =	wrdreg s3  }
0xaf: {  	[dreg:$0x3] =	wrdreg s5  }
0xb0: {  	[dreg:$0x4] =	wrdreg $0xC0  }
0xb1: {  	_ =	task [dreg:s7], $0x5FFFF  }
0xb2: {  	[dreg:$0x1] =	wrdreg $0xFFFFFFFF  }
0xb3: {  	[dreg:$0x0] =	wrdreg $0x60  }
0xb4: {  	[dreg:$0x2] =	wrdreg s16  }
0xb5: {  	[dreg:$0x3] =	wrdreg s24  }
0xb6: {  	[dreg:$0x4] =	wrdreg $0xA  }
0xb7: {  	_ =	task.clear_ibuf [dreg:s7], $0x5FFFF;
	_ =	strace $0x90000046  }
0xb8: {  	s29 =	simm.s32 $0xA;
	_ =	strace $0x80000048  }
0xb9: {  	_ =	swait.ge [sflag:s29], $0x1  }
0xba: {  	[sflag:s29] =	ssyncadd.s32 $0xFFFFFFFF  }
0xbb: {  	_ =	strace $0x90000048  }
0xbc: {  	_ =	sfence  }
0xbd: {  	s30 =	sld [smem:$0x0];
	_ =	sdelay $0x2  }
0xbe: {  	s31 =	sshll.u32 s1, $0xD;
	s1 =	sshrl.u32 s1, $0x2  }
0xbf: {  	s3 =	sand.u32 $0x4000, s31;
	s1 =	sadd.s32 s1, s30  }
0xc0: {  	s0 =	sor.u32 s3, s0;
	s1 =	sshll.u32 s1, $0x11  }
0xc1: {  	s0 =	sor.u32 s1, s0  }
0xc2: {  	s0 =	sadd.s32 $0x8F2B, s0  }
0xc3: {  	[sflag:s0] =	ssyncadd.remote.s32 $0x1  }
0xc4: {  	_ =	sfence.sel $0xFFFF  }
0xc5: {  	[dreg:$0x0] =	wrdreg $0xFFFFFFFF;
	(pc) =	sbr.abs _section_cstart, $3  }
0xc6: {  	[dreg:$0x1] =	wrdreg $0xFFFFFFFF  }
0xc7: {  	_ =	task.clear_ibuf [dreg:s7], $0x2FFFF;
	_ =	strace $0x9FFFFFFF  }
0xc8: {  	(tm) =	ssettm $0x7FFFFFFF  }
0xc9: {  	_ =	shalt  }
tec
execute0_lowered:
.L_overlay_start_1:
0x0: {  	(tag) =	ssettag $0x1  }
0x1: {  	s1 =	rddreg [dreg:$0x0]  }
0x2: {  	s4 =	rddreg [dreg:$0x1]  }
0x3: {  	s0 =	rddreg [dreg:$0x2];
	s3 =	simm.s32 $0x0;
	s5 =	srdreg.scid  }
0x4: {  	s2 =	stileid.u32;
	s10 =	simm.s32 $0x1;
	s11 =	simm.s32 $0x2000  }
0x5: {  	s12 =	simm.s32 $0x0;
	[smem:$0x7FF] =	sst s3;
	s5 =	sand.u32 $0x1, s5  }
0x6: {  	s6 =	sshll.u32 s2, $0xA;
	s30 =	sshll.u32 s2, $0xB;
	_ =	strace $0x80000047  }
0x7: {  	s7 =	sshll.u32 s5, $0x9;
	s8 =	ssub.s32 $0x2, s5;
	s5 =	sshll.u32 s5, $0xA  }
0x8: {  	s6 =	sor.u32 s7, s6;
	s7 =	sadd.s32 s30, s4;
	s9 =	sshrl.u32 s8, $0x1  }
0x9: {  	s4 =	sadd.s32 s6, s4;
	s31 =	ssub.s32 s8, s9;
	s7 =	sadd.s32 s5, s7  }
0xa: {  	s8 =	simm.s32 $0x80;
	s9 =	simm.s32 $0x1000;
	s4 =	sadd.s32 $0x1000, s4  }
0xb: {  	s5 =	smax.u32 s31, $0x1;
	s6 =	sadd.s32 $0x5000, s7;
	s7 =	simm.s32 $0x2  }
.LBB2_1:
0xc: {  	[tilespmem:s3], [sflag:$0x2] =	stream.linear.gather [hbm4b:s4+s3], $0x1000, $0x38;
	[tilespmem:$0x2100] =	vst v63  }
0xd: {  	_ =	swait.ge [sflag:s7], $0x1000  }
0xe: {  	[sflag:s7] =	ssyncset.done $0x0  }
0xf: {  	s13 =	simm.s32 $0x0;
	s14 =	simm.s32 $0x0;
	[sflag:s7] =	ssyncadd.s32 $0xFFFFF000  }
.LBB2_2:
0x10: {  	[tilespmem:s9], [sflag:$0x1] =	stream.indirect.gather [hbm4b:s1+s8], $0x20, s13, s8, $0xb8;
	[tilespmem:$0x2100] =	vst v63  }
0x11: {  	_ =	swait.ge [sflag:s10], $0x1000  }
0x12: {  	[sflag:s10] =	ssyncset.done $0x0  }
0x13: {  	[sflag:s10] =	ssyncadd.s32 $0xFFFFF000  }
0x14: {  	v12 =	vld [tilespmem:$0x1000]  }
0x15: {  	v13 =	vld [tilespmem:$0x1010]  }
0x16: {  	v4 =	vld [tilespmem:$0x1020]  }
0x17: {  	v5 =	vld [tilespmem:$0x1030]  }
0x18: {  	v10 =	vld [tilespmem:$0x1040]  }
0x19: {  	v6 =	vld [tilespmem:$0x1050]  }
0x1a: {  	v14 =	vld [tilespmem:$0x1060]  }
0x1b: {  	v11 =	vld [tilespmem:$0x1070]  }
0x1c: {  	v16 =	vld [tilespmem:$0x1080]  }
0x1d: {  	v17 =	vld [tilespmem:$0x1090]  }
0x1e: {  	v20 =	vld [tilespmem:$0x10A0]  }
0x1f: {  	v19 =	vld [tilespmem:$0x10B0]  }
0x20: {  	v24 =	vld [tilespmem:$0x10C0]  }
0x21: {  	v21 =	vld [tilespmem:$0x10D0]  }
0x22: {  	v26 =	vld [tilespmem:$0x10E0]  }
0x23: {  	v25 =	vld [tilespmem:$0x10F0]  }
0x24: {  	v28 =	vld [tilespmem:$0x1100]  }
0x25: {  	v29 =	vld [tilespmem:$0x1110]  }
0x26: {  	v32 =	vld [tilespmem:$0x1120]  }
0x27: {  	v33 =	vld [tilespmem:$0x1130]  }
0x28: {  	v36 =	vld [tilespmem:$0x1140]  }
0x29: {  	v37 =	vld [tilespmem:$0x1150]  }
0x2a: {  	v45 =	vld [tilespmem:$0x1160]  }
0x2b: {  	v51 =	vld [tilespmem:$0x1170]  }
0x2c: {  	v63 =	vld [tilespmem:$0x1180]  }
0x2d: {  	v0 =	vld [tilespmem:$0x1190]  }
0x2e: {  	v61 =	vld [tilespmem:$0x14F0];
	_ =	sdelay $0x4  }
0x2f: {  	[tilespmem:$0x1F960] =	vst v61;
	v61 =	vld [tilespmem:$0x1540];
	_ =	sdelay $0x4  }
0x30: {  	[tilespmem:$0x1F9D0] =	vst v61;
	v61 =	vld [tilespmem:$0x1590];
	_ =	sdelay $0x4  }
0x31: {  	[tilespmem:$0x1FA60] =	vst v61;
	v61 =	vld [tilespmem:$0x15E0];
	_ =	sdelay $0x4  }
0x32: {  	[tilespmem:$0x1FB50] =	vst v61;
	v61 =	vld [tilespmem:$0x1650];
	_ =	sdelay $0x4  }
0x33: {  	[tilespmem:$0x1FA10] =	vst v61;
	v61 =	vld [tilespmem:$0x1660];
	_ =	sdelay $0x4  }
0x34: {  	[tilespmem:$0x1FA20] =	vst v61;
	v61 =	vld [tilespmem:$0x1670];
	_ =	sdelay $0x4  }
0x35: {  	[tilespmem:$0x1FA40] =	vst v61;
	v61 =	vld [tilespmem:$0x1680];
	_ =	sdelay $0x4  }
0x36: {  	[tilespmem:$0x1FA50] =	vst v61;
	v61 =	vld [tilespmem:$0x1690];
	_ =	sdelay $0x4  }
0x37: {  	[tilespmem:$0x1FA70] =	vst v61;
	v61 =	vld [tilespmem:$0x16A0];
	_ =	sdelay $0x4  }
0x38: {  	[tilespmem:$0x1FA80] =	vst v61;
	v61 =	vld [tilespmem:$0x16B0];
	_ =	sdelay $0x4  }
0x39: {  	[tilespmem:$0x1FAA0] =	vst v61;
	v61 =	vld [tilespmem:$0x16C0];
	_ =	sdelay $0x4  }
0x3a: {  	[tilespmem:$0x1FAB0] =	vst v61;
	v61 =	vld [tilespmem:$0x16D0];
	_ =	sdelay $0x4  }
0x3b: {  	[tilespmem:$0x1FAD0] =	vst v61;
	v61 =	vld [tilespmem:$0x16E0];
	_ =	sdelay $0x4  }
0x3c: {  	[tilespmem:$0x1FAE0] =	vst v61;
	v61 =	vld [tilespmem:$0x16F0];
	_ =	sdelay $0x4  }
0x3d: {  	[tilespmem:$0x1FB00] =	vst v61;
	v61 =	vld [tilespmem:$0x1700];
	_ =	sdelay $0x4  }
0x3e: {  	[tilespmem:$0x1FB10] =	vst v61;
	v61 =	vld [tilespmem:$0x1710];
	_ =	sdelay $0x4  }
0x3f: {  	[tilespmem:$0x1FB30] =	vst v61;
	v61 =	vld [tilespmem:$0x1720];
	_ =	sdelay $0x4  }
0x40: {  	[tilespmem:$0x1FB40] =	vst v61;
	v61 =	vld [tilespmem:$0x1730];
	_ =	sdelay $0x4  }
0x41: {  	[tilespmem:$0x1FB60] =	vst v61;
	v61 =	vld [tilespmem:$0x1740];
	_ =	sdelay $0x4  }
0x42: {  	[tilespmem:$0x1FB70] =	vst v61;
	v61 =	vld [tilespmem:$0x1750];
	_ =	sdelay $0x1  }
0x43: {  	v27 =	vld [tilespmem:$0x11A0]  }
0x44: {  	v30 =	vld [tilespmem:$0x11B0]  }
0x45: {  	v31 =	vld [tilespmem:$0x11C0]  }
0x46: {  	[tilespmem:$0x1FB90] =	vst v61;
	v61 =	vld [tilespmem:$0x1760]  }
0x47: {  	v34 =	vld [tilespmem:$0x11D0]  }
0x48: {  	v35 =	vld [tilespmem:$0x11E0]  }
0x49: {  	v38 =	vld [tilespmem:$0x11F0]  }
0x4a: {  	v3 =	vld [tilespmem:$0x1200]  }
0x4b: {  	[tilespmem:$0x1FBA0] =	vst v61;
	v61 =	vld [tilespmem:$0x1770]  }
0x4c: {  	v7 =	vld [tilespmem:$0x1210]  }
0x4d: {  	v1 =	vld [tilespmem:$0x1230]  }
0x4e: {  	v2 =	vld [tilespmem:$0x1240]  }
0x4f: {  	v8 =	vld [tilespmem:$0x1250]  }
0x50: {  	[tilespmem:$0x1FBB0] =	vst v61;
	v61 =	vld [tilespmem:$0x1780]  }
0x51: {  	v9 =	vld [tilespmem:$0x1260]  }
0x52: {  	v18 =	vld [tilespmem:$0x1270]  }
0x53: {  	v15 =	vld [tilespmem:$0x1280]  }
0x54: {  	v22 =	vld [tilespmem:$0x1290]  }
0x55: {  	[tilespmem:$0x1FC00] =	vst v61;
	v61 =	vld [tilespmem:$0x1790]  }
0x56: {  	v23 =	vld [tilespmem:$0x12A0]  }
0x57: {  	v43 =	vld [tilespmem:$0x12F0]  }
0x58: {  	v44 =	vld [tilespmem:$0x1300]  }
0x59: {  	v48 =	vld [tilespmem:$0x1310]  }
0x5a: {  	[tilespmem:$0x1FC30] =	vst v61;
	v61 =	vld [tilespmem:$0x17A0]  }
0x5b: {  	v49 =	vld [tilespmem:$0x1320]  }
0x5c: {  	v55 =	vld [tilespmem:$0x1330]  }
0x5d: {  	v56 =	vld [tilespmem:$0x1340]  }
0x5e: {  	v39 =	vld [tilespmem:$0x1360]  }
0x5f: {  	[tilespmem:$0x1FC60] =	vst v61;
	v61 =	vld [tilespmem:$0x17B0]  }
0x60: {  	v40 =	vld [tilespmem:$0x1370]  }
0x61: {  	v41 =	vld [tilespmem:$0x1380]  }
0x62: {  	v42 =	vld [tilespmem:$0x1390]  }
0x63: {  	v46 =	vld [tilespmem:$0x13A0]  }
0x64: {  	[tilespmem:$0x1FC90] =	vst v61;
	v61 =	vld [tilespmem:$0x17C0]  }
0x65: {  	v47 =	vld [tilespmem:$0x13B0]  }
0x66: {  	v50 =	vld [tilespmem:$0x13C0]  }
0x67: {  	v52 =	vld [tilespmem:$0x13D0]  }
0x68: {  	v53 =	vld [tilespmem:$0x13E0]  }
0x69: {  	[tilespmem:$0x1FCC0] =	vst v61;
	v61 =	vld [tilespmem:$0x17D0]  }
0x6a: {  	v54 =	vld [tilespmem:$0x13F0]  }
0x6b: {  	v60 =	vld [tilespmem:$0x14A0]  }
0x6c: {  	v59 =	vld [tilespmem:$0x14B0]  }
0x6d: {  	v57 =	vld [tilespmem:$0x14D0]  }
0x6e: {  	[tilespmem:$0x1FCF0] =	vst v61;
	v61 =	vld [tilespmem:$0x17E0]  }
0x6f: {  	v58 =	vld [tilespmem:$0x14E0]  }
0x70: {  	v62 =	vld [tilespmem:$0x1500]  }
0x71: {  	[tilespmem:$0x1F830] =	vst v0;
	v0 =	vld [tilespmem:$0x1220]  }
0x72: {  	[tilespmem:$0x1F850] =	vst v30;
	v30 =	vld [tilespmem:$0x12B0]  }
0x73: {  	[tilespmem:$0x1FD20] =	vst v61;
	v61 =	vld [tilespmem:$0x17F0]  }
0x74: {  	[tilespmem:$0x1F840] =	vst v27;
	v27 =	vld [tilespmem:$0x12C0]  }
0x75: {  	[tilespmem:$0x1F890] =	vst v38;
	v38 =	vld [tilespmem:$0x12D0]  }
0x76: {  	[tilespmem:$0x1F880] =	vst v35;
	v35 =	vld [tilespmem:$0x12E0]  }
0x77: {  	[tilespmem:$0x1F860] =	vst v31;
	v31 =	vld [tilespmem:$0x1350]  }
0x78: {  	[tilespmem:$0x1FD50] =	vst v61;
	v61 =	vld [tilespmem:$0x1800]  }
0x79: {  	[tilespmem:$0x1F8C0] =	vst v40;
	v40 =	vld [tilespmem:$0x1400]  }
0x7a: {  	[tilespmem:$0x1F8D0] =	vst v41;
	v41 =	vld [tilespmem:$0x1410]  }
0x7b: {  	[tilespmem:$0x1F870] =	vst v34;
	v34 =	vld [tilespmem:$0x1420]  }
0x7c: {  	[tilespmem:$0x1F8E0] =	vst v42;
	v42 =	vld [tilespmem:$0x1440]  }
0x7d: {  	[tilespmem:$0x1FBC0] =	vst v61;
	v61 =	vld [tilespmem:$0x1810]  }
0x7e: {  	[tilespmem:$0x1F8B0] =	vst v39;
	v39 =	vld [tilespmem:$0x1450]  }
0x7f: {  	[tilespmem:$0x1F8F0] =	vst v46;
	v46 =	vld [tilespmem:$0x1460]  }
0x80: {  	[tilespmem:$0x1F900] =	vst v47;
	v47 =	vld [tilespmem:$0x1470]  }
0x81: {  	[tilespmem:$0x1F940] =	vst v52;
	v52 =	vld [tilespmem:$0x1480]  }
0x82: {  	[tilespmem:$0x1FBE0] =	vst v61;
	v61 =	vld [tilespmem:$0x1820]  }
0x83: {  	[tilespmem:$0x1F970] =	vst v53;
	v53 =	vld [tilespmem:$0x1490]  }
0x84: {  	[tilespmem:$0x1F910] =	vst v50;
	v50 =	vld [tilespmem:$0x14C0]  }
0x85: {  	[tilespmem:$0x1F9A0] =	vst v54;
	v54 =	vld [tilespmem:$0x1510]  }
0x86: {  	[tilespmem:$0x1F930] =	vst v57;
	v57 =	vld [tilespmem:$0x1520]  }
0x87: {  	[tilespmem:$0x1FBD0] =	vst v61;
	v61 =	vld [tilespmem:$0x1830]  }
0x88: {  	[tilespmem:$0x1F950] =	vst v58;
	v58 =	vld [tilespmem:$0x1530]  }
0x89: {  	[tilespmem:$0x1F980] =	vst v62;
	v62 =	vld [tilespmem:$0x1550]  }
0x8a: {  	v5 =	vmax.f32 v13, v5;
	v13 =	vld [tilespmem:$0x1B20]  }
0x8b: {  	v1 =	vmax.f32 v7, v1;
	v7 =	vld [tilespmem:$0x1C10]  }
0x8c: {  	[tilespmem:$0x1FBF0] =	vst v61;
	v61 =	vld [tilespmem:$0x1840]  }
0x8d: {  	v4 =	vmax.f32 v12, v4;
	v1 =	vmax.f32 v1, v8;
	v8 =	vld [tilespmem:$0x1C20]  }
0x8e: {  	v4 =	vmax.f32 v4, v10;
	v10 =	vld [tilespmem:$0x1C40]  }
0x8f: {  	v5 =	vmax.f32 v5, v6;
	v4 =	vmax.f32 v4, v14;
	v14 =	vld [tilespmem:$0x1B30]  }
0x90: {  	v5 =	vmax.f32 v5, v11;
	v11 =	vld [tilespmem:$0x1C50]  }
0x91: {  	[tilespmem:$0x1FC10] =	vst v61;
	v61 =	vld [tilespmem:$0x1850]  }
0x92: {  	v4 =	vmax.f32 v4, v16;
	v16 =	vld [tilespmem:$0x1B40]  }
0x93: {  	v5 =	vmax.f32 v5, v17;
	v17 =	vld [tilespmem:$0x1B50]  }
0x94: {  	v5 =	vmax.f32 v5, v19;
	v19 =	vld [tilespmem:$0x1B60]  }
0x95: {  	v4 =	vmax.f32 v4, v20;
	v20 =	vld [tilespmem:$0x1B70]  }
0x96: {  	[tilespmem:$0x1FC20] =	vst v61;
	v61 =	vld [tilespmem:$0x1860]  }
0x97: {  	[tilespmem:$0x1F8A0] =	vst v31;
	v31 =	vld [tilespmem:$0x1430]  }
0x98: {  	[tilespmem:$0x1F990] =	vst v54;
	v54 =	vld [tilespmem:$0x1560]  }
0x99: {  	[tilespmem:$0x1F9B0] =	vst v57;
	v57 =	vld [tilespmem:$0x1570]  }
0x9a: {  	[tilespmem:$0x1F9C0] =	vst v58;
	v58 =	vld [tilespmem:$0x1580]  }
0x9b: {  	[tilespmem:$0x1FC40] =	vst v61;
	v61 =	vld [tilespmem:$0x1870]  }
0x9c: {  	[tilespmem:$0x1F9E0] =	vst v62;
	v62 =	vld [tilespmem:$0x15A0]  }
0x9d: {  	[tilespmem:$0x1F920] =	vst v50;
	v50 =	vld [tilespmem:$0x1620]  }
0x9e: {  	v5 =	vmax.f32 v5, v21;
	v21 =	vld [tilespmem:$0x1B80]  }
0x9f: {  	v4 =	vmax.f32 v4, v24;
	v24 =	vld [tilespmem:$0x1B90]  }
0xa0: {  	v1 =	vmax.f32 v1, v18;
	[tilespmem:$0x1FC50] =	vst v61;
	v61 =	vld [tilespmem:$0x1880]  }
0xa1: {  	v1 =	vmax.f32 v1, v22;
	[tilespmem:$0x1FF30] =	vst v13;
	v13 =	vld [tilespmem:$0x1F890]  }
0xa2: {  	v1 =	vmax.f32 v1, v30;
	v30 =	vld [tilespmem:$0x1F940]  }
0xa3: {  	v0 =	vmax.f32 v3, v0;
	v5 =	vmax.f32 v5, v25;
	v25 =	vld [tilespmem:$0x1BA0]  }
0xa4: {  	v0 =	vmax.f32 v0, v2;
	v2 =	vld [tilespmem:$0x1BE0]  }
0xa5: {  	[tilespmem:$0x1FC70] =	vst v61;
	v61 =	vld [tilespmem:$0x1890]  }
0xa6: {  	v4 =	vmax.f32 v4, v26;
	v1 =	vmax.f32 v1, v38;
	v38 =	vld [tilespmem:$0x1F860]  }
0xa7: {  	v4 =	vmax.f32 v4, v28;
	v28 =	vld [tilespmem:$0x1BB0]  }
0xa8: {  	v0 =	vmax.f32 v0, v9;
	v9 =	vld [tilespmem:$0x1C30]  }
0xa9: {  	[tilespmem:$0x1FF50] =	vst v14;
	v14 =	vld [tilespmem:$0x1F8A0]  }
0xaa: {  	[tilespmem:$0x1FC80] =	vst v61;
	v61 =	vld [tilespmem:$0x18A0]  }
0xab: {  	v5 =	vmax.f32 v5, v29;
	v4 =	vmax.f32 v4, v32;
	v32 =	vld [tilespmem:$0x1BC0]  }
0xac: {  	v5 =	vmax.f32 v5, v33;
	v33 =	vld [tilespmem:$0x1F830]  }
0xad: {  	v0 =	vmax.f32 v0, v15;
	v15 =	vld [tilespmem:$0x1F8B0]  }
0xae: {  	[tilespmem:$0x1FF60] =	vst v16;
	v16 =	vld [tilespmem:$0x1F8C0]  }
0xaf: {  	[tilespmem:$0x1FCA0] =	vst v61;
	v61 =	vld [tilespmem:$0x18B0]  }
0xb0: {  	[tilespmem:$0x1FF80] =	vst v17;
	v17 =	vmax.f32 v40, v34;
	v34 =	vld [tilespmem:$0x1F980]  }
0xb1: {  	v40 =	vld [tilespmem:$0x1F9E0]  }
0xb2: {  	v4 =	vmax.f32 v4, v36;
	v36 =	vld [tilespmem:$0x1F840]  }
0xb3: {  	v5 =	vmax.f32 v5, v37;
	v37 =	vld [tilespmem:$0x1F850]  }
0xb4: {  	[tilespmem:$0x1FCB0] =	vst v61;
	v61 =	vld [tilespmem:$0x18C0]  }
0xb5: {  	[tilespmem:$0x1FF90] =	vst v19;
	v19 =	vld [tilespmem:$0x1F8D0]  }
0xb6: {  	v0 =	vmax.f32 v0, v23;
	v23 =	vld [tilespmem:$0x1F8F0]  }
0xb7: {  	[tilespmem:$0x1F9F0] =	vst v54;
	v54 =	vld [tilespmem:$0x15B0]  }
0xb8: {  	[tilespmem:$0x1FA00] =	vst v57;
	v57 =	vld [tilespmem:$0x15C0]  }
0xb9: {  	[tilespmem:$0x1FCD0] =	vst v61;
	v61 =	vld [tilespmem:$0x18D0]  }
0xba: {  	[tilespmem:$0x1FA30] =	vst v58;
	v58 =	vld [tilespmem:$0x15D0]  }
0xbb: {  	[tilespmem:$0x1FA90] =	vst v62;
	v62 =	vld [tilespmem:$0x15F0]  }
0xbc: {  	v26 =	vmax.f32 v4, v45;
	v4 =	vld [tilespmem:$0x1BF0]  }
0xbd: {  	v45 =	vld [tilespmem:$0x1F870]  }
0xbe: {  	[tilespmem:$0x1FCE0] =	vst v61;
	v61 =	vld [tilespmem:$0x18E0]  }
0xbf: {  	v29 =	vmax.f32 v5, v51;
	v51 =	vld [tilespmem:$0x1F880]  }
0xc0: {  	[tilespmem:$0x1FFB0] =	vst v21;
	v21 =	vld [tilespmem:$0x1F8E0]  }
0xc1: {  	v0 =	vmax.f32 v0, v27;
	v27 =	vld [tilespmem:$0x1F910]  }
0xc2: {  	v18 =	vmax.f32 v41, v31;
	v31 =	vld [tilespmem:$0x1F950]  }
0xc3: {  	[tilespmem:$0x1FD00] =	vst v61;
	v61 =	vld [tilespmem:$0x18F0]  }
0xc4: {  	v3 =	vmax.f32 v26, v63;
	v63 =	vld [tilespmem:$0x1BD0]  }
0xc5: {  	[tilespmem:$0x1FFD0] =	vst v25;
	v25 =	vld [tilespmem:$0x1F900]  }
0xc6: {  	v0 =	vmax.f32 v0, v35;
	v35 =	vld [tilespmem:$0x1F990]  }
0xc7: {  	[tilespmem:$0x1FFA0] =	vst v20;
	v20 =	vmax.f32 v17, v42;
	v42 =	vld [tilespmem:$0x1F9F0]  }
0xc8: {  	[tilespmem:$0x1FD10] =	vst v61;
	v61 =	vld [tilespmem:$0x1900]  }
0xc9: {  	[tilespmem:$0x1FFE0] =	vst v28;
	v28 =	vld [tilespmem:$0x1F920]  }
0xca: {  	v0 =	vmax.f32 v0, v44;
	v44 =	vld [tilespmem:$0x1FA00]  }
0xcb: {  	v7 =	vmax.f32 v7, v9;
	v9 =	vld [tilespmem:$0x1EE0]  }
0xcc: {  	v5 =	vmax.f32 v29, v33;
	v29 =	vld [tilespmem:$0x1F930]  }
0xcd: {  	[tilespmem:$0x1FD30] =	vst v61;
	v61 =	vld [tilespmem:$0x1910]  }
0xce: {  	[tilespmem:$0x1FFF0] =	vst v32;
	v32 =	vld [tilespmem:$0x1F960]  }
0xcf: {  	v33 =	vld [tilespmem:$0x1F970]  }
0xd0: {  	v7 =	vmax.f32 v7, v11;
	v11 =	vld [tilespmem:$0x1EF0]  }
0xd1: {  	v6 =	vmax.f32 v5, v37;
	v5 =	vld [tilespmem:$0x1C00]  }
0xd2: {  	[tilespmem:$0x1FD40] =	vst v61;
	v61 =	vld [tilespmem:$0x1920]  }
0xd3: {  	v3 =	vmax.f32 v3, v36;
	v36 =	vld [tilespmem:$0x1F9A0]  }
0xd4: {  	v37 =	vld [tilespmem:$0x1F9B0]  }
0xd5: {  	[tilespmem:$0x1FAF0] =	vst v57;
	v57 =	vld [tilespmem:$0x1600]  }
0xd6: {  	[tilespmem:$0x1FB80] =	vst v62;
	v62 =	vld [tilespmem:$0x1610]  }
0xd7: {  	[tilespmem:$0x1FD60] =	vst v61;
	v61 =	vld [tilespmem:$0x1930]  }
0xd8: {  	[tilespmem:$0x1FB20] =	vst v58;
	v58 =	vld [tilespmem:$0x1630]  }
0xd9: {  	v0 =	vmax.f32 v0, v49;
	[tilespmem:$0x1FAC0] =	vst v54;
	v54 =	vld [tilespmem:$0x1640]  }
0xda: {  	v12 =	vmax.f32 v0, v56;
	v3 =	vmax.f32 v3, v38;
	v6 =	vmax.f32 v6, v45;
	v38 =	vld [tilespmem:$0x1F9C0]  }
0xdb: {  	v0 =	vmax.f32 v6, v13;
	v6 =	vmax.f32 v12, v15;
	v12 =	vld [tilespmem:$0x1C60]  }
0xdc: {  	v1 =	vmax.f32 v1, v43;
	[tilespmem:$0x1FD70] =	vst v61;
	v61 =	vld [tilespmem:$0x1940]  }
0xdd: {  	v48 =	vmax.f32 v1, v48;
	v13 =	vmax.f32 v18, v39;
	v39 =	vld [tilespmem:$0x1F9D0]  }
0xde: {  	v55 =	vmax.f32 v48, v55;
	v1 =	vmax.f32 v3, v51;
	v56 =	vld [tilespmem:$0x1FAC0]  }
0xdf: {  	v3 =	vmax.f32 v55, v14;
	v14 =	vmax.f32 v20, v46;
	v22 =	vmax.f32 v13, v47;
	v13 =	vld [tilespmem:$0x1C70]  }
0xe0: {  	[tilespmem:$0x1FFC0] =	vst v24;
	v24 =	vmax.f32 v14, v52;
	v14 =	vld [tilespmem:$0x1C80]  }
0xe1: {  	[tilespmem:$0x1FD80] =	vst v61;
	v61 =	vld [tilespmem:$0x1950]  }
0xe2: {  	v47 =	vld [tilespmem:$0x1FA30]  }
0xe3: {  	v15 =	vmax.f32 v22, v53;
	v22 =	vld [tilespmem:$0x1CE0]  }
0xe4: {  	v53 =	vld [tilespmem:$0x1FA90]  }
0xe5: {  	v26 =	vmax.f32 v15, v59;
	v15 =	vld [tilespmem:$0x1C90]  }
0xe6: {  	v3 =	vmax.f32 v3, v16;
	v16 =	vmax.f32 v24, v60;
	[tilespmem:$0x1FD90] =	vst v61;
	v61 =	vld [tilespmem:$0x1960]  }
0xe7: {  	v3 =	vmax.f32 v3, v21;
	v18 =	vmax.f32 v16, v28;
	v16 =	vld [tilespmem:$0x1CA0]  }
0xe8: {  	v3 =	vmax.f32 v3, v25;
	v25 =	vld [tilespmem:$0x1CF0]  }
0xe9: {  	v59 =	vld [tilespmem:$0x1FAF0]  }
0xea: {  	v28 =	vld [tilespmem:$0x1FB20]  }
0xeb: {  	[tilespmem:$0x1FDC0] =	vst v61;
	v61 =	vld [tilespmem:$0x1970]  }
0xec: {  	v5 =	vmax.f32 v5, v8;
	v8 =	vld [tilespmem:$0x1ED0]  }
0xed: {  	v18 =	vmax.f32 v18, v31;
	v31 =	vld [tilespmem:$0x1D00]  }
0xee: {  	v41 =	vmax.f32 v57, v50;
	v50 =	vld [tilespmem:$0x1FA60]  }
0xef: {  	v17 =	vmax.f32 v26, v29;
	v26 =	vld [tilespmem:$0x1DB0]  }
0xf0: {  	[tilespmem:$0x1FE00] =	vst v61;
	v61 =	vld [tilespmem:$0x1980]  }
0xf1: {  	v6 =	vmax.f32 v6, v19;
	v19 =	vmax.f32 v17, v32;
	v17 =	vld [tilespmem:$0x1CB0]  }
0xf2: {  	v20 =	vmax.f32 v18, v34;
	v18 =	vld [tilespmem:$0x1CC0]  }
0xf3: {  	v45 =	vld [tilespmem:$0x1FA10]  }
0xf4: {  	v34 =	vld [tilespmem:$0x1D10]  }
0xf5: {  	v3 =	vmax.f32 v3, v30;
	[tilespmem:$0x1FE30] =	vst v61;
	v61 =	vld [tilespmem:$0x1990]  }
0xf6: {  	v3 =	vmax.f32 v3, v36;
	v36 =	vld [tilespmem:$0x1D50]  }
0xf7: {  	v32 =	vld [tilespmem:$0x1FB50]  }
0xf8: {  	v6 =	vmax.f32 v6, v23;
	v23 =	vmax.f32 v41, v54;
	v41 =	vld [tilespmem:$0x1FB80]  }
0xf9: {  	v20 =	vmax.f32 v20, v37;
	v37 =	vld [tilespmem:$0x1D40]  }
0xfa: {  	[tilespmem:$0x1FE60] =	vst v61;
	v61 =	vld [tilespmem:$0x19A0]  }
0xfb: {  	v19 =	vmax.f32 v19, v35;
	v35 =	vld [tilespmem:$0x1D60]  }
0xfc: {  	v5 =	vmax.f32 v5, v10;
	v21 =	vmax.f32 v19, v38;
	v19 =	vld [tilespmem:$0x1CD0]  }
0xfd: {  	v5 =	vmax.f32 v5, v12;
	v38 =	vld [tilespmem:$0x1D20]  }
0xfe: {  	v5 =	vmax.f32 v5, v14;
	v20 =	vmax.f32 v20, v39;
	v39 =	vld [tilespmem:$0x1D30];
	v21 =	vmax.f32 v21, v40  }
0xff: {  	v5 =	vmax.f32 v5, v16;
	v21 =	vmax.f32 v21, v44;
	[tilespmem:$0x1FE90] =	vst v61;
	v61 =	vld [tilespmem:$0x19B0]  }
0x100: {  	v7 =	vmax.f32 v7, v13;
	v46 =	vld [tilespmem:$0x1FA20];
	v21 =	vmax.f32 v21, v50;
	v5 =	vmax.f32 v5, v18  }
0x101: {  	v7 =	vmax.f32 v7, v15;
	v21 =	vmax.f32 v21, v56;
	v5 =	vmax.f32 v5, v22;
	v22 =	vld [tilespmem:$0x1F40]  }
0x102: {  	v7 =	vmax.f32 v7, v17;
	v21 =	vmax.f32 v21, v28;
	v28 =	vld [tilespmem:$0x1DA0]  }
0x103: {  	v7 =	vmax.f32 v7, v19;
	v5 =	vmax.f32 v5, v31;
	v31 =	vld [tilespmem:$0x1F50]  }
0x104: {  	v7 =	vmax.f32 v7, v25;
	[tilespmem:$0x1FEC0] =	vst v61;
	v61 =	vld [tilespmem:$0x19C0]  }
0x105: {  	v7 =	vmax.f32 v7, v34;
	v48 =	vld [tilespmem:$0x1FA40]  }
0x106: {  	v34 =	vmax.f32 v7, v39;
	v39 =	vld [tilespmem:$0x1F60]  }
0x107: {  	v49 =	vld [tilespmem:$0x1FA50]  }
0x108: {  	v51 =	vld [tilespmem:$0x1FA70]  }
0x109: {  	[tilespmem:$0x1FEF0] =	vst v61;
	v61 =	vld [tilespmem:$0x19D0]  }
0x10a: {  	v52 =	vld [tilespmem:$0x1FA80]  }
0x10b: {  	v54 =	vld [tilespmem:$0x1FAA0]  }
0x10c: {  	v55 =	vld [tilespmem:$0x1FAB0]  }
0x10d: {  	v57 =	vld [tilespmem:$0x1FAD0]  }
0x10e: {  	v43 =	vmax.f32 v62, v58;
	[tilespmem:$0x1FF20] =	vst v61;
	v61 =	vld [tilespmem:$0x19E0]  }
0x10f: {  	v24 =	vmax.f32 v43, v45;
	v60 =	vld [tilespmem:$0x1FB00]  }
0x110: {  	v24 =	vmax.f32 v24, v48;
	v29 =	vld [tilespmem:$0x1FB30]  }
0x111: {  	v20 =	vmax.f32 v20, v42;
	v24 =	vmax.f32 v24, v51;
	v58 =	vld [tilespmem:$0x1FAE0]  }
0x112: {  	v20 =	vmax.f32 v20, v47;
	v24 =	vmax.f32 v24, v54;
	v62 =	vld [tilespmem:$0x1FB10]  }
0x113: {  	v20 =	vmax.f32 v20, v53;
	v24 =	vmax.f32 v24, v57;
	[tilespmem:$0x1FF40] =	vst v61;
	v61 =	vld [tilespmem:$0x19F0]  }
0x114: {  	v20 =	vmax.f32 v20, v59;
	v24 =	vmax.f32 v24, v60;
	v30 =	vld [tilespmem:$0x1FB40]  }
0x115: {  	v6 =	vmax.f32 v6, v27;
	v24 =	vmax.f32 v24, v29;
	v29 =	vmax.f32 v20, v32;
	v32 =	vld [tilespmem:$0x1D80]  }
0x116: {  	v6 =	vmax.f32 v6, v33;
	v33 =	vld [tilespmem:$0x1FB60]  }
0x117: {  	v40 =	vld [tilespmem:$0x1FB70]  }
0x118: {  	[tilespmem:$0x1FF70] =	vst v61;
	v61 =	vld [tilespmem:$0x1A00]  }
0x119: {  	v42 =	vld [tilespmem:$0x1FB90]  }
0x11a: {  	v43 =	vld [tilespmem:$0x1FBA0]  }
0x11b: {  	v23 =	vmax.f32 v23, v46;
	v44 =	vld [tilespmem:$0x1FBB0]  }
0x11c: {  	v23 =	vmax.f32 v23, v49;
	v49 =	vld [tilespmem:$0x1FC00]  }
0x11d: {  	v23 =	vmax.f32 v23, v52;
	[tilespmem:$0x1FDA0] =	vst v61;
	v61 =	vld [tilespmem:$0x1A10]  }
0x11e: {  	v23 =	vmax.f32 v23, v55;
	v52 =	vld [tilespmem:$0x1FC30]  }
0x11f: {  	v23 =	vmax.f32 v23, v58;
	v55 =	vld [tilespmem:$0x1FC60]  }
0x120: {  	v23 =	vmax.f32 v23, v62;
	v58 =	vld [tilespmem:$0x1FC90]  }
0x121: {  	v23 =	vmax.f32 v23, v30;
	v20 =	vmax.f32 v24, v33;
	v62 =	vld [tilespmem:$0x1FCC0]  }
0x122: {  	v23 =	vmax.f32 v23, v40;
	v20 =	vmax.f32 v20, v42;
	[tilespmem:$0x1FDD0] =	vst v61;
	v61 =	vld [tilespmem:$0x1A20]  }
0x123: {  	v27 =	vmax.f32 v21, v41;
	v30 =	vld [tilespmem:$0x1D90];
	v21 =	vmax.f32 v23, v43;
	v20 =	vmax.f32 v20, v44  }
0x124: {  	v33 =	vld [tilespmem:$0x1D70];
	v21 =	vmax.f32 v21, v49;
	v20 =	vmax.f32 v20, v52  }
0x125: {  	v21 =	vmax.f32 v21, v55;
	v41 =	vmax.f32 v20, v58;
	v20 =	vld [tilespmem:$0x1DD0]  }
0x126: {  	v42 =	vmax.f32 v21, v62;
	v21 =	vld [tilespmem:$0x1DE0]  }
0x127: {  	[tilespmem:$0x1FDB0] =	vst v61;
	v61 =	vld [tilespmem:$0x1A30]  }
0x128: {  	v49 =	vld [tilespmem:$0x1FD20]  }
0x129: {  	v52 =	vld [tilespmem:$0x1FD50]  }
0x12a: {  	v45 =	vld [tilespmem:$0x1FBC0]  }
0x12b: {  	v46 =	vld [tilespmem:$0x1FBD0]  }
0x12c: {  	[tilespmem:$0x1FDE0] =	vst v61;
	v61 =	vld [tilespmem:$0x1A40]  }
0x12d: {  	v42 =	vmax.f32 v42, v49;
	v49 =	vld [tilespmem:$0x1E30]  }
0x12e: {  	v47 =	vld [tilespmem:$0x1FBE0]  }
0x12f: {  	v48 =	vld [tilespmem:$0x1FBF0]  }
0x130: {  	v23 =	vmax.f32 v45, v46;
	v46 =	vld [tilespmem:$0x1FCF0]  }
0x131: {  	[tilespmem:$0x1FDF0] =	vst v61;
	v61 =	vld [tilespmem:$0x1A50]  }
0x132: {  	v50 =	vld [tilespmem:$0x1FC10]  }
0x133: {  	v51 =	vld [tilespmem:$0x1FC20]  }
0x134: {  	v53 =	vld [tilespmem:$0x1FC40]  }
0x135: {  	v54 =	vld [tilespmem:$0x1FC50]  }
0x136: {  	[tilespmem:$0x1FE10] =	vst v61;
	v61 =	vld [tilespmem:$0x1A60]  }
0x137: {  	v56 =	vld [tilespmem:$0x1FC70]  }
0x138: {  	v57 =	vld [tilespmem:$0x1FC80]  }
0x139: {  	v59 =	vld [tilespmem:$0x1FCA0]  }
0x13a: {  	v60 =	vld [tilespmem:$0x1FCB0]  }
0x13b: {  	[tilespmem:$0x1FE20] =	vst v61;
	v61 =	vld [tilespmem:$0x1A70]  }
0x13c: {  	v23 =	vmax.f32 v23, v50;
	v44 =	vld [tilespmem:$0x1FCD0]  }
0x13d: {  	v24 =	vmax.f32 v47, v48;
	v23 =	vmax.f32 v23, v53;
	v45 =	vld [tilespmem:$0x1FCE0]  }
0x13e: {  	v24 =	vmax.f32 v24, v51;
	v40 =	vmax.f32 v23, v56;
	v23 =	vld [tilespmem:$0x1DC0]  }
0x13f: {  	v24 =	vmax.f32 v24, v54;
	v47 =	vld [tilespmem:$0x1FD00]  }
0x140: {  	v24 =	vmax.f32 v24, v57;
	v40 =	vmax.f32 v40, v59;
	[tilespmem:$0x1FE40] =	vst v61;
	v61 =	vld [tilespmem:$0x1A80]  }
0x141: {  	v24 =	vmax.f32 v24, v60;
	v40 =	vmax.f32 v40, v44;
	v44 =	vld [tilespmem:$0x1E00]  }
0x142: {  	v24 =	vmax.f32 v24, v45;
	v45 =	vld [tilespmem:$0x1E10]  }
0x143: {  	v48 =	vld [tilespmem:$0x1FD10]  }
0x144: {  	v40 =	vmax.f32 v40, v47;
	v47 =	vld [tilespmem:$0x1E20]  }
0x145: {  	[tilespmem:$0x1FE50] =	vst v61;
	v61 =	vld [tilespmem:$0x1A90]  }
0x146: {  	v50 =	vld [tilespmem:$0x1FD30]  }
0x147: {  	v51 =	vld [tilespmem:$0x1FD40]  }
0x148: {  	v53 =	vld [tilespmem:$0x1FD60]  }
0x149: {  	v54 =	vld [tilespmem:$0x1FD70]  }
0x14a: {  	[tilespmem:$0x1FE70] =	vst v61;
	v61 =	vld [tilespmem:$0x1AA0]  }
0x14b: {  	v55 =	vld [tilespmem:$0x1FD80]  }
0x14c: {  	v56 =	vld [tilespmem:$0x1FD90]  }
0x14d: {  	v59 =	vld [tilespmem:$0x1FDC0]  }
0x14e: {  	v5 =	vmax.f32 v5, v38;
	v38 =	vmax.f32 v45, v49;
	v49 =	vld [tilespmem:$0x1F80];
	v43 =	vmax.f32 v24, v48  }
0x14f: {  	v40 =	vmax.f32 v40, v50;
	v43 =	vmax.f32 v43, v51;
	[tilespmem:$0x1FE80] =	vst v61;
	v61 =	vld [tilespmem:$0x1AB0]  }
0x150: {  	v40 =	vmax.f32 v40, v53;
	v43 =	vmax.f32 v43, v54;
	v53 =	vld [tilespmem:$0x1FE00]  }
0x151: {  	v40 =	vmax.f32 v40, v55;
	v43 =	vmax.f32 v43, v56;
	v56 =	vld [tilespmem:$0x1FE30]  }
0x152: {  	v40 =	vmax.f32 v40, v59;
	v59 =	vld [tilespmem:$0x1FE60]  }
0x153: {  	v24 =	vld [tilespmem:$0x1DF0]  }
0x154: {  	[tilespmem:$0x1FEA0] =	vst v61;
	v61 =	vld [tilespmem:$0x1AC0]  }
0x155: {  	v25 =	vmax.f32 v44, v47;
	v47 =	vld [tilespmem:$0x1F70]  }
0x156: {  	v43 =	vmax.f32 v43, v53;
	v40 =	vmax.f32 v40, v56;
	v56 =	vld [tilespmem:$0x1FE90]  }
0x157: {  	v43 =	vmax.f32 v43, v59;
	v59 =	vld [tilespmem:$0x1FEC0]  }
0x158: {  	v57 =	vld [tilespmem:$0x1FDA0]  }
0x159: {  	[tilespmem:$0x1FEB0] =	vst v61;
	v61 =	vld [tilespmem:$0x1AD0]  }
0x15a: {  	v60 =	vld [tilespmem:$0x1FDD0]  }
0x15b: {  	v58 =	vld [tilespmem:$0x1FDB0]  }
0x15c: {  	v41 =	vmax.f32 v41, v46;
	v62 =	vld [tilespmem:$0x1FDE0]  }
0x15d: {  	v41 =	vmax.f32 v41, v52;
	v52 =	vld [tilespmem:$0x1FDF0]  }
0x15e: {  	[tilespmem:$0x1FED0] =	vst v61;
	v61 =	vld [tilespmem:$0x1AE0]  }
0x15f: {  	v54 =	vld [tilespmem:$0x1FE10]  }
0x160: {  	v55 =	vld [tilespmem:$0x1FE20]  }
0x161: {  	v46 =	vmax.f32 v57, v58;
	v57 =	vld [tilespmem:$0x1FE40]  }
0x162: {  	v58 =	vld [tilespmem:$0x1FE50]  }
0x163: {  	[tilespmem:$0x1FEE0] =	vst v61;
	v61 =	vld [tilespmem:$0x1AF0]  }
0x164: {  	v48 =	vmax.f32 v60, v62;
	v60 =	vld [tilespmem:$0x1FE70]  }
0x165: {  	v46 =	vmax.f32 v46, v52;
	v48 =	vmax.f32 v48, v54;
	v62 =	vld [tilespmem:$0x1FE80]  }
0x166: {  	v46 =	vmax.f32 v46, v55;
	v48 =	vmax.f32 v48, v57;
	v57 =	vld [tilespmem:$0x1FEA0]  }
0x167: {  	v46 =	vmax.f32 v46, v58;
	v58 =	vld [tilespmem:$0x1FEB0]  }
0x168: {  	[tilespmem:$0x1FF00] =	vst v61;
	v61 =	vld [tilespmem:$0x1B00]  }
0x169: {  	v48 =	vmax.f32 v48, v60;
	v60 =	vld [tilespmem:$0x1FED0]  }
0x16a: {  	v46 =	vmax.f32 v46, v62;
	v62 =	vld [tilespmem:$0x1FEE0]  }
0x16b: {  	v48 =	vmax.f32 v48, v57;
	v57 =	vld [tilespmem:$0x1FEF0]  }
0x16c: {  	v46 =	vmax.f32 v46, v58;
	v58 =	vld [tilespmem:$0x1FF00]  }
0x16d: {  	[tilespmem:$0x1FF10] =	vst v61;
	v61 =	vld [tilespmem:$0x1B10]  }
0x16e: {  	v48 =	vmax.f32 v48, v60;
	v60 =	vld [tilespmem:$0x1FF20]  }
0x16f: {  	v46 =	vmax.f32 v46, v62;
	v62 =	vld [tilespmem:$0x1FF40]  }
0x170: {  	v51 =	vld [tilespmem:$0x1E50]  }
0x171: {  	v43 =	vmax.f32 v43, v59;
	v48 =	vmax.f32 v48, v58;
	v59 =	vld [tilespmem:$0x1FF10]  }
0x172: {  	v40 =	vmax.f32 v40, v56;
	v48 =	vmax.f32 v48, v61;
	v61 =	vld [tilespmem:$0x1FF30]  }
0x173: {  	v40 =	vmax.f32 v40, v57;
	v43 =	vmax.f32 v43, v60;
	v60 =	vld [tilespmem:$0x1FF50]  }
0x174: {  	v40 =	vmax.f32 v40, v62;
	v62 =	vld [tilespmem:$0x1FF70]  }
0x175: {  	v53 =	vld [tilespmem:$0x1E70]  }
0x176: {  	v50 =	vld [tilespmem:$0x1E40];
	v46 =	vmax.f32 v46, v59  }
0x177: {  	v46 =	vmax.f32 v46, v61;
	v61 =	vld [tilespmem:$0x1FF60]  }
0x178: {  	v48 =	vmax.f32 v48, v60;
	v60 =	vld [tilespmem:$0x1FF80]  }
0x179: {  	v45 =	vmax.f32 v38, v51;
	v43 =	vmax.f32 v43, v62;
	v62 =	vld [tilespmem:$0x1FFA0]  }
0x17a: {  	v44 =	vmax.f32 v5, v37;
	v5 =	vmax.f32 v45, v53;
	v53 =	vld [tilespmem:$0x1FA0]  }
0x17b: {  	v56 =	vld [tilespmem:$0x1EA0]  }
0x17c: {  	v46 =	vmax.f32 v46, v61;
	v61 =	vld [tilespmem:$0x1FF90]  }
0x17d: {  	v48 =	vmax.f32 v48, v60;
	v60 =	vld [tilespmem:$0x1FFB0]  }
0x17e: {  	v48 =	vmax.f32 v48, v62;
	v62 =	vld [tilespmem:$0x1FFD0]  }
0x17f: {  	v55 =	vld [tilespmem:$0x1E90]  }
0x180: {  	v52 =	vld [tilespmem:$0x1E60]  }
0x181: {  	v54 =	vld [tilespmem:$0x1E80];
	v46 =	vmax.f32 v46, v61  }
0x182: {  	v61 =	vld [tilespmem:$0x1FFC0];
	v46 =	vmax.f32 v46, v60  }
0x183: {  	v10 =	vmax.f32 v46, v62;
	v46 =	vld [tilespmem:$0x1FFE0]  }
0x184: {  	v16 =	vmax.f32 v25, v50;
	v50 =	vmax.f32 v5, v55;
	v55 =	vld [tilespmem:$0x1FC0]  }
0x185: {  	[tilespmem:$0x2000] =	vst v1;
	v1 =	vmax.f32 v34, v36;
	v57 =	vld [tilespmem:$0x1EB0]  }
0x186: {  	v1 =	vmax.f32 v1, v33;
	v58 =	vld [tilespmem:$0x1EC0]  }
0x187: {  	v1 =	vmax.f32 v1, v30;
	v59 =	vld [tilespmem:$0x1F00];
	v48 =	vmax.f32 v48, v61  }
0x188: {  	[tilespmem:$0x2010] =	vst v0;
	v1 =	vmax.f32 v1, v26;
	v62 =	vld [tilespmem:$0x1F20];
	v12 =	vmax.f32 v48, v46;
	v46 =	vmax.f32 v16, v52  }
0x189: {  	[tilespmem:$0x2020] =	vst v6;
	v1 =	vmax.f32 v1, v20;
	v61 =	vld [tilespmem:$0x1F10];
	v48 =	vmax.f32 v46, v54  }
0x18a: {  	[tilespmem:$0x2030] =	vst v3;
	v0 =	vmax.f32 v44, v35;
	v12 =	vmax.f32 v12, v63;
	v63 =	vld [tilespmem:$0x1F30];
	v51 =	vmax.f32 v48, v56  }
0x18b: {  	[tilespmem:$0x2050] =	vst v27;
	v0 =	vmax.f32 v0, v32;
	v3 =	vmax.f32 v50, v57;
	v60 =	vld [tilespmem:$0x1FFF0];
	v5 =	vmax.f32 v51, v58  }
0x18c: {  	[tilespmem:$0x2040] =	vst v29;
	v0 =	vmax.f32 v0, v28;
	v57 =	vld [tilespmem:$0x1FE0];
	v3 =	vmax.f32 v3, v8;
	v5 =	vmax.f32 v5, v9  }
0x18d: {  	[tilespmem:$0x2060] =	vst v42;
	v0 =	vmax.f32 v0, v23;
	v3 =	vmax.f32 v3, v11;
	v52 =	vld [tilespmem:$0x1F90];
	v5 =	vmax.f32 v5, v59  }
0x18e: {  	[tilespmem:$0x2070] =	vst v41;
	v0 =	vmax.f32 v0, v21;
	v54 =	vld [tilespmem:$0x1FB0];
	v3 =	vmax.f32 v3, v61;
	v5 =	vmax.f32 v5, v62  }
0x18f: {  	v1 =	vmax.f32 v1, v24;
	[tilespmem:$0x20C0] =	vst v0;
	v56 =	vld [tilespmem:$0x1FD0];
	v3 =	vmax.f32 v3, v63;
	v5 =	vmax.f32 v5, v22  }
0x190: {  	[tilespmem:$0x20D0] =	vst v1;
	v10 =	vmax.f32 v10, v60;
	v58 =	vld [tilespmem:$0x1FF0];
	v3 =	vmax.f32 v3, v31;
	v5 =	vmax.f32 v5, v39  }
0x191: {  	[tilespmem:$0x2080] =	vst v40;
	v2 =	vmax.f32 v10, v2;
	v59 =	vmax.f32 v3, v47;
	v60 =	vmax.f32 v5, v49  }
0x192: {  	[tilespmem:$0x20A0] =	vst v2;
	v2 =	vmax.f32 v59, v52;
	v3 =	vmax.f32 v60, v53  }
0x193: {  	[tilespmem:$0x2090] =	vst v43;
	v4 =	vmax.f32 v12, v4;
	v61 =	vmax.f32 v2, v54;
	v62 =	vmax.f32 v3, v55  }
0x194: {  	[tilespmem:$0x20B0] =	vst v4;
	v0 =	vmax.f32 v61, v56;
	v63 =	vmax.f32 v62, v57  }
0x195: {  	p0 =	sne.s32 s14, $0x3E0;
	v0 =	vmax.f32 v0, v58;
	[tilespmem:$0x20E0] =	vst v63  }
.Ltmp0:
0x196: {  	s15 =	sadd.s32 s14, s6;
	[tilespmem:$0x20F0] =	vst v0;
	(pc) =	sbr.rel @p0 .LBB2_2-.Ltmp0, $4  }
0x197: {  	[hbm4b:s15+s3] =	stream.linear.scatter [tilespmem:s11], [sflag:$0x2], $0x100, $0x38;
	[tilespmem:$0x2100] =	vst v63  }
0x198: {  	_ =	swait.ge [sflag:s7], $0x100  }
0x199: {  	[sflag:s7] =	ssyncset.done $0x0  }
0x19a: {  	s13 =	sadd.s32 $0x80, s13;
	s14 =	sadd.s32 $0x20, s14;
	[sflag:s7] =	ssyncadd.s32 $0xFFFFFF00  }
0x19b: {  	s12 =	sadd.s32 $0x1, s12  }
0x19c: {  	p0 =	sne.s32 s12, s5  }
.Ltmp1:
0x19d: {  	_ = 	snop;
	(pc) =	sbr.rel @p0 .LBB2_1-.Ltmp1, $1  }
0x19e: {  	_ =	sdelay $0x3  }
0x19f: {  	_ =	sfence.sel $0x180000  }
0x1a0: {  	[bflag:$0x0] =	sbarrier.arrive $0xFFFF  }
0x1a1: {  	p0 =	sne.s32 s2, $0x0;
	_ =	strace $0x90000047  }
0x1a2: {  	s0 =	sadd.s32 @!p0 $0x100000, s0;
	[bflag:$0x2] =	sbarrier.arrive $0xFFFF  }
0x1a3: {  	[sflag:s0] =	ssyncadd.tile.s32 @!p0 $0x1;
	_ =	shalt  }
.Lfunc_end2:
_tile_overlayer_lowered:
.L_overlay_start_2:
0x1a4: {  	(tag) =	ssettag $0x2  }
0x1a5: {  	s0 =	rddreg [dreg:$0x0];
	s2 =	stileid.u32  }
0x1a6: {  	s1 =	rddreg [dreg:$0x1];
	p0 =	sne.s32 s2, $0x0  }
0x1a7: {  	s3 =	rddreg [dreg:$0x2];
	[bflag:$0x3] =	sbarrier.arrive $0xFFFF;
	s2 =	simm.s32 @!p0 $0x1C02  }
0x1a8: {  	[timem:s3], [sflag:s2] =	dma.local @!p0 [hbm:s0], s1  }
0x1a9: {  	s0 =	simm.s32 @!p0 $0x2  }
0x1aa: {  	_ =	swait.ge @!p0 [sflag:s0], s1  }
0x1ab: {  	s1 =	ssub.s32 @!p0 $0x0, s1;
	[sflag:s0] =	ssyncset.done @!p0 $0x0  }
0x1ac: {  	[sflag:s0] =	ssyncadd.s32 @!p0 s1  }
0x1ad: {  	[bflag:$0x3] =	sbarrier.arrive $0xFFFF  }
0x1ae: {  	_ =	shalt  }

// kernel: kernel.7.cloned.1.call-start
scs
__scs_entry_jumppad:
0x0: {  	(pc) =	sbr.rel $0x88, $3  }
0x1: {  	(tag) =	ssettag $0x0;
	lr =	simm.s32 $0x1  }
0x2: {  	[smem:$0x3F9E] =	sst lr;
	_ =	strace $0xD0000000  }
0x3: {  	_ = 	snop  }
0x4: {  	_ = 	snop  }
0x5: {  	_ = 	snop  }
0x6: {  	_ = 	snop  }
0x7: {  	_ = 	snop  }
__scs_overlays_trampoline_lowered:
0x8: {  	[smem:$0x3FAD] =	sst s0  }
0x9: {  	[smem:$0x3FAE] =	sst s1  }
0xa: {  	[smem:$0x3FAF] =	sst s2  }
0xb: {  	[smem:$0x3FB0] =	sst s3  }
0xc: {  	[smem:$0x3FB1] =	sst s4  }
0xd: {  	[smem:$0x3FB2] =	sst s5  }
0xe: {  	[smem:$0x3FB3] =	sst s6  }
0xf: {  	[smem:$0x3FB4] =	sst s7  }
0x10: {  	[smem:$0x3FB5] =	sst s8  }
0x11: {  	[smem:$0x3FB6] =	sst s9;
	s0 =	simm.s32 @!p0 $0x0  }
0x12: {  	s1 =	sld [smem:$0x3F9C];
	s0 =	simm.s32 @p0 $0x1  }
0x13: {  	[smem:$0x3FB7] =	sst s0;
	s0 =	simm.s32 @!p1 $0x0  }
0x14: {  	s2 =	sld [smem:$0x3F9B];
	s0 =	simm.s32 @p1 $0x1  }
0x15: {  	[smem:$0x3FB8] =	sst s0;
	s0 =	simm.s32 @!p2 $0x0  }
0x16: {  	s3 =	sld [smem:$0x3FDB];
	s0 =	simm.s32 @p2 $0x1  }
0x17: {  	s4 =	simm.s32 $0x1BF5;
	[smem:$0x3FBA] =	sst s0  }
0x18: {  	s0 =	sld [smem:$0x3F9D];
	_ =	swait.ge [sflag:s4], $0x0  }
0x19: {  	s7 =	sld [smem:$0x3F9E]  }
0x1a: {  	s8 =	sadd.s32 $0xFFFFE003, lr  }
0x1b: {  	s9 =	sadd.s32 $0xFFFFFEF7, lr;
	s5 =	simm.s32 $0xFFFFFFFF;
	p2 =	slt.u32 s8, $0xFFFFF086  }
0x1c: {  	p1 =	slt.u32 s9, $0xF7A;
	s5 =	simm.s32 @!p2 $0x0  }
0x1d: {  	s5 =	simm.s32 @p1 $0x1;
	p0 =	seq.s32 s7, s2  }
0x1e: {  	s7 =	smul.u32 @!p0 $0xF7A, s2;
	p2 =	seq.s32 @!p0 s5, $0x0  }
0x1f: {  	s9 =	smul.u32 $0xF7A, s1;
	s8 =	simm.s32 @!p0 $0x1BF5;
	p2 =	por !p2, p0  }
0x20: {  	[sflag:s8] =	ssyncset.s32 @!p0 $0xFFFFF086;
	s6 =	sadd.s32 @!p0 s3, s7;
	s7 =	simm.s32 @!p0 $0x108  }
0x21: {  	s3 =	sadd.s32 s3, s9;
	s6 =	sadd.s32 @!p0 $0x88, s6;
	s7 =	simm.s32 @p2 $0x1082  }
0x22: {  	[simem:s7], [sflag:s8] =	dma.local @!p0 [hbm:s6], $0xF7A  }
0x23: {  	s9 =	sor.u32 $0xD0000000, s2;
	s6 =	simm.s32 $0x108;
	_ =	swait.ge @!p0 [sflag:s8], $0x0  }
0x24: {  	s3 =	sadd.s32 $0x88, s3;
	s6 =	simm.s32 @!p1 $0x1082;
	[sflag:s4] =	ssyncset.s32 $0xFFFFF086  }
0x25: {  	[simem:s6], [sflag:s4] =	dma.local [hbm:s3], $0xF7A  }
0x26: {  	[smem:$0x3F9E] =	sst s1;
	(tag) =	ssettag s2;
	_ =	strace s9  }
0x27: {  	s1 =	sld [smem:$0x3FAE]  }
0x28: {  	s2 =	sld [smem:$0x3FAF]  }
0x29: {  	s4 =	sld [smem:$0x3FB1]  }
0x2a: {  	p0 =	seq.s32 s5, $0x0;
	s5 =	sld [smem:$0x3FB2]  }
0x2b: {  	s6 =	sld [smem:$0x3FB3]  }
0x2c: {  	s7 =	sld [smem:$0x3FB4]  }
0x2d: {  	s3 =	simm.s32 $0x108;
	s8 =	sld [smem:$0x3FB5]  }
0x2e: {  	s3 =	simm.s32 @!p0 $0x1082;
	s9 =	sld [smem:$0x3FB6]  }
0x2f: {  	lr =	sadd.s32 s0, s3;
	s0 =	sld [smem:$0x3FAD]  }
0x30: {  	s3 =	sld [smem:$0x3FB0]  }
0x31: {  	[smem:$0x3FB9] =	sst s10  }
0x32: {  	s10 =	sld [smem:$0x3FB7];
	_ =	sdelay $0x3  }
0x33: {  	p0 =	seq.s32 s10, $0x1;
	s10 =	sld [smem:$0x3FB9];
	_ =	sdelay $0x3  }
0x34: {  	[smem:$0x3FB9] =	sst s10  }
0x35: {  	s10 =	sld [smem:$0x3FB8];
	_ =	sdelay $0x3  }
0x36: {  	p1 =	seq.s32 s10, $0x1;
	s10 =	sld [smem:$0x3FB9];
	_ =	sdelay $0x3  }
0x37: {  	[smem:$0x3FB9] =	sst s10  }
0x38: {  	s10 =	sld [smem:$0x3FBA]  }
0x39: {  	_ = 	snop;
	(pc) =	sbr.ind lr, $3  }
0x3a: {  	_ = 	snop  }
0x3b: {  	_ = 	snop  }
0x3c: {  	p2 =	seq.s32 s10, $0x1;
	s10 =	sld [smem:$0x3FB9]  }
0x3d: {  	_ =	shalt  }
0x3e: {  	_ =	shalt  }
0x3f: {  	_ =	shalt  }
0x40: {  	_ =	shalt  }
0x41: {  	_ =	shalt  }
0x42: {  	_ =	shalt  }
0x43: {  	_ =	shalt  }
0x44: {  	_ =	shalt  }
0x45: {  	_ =	shalt  }
0x46: {  	_ =	shalt  }
0x47: {  	_ =	shalt  }
0x48: {  	_ =	shalt  }
0x49: {  	_ =	shalt  }
0x4a: {  	_ =	shalt  }
0x4b: {  	_ =	shalt  }
0x4c: {  	_ =	shalt  }
0x4d: {  	_ =	shalt  }
0x4e: {  	_ =	shalt  }
0x4f: {  	_ =	shalt  }
0x50: {  	_ =	shalt  }
0x51: {  	_ =	shalt  }
0x52: {  	_ =	shalt  }
0x53: {  	_ =	shalt  }
0x54: {  	_ =	shalt  }
0x55: {  	_ =	shalt  }
0x56: {  	_ =	shalt  }
0x57: {  	_ =	shalt  }
0x58: {  	_ =	shalt  }
0x59: {  	_ =	shalt  }
0x5a: {  	_ =	shalt  }
0x5b: {  	_ =	shalt  }
0x5c: {  	_ =	shalt  }
0x5d: {  	_ =	shalt  }
0x5e: {  	_ =	shalt  }
0x5f: {  	_ =	shalt  }
0x60: {  	_ =	shalt  }
0x61: {  	_ =	shalt  }
0x62: {  	_ =	shalt  }
0x63: {  	_ =	shalt  }
0x64: {  	_ =	shalt  }
0x65: {  	_ =	shalt  }
0x66: {  	_ =	shalt  }
0x67: {  	_ =	shalt  }
0x68: {  	_ =	shalt  }
0x69: {  	_ =	shalt  }
0x6a: {  	_ =	shalt  }
0x6b: {  	_ =	shalt  }
0x6c: {  	_ =	shalt  }
0x6d: {  	_ =	shalt  }
0x6e: {  	_ =	shalt  }
0x6f: {  	_ =	shalt  }
0x70: {  	_ =	shalt  }
0x71: {  	_ =	shalt  }
0x72: {  	_ =	shalt  }
0x73: {  	_ =	shalt  }
0x74: {  	_ =	shalt  }
0x75: {  	_ =	shalt  }
0x76: {  	_ =	shalt  }
0x77: {  	_ =	shalt  }
0x78: {  	_ =	shalt  }
0x79: {  	_ =	shalt  }
0x7a: {  	_ =	shalt  }
0x7b: {  	_ =	shalt  }
0x7c: {  	_ =	shalt  }
0x7d: {  	_ =	shalt  }
0x7e: {  	_ =	shalt  }
0x7f: {  	_ =	shalt  }
0x80: {  	_ =	shalt  }
0x81: {  	_ =	shalt  }
0x82: {  	_ =	shalt  }
0x83: {  	_ =	shalt  }
0x84: {  	_ =	shalt  }
0x85: {  	_ =	shalt  }
0x86: {  	_ =	shalt  }
0x87: {  	_ =	shalt  }
.Lfunc_end0:
.L_simem_size_0:
called_computation_lowered:
.L_overlay_start_0:
0x88: {  	s2 =	sld [smem:$0x3FD9]  }
0x89: {  	s3 =	sld [smem:$0x3FFE];
	_ =	sdelay $0x1  }
0x8a: {  	s1 =	srdreg.scid  }
0x8b: {  	s0 =	sand.u32 $0x1, s1  }
0x8c: {  	s15 =	sshll.u32 s0, $0xA;
	s2 =	sadd.s32 s3, s2  }
0x8d: {  	s2 =	sadd.s32 s2, s15  }
0x8e: {  	[smem:$0x3FC5] =	sst s2  }
0x8f: {  	_ = 	snop  }
0x90: {  	s2 =	sld [smem:$0x3FD0];
	_ =	sdelay $0x2  }
0x91: {  	s16 =	simm.s32 $0xB;
	s4 =	simm.s32 $0x10  }
0x92: {  	[smem:s4], [sflag:s16] =	dma.local [hbm:s2], $0x1  }
0x93: {  	_ =	swait.eq [sflag:s16], $0x1  }
0x94: {  	[sflag:s16] =	ssyncset.done $0x0  }
0x95: {  	[sflag:s16] =	ssyncadd.s32 $0xFFFFFFFF  }
0x96: {  	s17 =	sld [smem:$0x10];
	(tm) =	ssettm $0x1  }
0x97: {  	s18 =	sld [smem:$0x3FFB];
	_ =	sdelay $0x3  }
0x98: {  	_ =	strace s18  }
0x99: {  	s2 =	sld [smem:$0x3FFC];
	_ =	sdelay $0x3  }
0x9a: {  	_ =	strace s2  }
0x9b: {  	s2 =	sld [smem:$0x3FFD];
	_ =	sdelay $0x3  }
0x9c: {  	_ =	strace s2  }
0x9d: {  	_ =	strace $0x8FFFFFFF  }
0x9e: {  	s19 =	sld [smem:$0x3FDB];
	_ =	sdelay $0x1  }
0x9f: {  	s20 =	simm.s32 $_scs_section_size  }
0xa0: {  	s5 =	simm.s32 $_size__tile_overlayer_lowered;
	s6 =	simm.s32 $_tile_overlayer_lowered  }
0xa1: {  	s7 =	simm.s32 $0x1BFF;
	s21 =	sshll.u32 s6, $0x1;
	s4 =	sadd.s32 s20, s19  }
0xa2: {  	s22 =	simm.s32 $0x0;
	s5 =	sshll.u32 s5, $0x1;
	s6 =	sadd.s32 s21, s4  }
0xa3: {  	[timem:s22], [sflag:s7] =	dma.local [hbm:s6], s5  }
0xa4: {  	_ =	swait.ge [sflag:s7], s5  }
0xa5: {  	s5 =	ssub.s32 $0x0, s5;
	[sflag:s7] =	ssyncset.done $0x0  }
0xa6: {  	[sflag:s7] =	ssyncadd.s32 s5;
	_ =	sdelay $0x1  }
0xa7: {  	s23 =	simm.s32 $0x1B8B  }
0xa8: {  	_ =	swait.ge [sflag:s23], $0x1  }
0xa9: {  	[sflag:s23] =	ssyncset.done $0x0  }
0xaa: {  	[sflag:s23] =	ssyncadd.s32 $0xFFFFFFFF  }
0xab: {  	s5 =	sld [smem:$0x0]  }
0xac: {  	s6 =	sand.u32 $0xFFFFFFFE, s1  }
0xad: {  	p0 =	sne.s32 s1, s6  }
0xae: {  	s6 =	sshll.u32 @p0 s6, $0xE  }
0xaf: {  	s6 =	sadd.s32 @p0 $0x11B8D, s6;
	s7 =	sshll.u32 @p0 s5, $0x11  }
0xb0: {  	s6 =	sor.u32 @p0 s7, s6  }
0xb1: {  	[sflag:s6] =	ssyncadd.remote.s32 @p0 $0x1;
	_ =	sdelay $0x1  }
0xb2: {  	s6 =	simm.s32 @p0 $0x1B8D  }
0xb3: {  	_ =	swait.eq @p0 [sflag:s6], $0x1  }
0xb4: {  	[sflag:s6] =	ssyncadd.s32 @p0 $0xFFFFFFFF  }
0xb5: {  	s7 =	sshll.u32 @!p0 s1, $0xE  }
0xb6: {  	s7 =	sor.u32 @!p0 $0x4000, s7;
	s6 =	simm.s32 @!p0 $0x1B8D  }
0xb7: {  	s5 =	sshll.u32 @!p0 s5, $0x11;
	s7 =	sadd.s32 @!p0 $0x11B8D, s7;
	_ =	swait.eq @!p0 [sflag:s6], $0x1  }
0xb8: {  	s5 =	sor.u32 @!p0 s5, s7;
	[sflag:s6] =	ssyncadd.s32 @!p0 $0xFFFFFFFF  }
0xb9: {  	s25 =	simm.s32 $0x1B8E;
	s24 =	sld [smem:$0x3FFE];
	[sflag:s5] =	ssyncadd.remote.s32 @!p0 $0x1  }
0xba: {  	s26 =	simm.s32 $execute0_lowered;
	[smem:$0x3FD2] =	sst s25  }
0xbb: {  	s6 =	sshll.u32 s26, $0x1;
	_ =	strace $0x80000049;
	[dreg:$0x1] =	wrdreg $0xFFFFFFFF  }
0xbc: {  	s28 =	simm.s32 $_size_execute0_lowered;
	s4 =	sadd.s32 s4, s6;
	[dreg:$0x0] =	wrdreg $0x0  }
0xbd: {  	s6 =	sshll.u32 s28, $0x1;
	[dreg:$0x2] =	wrdreg s4  }
0xbe: {  	[dreg:$0x3] =	wrdreg s6  }
0xbf: {  	[dreg:$0x4] =	wrdreg $0xC0  }
0xc0: {  	_ =	task [dreg:s22], $0x5FFFF  }
0xc1: {  	[dreg:$0x1] =	wrdreg $0xFFFFFFFF  }
0xc2: {  	[dreg:$0x0] =	wrdreg $0x60  }
0xc3: {  	[dreg:$0x2] =	wrdreg s17  }
0xc4: {  	[dreg:$0x3] =	wrdreg s24  }
0xc5: {  	[dreg:$0x4] =	wrdreg $0x9  }
0xc6: {  	_ =	task.clear_ibuf [dreg:s22], $0x5FFFF;
	_ =	strace $0x90000049  }
0xc7: {  	s29 =	simm.s32 $0x9;
	_ =	strace $0x8000004B  }
0xc8: {  	_ =	swait.ge [sflag:s29], $0x1  }
0xc9: {  	[sflag:s29] =	ssyncadd.s32 $0xFFFFFFFF  }
0xca: {  	_ =	strace $0x9000004B  }
0xcb: {  	_ =	sfence  }
0xcc: {  	s30 =	sld [smem:$0x0];
	_ =	sdelay $0x2  }
0xcd: {  	s31 =	sshll.u32 s1, $0xD;
	s1 =	sshrl.u32 s1, $0x2  }
0xce: {  	s4 =	sand.u32 $0x4000, s31;
	s1 =	sadd.s32 s1, s30  }
0xcf: {  	s0 =	sor.u32 s4, s0;
	s1 =	sshll.u32 s1, $0x11  }
0xd0: {  	s0 =	sor.u32 s1, s0  }
0xd1: {  	s0 =	sadd.s32 $0x8F2B, s0  }
0xd2: {  	[sflag:s0] =	ssyncadd.remote.s32 $0x1  }
0xd3: {  	_ =	sfence.sel $0xFFFF  }
0xd4: {  	[dreg:$0x0] =	wrdreg $0xFFFFFFFF;
	(pc) =	sbr.abs _section_cstart, $3  }
0xd5: {  	[dreg:$0x1] =	wrdreg $0xFFFFFFFF  }
0xd6: {  	_ =	task.clear_ibuf [dreg:s22], $0x2FFFF;
	_ =	strace $0x9FFFFFFF  }
0xd7: {  	(tm) =	ssettm $0x7FFFFFFF  }
tec
execute0_lowered:
.L_overlay_start_1:
0x0: {  	(tag) =	ssettag $0x1  }
0x1: {  	s1 =	rddreg [dreg:$0x0]  }
0x2: {  	s4 =	rddreg [dreg:$0x1]  }
0x3: {  	s0 =	rddreg [dreg:$0x2];
	s3 =	simm.s32 $0x0;
	s5 =	srdreg.scid  }
0x4: {  	s2 =	stileid.u32;
	s10 =	simm.s32 $0x1;
	s11 =	simm.s32 $0x2000  }
0x5: {  	s12 =	simm.s32 $0x0;
	[smem:$0x7FF] =	sst s3;
	s5 =	sand.u32 $0x1, s5  }
0x6: {  	s6 =	sshll.u32 s2, $0xA;
	s30 =	sshll.u32 s2, $0xB;
	_ =	strace $0x8000004A  }
0x7: {  	s7 =	sshll.u32 s5, $0x9;
	s8 =	ssub.s32 $0x2, s5;
	s5 =	sshll.u32 s5, $0xA  }
0x8: {  	s6 =	sor.u32 s7, s6;
	s7 =	sadd.s32 s30, s4;
	s9 =	sshrl.u32 s8, $0x1  }
0x9: {  	s4 =	sadd.s32 s6, s4;
	s31 =	ssub.s32 s8, s9;
	s7 =	sadd.s32 s5, s7  }
0xa: {  	s8 =	simm.s32 $0x80;
	s9 =	simm.s32 $0x1000;
	s4 =	sadd.s32 $0xD000, s4  }
0xb: {  	s5 =	smax.u32 s31, $0x1;
	s6 =	sadd.s32 $0x11000, s7;
	s7 =	simm.s32 $0x2  }
.LBB2_1:
0xc: {  	[tilespmem:s3], [sflag:$0x2] =	stream.linear.gather [hbm4b:s4+s3], $0x1000, $0x38;
	[tilespmem:$0x2100] =	vst v63  }
0xd: {  	_ =	swait.ge [sflag:s7], $0x1000  }
0xe: {  	[sflag:s7] =	ssyncset.done $0x0  }
0xf: {  	s13 =	simm.s32 $0x0;
	s14 =	simm.s32 $0x0;
	[sflag:s7] =	ssyncadd.s32 $0xFFFFF000  }
.LBB2_2:
0x10: {  	[tilespmem:s9], [sflag:$0x1] =	stream.indirect.gather [hbm4b:s1+s8], $0x20, s13, s8, $0xb8;
	[tilespmem:$0x2100] =	vst v63  }
0x11: {  	_ =	swait.ge [sflag:s10], $0x1000  }
0x12: {  	[sflag:s10] =	ssyncset.done $0x0  }
0x13: {  	[sflag:s10] =	ssyncadd.s32 $0xFFFFF000  }
0x14: {  	v12 =	vld [tilespmem:$0x1000]  }
0x15: {  	v13 =	vld [tilespmem:$0x1010]  }
0x16: {  	v4 =	vld [tilespmem:$0x1020]  }
0x17: {  	v5 =	vld [tilespmem:$0x1030]  }
0x18: {  	v10 =	vld [tilespmem:$0x1040]  }
0x19: {  	v6 =	vld [tilespmem:$0x1050]  }
0x1a: {  	v14 =	vld [tilespmem:$0x1060]  }
0x1b: {  	v11 =	vld [tilespmem:$0x1070]  }
0x1c: {  	v16 =	vld [tilespmem:$0x1080]  }
0x1d: {  	v17 =	vld [tilespmem:$0x1090]  }
0x1e: {  	v20 =	vld [tilespmem:$0x10A0]  }
0x1f: {  	v19 =	vld [tilespmem:$0x10B0]  }
0x20: {  	v24 =	vld [tilespmem:$0x10C0]  }
0x21: {  	v21 =	vld [tilespmem:$0x10D0]  }
0x22: {  	v26 =	vld [tilespmem:$0x10E0]  }
0x23: {  	v25 =	vld [tilespmem:$0x10F0]  }
0x24: {  	v28 =	vld [tilespmem:$0x1100]  }
0x25: {  	v29 =	vld [tilespmem:$0x1110]  }
0x26: {  	v32 =	vld [tilespmem:$0x1120]  }
0x27: {  	v33 =	vld [tilespmem:$0x1130]  }
0x28: {  	v36 =	vld [tilespmem:$0x1140]  }
0x29: {  	v37 =	vld [tilespmem:$0x1150]  }
0x2a: {  	v45 =	vld [tilespmem:$0x1160]  }
0x2b: {  	v51 =	vld [tilespmem:$0x1170]  }
0x2c: {  	v63 =	vld [tilespmem:$0x1180]  }
0x2d: {  	v0 =	vld [tilespmem:$0x1190]  }
0x2e: {  	v61 =	vld [tilespmem:$0x14F0];
	_ =	sdelay $0x4  }
0x2f: {  	[tilespmem:$0x1F960] =	vst v61;
	v61 =	vld [tilespmem:$0x1540];
	_ =	sdelay $0x4  }
0x30: {  	[tilespmem:$0x1F9D0] =	vst v61;
	v61 =	vld [tilespmem:$0x1590];
	_ =	sdelay $0x4  }
0x31: {  	[tilespmem:$0x1FA60] =	vst v61;
	v61 =	vld [tilespmem:$0x15E0];
	_ =	sdelay $0x4  }
0x32: {  	[tilespmem:$0x1FB50] =	vst v61;
	v61 =	vld [tilespmem:$0x1650];
	_ =	sdelay $0x4  }
0x33: {  	[tilespmem:$0x1FA10] =	vst v61;
	v61 =	vld [tilespmem:$0x1660];
	_ =	sdelay $0x4  }
0x34: {  	[tilespmem:$0x1FA20] =	vst v61;
	v61 =	vld [tilespmem:$0x1670];
	_ =	sdelay $0x4  }
0x35: {  	[tilespmem:$0x1FA40] =	vst v61;
	v61 =	vld [tilespmem:$0x1680];
	_ =	sdelay $0x4  }
0x36: {  	[tilespmem:$0x1FA50] =	vst v61;
	v61 =	vld [tilespmem:$0x1690];
	_ =	sdelay $0x4  }
0x37: {  	[tilespmem:$0x1FA70] =	vst v61;
	v61 =	vld [tilespmem:$0x16A0];
	_ =	sdelay $0x4  }
0x38: {  	[tilespmem:$0x1FA80] =	vst v61;
	v61 =	vld [tilespmem:$0x16B0];
	_ =	sdelay $0x4  }
0x39: {  	[tilespmem:$0x1FAA0] =	vst v61;
	v61 =	vld [tilespmem:$0x16C0];
	_ =	sdelay $0x4  }
0x3a: {  	[tilespmem:$0x1FAB0] =	vst v61;
	v61 =	vld [tilespmem:$0x16D0];
	_ =	sdelay $0x4  }
0x3b: {  	[tilespmem:$0x1FAD0] =	vst v61;
	v61 =	vld [tilespmem:$0x16E0];
	_ =	sdelay $0x4  }
0x3c: {  	[tilespmem:$0x1FAE0] =	vst v61;
	v61 =	vld [tilespmem:$0x16F0];
	_ =	sdelay $0x4  }
0x3d: {  	[tilespmem:$0x1FB00] =	vst v61;
	v61 =	vld [tilespmem:$0x1700];
	_ =	sdelay $0x4  }
0x3e: {  	[tilespmem:$0x1FB10] =	vst v61;
	v61 =	vld [tilespmem:$0x1710];
	_ =	sdelay $0x4  }
0x3f: {  	[tilespmem:$0x1FB30] =	vst v61;
	v61 =	vld [tilespmem:$0x1720];
	_ =	sdelay $0x4  }
0x40: {  	[tilespmem:$0x1FB40] =	vst v61;
	v61 =	vld [tilespmem:$0x1730];
	_ =	sdelay $0x4  }
0x41: {  	[tilespmem:$0x1FB60] =	vst v61;
	v61 =	vld [tilespmem:$0x1740];
	_ =	sdelay $0x4  }
0x42: {  	[tilespmem:$0x1FB70] =	vst v61;
	v61 =	vld [tilespmem:$0x1750];
	_ =	sdelay $0x1  }
0x43: {  	v27 =	vld [tilespmem:$0x11A0]  }
0x44: {  	v30 =	vld [tilespmem:$0x11B0]  }
0x45: {  	v31 =	vld [tilespmem:$0x11C0]  }
0x46: {  	[tilespmem:$0x1FB90] =	vst v61;
	v61 =	vld [tilespmem:$0x1760]  }
0x47: {  	v34 =	vld [tilespmem:$0x11D0]  }
0x48: {  	v35 =	vld [tilespmem:$0x11E0]  }
0x49: {  	v38 =	vld [tilespmem:$0x11F0]  }
0x4a: {  	v3 =	vld [tilespmem:$0x1200]  }
0x4b: {  	[tilespmem:$0x1FBA0] =	vst v61;
	v61 =	vld [tilespmem:$0x1770]  }
0x4c: {  	v7 =	vld [tilespmem:$0x1210]  }
0x4d: {  	v1 =	vld [tilespmem:$0x1230]  }
0x4e: {  	v2 =	vld [tilespmem:$0x1240]  }
0x4f: {  	v8 =	vld [tilespmem:$0x1250]  }
0x50: {  	[tilespmem:$0x1FBB0] =	vst v61;
	v61 =	vld [tilespmem:$0x1780]  }
0x51: {  	v9 =	vld [tilespmem:$0x1260]  }
0x52: {  	v18 =	vld [tilespmem:$0x1270]  }
0x53: {  	v15 =	vld [tilespmem:$0x1280]  }
0x54: {  	v22 =	vld [tilespmem:$0x1290]  }
0x55: {  	[tilespmem:$0x1FC00] =	vst v61;
	v61 =	vld [tilespmem:$0x1790]  }
0x56: {  	v23 =	vld [tilespmem:$0x12A0]  }
0x57: {  	v43 =	vld [tilespmem:$0x12F0]  }
0x58: {  	v44 =	vld [tilespmem:$0x1300]  }
0x59: {  	v48 =	vld [tilespmem:$0x1310]  }
0x5a: {  	[tilespmem:$0x1FC30] =	vst v61;
	v61 =	vld [tilespmem:$0x17A0]  }
0x5b: {  	v49 =	vld [tilespmem:$0x1320]  }
0x5c: {  	v55 =	vld [tilespmem:$0x1330]  }
0x5d: {  	v56 =	vld [tilespmem:$0x1340]  }
0x5e: {  	v39 =	vld [tilespmem:$0x1360]  }
0x5f: {  	[tilespmem:$0x1FC60] =	vst v61;
	v61 =	vld [tilespmem:$0x17B0]  }
0x60: {  	v40 =	vld [tilespmem:$0x1370]  }
0x61: {  	v41 =	vld [tilespmem:$0x1380]  }
0x62: {  	v42 =	vld [tilespmem:$0x1390]  }
0x63: {  	v46 =	vld [tilespmem:$0x13A0]  }
0x64: {  	[tilespmem:$0x1FC90] =	vst v61;
	v61 =	vld [tilespmem:$0x17C0]  }
0x65: {  	v47 =	vld [tilespmem:$0x13B0]  }
0x66: {  	v50 =	vld [tilespmem:$0x13C0]  }
0x67: {  	v52 =	vld [tilespmem:$0x13D0]  }
0x68: {  	v53 =	vld [tilespmem:$0x13E0]  }
0x69: {  	[tilespmem:$0x1FCC0] =	vst v61;
	v61 =	vld [tilespmem:$0x17D0]  }
0x6a: {  	v54 =	vld [tilespmem:$0x13F0]  }
0x6b: {  	v60 =	vld [tilespmem:$0x14A0]  }
0x6c: {  	v59 =	vld [tilespmem:$0x14B0]  }
0x6d: {  	v57 =	vld [tilespmem:$0x14D0]  }
0x6e: {  	[tilespmem:$0x1FCF0] =	vst v61;
	v61 =	vld [tilespmem:$0x17E0]  }
0x6f: {  	v58 =	vld [tilespmem:$0x14E0]  }
0x70: {  	v62 =	vld [tilespmem:$0x1500]  }
0x71: {  	[tilespmem:$0x1F830] =	vst v0;
	v0 =	vld [tilespmem:$0x1220]  }
0x72: {  	[tilespmem:$0x1F850] =	vst v30;
	v30 =	vld [tilespmem:$0x12B0]  }
0x73: {  	[tilespmem:$0x1FD20] =	vst v61;
	v61 =	vld [tilespmem:$0x17F0]  }
0x74: {  	[tilespmem:$0x1F840] =	vst v27;
	v27 =	vld [tilespmem:$0x12C0]  }
0x75: {  	[tilespmem:$0x1F890] =	vst v38;
	v38 =	vld [tilespmem:$0x12D0]  }
0x76: {  	[tilespmem:$0x1F880] =	vst v35;
	v35 =	vld [tilespmem:$0x12E0]  }
0x77: {  	[tilespmem:$0x1F860] =	vst v31;
	v31 =	vld [tilespmem:$0x1350]  }
0x78: {  	[tilespmem:$0x1FD50] =	vst v61;
	v61 =	vld [tilespmem:$0x1800]  }
0x79: {  	[tilespmem:$0x1F8C0] =	vst v40;
	v40 =	vld [tilespmem:$0x1400]  }
0x7a: {  	[tilespmem:$0x1F8D0] =	vst v41;
	v41 =	vld [tilespmem:$0x1410]  }
0x7b: {  	[tilespmem:$0x1F870] =	vst v34;
	v34 =	vld [tilespmem:$0x1420]  }
0x7c: {  	[tilespmem:$0x1F8E0] =	vst v42;
	v42 =	vld [tilespmem:$0x1440]  }
0x7d: {  	[tilespmem:$0x1FBC0] =	vst v61;
	v61 =	vld [tilespmem:$0x1810]  }
0x7e: {  	[tilespmem:$0x1F8B0] =	vst v39;
	v39 =	vld [tilespmem:$0x1450]  }
0x7f: {  	[tilespmem:$0x1F8F0] =	vst v46;
	v46 =	vld [tilespmem:$0x1460]  }
0x80: {  	[tilespmem:$0x1F900] =	vst v47;
	v47 =	vld [tilespmem:$0x1470]  }
0x81: {  	[tilespmem:$0x1F940] =	vst v52;
	v52 =	vld [tilespmem:$0x1480]  }
0x82: {  	[tilespmem:$0x1FBE0] =	vst v61;
	v61 =	vld [tilespmem:$0x1820]  }
0x83: {  	[tilespmem:$0x1F970] =	vst v53;
	v53 =	vld [tilespmem:$0x1490]  }
0x84: {  	[tilespmem:$0x1F910] =	vst v50;
	v50 =	vld [tilespmem:$0x14C0]  }
0x85: {  	[tilespmem:$0x1F9A0] =	vst v54;
	v54 =	vld [tilespmem:$0x1510]  }
0x86: {  	[tilespmem:$0x1F930] =	vst v57;
	v57 =	vld [tilespmem:$0x1520]  }
0x87: {  	[tilespmem:$0x1FBD0] =	vst v61;
	v61 =	vld [tilespmem:$0x1830]  }
0x88: {  	[tilespmem:$0x1F950] =	vst v58;
	v58 =	vld [tilespmem:$0x1530]  }
0x89: {  	[tilespmem:$0x1F980] =	vst v62;
	v62 =	vld [tilespmem:$0x1550]  }
0x8a: {  	v5 =	vmax.f32 v13, v5;
	v13 =	vld [tilespmem:$0x1B20]  }
0x8b: {  	v1 =	vmax.f32 v7, v1;
	v7 =	vld [tilespmem:$0x1C10]  }
0x8c: {  	[tilespmem:$0x1FBF0] =	vst v61;
	v61 =	vld [tilespmem:$0x1840]  }
0x8d: {  	v4 =	vmax.f32 v12, v4;
	v1 =	vmax.f32 v1, v8;
	v8 =	vld [tilespmem:$0x1C20]  }
0x8e: {  	v4 =	vmax.f32 v4, v10;
	v10 =	vld [tilespmem:$0x1C40]  }
0x8f: {  	v5 =	vmax.f32 v5, v6;
	v4 =	vmax.f32 v4, v14;
	v14 =	vld [tilespmem:$0x1B30]  }
0x90: {  	v5 =	vmax.f32 v5, v11;
	v11 =	vld [tilespmem:$0x1C50]  }
0x91: {  	[tilespmem:$0x1FC10] =	vst v61;
	v61 =	vld [tilespmem:$0x1850]  }
0x92: {  	v4 =	vmax.f32 v4, v16;
	v16 =	vld [tilespmem:$0x1B40]  }
0x93: {  	v5 =	vmax.f32 v5, v17;
	v17 =	vld [tilespmem:$0x1B50]  }
0x94: {  	v5 =	vmax.f32 v5, v19;
	v19 =	vld [tilespmem:$0x1B60]  }
0x95: {  	v4 =	vmax.f32 v4, v20;
	v20 =	vld [tilespmem:$0x1B70]  }
0x96: {  	[tilespmem:$0x1FC20] =	vst v61;
	v61 =	vld [tilespmem:$0x1860]  }
0x97: {  	[tilespmem:$0x1F8A0] =	vst v31;
	v31 =	vld [tilespmem:$0x1430]  }
0x98: {  	[tilespmem:$0x1F990] =	vst v54;
	v54 =	vld [tilespmem:$0x1560]  }
0x99: {  	[tilespmem:$0x1F9B0] =	vst v57;
	v57 =	vld [tilespmem:$0x1570]  }
0x9a: {  	[tilespmem:$0x1F9C0] =	vst v58;
	v58 =	vld [tilespmem:$0x1580]  }
0x9b: {  	[tilespmem:$0x1FC40] =	vst v61;
	v61 =	vld [tilespmem:$0x1870]  }
0x9c: {  	[tilespmem:$0x1F9E0] =	vst v62;
	v62 =	vld [tilespmem:$0x15A0]  }
0x9d: {  	[tilespmem:$0x1F920] =	vst v50;
	v50 =	vld [tilespmem:$0x1620]  }
0x9e: {  	v5 =	vmax.f32 v5, v21;
	v21 =	vld [tilespmem:$0x1B80]  }
0x9f: {  	v4 =	vmax.f32 v4, v24;
	v24 =	vld [tilespmem:$0x1B90]  }
0xa0: {  	v1 =	vmax.f32 v1, v18;
	[tilespmem:$0x1FC50] =	vst v61;
	v61 =	vld [tilespmem:$0x1880]  }
0xa1: {  	v1 =	vmax.f32 v1, v22;
	[tilespmem:$0x1FF30] =	vst v13;
	v13 =	vld [tilespmem:$0x1F890]  }
0xa2: {  	v1 =	vmax.f32 v1, v30;
	v30 =	vld [tilespmem:$0x1F940]  }
0xa3: {  	v0 =	vmax.f32 v3, v0;
	v5 =	vmax.f32 v5, v25;
	v25 =	vld [tilespmem:$0x1BA0]  }
0xa4: {  	v0 =	vmax.f32 v0, v2;
	v2 =	vld [tilespmem:$0x1BE0]  }
0xa5: {  	[tilespmem:$0x1FC70] =	vst v61;
	v61 =	vld [tilespmem:$0x1890]  }
0xa6: {  	v4 =	vmax.f32 v4, v26;
	v1 =	vmax.f32 v1, v38;
	v38 =	vld [tilespmem:$0x1F860]  }
0xa7: {  	v4 =	vmax.f32 v4, v28;
	v28 =	vld [tilespmem:$0x1BB0]  }
0xa8: {  	v0 =	vmax.f32 v0, v9;
	v9 =	vld [tilespmem:$0x1C30]  }
0xa9: {  	[tilespmem:$0x1FF50] =	vst v14;
	v14 =	vld [tilespmem:$0x1F8A0]  }
0xaa: {  	[tilespmem:$0x1FC80] =	vst v61;
	v61 =	vld [tilespmem:$0x18A0]  }
0xab: {  	v5 =	vmax.f32 v5, v29;
	v4 =	vmax.f32 v4, v32;
	v32 =	vld [tilespmem:$0x1BC0]  }
0xac: {  	v5 =	vmax.f32 v5, v33;
	v33 =	vld [tilespmem:$0x1F830]  }
0xad: {  	v0 =	vmax.f32 v0, v15;
	v15 =	vld [tilespmem:$0x1F8B0]  }
0xae: {  	[tilespmem:$0x1FF60] =	vst v16;
	v16 =	vld [tilespmem:$0x1F8C0]  }
0xaf: {  	[tilespmem:$0x1FCA0] =	vst v61;
	v61 =	vld [tilespmem:$0x18B0]  }
0xb0: {  	[tilespmem:$0x1FF80] =	vst v17;
	v17 =	vmax.f32 v40, v34;
	v34 =	vld [tilespmem:$0x1F980]  }
0xb1: {  	v40 =	vld [tilespmem:$0x1F9E0]  }
0xb2: {  	v4 =	vmax.f32 v4, v36;
	v36 =	vld [tilespmem:$0x1F840]  }
0xb3: {  	v5 =	vmax.f32 v5, v37;
	v37 =	vld [tilespmem:$0x1F850]  }
0xb4: {  	[tilespmem:$0x1FCB0] =	vst v61;
	v61 =	vld [tilespmem:$0x18C0]  }
0xb5: {  	[tilespmem:$0x1FF90] =	vst v19;
	v19 =	vld [tilespmem:$0x1F8D0]  }
0xb6: {  	v0 =	vmax.f32 v0, v23;
	v23 =	vld [tilespmem:$0x1F8F0]  }
0xb7: {  	[tilespmem:$0x1F9F0] =	vst v54;
	v54 =	vld [tilespmem:$0x15B0]  }
0xb8: {  	[tilespmem:$0x1FA00] =	vst v57;
	v57 =	vld [tilespmem:$0x15C0]  }
0xb9: {  	[tilespmem:$0x1FCD0] =	vst v61;
	v61 =	vld [tilespmem:$0x18D0]  }
0xba: {  	[tilespmem:$0x1FA30] =	vst v58;
	v58 =	vld [tilespmem:$0x15D0]  }
0xbb: {  	[tilespmem:$0x1FA90] =	vst v62;
	v62 =	vld [tilespmem:$0x15F0]  }
0xbc: {  	v26 =	vmax.f32 v4, v45;
	v4 =	vld [tilespmem:$0x1BF0]  }
0xbd: {  	v45 =	vld [tilespmem:$0x1F870]  }
0xbe: {  	[tilespmem:$0x1FCE0] =	vst v61;
	v61 =	vld [tilespmem:$0x18E0]  }
0xbf: {  	v29 =	vmax.f32 v5, v51;
	v51 =	vld [tilespmem:$0x1F880]  }
0xc0: {  	[tilespmem:$0x1FFB0] =	vst v21;
	v21 =	vld [tilespmem:$0x1F8E0]  }
0xc1: {  	v0 =	vmax.f32 v0, v27;
	v27 =	vld [tilespmem:$0x1F910]  }
0xc2: {  	v18 =	vmax.f32 v41, v31;
	v31 =	vld [tilespmem:$0x1F950]  }
0xc3: {  	[tilespmem:$0x1FD00] =	vst v61;
	v61 =	vld [tilespmem:$0x18F0]  }
0xc4: {  	v3 =	vmax.f32 v26, v63;
	v63 =	vld [tilespmem:$0x1BD0]  }
0xc5: {  	[tilespmem:$0x1FFD0] =	vst v25;
	v25 =	vld [tilespmem:$0x1F900]  }
0xc6: {  	v0 =	vmax.f32 v0, v35;
	v35 =	vld [tilespmem:$0x1F990]  }
0xc7: {  	[tilespmem:$0x1FFA0] =	vst v20;
	v20 =	vmax.f32 v17, v42;
	v42 =	vld [tilespmem:$0x1F9F0]  }
0xc8: {  	[tilespmem:$0x1FD10] =	vst v61;
	v61 =	vld [tilespmem:$0x1900]  }
0xc9: {  	[tilespmem:$0x1FFE0] =	vst v28;
	v28 =	vld [tilespmem:$0x1F920]  }
0xca: {  	v0 =	vmax.f32 v0, v44;
	v44 =	vld [tilespmem:$0x1FA00]  }
0xcb: {  	v7 =	vmax.f32 v7, v9;
	v9 =	vld [tilespmem:$0x1EE0]  }
0xcc: {  	v5 =	vmax.f32 v29, v33;
	v29 =	vld [tilespmem:$0x1F930]  }
0xcd: {  	[tilespmem:$0x1FD30] =	vst v61;
	v61 =	vld [tilespmem:$0x1910]  }
0xce: {  	[tilespmem:$0x1FFF0] =	vst v32;
	v32 =	vld [tilespmem:$0x1F960]  }
0xcf: {  	v33 =	vld [tilespmem:$0x1F970]  }
0xd0: {  	v7 =	vmax.f32 v7, v11;
	v11 =	vld [tilespmem:$0x1EF0]  }
0xd1: {  	v6 =	vmax.f32 v5, v37;
	v5 =	vld [tilespmem:$0x1C00]  }
0xd2: {  	[tilespmem:$0x1FD40] =	vst v61;
	v61 =	vld [tilespmem:$0x1920]  }
0xd3: {  	v3 =	vmax.f32 v3, v36;
	v36 =	vld [tilespmem:$0x1F9A0]  }
0xd4: {  	v37 =	vld [tilespmem:$0x1F9B0]  }
0xd5: {  	[tilespmem:$0x1FAF0] =	vst v57;
	v57 =	vld [tilespmem:$0x1600]  }
0xd6: {  	[tilespmem:$0x1FB80] =	vst v62;
	v62 =	vld [tilespmem:$0x1610]  }
0xd7: {  	[tilespmem:$0x1FD60] =	vst v61;
	v61 =	vld [tilespmem:$0x1930]  }
0xd8: {  	[tilespmem:$0x1FB20] =	vst v58;
	v58 =	vld [tilespmem:$0x1630]  }
0xd9: {  	v0 =	vmax.f32 v0, v49;
	[tilespmem:$0x1FAC0] =	vst v54;
	v54 =	vld [tilespmem:$0x1640]  }
0xda: {  	v12 =	vmax.f32 v0, v56;
	v3 =	vmax.f32 v3, v38;
	v6 =	vmax.f32 v6, v45;
	v38 =	vld [tilespmem:$0x1F9C0]  }
0xdb: {  	v0 =	vmax.f32 v6, v13;
	v6 =	vmax.f32 v12, v15;
	v12 =	vld [tilespmem:$0x1C60]  }
0xdc: {  	v1 =	vmax.f32 v1, v43;
	[tilespmem:$0x1FD70] =	vst v61;
	v61 =	vld [tilespmem:$0x1940]  }
0xdd: {  	v48 =	vmax.f32 v1, v48;
	v13 =	vmax.f32 v18, v39;
	v39 =	vld [tilespmem:$0x1F9D0]  }
0xde: {  	v55 =	vmax.f32 v48, v55;
	v1 =	vmax.f32 v3, v51;
	v56 =	vld [tilespmem:$0x1FAC0]  }
0xdf: {  	v3 =	vmax.f32 v55, v14;
	v14 =	vmax.f32 v20, v46;
	v22 =	vmax.f32 v13, v47;
	v13 =	vld [tilespmem:$0x1C70]  }
0xe0: {  	[tilespmem:$0x1FFC0] =	vst v24;
	v24 =	vmax.f32 v14, v52;
	v14 =	vld [tilespmem:$0x1C80]  }
0xe1: {  	[tilespmem:$0x1FD80] =	vst v61;
	v61 =	vld [tilespmem:$0x1950]  }
0xe2: {  	v47 =	vld [tilespmem:$0x1FA30]  }
0xe3: {  	v15 =	vmax.f32 v22, v53;
	v22 =	vld [tilespmem:$0x1CE0]  }
0xe4: {  	v53 =	vld [tilespmem:$0x1FA90]  }
0xe5: {  	v26 =	vmax.f32 v15, v59;
	v15 =	vld [tilespmem:$0x1C90]  }
0xe6: {  	v3 =	vmax.f32 v3, v16;
	v16 =	vmax.f32 v24, v60;
	[tilespmem:$0x1FD90] =	vst v61;
	v61 =	vld [tilespmem:$0x1960]  }
0xe7: {  	v3 =	vmax.f32 v3, v21;
	v18 =	vmax.f32 v16, v28;
	v16 =	vld [tilespmem:$0x1CA0]  }
0xe8: {  	v3 =	vmax.f32 v3, v25;
	v25 =	vld [tilespmem:$0x1CF0]  }
0xe9: {  	v59 =	vld [tilespmem:$0x1FAF0]  }
0xea: {  	v28 =	vld [tilespmem:$0x1FB20]  }
0xeb: {  	[tilespmem:$0x1FDC0] =	vst v61;
	v61 =	vld [tilespmem:$0x1970]  }
0xec: {  	v5 =	vmax.f32 v5, v8;
	v8 =	vld [tilespmem:$0x1ED0]  }
0xed: {  	v18 =	vmax.f32 v18, v31;
	v31 =	vld [tilespmem:$0x1D00]  }
0xee: {  	v41 =	vmax.f32 v57, v50;
	v50 =	vld [tilespmem:$0x1FA60]  }
0xef: {  	v17 =	vmax.f32 v26, v29;
	v26 =	vld [tilespmem:$0x1DB0]  }
0xf0: {  	[tilespmem:$0x1FE00] =	vst v61;
	v61 =	vld [tilespmem:$0x1980]  }
0xf1: {  	v6 =	vmax.f32 v6, v19;
	v19 =	vmax.f32 v17, v32;
	v17 =	vld [tilespmem:$0x1CB0]  }
0xf2: {  	v20 =	vmax.f32 v18, v34;
	v18 =	vld [tilespmem:$0x1CC0]  }
0xf3: {  	v45 =	vld [tilespmem:$0x1FA10]  }
0xf4: {  	v34 =	vld [tilespmem:$0x1D10]  }
0xf5: {  	v3 =	vmax.f32 v3, v30;
	[tilespmem:$0x1FE30] =	vst v61;
	v61 =	vld [tilespmem:$0x1990]  }
0xf6: {  	v3 =	vmax.f32 v3, v36;
	v36 =	vld [tilespmem:$0x1D50]  }
0xf7: {  	v32 =	vld [tilespmem:$0x1FB50]  }
0xf8: {  	v6 =	vmax.f32 v6, v23;
	v23 =	vmax.f32 v41, v54;
	v41 =	vld [tilespmem:$0x1FB80]  }
0xf9: {  	v20 =	vmax.f32 v20, v37;
	v37 =	vld [tilespmem:$0x1D40]  }
0xfa: {  	[tilespmem:$0x1FE60] =	vst v61;
	v61 =	vld [tilespmem:$0x19A0]  }
0xfb: {  	v19 =	vmax.f32 v19, v35;
	v35 =	vld [tilespmem:$0x1D60]  }
0xfc: {  	v5 =	vmax.f32 v5, v10;
	v21 =	vmax.f32 v19, v38;
	v19 =	vld [tilespmem:$0x1CD0]  }
0xfd: {  	v5 =	vmax.f32 v5, v12;
	v38 =	vld [tilespmem:$0x1D20]  }
0xfe: {  	v5 =	vmax.f32 v5, v14;
	v20 =	vmax.f32 v20, v39;
	v39 =	vld [tilespmem:$0x1D30];
	v21 =	vmax.f32 v21, v40  }
0xff: {  	v5 =	vmax.f32 v5, v16;
	v21 =	vmax.f32 v21, v44;
	[tilespmem:$0x1FE90] =	vst v61;
	v61 =	vld [tilespmem:$0x19B0]  }
0x100: {  	v7 =	vmax.f32 v7, v13;
	v46 =	vld [tilespmem:$0x1FA20];
	v21 =	vmax.f32 v21, v50;
	v5 =	vmax.f32 v5, v18  }
0x101: {  	v7 =	vmax.f32 v7, v15;
	v21 =	vmax.f32 v21, v56;
	v5 =	vmax.f32 v5, v22;
	v22 =	vld [tilespmem:$0x1F40]  }
0x102: {  	v7 =	vmax.f32 v7, v17;
	v21 =	vmax.f32 v21, v28;
	v28 =	vld [tilespmem:$0x1DA0]  }
0x103: {  	v7 =	vmax.f32 v7, v19;
	v5 =	vmax.f32 v5, v31;
	v31 =	vld [tilespmem:$0x1F50]  }
0x104: {  	v7 =	vmax.f32 v7, v25;
	[tilespmem:$0x1FEC0] =	vst v61;
	v61 =	vld [tilespmem:$0x19C0]  }
0x105: {  	v7 =	vmax.f32 v7, v34;
	v48 =	vld [tilespmem:$0x1FA40]  }
0x106: {  	v34 =	vmax.f32 v7, v39;
	v39 =	vld [tilespmem:$0x1F60]  }
0x107: {  	v49 =	vld [tilespmem:$0x1FA50]  }
0x108: {  	v51 =	vld [tilespmem:$0x1FA70]  }
0x109: {  	[tilespmem:$0x1FEF0] =	vst v61;
	v61 =	vld [tilespmem:$0x19D0]  }
0x10a: {  	v52 =	vld [tilespmem:$0x1FA80]  }
0x10b: {  	v54 =	vld [tilespmem:$0x1FAA0]  }
0x10c: {  	v55 =	vld [tilespmem:$0x1FAB0]  }
0x10d: {  	v57 =	vld [tilespmem:$0x1FAD0]  }
0x10e: {  	v43 =	vmax.f32 v62, v58;
	[tilespmem:$0x1FF20] =	vst v61;
	v61 =	vld [tilespmem:$0x19E0]  }
0x10f: {  	v24 =	vmax.f32 v43, v45;
	v60 =	vld [tilespmem:$0x1FB00]  }
0x110: {  	v24 =	vmax.f32 v24, v48;
	v29 =	vld [tilespmem:$0x1FB30]  }
0x111: {  	v20 =	vmax.f32 v20, v42;
	v24 =	vmax.f32 v24, v51;
	v58 =	vld [tilespmem:$0x1FAE0]  }
0x112: {  	v20 =	vmax.f32 v20, v47;
	v24 =	vmax.f32 v24, v54;
	v62 =	vld [tilespmem:$0x1FB10]  }
0x113: {  	v20 =	vmax.f32 v20, v53;
	v24 =	vmax.f32 v24, v57;
	[tilespmem:$0x1FF40] =	vst v61;
	v61 =	vld [tilespmem:$0x19F0]  }
0x114: {  	v20 =	vmax.f32 v20, v59;
	v24 =	vmax.f32 v24, v60;
	v30 =	vld [tilespmem:$0x1FB40]  }
0x115: {  	v6 =	vmax.f32 v6, v27;
	v24 =	vmax.f32 v24, v29;
	v29 =	vmax.f32 v20, v32;
	v32 =	vld [tilespmem:$0x1D80]  }
0x116: {  	v6 =	vmax.f32 v6, v33;
	v33 =	vld [tilespmem:$0x1FB60]  }
0x117: {  	v40 =	vld [tilespmem:$0x1FB70]  }
0x118: {  	[tilespmem:$0x1FF70] =	vst v61;
	v61 =	vld [tilespmem:$0x1A00]  }
0x119: {  	v42 =	vld [tilespmem:$0x1FB90]  }
0x11a: {  	v43 =	vld [tilespmem:$0x1FBA0]  }
0x11b: {  	v23 =	vmax.f32 v23, v46;
	v44 =	vld [tilespmem:$0x1FBB0]  }
0x11c: {  	v23 =	vmax.f32 v23, v49;
	v49 =	vld [tilespmem:$0x1FC00]  }
0x11d: {  	v23 =	vmax.f32 v23, v52;
	[tilespmem:$0x1FDA0] =	vst v61;
	v61 =	vld [tilespmem:$0x1A10]  }
0x11e: {  	v23 =	vmax.f32 v23, v55;
	v52 =	vld [tilespmem:$0x1FC30]  }
0x11f: {  	v23 =	vmax.f32 v23, v58;
	v55 =	vld [tilespmem:$0x1FC60]  }
0x120: {  	v23 =	vmax.f32 v23, v62;
	v58 =	vld [tilespmem:$0x1FC90]  }
0x121: {  	v23 =	vmax.f32 v23, v30;
	v20 =	vmax.f32 v24, v33;
	v62 =	vld [tilespmem:$0x1FCC0]  }
0x122: {  	v23 =	vmax.f32 v23, v40;
	v20 =	vmax.f32 v20, v42;
	[tilespmem:$0x1FDD0] =	vst v61;
	v61 =	vld [tilespmem:$0x1A20]  }
0x123: {  	v27 =	vmax.f32 v21, v41;
	v30 =	vld [tilespmem:$0x1D90];
	v21 =	vmax.f32 v23, v43;
	v20 =	vmax.f32 v20, v44  }
0x124: {  	v33 =	vld [tilespmem:$0x1D70];
	v21 =	vmax.f32 v21, v49;
	v20 =	vmax.f32 v20, v52  }
0x125: {  	v21 =	vmax.f32 v21, v55;
	v41 =	vmax.f32 v20, v58;
	v20 =	vld [tilespmem:$0x1DD0]  }
0x126: {  	v42 =	vmax.f32 v21, v62;
	v21 =	vld [tilespmem:$0x1DE0]  }
0x127: {  	[tilespmem:$0x1FDB0] =	vst v61;
	v61 =	vld [tilespmem:$0x1A30]  }
0x128: {  	v49 =	vld [tilespmem:$0x1FD20]  }
0x129: {  	v52 =	vld [tilespmem:$0x1FD50]  }
0x12a: {  	v45 =	vld [tilespmem:$0x1FBC0]  }
0x12b: {  	v46 =	vld [tilespmem:$0x1FBD0]  }
0x12c: {  	[tilespmem:$0x1FDE0] =	vst v61;
	v61 =	vld [tilespmem:$0x1A40]  }
0x12d: {  	v42 =	vmax.f32 v42, v49;
	v49 =	vld [tilespmem:$0x1E30]  }
0x12e: {  	v47 =	vld [tilespmem:$0x1FBE0]  }
0x12f: {  	v48 =	vld [tilespmem:$0x1FBF0]  }
0x130: {  	v23 =	vmax.f32 v45, v46;
	v46 =	vld [tilespmem:$0x1FCF0]  }
0x131: {  	[tilespmem:$0x1FDF0] =	vst v61;
	v61 =	vld [tilespmem:$0x1A50]  }
0x132: {  	v50 =	vld [tilespmem:$0x1FC10]  }
0x133: {  	v51 =	vld [tilespmem:$0x1FC20]  }
0x134: {  	v53 =	vld [tilespmem:$0x1FC40]  }
0x135: {  	v54 =	vld [tilespmem:$0x1FC50]  }
0x136: {  	[tilespmem:$0x1FE10] =	vst v61;
	v61 =	vld [tilespmem:$0x1A60]  }
0x137: {  	v56 =	vld [tilespmem:$0x1FC70]  }
0x138: {  	v57 =	vld [tilespmem:$0x1FC80]  }
0x139: {  	v59 =	vld [tilespmem:$0x1FCA0]  }
0x13a: {  	v60 =	vld [tilespmem:$0x1FCB0]  }
0x13b: {  	[tilespmem:$0x1FE20] =	vst v61;
	v61 =	vld [tilespmem:$0x1A70]  }
0x13c: {  	v23 =	vmax.f32 v23, v50;
	v44 =	vld [tilespmem:$0x1FCD0]  }
0x13d: {  	v24 =	vmax.f32 v47, v48;
	v23 =	vmax.f32 v23, v53;
	v45 =	vld [tilespmem:$0x1FCE0]  }
0x13e: {  	v24 =	vmax.f32 v24, v51;
	v40 =	vmax.f32 v23, v56;
	v23 =	vld [tilespmem:$0x1DC0]  }
0x13f: {  	v24 =	vmax.f32 v24, v54;
	v47 =	vld [tilespmem:$0x1FD00]  }
0x140: {  	v24 =	vmax.f32 v24, v57;
	v40 =	vmax.f32 v40, v59;
	[tilespmem:$0x1FE40] =	vst v61;
	v61 =	vld [tilespmem:$0x1A80]  }
0x141: {  	v24 =	vmax.f32 v24, v60;
	v40 =	vmax.f32 v40, v44;
	v44 =	vld [tilespmem:$0x1E00]  }
0x142: {  	v24 =	vmax.f32 v24, v45;
	v45 =	vld [tilespmem:$0x1E10]  }
0x143: {  	v48 =	vld [tilespmem:$0x1FD10]  }
0x144: {  	v40 =	vmax.f32 v40, v47;
	v47 =	vld [tilespmem:$0x1E20]  }
0x145: {  	[tilespmem:$0x1FE50] =	vst v61;
	v61 =	vld [tilespmem:$0x1A90]  }
0x146: {  	v50 =	vld [tilespmem:$0x1FD30]  }
0x147: {  	v51 =	vld [tilespmem:$0x1FD40]  }
0x148: {  	v53 =	vld [tilespmem:$0x1FD60]  }
0x149: {  	v54 =	vld [tilespmem:$0x1FD70]  }
0x14a: {  	[tilespmem:$0x1FE70] =	vst v61;
	v61 =	vld [tilespmem:$0x1AA0]  }
0x14b: {  	v55 =	vld [tilespmem:$0x1FD80]  }
0x14c: {  	v56 =	vld [tilespmem:$0x1FD90]  }
0x14d: {  	v59 =	vld [tilespmem:$0x1FDC0]  }
0x14e: {  	v5 =	vmax.f32 v5, v38;
	v38 =	vmax.f32 v45, v49;
	v49 =	vld [tilespmem:$0x1F80];
	v43 =	vmax.f32 v24, v48  }
0x14f: {  	v40 =	vmax.f32 v40, v50;
	v43 =	vmax.f32 v43, v51;
	[tilespmem:$0x1FE80] =	vst v61;
	v61 =	vld [tilespmem:$0x1AB0]  }
0x150: {  	v40 =	vmax.f32 v40, v53;
	v43 =	vmax.f32 v43, v54;
	v53 =	vld [tilespmem:$0x1FE00]  }
0x151: {  	v40 =	vmax.f32 v40, v55;
	v43 =	vmax.f32 v43, v56;
	v56 =	vld [tilespmem:$0x1FE30]  }
0x152: {  	v40 =	vmax.f32 v40, v59;
	v59 =	vld [tilespmem:$0x1FE60]  }
0x153: {  	v24 =	vld [tilespmem:$0x1DF0]  }
0x154: {  	[tilespmem:$0x1FEA0] =	vst v61;
	v61 =	vld [tilespmem:$0x1AC0]  }
0x155: {  	v25 =	vmax.f32 v44, v47;
	v47 =	vld [tilespmem:$0x1F70]  }
0x156: {  	v43 =	vmax.f32 v43, v53;
	v40 =	vmax.f32 v40, v56;
	v56 =	vld [tilespmem:$0x1FE90]  }
0x157: {  	v43 =	vmax.f32 v43, v59;
	v59 =	vld [tilespmem:$0x1FEC0]  }
0x158: {  	v57 =	vld [tilespmem:$0x1FDA0]  }
0x159: {  	[tilespmem:$0x1FEB0] =	vst v61;
	v61 =	vld [tilespmem:$0x1AD0]  }
0x15a: {  	v60 =	vld [tilespmem:$0x1FDD0]  }
0x15b: {  	v58 =	vld [tilespmem:$0x1FDB0]  }
0x15c: {  	v41 =	vmax.f32 v41, v46;
	v62 =	vld [tilespmem:$0x1FDE0]  }
0x15d: {  	v41 =	vmax.f32 v41, v52;
	v52 =	vld [tilespmem:$0x1FDF0]  }
0x15e: {  	[tilespmem:$0x1FED0] =	vst v61;
	v61 =	vld [tilespmem:$0x1AE0]  }
0x15f: {  	v54 =	vld [tilespmem:$0x1FE10]  }
0x160: {  	v55 =	vld [tilespmem:$0x1FE20]  }
0x161: {  	v46 =	vmax.f32 v57, v58;
	v57 =	vld [tilespmem:$0x1FE40]  }
0x162: {  	v58 =	vld [tilespmem:$0x1FE50]  }
0x163: {  	[tilespmem:$0x1FEE0] =	vst v61;
	v61 =	vld [tilespmem:$0x1AF0]  }
0x164: {  	v48 =	vmax.f32 v60, v62;
	v60 =	vld [tilespmem:$0x1FE70]  }
0x165: {  	v46 =	vmax.f32 v46, v52;
	v48 =	vmax.f32 v48, v54;
	v62 =	vld [tilespmem:$0x1FE80]  }
0x166: {  	v46 =	vmax.f32 v46, v55;
	v48 =	vmax.f32 v48, v57;
	v57 =	vld [tilespmem:$0x1FEA0]  }
0x167: {  	v46 =	vmax.f32 v46, v58;
	v58 =	vld [tilespmem:$0x1FEB0]  }
0x168: {  	[tilespmem:$0x1FF00] =	vst v61;
	v61 =	vld [tilespmem:$0x1B00]  }
0x169: {  	v48 =	vmax.f32 v48, v60;
	v60 =	vld [tilespmem:$0x1FED0]  }
0x16a: {  	v46 =	vmax.f32 v46, v62;
	v62 =	vld [tilespmem:$0x1FEE0]  }
0x16b: {  	v48 =	vmax.f32 v48, v57;
	v57 =	vld [tilespmem:$0x1FEF0]  }
0x16c: {  	v46 =	vmax.f32 v46, v58;
	v58 =	vld [tilespmem:$0x1FF00]  }
0x16d: {  	[tilespmem:$0x1FF10] =	vst v61;
	v61 =	vld [tilespmem:$0x1B10]  }
0x16e: {  	v48 =	vmax.f32 v48, v60;
	v60 =	vld [tilespmem:$0x1FF20]  }
0x16f: {  	v46 =	vmax.f32 v46, v62;
	v62 =	vld [tilespmem:$0x1FF40]  }
0x170: {  	v51 =	vld [tilespmem:$0x1E50]  }
0x171: {  	v43 =	vmax.f32 v43, v59;
	v48 =	vmax.f32 v48, v58;
	v59 =	vld [tilespmem:$0x1FF10]  }
0x172: {  	v40 =	vmax.f32 v40, v56;
	v48 =	vmax.f32 v48, v61;
	v61 =	vld [tilespmem:$0x1FF30]  }
0x173: {  	v40 =	vmax.f32 v40, v57;
	v43 =	vmax.f32 v43, v60;
	v60 =	vld [tilespmem:$0x1FF50]  }
0x174: {  	v40 =	vmax.f32 v40, v62;
	v62 =	vld [tilespmem:$0x1FF70]  }
0x175: {  	v53 =	vld [tilespmem:$0x1E70]  }
0x176: {  	v50 =	vld [tilespmem:$0x1E40];
	v46 =	vmax.f32 v46, v59  }
0x177: {  	v46 =	vmax.f32 v46, v61;
	v61 =	vld [tilespmem:$0x1FF60]  }
0x178: {  	v48 =	vmax.f32 v48, v60;
	v60 =	vld [tilespmem:$0x1FF80]  }
0x179: {  	v45 =	vmax.f32 v38, v51;
	v43 =	vmax.f32 v43, v62;
	v62 =	vld [tilespmem:$0x1FFA0]  }
0x17a: {  	v44 =	vmax.f32 v5, v37;
	v5 =	vmax.f32 v45, v53;
	v53 =	vld [tilespmem:$0x1FA0]  }
0x17b: {  	v56 =	vld [tilespmem:$0x1EA0]  }
0x17c: {  	v46 =	vmax.f32 v46, v61;
	v61 =	vld [tilespmem:$0x1FF90]  }
0x17d: {  	v48 =	vmax.f32 v48, v60;
	v60 =	vld [tilespmem:$0x1FFB0]  }
0x17e: {  	v48 =	vmax.f32 v48, v62;
	v62 =	vld [tilespmem:$0x1FFD0]  }
0x17f: {  	v55 =	vld [tilespmem:$0x1E90]  }
0x180: {  	v52 =	vld [tilespmem:$0x1E60]  }
0x181: {  	v54 =	vld [tilespmem:$0x1E80];
	v46 =	vmax.f32 v46, v61  }
0x182: {  	v61 =	vld [tilespmem:$0x1FFC0];
	v46 =	vmax.f32 v46, v60  }
0x183: {  	v10 =	vmax.f32 v46, v62;
	v46 =	vld [tilespmem:$0x1FFE0]  }
0x184: {  	v16 =	vmax.f32 v25, v50;
	v50 =	vmax.f32 v5, v55;
	v55 =	vld [tilespmem:$0x1FC0]  }
0x185: {  	[tilespmem:$0x2000] =	vst v1;
	v1 =	vmax.f32 v34, v36;
	v57 =	vld [tilespmem:$0x1EB0]  }
0x186: {  	v1 =	vmax.f32 v1, v33;
	v58 =	vld [tilespmem:$0x1EC0]  }
0x187: {  	v1 =	vmax.f32 v1, v30;
	v59 =	vld [tilespmem:$0x1F00];
	v48 =	vmax.f32 v48, v61  }
0x188: {  	[tilespmem:$0x2010] =	vst v0;
	v1 =	vmax.f32 v1, v26;
	v62 =	vld [tilespmem:$0x1F20];
	v12 =	vmax.f32 v48, v46;
	v46 =	vmax.f32 v16, v52  }
0x189: {  	[tilespmem:$0x2020] =	vst v6;
	v1 =	vmax.f32 v1, v20;
	v61 =	vld [tilespmem:$0x1F10];
	v48 =	vmax.f32 v46, v54  }
0x18a: {  	[tilespmem:$0x2030] =	vst v3;
	v0 =	vmax.f32 v44, v35;
	v12 =	vmax.f32 v12, v63;
	v63 =	vld [tilespmem:$0x1F30];
	v51 =	vmax.f32 v48, v56  }
0x18b: {  	[tilespmem:$0x2050] =	vst v27;
	v0 =	vmax.f32 v0, v32;
	v3 =	vmax.f32 v50, v57;
	v60 =	vld [tilespmem:$0x1FFF0];
	v5 =	vmax.f32 v51, v58  }
0x18c: {  	[tilespmem:$0x2040] =	vst v29;
	v0 =	vmax.f32 v0, v28;
	v57 =	vld [tilespmem:$0x1FE0];
	v3 =	vmax.f32 v3, v8;
	v5 =	vmax.f32 v5, v9  }
0x18d: {  	[tilespmem:$0x2060] =	vst v42;
	v0 =	vmax.f32 v0, v23;
	v3 =	vmax.f32 v3, v11;
	v52 =	vld [tilespmem:$0x1F90];
	v5 =	vmax.f32 v5, v59  }
0x18e: {  	[tilespmem:$0x2070] =	vst v41;
	v0 =	vmax.f32 v0, v21;
	v54 =	vld [tilespmem:$0x1FB0];
	v3 =	vmax.f32 v3, v61;
	v5 =	vmax.f32 v5, v62  }
0x18f: {  	v1 =	vmax.f32 v1, v24;
	[tilespmem:$0x20C0] =	vst v0;
	v56 =	vld [tilespmem:$0x1FD0];
	v3 =	vmax.f32 v3, v63;
	v5 =	vmax.f32 v5, v22  }
0x190: {  	[tilespmem:$0x20D0] =	vst v1;
	v10 =	vmax.f32 v10, v60;
	v58 =	vld [tilespmem:$0x1FF0];
	v3 =	vmax.f32 v3, v31;
	v5 =	vmax.f32 v5, v39  }
0x191: {  	[tilespmem:$0x2080] =	vst v40;
	v2 =	vmax.f32 v10, v2;
	v59 =	vmax.f32 v3, v47;
	v60 =	vmax.f32 v5, v49  }
0x192: {  	[tilespmem:$0x20A0] =	vst v2;
	v2 =	vmax.f32 v59, v52;
	v3 =	vmax.f32 v60, v53  }
0x193: {  	[tilespmem:$0x2090] =	vst v43;
	v4 =	vmax.f32 v12, v4;
	v61 =	vmax.f32 v2, v54;
	v62 =	vmax.f32 v3, v55  }
0x194: {  	[tilespmem:$0x20B0] =	vst v4;
	v0 =	vmax.f32 v61, v56;
	v63 =	vmax.f32 v62, v57  }
0x195: {  	p0 =	sne.s32 s14, $0x3E0;
	v0 =	vmax.f32 v0, v58;
	[tilespmem:$0x20E0] =	vst v63  }
.Ltmp0:
0x196: {  	s15 =	sadd.s32 s14, s6;
	[tilespmem:$0x20F0] =	vst v0;
	(pc) =	sbr.rel @p0 .LBB2_2-.Ltmp0, $4  }
0x197: {  	[hbm4b:s15+s3] =	stream.linear.scatter [tilespmem:s11], [sflag:$0x2], $0x100, $0x38;
	[tilespmem:$0x2100] =	vst v63  }
0x198: {  	_ =	swait.ge [sflag:s7], $0x100  }
0x199: {  	[sflag:s7] =	ssyncset.done $0x0  }
0x19a: {  	s13 =	sadd.s32 $0x80, s13;
	s14 =	sadd.s32 $0x20, s14;
	[sflag:s7] =	ssyncadd.s32 $0xFFFFFF00  }
0x19b: {  	s12 =	sadd.s32 $0x1, s12  }
0x19c: {  	p0 =	sne.s32 s12, s5  }
.Ltmp1:
0x19d: {  	_ = 	snop;
	(pc) =	sbr.rel @p0 .LBB2_1-.Ltmp1, $1  }
0x19e: {  	_ =	sdelay $0x3  }
0x19f: {  	_ =	sfence.sel $0x180000  }
0x1a0: {  	[bflag:$0x0] =	sbarrier.arrive $0xFFFF  }
0x1a1: {  	p0 =	sne.s32 s2, $0x0;
	_ =	strace $0x9000004A  }
0x1a2: {  	s0 =	sadd.s32 @!p0 $0x100000, s0;
	[bflag:$0x2] =	sbarrier.arrive $0xFFFF  }
0x1a3: {  	[sflag:s0] =	ssyncadd.tile.s32 @!p0 $0x1;
	_ =	shalt  }
.Lfunc_end2:
_tile_overlayer_lowered:
.L_overlay_start_2:
0x1a4: {  	(tag) =	ssettag $0x2  }
0x1a5: {  	s0 =	rddreg [dreg:$0x0];
	s2 =	stileid.u32  }
0x1a6: {  	s1 =	rddreg [dreg:$0x1];
	p0 =	sne.s32 s2, $0x0  }
0x1a7: {  	s3 =	rddreg [dreg:$0x2];
	[bflag:$0x3] =	sbarrier.arrive $0xFFFF;
	s2 =	simm.s32 @!p0 $0x1C02  }
0x1a8: {  	[timem:s3], [sflag:s2] =	dma.local @!p0 [hbm:s0], s1  }
0x1a9: {  	s0 =	simm.s32 @!p0 $0x2  }
0x1aa: {  	_ =	swait.ge @!p0 [sflag:s0], s1  }
0x1ab: {  	s1 =	ssub.s32 @!p0 $0x0, s1;
	[sflag:s0] =	ssyncset.done @!p0 $0x0  }
0x1ac: {  	[sflag:s0] =	ssyncadd.s32 @!p0 s1  }
0x1ad: {  	[bflag:$0x3] =	sbarrier.arrive $0xFFFF  }
0x1ae: {  	_ =	shalt  }

</sc_bundles>
